<compile_context>
chip_gen: v7x
topology: tpu7x:2x2x1
jax: 0.10.2.dev20260603
libtpu: 0.0.44.dev20260713+nightly
codegen_flags: <defaults>
</compile_context>

<pallas_src>
import functools

import jax
import jax.numpy as jnp
from jax import lax
from jax.experimental import pallas as pl
from jax.experimental.pallas import tpu as pltpu
from jax.experimental.pallas import tpu_sc as plsc

N = 10000
E = 320000
D_IN = 128
D_HID = 256

NC = 2
NS = 16
LANE = 128

K_ROWS = -(-E // (NS * LANE))
EPAD = NS * K_ROWS * LANE

NH = 5200
NBH = 13
PR = 5248
SLICE = PR // NS
NDUM = 48

DROWS = 10112
DSLICE = DROWS // NS

_MESH = plsc.VectorSubcoreMesh(core_axis_name="c", subcore_axis_name="s",
                               num_cores=NC, num_subcores=NS)


def _zero_vmem_2d(ref, nrows, ncols):
    zeros16 = jnp.zeros((16,), jnp.float32)
    ncol_chunks = ncols // 16

    def body(r, _):
        for cchunk in range(ncol_chunks):
            ref[r, pl.ds(cchunk * 16, 16)] = zeros16
        return _

    lax.fori_loop(0, nrows, body, None)


@functools.partial(
    pl.kernel,
    out_type=jax.ShapeDtypeStruct((NC * DROWS,), jnp.float32),
    mesh=_MESH,
    scratch_types=[
        pltpu.VMEM((K_ROWS, LANE), jnp.int32),
        pltpu.VMEM((LANE,), jnp.float32),
        pltpu.VMEM((LANE,), jnp.float32),
        pltpu.VMEM((DSLICE,), jnp.float32),
        pltpu.VMEM_SHARED((DROWS,), jnp.float32),
    ],
)
def _sc_degrees(idx_hbm, out_hbm, idx_v, ones_v, zero_v, wb_v, hist_sp):
    c = lax.axis_index("c")
    s = lax.axis_index("s")
    for i in range(LANE // 16):
        ones_v[pl.ds(i * 16, 16)] = jnp.ones((16,), jnp.float32)
        zero_v[pl.ds(i * 16, 16)] = jnp.zeros((16,), jnp.float32)
    base = s * DSLICE
    for k in range(4):
        pltpu.sync_copy(zero_v, hist_sp.at[pl.ds(base + k * LANE, LANE)])
    pltpu.sync_copy(zero_v.at[pl.ds(0, 120)],
                    hist_sp.at[pl.ds(base + 4 * LANE, 120)])
    plsc.subcore_barrier()

    pltpu.sync_copy(idx_hbm.at[c, s], idx_v)

    def body(j, _):
        pltpu.sync_copy(ones_v, hist_sp.at[idx_v.at[j]], add=True)
        return _

    lax.fori_loop(0, K_ROWS, body, None)
    plsc.subcore_barrier()
    pltpu.sync_copy(hist_sp.at[pl.ds(base, DSLICE)], wb_v)
    pltpu.sync_copy(wb_v, out_hbm.at[pl.ds(c * DROWS + base, DSLICE)])


@functools.partial(
    pl.kernel,
    out_type=jax.ShapeDtypeStruct((NC, 2, PR, LANE), jnp.float32),
    mesh=_MESH,
    scratch_types=[
        pltpu.VMEM((K_ROWS, LANE), jnp.int32),
        pltpu.VMEM((K_ROWS, LANE), jnp.int32),
        pltpu.VMEM((LANE, LANE), jnp.float32),
        pltpu.VMEM((LANE, LANE), jnp.float32),
        pltpu.VMEM_SHARED((PR, LANE), jnp.float32),
        pltpu.SemaphoreType.DMA,
    ],
)
def _sc_aggregate(h_hbm, src_hbm, dst_hbm, out_hbm,
                  src_v, dst_v, rows_v, zero_v, agg_sp, sem):
    c = lax.axis_index("c")
    s = lax.axis_index("s")
    _zero_vmem_2d(zero_v, LANE, LANE)
    base = s * SLICE
    pltpu.sync_copy(src_hbm.at[c, s], src_v)

    for r in range(2):
        for k in range(2):
            pltpu.sync_copy(zero_v, agg_sp.at[pl.ds(base + k * LANE, LANE)])
        pltpu.sync_copy(zero_v.at[pl.ds(0, 72)],
                        agg_sp.at[pl.ds(base + 2 * LANE, 72)])
        plsc.subcore_barrier()

        pltpu.sync_copy(dst_hbm.at[r, s], dst_v)

        def body(j, _):
            pltpu.async_copy(h_hbm.at[src_v.at[j]], rows_v, sem).wait()
            pltpu.sync_copy(rows_v, agg_sp.at[dst_v.at[j]], add=True)
            return _

        lax.fori_loop(0, K_ROWS, body, None)
        plsc.subcore_barrier()
        for k in range(2):
            pltpu.sync_copy(agg_sp.at[pl.ds(base + k * LANE, LANE)], rows_v)
            pltpu.sync_copy(rows_v,
                            out_hbm.at[c, r, pl.ds(base + k * LANE, LANE)])
        pltpu.sync_copy(agg_sp.at[pl.ds(base + 2 * LANE, 72)],
                        rows_v.at[pl.ds(0, 72)])
        pltpu.sync_copy(rows_v.at[pl.ds(0, 72)],
                        out_hbm.at[c, r, pl.ds(base + 2 * LANE, 72)])


_R = 400
_NB = N // _R


def _agg_index(i):
    r = (i >= NBH).astype(jnp.int32)
    return r, i - r * NBH


def _t1_body(x_ref, w_ref, dego_ref, out_ref):
    ns = lax.rsqrt(jnp.maximum(dego_ref[...], 1.0))
    z = jnp.dot(x_ref[...], w_ref[0], preferred_element_type=jnp.float32)
    out_ref[0] = z * ns


def _t1(x, w1, deg_out):
    return pl.pallas_call(
        _t1_body,
        grid=(_NB, NC),
        in_specs=[
            pl.BlockSpec((_R, D_IN), lambda i, k: (i, 0)),
            pl.BlockSpec((1, D_IN, LANE), lambda i, k: (k, 0, 0)),
            pl.BlockSpec((_R, 1), lambda i, k: (i, 0)),
        ],
        out_specs=pl.BlockSpec((1, _R, LANE), lambda i, k: (k, i, 0)),
        out_shape=jax.ShapeDtypeStruct((NC, N, LANE), jnp.float32),
    )(x, w1, deg_out)


def _tmid_body(agg_ref, degi_ref, dego_ref, b_ref, w_ref, out_ref):
    nd = lax.rsqrt(jnp.maximum(degi_ref[...], 1.0))
    x = jnp.concatenate([agg_ref[0, 0], agg_ref[1, 0]], axis=1)
    x = jax.nn.relu(x * nd + b_ref[...])
    z = jnp.dot(x, w_ref[0], preferred_element_type=jnp.float32)
    ns = lax.rsqrt(jnp.maximum(dego_ref[...], 1.0))
    out_ref[0] = z * ns


def _tmid(agg, deg_in, deg_out, b, w):
    def agg_map(i, k):
        r, ib = _agg_index(i)
        return (0, r, ib, 0)

    return pl.pallas_call(
        _tmid_body,
        grid=(_NB, NC),
        in_specs=[
            pl.BlockSpec((NC, 1, _R, LANE), agg_map),
            pl.BlockSpec((_R, 1), lambda i, k: (i, 0)),
            pl.BlockSpec((_R, 1), lambda i, k: (i, 0)),
            pl.BlockSpec((1, D_HID), lambda i, k: (0, 0)),
            pl.BlockSpec((1, D_HID, LANE), lambda i, k: (k, 0, 0)),
        ],
        out_specs=pl.BlockSpec((1, _R, LANE), lambda i, k: (k, i, 0)),
        out_shape=jax.ShapeDtypeStruct((NC, N, LANE), jnp.float32),
    )(agg, deg_in, deg_out, b, w)


def _t4_body(agg_ref, degi_ref, b_ref, wc_ref, bc_ref, out_ref, acc_ref):
    i = pl.program_id(0)
    nd = lax.rsqrt(jnp.maximum(degi_ref[...], 1.0))
    x = jnp.concatenate([agg_ref[0, 0], agg_ref[1, 0]], axis=1)
    x = jax.nn.relu(x * nd + b_ref[...])
    part = jnp.sum(x, axis=0, keepdims=True)

    @pl.when(i == 0)
    def _():
        acc_ref[...] = part

    @pl.when(i > 0)
    def _():
        acc_ref[...] = acc_ref[...] + part

    @pl.when(i == _NB - 1)
    def _():
        hg = acc_ref[...] * (1.0 / N)
        logit = jnp.dot(hg, wc_ref[...],
                        preferred_element_type=jnp.float32) + bc_ref[...]
        out_ref[...] = jax.nn.sigmoid(logit)


def _t4(agg, deg_in, b, wc, bc):
    def agg_map(i):
        r, ib = _agg_index(i)
        return (0, r, ib, 0)

    return pl.pallas_call(
        _t4_body,
        grid=(_NB,),
        in_specs=[
            pl.BlockSpec((NC, 1, _R, LANE), agg_map),
            pl.BlockSpec((_R, 1), lambda i: (i, 0)),
            pl.BlockSpec((1, D_HID), lambda i: (0, 0)),
            pl.BlockSpec((D_HID, 1), lambda i: (0, 0)),
            pl.BlockSpec((1, 1), lambda i: (0, 0)),
        ],
        out_specs=pl.BlockSpec((1, 1), lambda i: (0, 0)),
        out_shape=jax.ShapeDtypeStruct((1, 1), jnp.float32),
        scratch_shapes=[pltpu.VMEM((1, D_HID), jnp.float32)],
        compiler_params=pltpu.CompilerParams(
            dimension_semantics=("arbitrary",)),
    )(agg, deg_in, b, wc, bc)


def kernel(nfeats, edge_index, W1, b1, W2, b2, W3, b3, Wc, bc):
    src = edge_index[0].astype(jnp.int32)
    dst = edge_index[1].astype(jnp.int32)
    pad = EPAD - E
    spread_pad = jnp.arange(pad, dtype=jnp.int32) % NDUM
    src_p0 = jnp.concatenate([src, jnp.zeros((pad,), jnp.int32)])
    src_pd = jnp.concatenate([src, N + spread_pad])
    dst_pd = jnp.concatenate([dst, N + spread_pad])

    deg_idx = jnp.stack([src_pd, dst_pd]).reshape(NC, NS, K_ROWS, LANE)
    agg_src = jnp.stack([src_p0, src_p0 + N]).reshape(NC, NS, K_ROWS, LANE)

    spread = jnp.arange(EPAD, dtype=jnp.int32) % NDUM
    dst0 = jnp.where(dst_pd < NH, dst_pd, NH + spread)
    dst1 = jnp.where(dst_pd >= NH, dst_pd - NH, N - NH + spread)
    agg_dst = jnp.stack([dst0, dst1]).reshape(2, NS, K_ROWS, LANE)

    degs = _sc_degrees(deg_idx).reshape(NC, DROWS)
    deg_out = degs[0, :N].reshape(N, 1)
    deg_in = degs[1, :N].reshape(N, 1)

    w1q = W1.reshape(D_IN, NC, LANE).transpose(1, 0, 2)
    w2q = W2.reshape(D_HID, NC, LANE).transpose(1, 0, 2)
    w3q = W3.reshape(D_HID, NC, LANE).transpose(1, 0, 2)
    b1r = b1.reshape(1, D_HID)
    b2r = b2.reshape(1, D_HID)
    b3r = b3.reshape(1, D_HID)
    bcr = bc.reshape(1, 1)

    h1 = _t1(nfeats, w1q, deg_out)
    agg1 = _sc_aggregate(h1.reshape(NC * N, LANE), agg_src, agg_dst)
    h2 = _tmid(agg1, deg_in, deg_out, b1r, w2q)
    agg2 = _sc_aggregate(h2.reshape(NC * N, LANE), agg_src, agg_dst)
    h3 = _tmid(agg2, deg_in, deg_out, b2r, w3q)
    agg3 = _sc_aggregate(h3.reshape(NC * N, LANE), agg_src, agg_dst)
    return _t4(agg3, deg_in, b3r, Wc, bcr)

# --- scband reference (transcript-rebuilt; emitter-appended) ---
"""Pipeline reference for scband-gcn3-38465727103212 (READ-ONLY COPY).

The authoritative reference and input builder live on the scoring server;
editing this copy changes nothing except your own understanding.
"""

import jax, jax.numpy as jnp
import numpy as np

N_NODES = 10000
N_EDGES = 320000
D_IN = 128
D_HID = 256


def gcn_layer(x, src, dst, W, b):
    # DGL GraphConv with norm='both':
    #   h = D_dst^{-1/2} A D_src^{-1/2} x W + b
    n = x.shape[0]
    ones = jnp.ones(src.shape[0], dtype=x.dtype)
    deg_out = jax.ops.segment_sum(ones, src, num_segments=n)
    deg_in = jax.ops.segment_sum(ones, dst, num_segments=n)
    norm_src = jax.lax.rsqrt(jnp.clip(deg_out, 1.0, None))
    norm_dst = jax.lax.rsqrt(jnp.clip(deg_in, 1.0, None))
    h = x * norm_src[:, None]
    h = h @ W  # apply weight before aggregation (same math as DGL)
    msg = jnp.take(h, src, axis=0)
    agg = jax.ops.segment_sum(msg, dst, num_segments=n)
    return agg * norm_dst[:, None] + b


def setup_inputs(seed: int = 0) -> dict:
    key = jax.random.key(seed)
    ks = jax.random.split(key, 10)
    nfeats = jax.random.normal(ks[0], (N_NODES, D_IN), dtype=jnp.float32)
    edge_index = jax.random.randint(ks[1], (2, N_EDGES), 0, N_NODES)
    W1 = jax.random.normal(ks[2], (D_IN, D_HID), dtype=jnp.float32) * 0.05
    b1 = jnp.zeros((D_HID,), dtype=jnp.float32)
    W2 = jax.random.normal(ks[3], (D_HID, D_HID), dtype=jnp.float32) * 0.05
    b2 = jnp.zeros((D_HID,), dtype=jnp.float32)
    W3 = jax.random.normal(ks[4], (D_HID, D_HID), dtype=jnp.float32) * 0.05
    b3 = jnp.zeros((D_HID,), dtype=jnp.float32)
    Wc = jax.random.normal(ks[5], (D_HID, 1), dtype=jnp.float32) * 0.05
    bc = jnp.zeros((1,), dtype=jnp.float32)
    return {"nfeats": nfeats, "edge_index": edge_index, "W1": W1, "b1": b1,
            "W2": W2, "b2": b2, "W3": W3, "b3": b3, "Wc": Wc, "bc": bc}


def reference(nfeats, edge_index, W1, b1, W2, b2, W3, b3, Wc, bc):
    src = edge_index[0]
    dst = edge_index[1]
    h = jax.nn.relu(gcn_layer(nfeats, src, dst, W1, b1))
    h = jax.nn.relu(gcn_layer(h, src, dst, W2, b2))
    h = jax.nn.relu(gcn_layer(h, src, dst, W3, b3))
    # dgl.mean_nodes over a single graph -> mean over all nodes, shape [1, D_HID]
    hg = jnp.mean(h, axis=0, keepdims=True)
    # dropout is identity in eval mode
    return jax.nn.sigmoid(hg @ Wc + bc)

if __name__ == "__main__":
    import jax
    _d = setup_inputs()
    print(jax.jit(kernel)(*tuple(_d.values())))

</pallas_src>

<mosaic_0001>
#map = affine_map<(d0, d1) -> (0, 0)>
#map1 = affine_map<(d0, d1) -> (0, 0, 0, 0)>
module attributes {stable_mosaic.version = 14 : i64} {
  func.func @_sc_aggregate(%arg0: i32, %arg1: i32, %arg2: memref<20000x128xf32, #tpu.memory_space<hbm>>, %arg3: memref<2x16x157x128xi32, #tpu.memory_space<hbm>>, %arg4: memref<2x16x157x128xi32, #tpu.memory_space<hbm>>, %arg5: memref<2x2x5248x128xf32, #tpu.memory_space<hbm>>, %arg6: memref<157x128xi32, #tpu.memory_space<vmem>>, %arg7: memref<157x128xi32, #tpu.memory_space<vmem>>, %arg8: memref<128x128xf32, #tpu.memory_space<vmem>>, %arg9: memref<128x128xf32, #tpu.memory_space<vmem>>, %arg10: memref<5248x128xf32, #tpu.memory_space<vmem_shared>>, %arg11: memref<!tpu.dma_semaphore, #tpu.memory_space<semaphore_mem>>) attributes {dimension_semantics = [#tpu.dimension_semantics<core_parallel>, #tpu.dimension_semantics<subcore_parallel>], iteration_bounds = array<i64: 2, 16>, scalar_prefetch = 0 : i64, scratch_operands = 6 : i64, tpu.core_type = #tpu.core_type<sc_vector_subcore>, window_params = [{transform_indices = #map}, {transform_indices = #map1}, {transform_indices = #map1}, {transform_indices = #map1}]} {
    %broadcast_in_dim3A = arith.constant 0.000000e+00 : f32
    %broadcast_in_dim3A_0 = vector.broadcast %broadcast_in_dim3A : f32 to vector<16xf32>
    %scan3A = arith.constant 0 : i32
    %scan3A_1 = arith.constant 128 : i32
    %scan3A_2 = arith.addi %scan3A, %scan3A_1 : i32
    %scan3A_3 = arith.constant 1 : i32
    scf.for %scan3A_61 = %scan3A to %scan3A_2 step %scan3A_3  : i32 {
      %swap3A = arith.index_cast %scan3A_61 : i32 to index
      %swap3A_62 = arith.constant 0 : index
      %swap3A_63 = tpu.vector_load %arg9[%swap3A, %swap3A_62] {strides = array<i32>} : memref<128x128xf32, #tpu.memory_space<vmem>>, vector<1x16xf32>,
      %swap3A_64 = vector.shape_cast %swap3A_63 : vector<1x16xf32> to vector<16xf32>
      %swap3A_65 = vector.shape_cast %broadcast_in_dim3A_0 : vector<16xf32> to vector<1x16xf32>
      tpu.vector_store %arg9[%swap3A, %swap3A_62], %swap3A_65 {strides = array<i32>} : memref<128x128xf32, #tpu.memory_space<vmem>>, vector<1x16xf32>,
      %swap3A_66 = arith.index_cast %scan3A_61 : i32 to index
      %swap3A_67 = arith.constant 16 : index
      %swap3A_68 = tpu.vector_load %arg9[%swap3A_66, %swap3A_67] {strides = array<i32>} : memref<128x128xf32, #tpu.memory_space<vmem>>, vector<1x16xf32>,
      %swap3A_69 = vector.shape_cast %swap3A_68 : vector<1x16xf32> to vector<16xf32>
      %swap3A_70 = vector.shape_cast %broadcast_in_dim3A_0 : vector<16xf32> to vector<1x16xf32>
      tpu.vector_store %arg9[%swap3A_66, %swap3A_67], %swap3A_70 {strides = array<i32>} : memref<128x128xf32, #tpu.memory_space<vmem>>, vector<1x16xf32>,
      %swap3A_71 = arith.index_cast %scan3A_61 : i32 to index
      %swap3A_72 = arith.constant 32 : index
      %swap3A_73 = tpu.vector_load %arg9[%swap3A_71, %swap3A_72] {strides = array<i32>} : memref<128x128xf32, #tpu.memory_space<vmem>>, vector<1x16xf32>,
      %swap3A_74 = vector.shape_cast %swap3A_73 : vector<1x16xf32> to vector<16xf32>
      %swap3A_75 = vector.shape_cast %broadcast_in_dim3A_0 : vector<16xf32> to vector<1x16xf32>
      tpu.vector_store %arg9[%swap3A_71, %swap3A_72], %swap3A_75 {strides = array<i32>} : memref<128x128xf32, #tpu.memory_space<vmem>>, vector<1x16xf32>,
      %swap3A_76 = arith.index_cast %scan3A_61 : i32 to index
      %swap3A_77 = arith.constant 48 : index
      %swap3A_78 = tpu.vector_load %arg9[%swap3A_76, %swap3A_77] {strides = array<i32>} : memref<128x128xf32, #tpu.memory_space<vmem>>, vector<1x16xf32>,
      %swap3A_79 = vector.shape_cast %swap3A_78 : vector<1x16xf32> to vector<16xf32>
      %swap3A_80 = vector.shape_cast %broadcast_in_dim3A_0 : vector<16xf32> to vector<1x16xf32>
      tpu.vector_store %arg9[%swap3A_76, %swap3A_77], %swap3A_80 {strides = array<i32>} : memref<128x128xf32, #tpu.memory_space<vmem>>, vector<1x16xf32>,
      %swap3A_81 = arith.index_cast %scan3A_61 : i32 to index
      %swap3A_82 = arith.constant 64 : index
      %swap3A_83 = tpu.vector_load %arg9[%swap3A_81, %swap3A_82] {strides = array<i32>} : memref<128x128xf32, #tpu.memory_space<vmem>>, vector<1x16xf32>,
      %swap3A_84 = vector.shape_cast %swap3A_83 : vector<1x16xf32> to vector<16xf32>
      %swap3A_85 = vector.shape_cast %broadcast_in_dim3A_0 : vector<16xf32> to vector<1x16xf32>
      tpu.vector_store %arg9[%swap3A_81, %swap3A_82], %swap3A_85 {strides = array<i32>} : memref<128x128xf32, #tpu.memory_space<vmem>>, vector<1x16xf32>,
      %swap3A_86 = arith.index_cast %scan3A_61 : i32 to index
      %swap3A_87 = arith.constant 80 : index
      %swap3A_88 = tpu.vector_load %arg9[%swap3A_86, %swap3A_87] {strides = array<i32>} : memref<128x128xf32, #tpu.memory_space<vmem>>, vector<1x16xf32>,
      %swap3A_89 = vector.shape_cast %swap3A_88 : vector<1x16xf32> to vector<16xf32>
      %swap3A_90 = vector.shape_cast %broadcast_in_dim3A_0 : vector<16xf32> to vector<1x16xf32>
      tpu.vector_store %arg9[%swap3A_86, %swap3A_87], %swap3A_90 {strides = array<i32>} : memref<128x128xf32, #tpu.memory_space<vmem>>, vector<1x16xf32>,
      %swap3A_91 = arith.index_cast %scan3A_61 : i32 to index
      %swap3A_92 = arith.constant 96 : index
      %swap3A_93 = tpu.vector_load %arg9[%swap3A_91, %swap3A_92] {strides = array<i32>} : memref<128x128xf32, #tpu.memory_space<vmem>>, vector<1x16xf32>,
      %swap3A_94 = vector.shape_cast %swap3A_93 : vector<1x16xf32> to vector<16xf32>
      %swap3A_95 = vector.shape_cast %broadcast_in_dim3A_0 : vector<16xf32> to vector<1x16xf32>
      tpu.vector_store %arg9[%swap3A_91, %swap3A_92], %swap3A_95 {strides = array<i32>} : memref<128x128xf32, #tpu.memory_space<vmem>>, vector<1x16xf32>,
      %swap3A_96 = arith.index_cast %scan3A_61 : i32 to index
      %swap3A_97 = arith.constant 112 : index
      %swap3A_98 = tpu.vector_load %arg9[%swap3A_96, %swap3A_97] {strides = array<i32>} : memref<128x128xf32, #tpu.memory_space<vmem>>, vector<1x16xf32>,
      %swap3A_99 = vector.shape_cast %swap3A_98 : vector<1x16xf32> to vector<16xf32>
      %swap3A_100 = vector.shape_cast %broadcast_in_dim3A_0 : vector<16xf32> to vector<1x16xf32>
      tpu.vector_store %arg9[%swap3A_96, %swap3A_97], %swap3A_100 {strides = array<i32>} : memref<128x128xf32, #tpu.memory_space<vmem>>, vector<1x16xf32>,
    }
    %scan3A_4 = arith.constant 128 : i32
    %mul3A = arith.constant 328 : i32
    %mul3A_5 = arith.muli %arg1, %mul3A : i32
    "tpu.region"() ({
      %run_scoped3A_61 = tpu.sem_alloc : memref<!tpu.dma_semaphore, #tpu.memory_space<semaphore_mem>>
      %dma_start3A = arith.constant 0 : i32
      %dma_start3A_62 = arith.constant 0 : i32
      %dma_start3A_63 = tpu.memref_slice %arg3[%arg0, %arg1, %dma_start3A, %dma_start3A_62] : memref<2x16x157x128xi32, #tpu.memory_space<hbm>> -> memref<1x1x157x128xi32, #tpu.memory_space<hbm>>
      %dma_start3A_64 = tpu.memref_squeeze %dma_start3A_63 : memref<1x1x157x128xi32, #tpu.memory_space<hbm>> -> memref<157x128xi32, #tpu.memory_space<hbm>>
      %dma_start3A_65 = arith.constant 0 : i32
      %dma_start3A_66 = arith.constant 0 : i32
      %dma_start3A_67 = tpu.memref_slice %arg3[%arg0, %arg1, %dma_start3A_65, %dma_start3A_66] : memref<2x16x157x128xi32, #tpu.memory_space<hbm>> -> memref<1x1x157x128xi32, #tpu.memory_space<hbm>>
      %dma_start3A_68 = tpu.memref_squeeze %dma_start3A_67 : memref<1x1x157x128xi32, #tpu.memory_space<hbm>> -> memref<157x128xi32, #tpu.memory_space<hbm>>
      tpu.enqueue_dma source(%dma_start3A_68 : memref<157x128xi32, #tpu.memory_space<hbm>>) target(%arg6 : memref<157x128xi32, #tpu.memory_space<vmem>>) target_semaphore(%run_scoped3A_61 : memref<!tpu.dma_semaphore, #tpu.memory_space<semaphore_mem>>)
      %dma_wait3A = arith.constant 0 : i32
      %dma_wait3A_69 = arith.constant 0 : i32
      %dma_wait3A_70 = tpu.memref_slice %arg3[%arg0, %arg1, %dma_wait3A, %dma_wait3A_69] : memref<2x16x157x128xi32, #tpu.memory_space<hbm>> -> memref<1x1x157x128xi32, #tpu.memory_space<hbm>>
      %dma_wait3A_71 = tpu.memref_squeeze %dma_wait3A_70 : memref<1x1x157x128xi32, #tpu.memory_space<hbm>> -> memref<157x128xi32, #tpu.memory_space<hbm>>
      %dma_wait3A_72 = arith.constant 0 : i32
      %dma_wait3A_73 = arith.constant 0 : i32
      %dma_wait3A_74 = tpu.memref_slice %arg3[%arg0, %arg1, %dma_wait3A_72, %dma_wait3A_73] : memref<2x16x157x128xi32, #tpu.memory_space<hbm>> -> memref<1x1x157x128xi32, #tpu.memory_space<hbm>>
      %dma_wait3A_75 = tpu.memref_squeeze %dma_wait3A_74 : memref<1x1x157x128xi32, #tpu.memory_space<hbm>> -> memref<157x128xi32, #tpu.memory_space<hbm>>
      tpu.wait_dma2 semaphore(%run_scoped3A_61 : memref<!tpu.dma_semaphore, #tpu.memory_space<semaphore_mem>>) src(%dma_wait3A_75 : memref<157x128xi32, #tpu.memory_space<hbm>>) dst(%arg6 : memref<157x128xi32, #tpu.memory_space<vmem>>)
      tpu.yield
    }) : () -> ()
    %add3A = arith.constant 0 : i32
    %add3A_6 = arith.addi %mul3A_5, %add3A : i32
    "tpu.region"() ({
      %run_scoped3A_61 = tpu.sem_alloc : memref<!tpu.dma_semaphore, #tpu.memory_space<semaphore_mem>>
      %dma_start3A = arith.constant 0 : i32
      %dma_start3A_62 = tpu.memref_slice %arg10[%add3A_6, %dma_start3A] : memref<5248x128xf32, #tpu.memory_space<vmem_shared>> -> memref<128x128xf32, #tpu.memory_space<vmem_shared>>
      %dma_start3A_63 = arith.constant 0 : i32
      %dma_start3A_64 = tpu.memref_slice %arg10[%add3A_6, %dma_start3A_63] : memref<5248x128xf32, #tpu.memory_space<vmem_shared>> -> memref<128x128xf32, #tpu.memory_space<vmem_shared>>
      tpu.enqueue_dma source(%arg9 : memref<128x128xf32, #tpu.memory_space<vmem>>) target(%dma_start3A_64 : memref<128x128xf32, #tpu.memory_space<vmem_shared>>) target_semaphore(%run_scoped3A_61 : memref<!tpu.dma_semaphore, #tpu.memory_space<semaphore_mem>>)
      %dma_wait3A = arith.constant 0 : i32
      %dma_wait3A_65 = tpu.memref_slice %arg10[%add3A_6, %dma_wait3A] : memref<5248x128xf32, #tpu.memory_space<vmem_shared>> -> memref<128x128xf32, #tpu.memory_space<vmem_shared>>
      %dma_wait3A_66 = arith.constant 0 : i32
      %dma_wait3A_67 = tpu.memref_slice %arg10[%add3A_6, %dma_wait3A_66] : memref<5248x128xf32, #tpu.memory_space<vmem_shared>> -> memref<128x128xf32, #tpu.memory_space<vmem_shared>>
      tpu.wait_dma2 semaphore(%run_scoped3A_61 : memref<!tpu.dma_semaphore, #tpu.memory_space<semaphore_mem>>) src(%arg9 : memref<128x128xf32, #tpu.memory_space<vmem>>) dst(%dma_wait3A_67 : memref<128x128xf32, #tpu.memory_space<vmem_shared>>)
      tpu.yield
    }) : () -> ()
    %add3A_7 = arith.constant 128 : i32
    %add3A_8 = arith.addi %mul3A_5, %add3A_7 : i32
    "tpu.region"() ({
      %run_scoped3A_61 = tpu.sem_alloc : memref<!tpu.dma_semaphore, #tpu.memory_space<semaphore_mem>>
      %dma_start3A = arith.constant 0 : i32
      %dma_start3A_62 = tpu.memref_slice %arg10[%add3A_8, %dma_start3A] : memref<5248x128xf32, #tpu.memory_space<vmem_shared>> -> memref<128x128xf32, #tpu.memory_space<vmem_shared>>
      %dma_start3A_63 = arith.constant 0 : i32
      %dma_start3A_64 = tpu.memref_slice %arg10[%add3A_8, %dma_start3A_63] : memref<5248x128xf32, #tpu.memory_space<vmem_shared>> -> memref<128x128xf32, #tpu.memory_space<vmem_shared>>
      tpu.enqueue_dma source(%arg9 : memref<128x128xf32, #tpu.memory_space<vmem>>) target(%dma_start3A_64 : memref<128x128xf32, #tpu.memory_space<vmem_shared>>) target_semaphore(%run_scoped3A_61 : memref<!tpu.dma_semaphore, #tpu.memory_space<semaphore_mem>>)
      %dma_wait3A = arith.constant 0 : i32
      %dma_wait3A_65 = tpu.memref_slice %arg10[%add3A_8, %dma_wait3A] : memref<5248x128xf32, #tpu.memory_space<vmem_shared>> -> memref<128x128xf32, #tpu.memory_space<vmem_shared>>
      %dma_wait3A_66 = arith.constant 0 : i32
      %dma_wait3A_67 = tpu.memref_slice %arg10[%add3A_8, %dma_wait3A_66] : memref<5248x128xf32, #tpu.memory_space<vmem_shared>> -> memref<128x128xf32, #tpu.memory_space<vmem_shared>>
      tpu.wait_dma2 semaphore(%run_scoped3A_61 : memref<!tpu.dma_semaphore, #tpu.memory_space<semaphore_mem>>) src(%arg9 : memref<128x128xf32, #tpu.memory_space<vmem>>) dst(%dma_wait3A_67 : memref<128x128xf32, #tpu.memory_space<vmem_shared>>)
      tpu.yield
    }) : () -> ()
    %add3A_9 = arith.constant 256 : i32
    %add3A_10 = arith.addi %mul3A_5, %add3A_9 : i32
    "tpu.region"() ({
      %run_scoped3A_61 = tpu.sem_alloc : memref<!tpu.dma_semaphore, #tpu.memory_space<semaphore_mem>>
      %dma_start3A = arith.constant 0 : i32
      %dma_start3A_62 = arith.constant 0 : i32
      %dma_start3A_63 = tpu.memref_slice %arg9[%dma_start3A, %dma_start3A_62] : memref<128x128xf32, #tpu.memory_space<vmem>> -> memref<72x128xf32, #tpu.memory_space<vmem>>
      %dma_start3A_64 = arith.constant 0 : i32
      %dma_start3A_65 = tpu.memref_slice %arg10[%add3A_10, %dma_start3A_64] : memref<5248x128xf32, #tpu.memory_space<vmem_shared>> -> memref<72x128xf32, #tpu.memory_space<vmem_shared>>
      %dma_start3A_66 = arith.constant 0 : i32
      %dma_start3A_67 = tpu.memref_slice %arg10[%add3A_10, %dma_start3A_66] : memref<5248x128xf32, #tpu.memory_space<vmem_shared>> -> memref<72x128xf32, #tpu.memory_space<vmem_shared>>
      %dma_start3A_68 = arith.constant 0 : i32
      %dma_start3A_69 = arith.constant 0 : i32
      %dma_start3A_70 = tpu.memref_slice %arg9[%dma_start3A_68, %dma_start3A_69] : memref<128x128xf32, #tpu.memory_space<vmem>> -> memref<72x128xf32, #tpu.memory_space<vmem>>
      tpu.enqueue_dma source(%dma_start3A_70 : memref<72x128xf32, #tpu.memory_space<vmem>>) target(%dma_start3A_67 : memref<72x128xf32, #tpu.memory_space<vmem_shared>>) target_semaphore(%run_scoped3A_61 : memref<!tpu.dma_semaphore, #tpu.memory_space<semaphore_mem>>)
      %dma_wait3A = arith.constant 0 : i32
      %dma_wait3A_71 = arith.constant 0 : i32
      %dma_wait3A_72 = tpu.memref_slice %arg9[%dma_wait3A, %dma_wait3A_71] : memref<128x128xf32, #tpu.memory_space<vmem>> -> memref<72x128xf32, #tpu.memory_space<vmem>>
      %dma_wait3A_73 = arith.constant 0 : i32
      %dma_wait3A_74 = tpu.memref_slice %arg10[%add3A_10, %dma_wait3A_73] : memref<5248x128xf32, #tpu.memory_space<vmem_shared>> -> memref<72x128xf32, #tpu.memory_space<vmem_shared>>
      %dma_wait3A_75 = arith.constant 0 : i32
      %dma_wait3A_76 = tpu.memref_slice %arg10[%add3A_10, %dma_wait3A_75] : memref<5248x128xf32, #tpu.memory_space<vmem_shared>> -> memref<72x128xf32, #tpu.memory_space<vmem_shared>>
      %dma_wait3A_77 = arith.constant 0 : i32
      %dma_wait3A_78 = arith.constant 0 : i32
      %dma_wait3A_79 = tpu.memref_slice %arg9[%dma_wait3A_77, %dma_wait3A_78] : memref<128x128xf32, #tpu.memory_space<vmem>> -> memref<72x128xf32, #tpu.memory_space<vmem>>
      tpu.wait_dma2 semaphore(%run_scoped3A_61 : memref<!tpu.dma_semaphore, #tpu.memory_space<semaphore_mem>>) src(%dma_wait3A_79 : memref<72x128xf32, #tpu.memory_space<vmem>>) dst(%dma_wait3A_76 : memref<72x128xf32, #tpu.memory_space<vmem_shared>>)
      tpu.yield
    }) : () -> ()
    %barrier3A = arith.constant 0 : index
    tpu.barrier barrier_id(%barrier3A)
    %run_scoped3A = arith.constant 0 : i32
    "tpu.region"() ({
      %run_scoped3A_61 = tpu.sem_alloc : memref<!tpu.dma_semaphore, #tpu.memory_space<semaphore_mem>>
      %dma_start3A = arith.constant 0 : i32
      %dma_start3A_62 = arith.constant 0 : i32
      %dma_start3A_63 = tpu.memref_slice %arg4[%run_scoped3A, %arg1, %dma_start3A, %dma_start3A_62] : memref<2x16x157x128xi32, #tpu.memory_space<hbm>> -> memref<1x1x157x128xi32, #tpu.memory_space<hbm>>
      %dma_start3A_64 = tpu.memref_squeeze %dma_start3A_63 : memref<1x1x157x128xi32, #tpu.memory_space<hbm>> -> memref<157x128xi32, #tpu.memory_space<hbm>>
      %dma_start3A_65 = arith.constant 0 : i32
      %dma_start3A_66 = arith.constant 0 : i32
      %dma_start3A_67 = tpu.memref_slice %arg4[%run_scoped3A, %arg1, %dma_start3A_65, %dma_start3A_66] : memref<2x16x157x128xi32, #tpu.memory_space<hbm>> -> memref<1x1x157x128xi32, #tpu.memory_space<hbm>>
      %dma_start3A_68 = tpu.memref_squeeze %dma_start3A_67 : memref<1x1x157x128xi32, #tpu.memory_space<hbm>> -> memref<157x128xi32, #tpu.memory_space<hbm>>
      tpu.enqueue_dma source(%dma_start3A_68 : memref<157x128xi32, #tpu.memory_space<hbm>>) target(%arg7 : memref<157x128xi32, #tpu.memory_space<vmem>>) target_semaphore(%run_scoped3A_61 : memref<!tpu.dma_semaphore, #tpu.memory_space<semaphore_mem>>)
      %dma_wait3A = arith.constant 0 : i32
      %dma_wait3A_69 = arith.constant 0 : i32
      %dma_wait3A_70 = tpu.memref_slice %arg4[%run_scoped3A, %arg1, %dma_wait3A, %dma_wait3A_69] : memref<2x16x157x128xi32, #tpu.memory_space<hbm>> -> memref<1x1x157x128xi32, #tpu.memory_space<hbm>>
      %dma_wait3A_71 = tpu.memref_squeeze %dma_wait3A_70 : memref<1x1x157x128xi32, #tpu.memory_space<hbm>> -> memref<157x128xi32, #tpu.memory_space<hbm>>
      %dma_wait3A_72 = arith.constant 0 : i32
      %dma_wait3A_73 = arith.constant 0 : i32
      %dma_wait3A_74 = tpu.memref_slice %arg4[%run_scoped3A, %arg1, %dma_wait3A_72, %dma_wait3A_73] : memref<2x16x157x128xi32, #tpu.memory_space<hbm>> -> memref<1x1x157x128xi32, #tpu.memory_space<hbm>>
      %dma_wait3A_75 = tpu.memref_squeeze %dma_wait3A_74 : memref<1x1x157x128xi32, #tpu.memory_space<hbm>> -> memref<157x128xi32, #tpu.memory_space<hbm>>
      tpu.wait_dma2 semaphore(%run_scoped3A_61 : memref<!tpu.dma_semaphore, #tpu.memory_space<semaphore_mem>>) src(%dma_wait3A_75 : memref<157x128xi32, #tpu.memory_space<hbm>>) dst(%arg7 : memref<157x128xi32, #tpu.memory_space<vmem>>)
      tpu.yield
    }) : () -> ()
    %scan3A_11 = arith.constant 0 : i32
    %scan3A_12 = arith.constant 157 : i32
    %scan3A_13 = arith.addi %scan3A_11, %scan3A_12 : i32
    %scan3A_14 = arith.constant 1 : i32
    scf.for %scan3A_61 = %scan3A_11 to %scan3A_13 step %scan3A_14  : i32 {
      %dma_start3A = arith.constant 0 : i32
      %dma_start3A_62 = tpu.memref_slice %arg6[%scan3A_61, %dma_start3A] : memref<157x128xi32, #tpu.memory_space<vmem>> -> memref<1x128xi32, #tpu.memory_space<vmem>>
      %dma_start3A_63 = tpu.memref_squeeze %dma_start3A_62 : memref<1x128xi32, #tpu.memory_space<vmem>> -> memref<128xi32, #tpu.memory_space<vmem>>
      %dma_start3A_64 = arith.constant 0 : i32
      %dma_start3A_65 = arith.constant 0 : i32
      %dma_start3A_66 = tpu.memref_slice %arg2[%dma_start3A_64, %dma_start3A_65] : memref<20000x128xf32, #tpu.memory_space<hbm>> -> memref<20000x128xf32, #tpu.memory_space<hbm>>
      tpu.enqueue_indirect_dma source(%dma_start3A_66 : memref<20000x128xf32, #tpu.memory_space<hbm>>) target(%arg8 : memref<128x128xf32, #tpu.memory_space<vmem>>) offsets(%dma_start3A_63 : memref<128xi32, #tpu.memory_space<vmem>>) semaphore(%arg11 : memref<!tpu.dma_semaphore, #tpu.memory_space<semaphore_mem>>)
      %dma_wait3A = arith.constant 0 : i32
      %dma_wait3A_67 = tpu.memref_slice %arg6[%scan3A_61, %dma_wait3A] : memref<157x128xi32, #tpu.memory_space<vmem>> -> memref<1x128xi32, #tpu.memory_space<vmem>>
      %dma_wait3A_68 = tpu.memref_squeeze %dma_wait3A_67 : memref<1x128xi32, #tpu.memory_space<vmem>> -> memref<128xi32, #tpu.memory_space<vmem>>
      %dma_wait3A_69 = arith.constant 0 : i32
      %dma_wait3A_70 = arith.constant 0 : i32
      %dma_wait3A_71 = tpu.memref_slice %arg2[%dma_wait3A_69, %dma_wait3A_70] : memref<20000x128xf32, #tpu.memory_space<hbm>> -> memref<20000x128xf32, #tpu.memory_space<hbm>>
      tpu.wait_indirect_dma semaphore(%arg11 : memref<!tpu.dma_semaphore, #tpu.memory_space<semaphore_mem>>) src(%dma_wait3A_71 : memref<20000x128xf32, #tpu.memory_space<hbm>>) dst(%arg8 : memref<128x128xf32, #tpu.memory_space<vmem>>)
      "tpu.region"() ({
        %run_scoped3A_72 = tpu.sem_alloc : memref<!tpu.dma_semaphore, #tpu.memory_space<semaphore_mem>>
        %dma_start3A_73 = arith.constant 0 : i32
        %dma_start3A_74 = tpu.memref_slice %arg7[%scan3A_61, %dma_start3A_73] : memref<157x128xi32, #tpu.memory_space<vmem>> -> memref<1x128xi32, #tpu.memory_space<vmem>>
        %dma_start3A_75 = tpu.memref_squeeze %dma_start3A_74 : memref<1x128xi32, #tpu.memory_space<vmem>> -> memref<128xi32, #tpu.memory_space<vmem>>
        %dma_start3A_76 = arith.constant 0 : i32
        %dma_start3A_77 = arith.constant 0 : i32
        %dma_start3A_78 = tpu.memref_slice %arg10[%dma_start3A_76, %dma_start3A_77] : memref<5248x128xf32, #tpu.memory_space<vmem_shared>> -> memref<5248x128xf32, #tpu.memory_space<vmem_shared>>
        tpu.enqueue_indirect_dma source(%arg8 : memref<128x128xf32, #tpu.memory_space<vmem>>) target(%dma_start3A_78 : memref<5248x128xf32, #tpu.memory_space<vmem_shared>>) offsets(%dma_start3A_75 : memref<128xi32, #tpu.memory_space<vmem>>) semaphore(%run_scoped3A_72 : memref<!tpu.dma_semaphore, #tpu.memory_space<semaphore_mem>>) {add = true}
        %dma_wait3A_79 = arith.constant 0 : i32
        %dma_wait3A_80 = tpu.memref_slice %arg7[%scan3A_61, %dma_wait3A_79] : memref<157x128xi32, #tpu.memory_space<vmem>> -> memref<1x128xi32, #tpu.memory_space<vmem>>
        %dma_wait3A_81 = tpu.memref_squeeze %dma_wait3A_80 : memref<1x128xi32, #tpu.memory_space<vmem>> -> memref<128xi32, #tpu.memory_space<vmem>>
        %dma_wait3A_82 = arith.constant 0 : i32
        %dma_wait3A_83 = arith.constant 0 : i32
        %dma_wait3A_84 = tpu.memref_slice %arg10[%dma_wait3A_82, %dma_wait3A_83] : memref<5248x128xf32, #tpu.memory_space<vmem_shared>> -> memref<5248x128xf32, #tpu.memory_space<vmem_shared>>
        tpu.wait_indirect_dma semaphore(%run_scoped3A_72 : memref<!tpu.dma_semaphore, #tpu.memory_space<semaphore_mem>>) src(%arg8 : memref<128x128xf32, #tpu.memory_space<vmem>>) dst(%dma_wait3A_84 : memref<5248x128xf32, #tpu.memory_space<vmem_shared>>)
        tpu.yield
      }) : () -> ()
    }
    %scan3A_15 = arith.constant 157 : i32
    %barrier3A_16 = arith.constant 0 : index
    tpu.barrier barrier_id(%barrier3A_16)
    %add3A_17 = arith.constant 0 : i32
    %add3A_18 = arith.addi %mul3A_5, %add3A_17 : i32
    "tpu.region"() ({
      %run_scoped3A_61 = tpu.sem_alloc : memref<!tpu.dma_semaphore, #tpu.memory_space<semaphore_mem>>
      %dma_start3A = arith.constant 0 : i32
      %dma_start3A_62 = tpu.memref_slice %arg10[%add3A_18, %dma_start3A] : memref<5248x128xf32, #tpu.memory_space<vmem_shared>> -> memref<128x128xf32, #tpu.memory_space<vmem_shared>>
      %dma_start3A_63 = arith.constant 0 : i32
      %dma_start3A_64 = tpu.memref_slice %arg10[%add3A_18, %dma_start3A_63] : memref<5248x128xf32, #tpu.memory_space<vmem_shared>> -> memref<128x128xf32, #tpu.memory_space<vmem_shared>>
      tpu.enqueue_dma source(%dma_start3A_64 : memref<128x128xf32, #tpu.memory_space<vmem_shared>>) target(%arg8 : memref<128x128xf32, #tpu.memory_space<vmem>>) target_semaphore(%run_scoped3A_61 : memref<!tpu.dma_semaphore, #tpu.memory_space<semaphore_mem>>)
      %dma_wait3A = arith.constant 0 : i32
      %dma_wait3A_65 = tpu.memref_slice %arg10[%add3A_18, %dma_wait3A] : memref<5248x128xf32, #tpu.memory_space<vmem_shared>> -> memref<128x128xf32, #tpu.memory_space<vmem_shared>>
      %dma_wait3A_66 = arith.constant 0 : i32
      %dma_wait3A_67 = tpu.memref_slice %arg10[%add3A_18, %dma_wait3A_66] : memref<5248x128xf32, #tpu.memory_space<vmem_shared>> -> memref<128x128xf32, #tpu.memory_space<vmem_shared>>
      tpu.wait_dma2 semaphore(%run_scoped3A_61 : memref<!tpu.dma_semaphore, #tpu.memory_space<semaphore_mem>>) src(%dma_wait3A_67 : memref<128x128xf32, #tpu.memory_space<vmem_shared>>) dst(%arg8 : memref<128x128xf32, #tpu.memory_space<vmem>>)
      tpu.yield
    }) : () -> ()
    %add3A_19 = arith.constant 0 : i32
    %add3A_20 = arith.addi %mul3A_5, %add3A_19 : i32
    %run_scoped3A_21 = arith.constant 0 : i32
    "tpu.region"() ({
      %run_scoped3A_61 = tpu.sem_alloc : memref<!tpu.dma_semaphore, #tpu.memory_space<semaphore_mem>>
      %dma_start3A = arith.constant 0 : i32
      %dma_start3A_62 = tpu.memref_slice %arg5[%arg0, %run_scoped3A_21, %add3A_20, %dma_start3A] : memref<2x2x5248x128xf32, #tpu.memory_space<hbm>> -> memref<1x1x128x128xf32, #tpu.memory_space<hbm>>
      %dma_start3A_63 = tpu.memref_squeeze %dma_start3A_62 : memref<1x1x128x128xf32, #tpu.memory_space<hbm>> -> memref<128x128xf32, #tpu.memory_space<hbm>>
      %dma_start3A_64 = arith.constant 0 : i32
      %dma_start3A_65 = tpu.memref_slice %arg5[%arg0, %run_scoped3A_21, %add3A_20, %dma_start3A_64] : memref<2x2x5248x128xf32, #tpu.memory_space<hbm>> -> memref<1x1x128x128xf32, #tpu.memory_space<hbm>>
      %dma_start3A_66 = tpu.memref_squeeze %dma_start3A_65 : memref<1x1x128x128xf32, #tpu.memory_space<hbm>> -> memref<128x128xf32, #tpu.memory_space<hbm>>
      tpu.enqueue_dma source(%arg8 : memref<128x128xf32, #tpu.memory_space<vmem>>) target(%dma_start3A_66 : memref<128x128xf32, #tpu.memory_space<hbm>>) target_semaphore(%run_scoped3A_61 : memref<!tpu.dma_semaphore, #tpu.memory_space<semaphore_mem>>)
      %dma_wait3A = arith.constant 0 : i32
      %dma_wait3A_67 = tpu.memref_slice %arg5[%arg0, %run_scoped3A_21, %add3A_20, %dma_wait3A] : memref<2x2x5248x128xf32, #tpu.memory_space<hbm>> -> memref<1x1x128x128xf32, #tpu.memory_space<hbm>>
      %dma_wait3A_68 = tpu.memref_squeeze %dma_wait3A_67 : memref<1x1x128x128xf32, #tpu.memory_space<hbm>> -> memref<128x128xf32, #tpu.memory_space<hbm>>
      %dma_wait3A_69 = arith.constant 0 : i32
      %dma_wait3A_70 = tpu.memref_slice %arg5[%arg0, %run_scoped3A_21, %add3A_20, %dma_wait3A_69] : memref<2x2x5248x128xf32, #tpu.memory_space<hbm>> -> memref<1x1x128x128xf32, #tpu.memory_space<hbm>>
      %dma_wait3A_71 = tpu.memref_squeeze %dma_wait3A_70 : memref<1x1x128x128xf32, #tpu.memory_space<hbm>> -> memref<128x128xf32, #tpu.memory_space<hbm>>
      tpu.wait_dma2 semaphore(%run_scoped3A_61 : memref<!tpu.dma_semaphore, #tpu.memory_space<semaphore_mem>>) src(%arg8 : memref<128x128xf32, #tpu.memory_space<vmem>>) dst(%dma_wait3A_71 : memref<128x128xf32, #tpu.memory_space<hbm>>)
      tpu.yield
    }) : () -> ()
    %add3A_22 = arith.constant 128 : i32
    %add3A_23 = arith.addi %mul3A_5, %add3A_22 : i32
    "tpu.region"() ({
      %run_scoped3A_61 = tpu.sem_alloc : memref<!tpu.dma_semaphore, #tpu.memory_space<semaphore_mem>>
      %dma_start3A = arith.constant 0 : i32
      %dma_start3A_62 = tpu.memref_slice %arg10[%add3A_23, %dma_start3A] : memref<5248x128xf32, #tpu.memory_space<vmem_shared>> -> memref<128x128xf32, #tpu.memory_space<vmem_shared>>
      %dma_start3A_63 = arith.constant 0 : i32
      %dma_start3A_64 = tpu.memref_slice %arg10[%add3A_23, %dma_start3A_63] : memref<5248x128xf32, #tpu.memory_space<vmem_shared>> -> memref<128x128xf32, #tpu.memory_space<vmem_shared>>
      tpu.enqueue_dma source(%dma_start3A_64 : memref<128x128xf32, #tpu.memory_space<vmem_shared>>) target(%arg8 : memref<128x128xf32, #tpu.memory_space<vmem>>) target_semaphore(%run_scoped3A_61 : memref<!tpu.dma_semaphore, #tpu.memory_space<semaphore_mem>>)
      %dma_wait3A = arith.constant 0 : i32
      %dma_wait3A_65 = tpu.memref_slice %arg10[%add3A_23, %dma_wait3A] : memref<5248x128xf32, #tpu.memory_space<vmem_shared>> -> memref<128x128xf32, #tpu.memory_space<vmem_shared>>
      %dma_wait3A_66 = arith.constant 0 : i32
      %dma_wait3A_67 = tpu.memref_slice %arg10[%add3A_23, %dma_wait3A_66] : memref<5248x128xf32, #tpu.memory_space<vmem_shared>> -> memref<128x128xf32, #tpu.memory_space<vmem_shared>>
      tpu.wait_dma2 semaphore(%run_scoped3A_61 : memref<!tpu.dma_semaphore, #tpu.memory_space<semaphore_mem>>) src(%dma_wait3A_67 : memref<128x128xf32, #tpu.memory_space<vmem_shared>>) dst(%arg8 : memref<128x128xf32, #tpu.memory_space<vmem>>)
      tpu.yield
    }) : () -> ()
    %add3A_24 = arith.constant 128 : i32
    %add3A_25 = arith.addi %mul3A_5, %add3A_24 : i32
    %run_scoped3A_26 = arith.constant 0 : i32
    "tpu.region"() ({
      %run_scoped3A_61 = tpu.sem_alloc : memref<!tpu.dma_semaphore, #tpu.memory_space<semaphore_mem>>
      %dma_start3A = arith.constant 0 : i32
      %dma_start3A_62 = tpu.memref_slice %arg5[%arg0, %run_scoped3A_26, %add3A_25, %dma_start3A] : memref<2x2x5248x128xf32, #tpu.memory_space<hbm>> -> memref<1x1x128x128xf32, #tpu.memory_space<hbm>>
      %dma_start3A_63 = tpu.memref_squeeze %dma_start3A_62 : memref<1x1x128x128xf32, #tpu.memory_space<hbm>> -> memref<128x128xf32, #tpu.memory_space<hbm>>
      %dma_start3A_64 = arith.constant 0 : i32
      %dma_start3A_65 = tpu.memref_slice %arg5[%arg0, %run_scoped3A_26, %add3A_25, %dma_start3A_64] : memref<2x2x5248x128xf32, #tpu.memory_space<hbm>> -> memref<1x1x128x128xf32, #tpu.memory_space<hbm>>
      %dma_start3A_66 = tpu.memref_squeeze %dma_start3A_65 : memref<1x1x128x128xf32, #tpu.memory_space<hbm>> -> memref<128x128xf32, #tpu.memory_space<hbm>>
      tpu.enqueue_dma source(%arg8 : memref<128x128xf32, #tpu.memory_space<vmem>>) target(%dma_start3A_66 : memref<128x128xf32, #tpu.memory_space<hbm>>) target_semaphore(%run_scoped3A_61 : memref<!tpu.dma_semaphore, #tpu.memory_space<semaphore_mem>>)
      %dma_wait3A = arith.constant 0 : i32
      %dma_wait3A_67 = tpu.memref_slice %arg5[%arg0, %run_scoped3A_26, %add3A_25, %dma_wait3A] : memref<2x2x5248x128xf32, #tpu.memory_space<hbm>> -> memref<1x1x128x128xf32, #tpu.memory_space<hbm>>
      %dma_wait3A_68 = tpu.memref_squeeze %dma_wait3A_67 : memref<1x1x128x128xf32, #tpu.memory_space<hbm>> -> memref<128x128xf32, #tpu.memory_space<hbm>>
      %dma_wait3A_69 = arith.constant 0 : i32
      %dma_wait3A_70 = tpu.memref_slice %arg5[%arg0, %run_scoped3A_26, %add3A_25, %dma_wait3A_69] : memref<2x2x5248x128xf32, #tpu.memory_space<hbm>> -> memref<1x1x128x128xf32, #tpu.memory_space<hbm>>
      %dma_wait3A_71 = tpu.memref_squeeze %dma_wait3A_70 : memref<1x1x128x128xf32, #tpu.memory_space<hbm>> -> memref<128x128xf32, #tpu.memory_space<hbm>>
      tpu.wait_dma2 semaphore(%run_scoped3A_61 : memref<!tpu.dma_semaphore, #tpu.memory_space<semaphore_mem>>) src(%arg8 : memref<128x128xf32, #tpu.memory_space<vmem>>) dst(%dma_wait3A_71 : memref<128x128xf32, #tpu.memory_space<hbm>>)
      tpu.yield
    }) : () -> ()
    %add3A_27 = arith.constant 256 : i32
    %add3A_28 = arith.addi %mul3A_5, %add3A_27 : i32
    "tpu.region"() ({
      %run_scoped3A_61 = tpu.sem_alloc : memref<!tpu.dma_semaphore, #tpu.memory_space<semaphore_mem>>
      %dma_start3A = arith.constant 0 : i32
      %dma_start3A_62 = arith.constant 0 : i32
      %dma_start3A_63 = tpu.memref_slice %arg8[%dma_start3A, %dma_start3A_62] : memref<128x128xf32, #tpu.memory_space<vmem>> -> memref<72x128xf32, #tpu.memory_space<vmem>>
      %dma_start3A_64 = arith.constant 0 : i32
      %dma_start3A_65 = tpu.memref_slice %arg10[%add3A_28, %dma_start3A_64] : memref<5248x128xf32, #tpu.memory_space<vmem_shared>> -> memref<72x128xf32, #tpu.memory_space<vmem_shared>>
      %dma_start3A_66 = arith.constant 0 : i32
      %dma_start3A_67 = arith.constant 0 : i32
      %dma_start3A_68 = tpu.memref_slice %arg8[%dma_start3A_66, %dma_start3A_67] : memref<128x128xf32, #tpu.memory_space<vmem>> -> memref<72x128xf32, #tpu.memory_space<vmem>>
      %dma_start3A_69 = arith.constant 0 : i32
      %dma_start3A_70 = tpu.memref_slice %arg10[%add3A_28, %dma_start3A_69] : memref<5248x128xf32, #tpu.memory_space<vmem_shared>> -> memref<72x128xf32, #tpu.memory_space<vmem_shared>>
      tpu.enqueue_dma source(%dma_start3A_70 : memref<72x128xf32, #tpu.memory_space<vmem_shared>>) target(%dma_start3A_68 : memref<72x128xf32, #tpu.memory_space<vmem>>) target_semaphore(%run_scoped3A_61 : memref<!tpu.dma_semaphore, #tpu.memory_space<semaphore_mem>>)
      %dma_wait3A = arith.constant 0 : i32
      %dma_wait3A_71 = arith.constant 0 : i32
      %dma_wait3A_72 = tpu.memref_slice %arg8[%dma_wait3A, %dma_wait3A_71] : memref<128x128xf32, #tpu.memory_space<vmem>> -> memref<72x128xf32, #tpu.memory_space<vmem>>
      %dma_wait3A_73 = arith.constant 0 : i32
      %dma_wait3A_74 = tpu.memref_slice %arg10[%add3A_28, %dma_wait3A_73] : memref<5248x128xf32, #tpu.memory_space<vmem_shared>> -> memref<72x128xf32, #tpu.memory_space<vmem_shared>>
      %dma_wait3A_75 = arith.constant 0 : i32
      %dma_wait3A_76 = arith.constant 0 : i32
      %dma_wait3A_77 = tpu.memref_slice %arg8[%dma_wait3A_75, %dma_wait3A_76] : memref<128x128xf32, #tpu.memory_space<vmem>> -> memref<72x128xf32, #tpu.memory_space<vmem>>
      %dma_wait3A_78 = arith.constant 0 : i32
      %dma_wait3A_79 = tpu.memref_slice %arg10[%add3A_28, %dma_wait3A_78] : memref<5248x128xf32, #tpu.memory_space<vmem_shared>> -> memref<72x128xf32, #tpu.memory_space<vmem_shared>>
      tpu.wait_dma2 semaphore(%run_scoped3A_61 : memref<!tpu.dma_semaphore, #tpu.memory_space<semaphore_mem>>) src(%dma_wait3A_79 : memref<72x128xf32, #tpu.memory_space<vmem_shared>>) dst(%dma_wait3A_77 : memref<72x128xf32, #tpu.memory_space<vmem>>)
      tpu.yield
    }) : () -> ()
    %add3A_29 = arith.constant 256 : i32
    %add3A_30 = arith.addi %mul3A_5, %add3A_29 : i32
    %run_scoped3A_31 = arith.constant 0 : i32
    "tpu.region"() ({
      %run_scoped3A_61 = tpu.sem_alloc : memref<!tpu.dma_semaphore, #tpu.memory_space<semaphore_mem>>
      %dma_start3A = arith.constant 0 : i32
      %dma_start3A_62 = arith.constant 0 : i32
      %dma_start3A_63 = tpu.memref_slice %arg8[%dma_start3A, %dma_start3A_62] : memref<128x128xf32, #tpu.memory_space<vmem>> -> memref<72x128xf32, #tpu.memory_space<vmem>>
      %dma_start3A_64 = arith.constant 0 : i32
      %dma_start3A_65 = tpu.memref_slice %arg5[%arg0, %run_scoped3A_31, %add3A_30, %dma_start3A_64] : memref<2x2x5248x128xf32, #tpu.memory_space<hbm>> -> memref<1x1x72x128xf32, #tpu.memory_space<hbm>>
      %dma_start3A_66 = tpu.memref_squeeze %dma_start3A_65 : memref<1x1x72x128xf32, #tpu.memory_space<hbm>> -> memref<72x128xf32, #tpu.memory_space<hbm>>
      %dma_start3A_67 = arith.constant 0 : i32
      %dma_start3A_68 = tpu.memref_slice %arg5[%arg0, %run_scoped3A_31, %add3A_30, %dma_start3A_67] : memref<2x2x5248x128xf32, #tpu.memory_space<hbm>> -> memref<1x1x72x128xf32, #tpu.memory_space<hbm>>
      %dma_start3A_69 = tpu.memref_squeeze %dma_start3A_68 : memref<1x1x72x128xf32, #tpu.memory_space<hbm>> -> memref<72x128xf32, #tpu.memory_space<hbm>>
      %dma_start3A_70 = arith.constant 0 : i32
      %dma_start3A_71 = arith.constant 0 : i32
      %dma_start3A_72 = tpu.memref_slice %arg8[%dma_start3A_70, %dma_start3A_71] : memref<128x128xf32, #tpu.memory_space<vmem>> -> memref<72x128xf32, #tpu.memory_space<vmem>>
      tpu.enqueue_dma source(%dma_start3A_72 : memref<72x128xf32, #tpu.memory_space<vmem>>) target(%dma_start3A_69 : memref<72x128xf32, #tpu.memory_space<hbm>>) target_semaphore(%run_scoped3A_61 : memref<!tpu.dma_semaphore, #tpu.memory_space<semaphore_mem>>)
      %dma_wait3A = arith.constant 0 : i32
      %dma_wait3A_73 = arith.constant 0 : i32
      %dma_wait3A_74 = tpu.memref_slice %arg8[%dma_wait3A, %dma_wait3A_73] : memref<128x128xf32, #tpu.memory_space<vmem>> -> memref<72x128xf32, #tpu.memory_space<vmem>>
      %dma_wait3A_75 = arith.constant 0 : i32
      %dma_wait3A_76 = tpu.memref_slice %arg5[%arg0, %run_scoped3A_31, %add3A_30, %dma_wait3A_75] : memref<2x2x5248x128xf32, #tpu.memory_space<hbm>> -> memref<1x1x72x128xf32, #tpu.memory_space<hbm>>
      %dma_wait3A_77 = tpu.memref_squeeze %dma_wait3A_76 : memref<1x1x72x128xf32, #tpu.memory_space<hbm>> -> memref<72x128xf32, #tpu.memory_space<hbm>>
      %dma_wait3A_78 = arith.constant 0 : i32
      %dma_wait3A_79 = tpu.memref_slice %arg5[%arg0, %run_scoped3A_31, %add3A_30, %dma_wait3A_78] : memref<2x2x5248x128xf32, #tpu.memory_space<hbm>> -> memref<1x1x72x128xf32, #tpu.memory_space<hbm>>
      %dma_wait3A_80 = tpu.memref_squeeze %dma_wait3A_79 : memref<1x1x72x128xf32, #tpu.memory_space<hbm>> -> memref<72x128xf32, #tpu.memory_space<hbm>>
      %dma_wait3A_81 = arith.constant 0 : i32
      %dma_wait3A_82 = arith.constant 0 : i32
      %dma_wait3A_83 = tpu.memref_slice %arg8[%dma_wait3A_81, %dma_wait3A_82] : memref<128x128xf32, #tpu.memory_space<vmem>> -> memref<72x128xf32, #tpu.memory_space<vmem>>
      tpu.wait_dma2 semaphore(%run_scoped3A_61 : memref<!tpu.dma_semaphore, #tpu.memory_space<semaphore_mem>>) src(%dma_wait3A_83 : memref<72x128xf32, #tpu.memory_space<vmem>>) dst(%dma_wait3A_80 : memref<72x128xf32, #tpu.memory_space<hbm>>)
      tpu.yield
    }) : () -> ()
    %add3A_32 = arith.constant 0 : i32
    %add3A_33 = arith.addi %mul3A_5, %add3A_32 : i32
    "tpu.region"() ({
      %run_scoped3A_61 = tpu.sem_alloc : memref<!tpu.dma_semaphore, #tpu.memory_space<semaphore_mem>>
      %dma_start3A = arith.constant 0 : i32
      %dma_start3A_62 = tpu.memref_slice %arg10[%add3A_33, %dma_start3A] : memref<5248x128xf32, #tpu.memory_space<vmem_shared>> -> memref<128x128xf32, #tpu.memory_space<vmem_shared>>
      %dma_start3A_63 = arith.constant 0 : i32
      %dma_start3A_64 = tpu.memref_slice %arg10[%add3A_33, %dma_start3A_63] : memref<5248x128xf32, #tpu.memory_space<vmem_shared>> -> memref<128x128xf32, #tpu.memory_space<vmem_shared>>
      tpu.enqueue_dma source(%arg9 : memref<128x128xf32, #tpu.memory_space<vmem>>) target(%dma_start3A_64 : memref<128x128xf32, #tpu.memory_space<vmem_shared>>) target_semaphore(%run_scoped3A_61 : memref<!tpu.dma_semaphore, #tpu.memory_space<semaphore_mem>>)
      %dma_wait3A = arith.constant 0 : i32
      %dma_wait3A_65 = tpu.memref_slice %arg10[%add3A_33, %dma_wait3A] : memref<5248x128xf32, #tpu.memory_space<vmem_shared>> -> memref<128x128xf32, #tpu.memory_space<vmem_shared>>
      %dma_wait3A_66 = arith.constant 0 : i32
      %dma_wait3A_67 = tpu.memref_slice %arg10[%add3A_33, %dma_wait3A_66] : memref<5248x128xf32, #tpu.memory_space<vmem_shared>> -> memref<128x128xf32, #tpu.memory_space<vmem_shared>>
      tpu.wait_dma2 semaphore(%run_scoped3A_61 : memref<!tpu.dma_semaphore, #tpu.memory_space<semaphore_mem>>) src(%arg9 : memref<128x128xf32, #tpu.memory_space<vmem>>) dst(%dma_wait3A_67 : memref<128x128xf32, #tpu.memory_space<vmem_shared>>)
      tpu.yield
    }) : () -> ()
    %add3A_34 = arith.constant 128 : i32
    %add3A_35 = arith.addi %mul3A_5, %add3A_34 : i32
    "tpu.region"() ({
      %run_scoped3A_61 = tpu.sem_alloc : memref<!tpu.dma_semaphore, #tpu.memory_space<semaphore_mem>>
      %dma_start3A = arith.constant 0 : i32
      %dma_start3A_62 = tpu.memref_slice %arg10[%add3A_35, %dma_start3A] : memref<5248x128xf32, #tpu.memory_space<vmem_shared>> -> memref<128x128xf32, #tpu.memory_space<vmem_shared>>
      %dma_start3A_63 = arith.constant 0 : i32
      %dma_start3A_64 = tpu.memref_slice %arg10[%add3A_35, %dma_start3A_63] : memref<5248x128xf32, #tpu.memory_space<vmem_shared>> -> memref<128x128xf32, #tpu.memory_space<vmem_shared>>
      tpu.enqueue_dma source(%arg9 : memref<128x128xf32, #tpu.memory_space<vmem>>) target(%dma_start3A_64 : memref<128x128xf32, #tpu.memory_space<vmem_shared>>) target_semaphore(%run_scoped3A_61 : memref<!tpu.dma_semaphore, #tpu.memory_space<semaphore_mem>>)
      %dma_wait3A = arith.constant 0 : i32
      %dma_wait3A_65 = tpu.memref_slice %arg10[%add3A_35, %dma_wait3A] : memref<5248x128xf32, #tpu.memory_space<vmem_shared>> -> memref<128x128xf32, #tpu.memory_space<vmem_shared>>
      %dma_wait3A_66 = arith.constant 0 : i32
      %dma_wait3A_67 = tpu.memref_slice %arg10[%add3A_35, %dma_wait3A_66] : memref<5248x128xf32, #tpu.memory_space<vmem_shared>> -> memref<128x128xf32, #tpu.memory_space<vmem_shared>>
      tpu.wait_dma2 semaphore(%run_scoped3A_61 : memref<!tpu.dma_semaphore, #tpu.memory_space<semaphore_mem>>) src(%arg9 : memref<128x128xf32, #tpu.memory_space<vmem>>) dst(%dma_wait3A_67 : memref<128x128xf32, #tpu.memory_space<vmem_shared>>)
      tpu.yield
    }) : () -> ()
    %add3A_36 = arith.constant 256 : i32
    %add3A_37 = arith.addi %mul3A_5, %add3A_36 : i32
    "tpu.region"() ({
      %run_scoped3A_61 = tpu.sem_alloc : memref<!tpu.dma_semaphore, #tpu.memory_space<semaphore_mem>>
      %dma_start3A = arith.constant 0 : i32
      %dma_start3A_62 = arith.constant 0 : i32
      %dma_start3A_63 = tpu.memref_slice %arg9[%dma_start3A, %dma_start3A_62] : memref<128x128xf32, #tpu.memory_space<vmem>> -> memref<72x128xf32, #tpu.memory_space<vmem>>
      %dma_start3A_64 = arith.constant 0 : i32
      %dma_start3A_65 = tpu.memref_slice %arg10[%add3A_37, %dma_start3A_64] : memref<5248x128xf32, #tpu.memory_space<vmem_shared>> -> memref<72x128xf32, #tpu.memory_space<vmem_shared>>
      %dma_start3A_66 = arith.constant 0 : i32
      %dma_start3A_67 = tpu.memref_slice %arg10[%add3A_37, %dma_start3A_66] : memref<5248x128xf32, #tpu.memory_space<vmem_shared>> -> memref<72x128xf32, #tpu.memory_space<vmem_shared>>
      %dma_start3A_68 = arith.constant 0 : i32
      %dma_start3A_69 = arith.constant 0 : i32
      %dma_start3A_70 = tpu.memref_slice %arg9[%dma_start3A_68, %dma_start3A_69] : memref<128x128xf32, #tpu.memory_space<vmem>> -> memref<72x128xf32, #tpu.memory_space<vmem>>
      tpu.enqueue_dma source(%dma_start3A_70 : memref<72x128xf32, #tpu.memory_space<vmem>>) target(%dma_start3A_67 : memref<72x128xf32, #tpu.memory_space<vmem_shared>>) target_semaphore(%run_scoped3A_61 : memref<!tpu.dma_semaphore, #tpu.memory_space<semaphore_mem>>)
      %dma_wait3A = arith.constant 0 : i32
      %dma_wait3A_71 = arith.constant 0 : i32
      %dma_wait3A_72 = tpu.memref_slice %arg9[%dma_wait3A, %dma_wait3A_71] : memref<128x128xf32, #tpu.memory_space<vmem>> -> memref<72x128xf32, #tpu.memory_space<vmem>>
      %dma_wait3A_73 = arith.constant 0 : i32
      %dma_wait3A_74 = tpu.memref_slice %arg10[%add3A_37, %dma_wait3A_73] : memref<5248x128xf32, #tpu.memory_space<vmem_shared>> -> memref<72x128xf32, #tpu.memory_space<vmem_shared>>
      %dma_wait3A_75 = arith.constant 0 : i32
      %dma_wait3A_76 = tpu.memref_slice %arg10[%add3A_37, %dma_wait3A_75] : memref<5248x128xf32, #tpu.memory_space<vmem_shared>> -> memref<72x128xf32, #tpu.memory_space<vmem_shared>>
      %dma_wait3A_77 = arith.constant 0 : i32
      %dma_wait3A_78 = arith.constant 0 : i32
      %dma_wait3A_79 = tpu.memref_slice %arg9[%dma_wait3A_77, %dma_wait3A_78] : memref<128x128xf32, #tpu.memory_space<vmem>> -> memref<72x128xf32, #tpu.memory_space<vmem>>
      tpu.wait_dma2 semaphore(%run_scoped3A_61 : memref<!tpu.dma_semaphore, #tpu.memory_space<semaphore_mem>>) src(%dma_wait3A_79 : memref<72x128xf32, #tpu.memory_space<vmem>>) dst(%dma_wait3A_76 : memref<72x128xf32, #tpu.memory_space<vmem_shared>>)
      tpu.yield
    }) : () -> ()
    %barrier3A_38 = arith.constant 0 : index
    tpu.barrier barrier_id(%barrier3A_38)
    %run_scoped3A_39 = arith.constant 1 : i32
    "tpu.region"() ({
      %run_scoped3A_61 = tpu.sem_alloc : memref<!tpu.dma_semaphore, #tpu.memory_space<semaphore_mem>>
      %dma_start3A = arith.constant 0 : i32
      %dma_start3A_62 = arith.constant 0 : i32
      %dma_start3A_63 = tpu.memref_slice %arg4[%run_scoped3A_39, %arg1, %dma_start3A, %dma_start3A_62] : memref<2x16x157x128xi32, #tpu.memory_space<hbm>> -> memref<1x1x157x128xi32, #tpu.memory_space<hbm>>
      %dma_start3A_64 = tpu.memref_squeeze %dma_start3A_63 : memref<1x1x157x128xi32, #tpu.memory_space<hbm>> -> memref<157x128xi32, #tpu.memory_space<hbm>>
      %dma_start3A_65 = arith.constant 0 : i32
      %dma_start3A_66 = arith.constant 0 : i32
      %dma_start3A_67 = tpu.memref_slice %arg4[%run_scoped3A_39, %arg1, %dma_start3A_65, %dma_start3A_66] : memref<2x16x157x128xi32, #tpu.memory_space<hbm>> -> memref<1x1x157x128xi32, #tpu.memory_space<hbm>>
      %dma_start3A_68 = tpu.memref_squeeze %dma_start3A_67 : memref<1x1x157x128xi32, #tpu.memory_space<hbm>> -> memref<157x128xi32, #tpu.memory_space<hbm>>
      tpu.enqueue_dma source(%dma_start3A_68 : memref<157x128xi32, #tpu.memory_space<hbm>>) target(%arg7 : memref<157x128xi32, #tpu.memory_space<vmem>>) target_semaphore(%run_scoped3A_61 : memref<!tpu.dma_semaphore, #tpu.memory_space<semaphore_mem>>)
      %dma_wait3A = arith.constant 0 : i32
      %dma_wait3A_69 = arith.constant 0 : i32
      %dma_wait3A_70 = tpu.memref_slice %arg4[%run_scoped3A_39, %arg1, %dma_wait3A, %dma_wait3A_69] : memref<2x16x157x128xi32, #tpu.memory_space<hbm>> -> memref<1x1x157x128xi32, #tpu.memory_space<hbm>>
      %dma_wait3A_71 = tpu.memref_squeeze %dma_wait3A_70 : memref<1x1x157x128xi32, #tpu.memory_space<hbm>> -> memref<157x128xi32, #tpu.memory_space<hbm>>
      %dma_wait3A_72 = arith.constant 0 : i32
      %dma_wait3A_73 = arith.constant 0 : i32
      %dma_wait3A_74 = tpu.memref_slice %arg4[%run_scoped3A_39, %arg1, %dma_wait3A_72, %dma_wait3A_73] : memref<2x16x157x128xi32, #tpu.memory_space<hbm>> -> memref<1x1x157x128xi32, #tpu.memory_space<hbm>>
      %dma_wait3A_75 = tpu.memref_squeeze %dma_wait3A_74 : memref<1x1x157x128xi32, #tpu.memory_space<hbm>> -> memref<157x128xi32, #tpu.memory_space<hbm>>
      tpu.wait_dma2 semaphore(%run_scoped3A_61 : memref<!tpu.dma_semaphore, #tpu.memory_space<semaphore_mem>>) src(%dma_wait3A_75 : memref<157x128xi32, #tpu.memory_space<hbm>>) dst(%arg7 : memref<157x128xi32, #tpu.memory_space<vmem>>)
      tpu.yield
    }) : () -> ()
    %scan3A_40 = arith.constant 0 : i32
    %scan3A_41 = arith.constant 157 : i32
    %scan3A_42 = arith.addi %scan3A_40, %scan3A_41 : i32
    %scan3A_43 = arith.constant 1 : i32
    scf.for %scan3A_61 = %scan3A_40 to %scan3A_42 step %scan3A_43  : i32 {
      %dma_start3A = arith.constant 0 : i32
      %dma_start3A_62 = tpu.memref_slice %arg6[%scan3A_61, %dma_start3A] : memref<157x128xi32, #tpu.memory_space<vmem>> -> memref<1x128xi32, #tpu.memory_space<vmem>>
      %dma_start3A_63 = tpu.memref_squeeze %dma_start3A_62 : memref<1x128xi32, #tpu.memory_space<vmem>> -> memref<128xi32, #tpu.memory_space<vmem>>
      %dma_start3A_64 = arith.constant 0 : i32
      %dma_start3A_65 = arith.constant 0 : i32
      %dma_start3A_66 = tpu.memref_slice %arg2[%dma_start3A_64, %dma_start3A_65] : memref<20000x128xf32, #tpu.memory_space<hbm>> -> memref<20000x128xf32, #tpu.memory_space<hbm>>
      tpu.enqueue_indirect_dma source(%dma_start3A_66 : memref<20000x128xf32, #tpu.memory_space<hbm>>) target(%arg8 : memref<128x128xf32, #tpu.memory_space<vmem>>) offsets(%dma_start3A_63 : memref<128xi32, #tpu.memory_space<vmem>>) semaphore(%arg11 : memref<!tpu.dma_semaphore, #tpu.memory_space<semaphore_mem>>)
      %dma_wait3A = arith.constant 0 : i32
      %dma_wait3A_67 = tpu.memref_slice %arg6[%scan3A_61, %dma_wait3A] : memref<157x128xi32, #tpu.memory_space<vmem>> -> memref<1x128xi32, #tpu.memory_space<vmem>>
      %dma_wait3A_68 = tpu.memref_squeeze %dma_wait3A_67 : memref<1x128xi32, #tpu.memory_space<vmem>> -> memref<128xi32, #tpu.memory_space<vmem>>
      %dma_wait3A_69 = arith.constant 0 : i32
      %dma_wait3A_70 = arith.constant 0 : i32
      %dma_wait3A_71 = tpu.memref_slice %arg2[%dma_wait3A_69, %dma_wait3A_70] : memref<20000x128xf32, #tpu.memory_space<hbm>> -> memref<20000x128xf32, #tpu.memory_space<hbm>>
      tpu.wait_indirect_dma semaphore(%arg11 : memref<!tpu.dma_semaphore, #tpu.memory_space<semaphore_mem>>) src(%dma_wait3A_71 : memref<20000x128xf32, #tpu.memory_space<hbm>>) dst(%arg8 : memref<128x128xf32, #tpu.memory_space<vmem>>)
      "tpu.region"() ({
        %run_scoped3A_72 = tpu.sem_alloc : memref<!tpu.dma_semaphore, #tpu.memory_space<semaphore_mem>>
        %dma_start3A_73 = arith.constant 0 : i32
        %dma_start3A_74 = tpu.memref_slice %arg7[%scan3A_61, %dma_start3A_73] : memref<157x128xi32, #tpu.memory_space<vmem>> -> memref<1x128xi32, #tpu.memory_space<vmem>>
        %dma_start3A_75 = tpu.memref_squeeze %dma_start3A_74 : memref<1x128xi32, #tpu.memory_space<vmem>> -> memref<128xi32, #tpu.memory_space<vmem>>
        %dma_start3A_76 = arith.constant 0 : i32
        %dma_start3A_77 = arith.constant 0 : i32
        %dma_start3A_78 = tpu.memref_slice %arg10[%dma_start3A_76, %dma_start3A_77] : memref<5248x128xf32, #tpu.memory_space<vmem_shared>> -> memref<5248x128xf32, #tpu.memory_space<vmem_shared>>
        tpu.enqueue_indirect_dma source(%arg8 : memref<128x128xf32, #tpu.memory_space<vmem>>) target(%dma_start3A_78 : memref<5248x128xf32, #tpu.memory_space<vmem_shared>>) offsets(%dma_start3A_75 : memref<128xi32, #tpu.memory_space<vmem>>) semaphore(%run_scoped3A_72 : memref<!tpu.dma_semaphore, #tpu.memory_space<semaphore_mem>>) {add = true}
        %dma_wait3A_79 = arith.constant 0 : i32
        %dma_wait3A_80 = tpu.memref_slice %arg7[%scan3A_61, %dma_wait3A_79] : memref<157x128xi32, #tpu.memory_space<vmem>> -> memref<1x128xi32, #tpu.memory_space<vmem>>
        %dma_wait3A_81 = tpu.memref_squeeze %dma_wait3A_80 : memref<1x128xi32, #tpu.memory_space<vmem>> -> memref<128xi32, #tpu.memory_space<vmem>>
        %dma_wait3A_82 = arith.constant 0 : i32
        %dma_wait3A_83 = arith.constant 0 : i32
        %dma_wait3A_84 = tpu.memref_slice %arg10[%dma_wait3A_82, %dma_wait3A_83] : memref<5248x128xf32, #tpu.memory_space<vmem_shared>> -> memref<5248x128xf32, #tpu.memory_space<vmem_shared>>
        tpu.wait_indirect_dma semaphore(%run_scoped3A_72 : memref<!tpu.dma_semaphore, #tpu.memory_space<semaphore_mem>>) src(%arg8 : memref<128x128xf32, #tpu.memory_space<vmem>>) dst(%dma_wait3A_84 : memref<5248x128xf32, #tpu.memory_space<vmem_shared>>)
        tpu.yield
      }) : () -> ()
    }
    %scan3A_44 = arith.constant 157 : i32
    %barrier3A_45 = arith.constant 0 : index
    tpu.barrier barrier_id(%barrier3A_45)
    %add3A_46 = arith.constant 0 : i32
    %add3A_47 = arith.addi %mul3A_5, %add3A_46 : i32
    "tpu.region"() ({
      %run_scoped3A_61 = tpu.sem_alloc : memref<!tpu.dma_semaphore, #tpu.memory_space<semaphore_mem>>
      %dma_start3A = arith.constant 0 : i32
      %dma_start3A_62 = tpu.memref_slice %arg10[%add3A_47, %dma_start3A] : memref<5248x128xf32, #tpu.memory_space<vmem_shared>> -> memref<128x128xf32, #tpu.memory_space<vmem_shared>>
      %dma_start3A_63 = arith.constant 0 : i32
      %dma_start3A_64 = tpu.memref_slice %arg10[%add3A_47, %dma_start3A_63] : memref<5248x128xf32, #tpu.memory_space<vmem_shared>> -> memref<128x128xf32, #tpu.memory_space<vmem_shared>>
      tpu.enqueue_dma source(%dma_start3A_64 : memref<128x128xf32, #tpu.memory_space<vmem_shared>>) target(%arg8 : memref<128x128xf32, #tpu.memory_space<vmem>>) target_semaphore(%run_scoped3A_61 : memref<!tpu.dma_semaphore, #tpu.memory_space<semaphore_mem>>)
      %dma_wait3A = arith.constant 0 : i32
      %dma_wait3A_65 = tpu.memref_slice %arg10[%add3A_47, %dma_wait3A] : memref<5248x128xf32, #tpu.memory_space<vmem_shared>> -> memref<128x128xf32, #tpu.memory_space<vmem_shared>>
      %dma_wait3A_66 = arith.constant 0 : i32
      %dma_wait3A_67 = tpu.memref_slice %arg10[%add3A_47, %dma_wait3A_66] : memref<5248x128xf32, #tpu.memory_space<vmem_shared>> -> memref<128x128xf32, #tpu.memory_space<vmem_shared>>
      tpu.wait_dma2 semaphore(%run_scoped3A_61 : memref<!tpu.dma_semaphore, #tpu.memory_space<semaphore_mem>>) src(%dma_wait3A_67 : memref<128x128xf32, #tpu.memory_space<vmem_shared>>) dst(%arg8 : memref<128x128xf32, #tpu.memory_space<vmem>>)
      tpu.yield
    }) : () -> ()
    %add3A_48 = arith.constant 0 : i32
    %add3A_49 = arith.addi %mul3A_5, %add3A_48 : i32
    %run_scoped3A_50 = arith.constant 1 : i32
    "tpu.region"() ({
      %run_scoped3A_61 = tpu.sem_alloc : memref<!tpu.dma_semaphore, #tpu.memory_space<semaphore_mem>>
      %dma_start3A = arith.constant 0 : i32
      %dma_start3A_62 = tpu.memref_slice %arg5[%arg0, %run_scoped3A_50, %add3A_49, %dma_start3A] : memref<2x2x5248x128xf32, #tpu.memory_space<hbm>> -> memref<1x1x128x128xf32, #tpu.memory_space<hbm>>
      %dma_start3A_63 = tpu.memref_squeeze %dma_start3A_62 : memref<1x1x128x128xf32, #tpu.memory_space<hbm>> -> memref<128x128xf32, #tpu.memory_space<hbm>>
      %dma_start3A_64 = arith.constant 0 : i32
      %dma_start3A_65 = tpu.memref_slice %arg5[%arg0, %run_scoped3A_50, %add3A_49, %dma_start3A_64] : memref<2x2x5248x128xf32, #tpu.memory_space<hbm>> -> memref<1x1x128x128xf32, #tpu.memory_space<hbm>>
      %dma_start3A_66 = tpu.memref_squeeze %dma_start3A_65 : memref<1x1x128x128xf32, #tpu.memory_space<hbm>> -> memref<128x128xf32, #tpu.memory_space<hbm>>
      tpu.enqueue_dma source(%arg8 : memref<128x128xf32, #tpu.memory_space<vmem>>) target(%dma_start3A_66 : memref<128x128xf32, #tpu.memory_space<hbm>>) target_semaphore(%run_scoped3A_61 : memref<!tpu.dma_semaphore, #tpu.memory_space<semaphore_mem>>)
      %dma_wait3A = arith.constant 0 : i32
      %dma_wait3A_67 = tpu.memref_slice %arg5[%arg0, %run_scoped3A_50, %add3A_49, %dma_wait3A] : memref<2x2x5248x128xf32, #tpu.memory_space<hbm>> -> memref<1x1x128x128xf32, #tpu.memory_space<hbm>>
      %dma_wait3A_68 = tpu.memref_squeeze %dma_wait3A_67 : memref<1x1x128x128xf32, #tpu.memory_space<hbm>> -> memref<128x128xf32, #tpu.memory_space<hbm>>
      %dma_wait3A_69 = arith.constant 0 : i32
      %dma_wait3A_70 = tpu.memref_slice %arg5[%arg0, %run_scoped3A_50, %add3A_49, %dma_wait3A_69] : memref<2x2x5248x128xf32, #tpu.memory_space<hbm>> -> memref<1x1x128x128xf32, #tpu.memory_space<hbm>>
      %dma_wait3A_71 = tpu.memref_squeeze %dma_wait3A_70 : memref<1x1x128x128xf32, #tpu.memory_space<hbm>> -> memref<128x128xf32, #tpu.memory_space<hbm>>
      tpu.wait_dma2 semaphore(%run_scoped3A_61 : memref<!tpu.dma_semaphore, #tpu.memory_space<semaphore_mem>>) src(%arg8 : memref<128x128xf32, #tpu.memory_space<vmem>>) dst(%dma_wait3A_71 : memref<128x128xf32, #tpu.memory_space<hbm>>)
      tpu.yield
    }) : () -> ()
    %add3A_51 = arith.constant 128 : i32
    %add3A_52 = arith.addi %mul3A_5, %add3A_51 : i32
    "tpu.region"() ({
      %run_scoped3A_61 = tpu.sem_alloc : memref<!tpu.dma_semaphore, #tpu.memory_space<semaphore_mem>>
      %dma_start3A = arith.constant 0 : i32
      %dma_start3A_62 = tpu.memref_slice %arg10[%add3A_52, %dma_start3A] : memref<5248x128xf32, #tpu.memory_space<vmem_shared>> -> memref<128x128xf32, #tpu.memory_space<vmem_shared>>
      %dma_start3A_63 = arith.constant 0 : i32
      %dma_start3A_64 = tpu.memref_slice %arg10[%add3A_52, %dma_start3A_63] : memref<5248x128xf32, #tpu.memory_space<vmem_shared>> -> memref<128x128xf32, #tpu.memory_space<vmem_shared>>
      tpu.enqueue_dma source(%dma_start3A_64 : memref<128x128xf32, #tpu.memory_space<vmem_shared>>) target(%arg8 : memref<128x128xf32, #tpu.memory_space<vmem>>) target_semaphore(%run_scoped3A_61 : memref<!tpu.dma_semaphore, #tpu.memory_space<semaphore_mem>>)
      %dma_wait3A = arith.constant 0 : i32
      %dma_wait3A_65 = tpu.memref_slice %arg10[%add3A_52, %dma_wait3A] : memref<5248x128xf32, #tpu.memory_space<vmem_shared>> -> memref<128x128xf32, #tpu.memory_space<vmem_shared>>
      %dma_wait3A_66 = arith.constant 0 : i32
      %dma_wait3A_67 = tpu.memref_slice %arg10[%add3A_52, %dma_wait3A_66] : memref<5248x128xf32, #tpu.memory_space<vmem_shared>> -> memref<128x128xf32, #tpu.memory_space<vmem_shared>>
      tpu.wait_dma2 semaphore(%run_scoped3A_61 : memref<!tpu.dma_semaphore, #tpu.memory_space<semaphore_mem>>) src(%dma_wait3A_67 : memref<128x128xf32, #tpu.memory_space<vmem_shared>>) dst(%arg8 : memref<128x128xf32, #tpu.memory_space<vmem>>)
      tpu.yield
    }) : () -> ()
    %add3A_53 = arith.constant 128 : i32
    %add3A_54 = arith.addi %mul3A_5, %add3A_53 : i32
    %run_scoped3A_55 = arith.constant 1 : i32
    "tpu.region"() ({
      %run_scoped3A_61 = tpu.sem_alloc : memref<!tpu.dma_semaphore, #tpu.memory_space<semaphore_mem>>
      %dma_start3A = arith.constant 0 : i32
      %dma_start3A_62 = tpu.memref_slice %arg5[%arg0, %run_scoped3A_55, %add3A_54, %dma_start3A] : memref<2x2x5248x128xf32, #tpu.memory_space<hbm>> -> memref<1x1x128x128xf32, #tpu.memory_space<hbm>>
      %dma_start3A_63 = tpu.memref_squeeze %dma_start3A_62 : memref<1x1x128x128xf32, #tpu.memory_space<hbm>> -> memref<128x128xf32, #tpu.memory_space<hbm>>
      %dma_start3A_64 = arith.constant 0 : i32
      %dma_start3A_65 = tpu.memref_slice %arg5[%arg0, %run_scoped3A_55, %add3A_54, %dma_start3A_64] : memref<2x2x5248x128xf32, #tpu.memory_space<hbm>> -> memref<1x1x128x128xf32, #tpu.memory_space<hbm>>
      %dma_start3A_66 = tpu.memref_squeeze %dma_start3A_65 : memref<1x1x128x128xf32, #tpu.memory_space<hbm>> -> memref<128x128xf32, #tpu.memory_space<hbm>>
      tpu.enqueue_dma source(%arg8 : memref<128x128xf32, #tpu.memory_space<vmem>>) target(%dma_start3A_66 : memref<128x128xf32, #tpu.memory_space<hbm>>) target_semaphore(%run_scoped3A_61 : memref<!tpu.dma_semaphore, #tpu.memory_space<semaphore_mem>>)
      %dma_wait3A = arith.constant 0 : i32
      %dma_wait3A_67 = tpu.memref_slice %arg5[%arg0, %run_scoped3A_55, %add3A_54, %dma_wait3A] : memref<2x2x5248x128xf32, #tpu.memory_space<hbm>> -> memref<1x1x128x128xf32, #tpu.memory_space<hbm>>
      %dma_wait3A_68 = tpu.memref_squeeze %dma_wait3A_67 : memref<1x1x128x128xf32, #tpu.memory_space<hbm>> -> memref<128x128xf32, #tpu.memory_space<hbm>>
      %dma_wait3A_69 = arith.constant 0 : i32
      %dma_wait3A_70 = tpu.memref_slice %arg5[%arg0, %run_scoped3A_55, %add3A_54, %dma_wait3A_69] : memref<2x2x5248x128xf32, #tpu.memory_space<hbm>> -> memref<1x1x128x128xf32, #tpu.memory_space<hbm>>
      %dma_wait3A_71 = tpu.memref_squeeze %dma_wait3A_70 : memref<1x1x128x128xf32, #tpu.memory_space<hbm>> -> memref<128x128xf32, #tpu.memory_space<hbm>>
      tpu.wait_dma2 semaphore(%run_scoped3A_61 : memref<!tpu.dma_semaphore, #tpu.memory_space<semaphore_mem>>) src(%arg8 : memref<128x128xf32, #tpu.memory_space<vmem>>) dst(%dma_wait3A_71 : memref<128x128xf32, #tpu.memory_space<hbm>>)
      tpu.yield
    }) : () -> ()
    %add3A_56 = arith.constant 256 : i32
    %add3A_57 = arith.addi %mul3A_5, %add3A_56 : i32
    "tpu.region"() ({
      %run_scoped3A_61 = tpu.sem_alloc : memref<!tpu.dma_semaphore, #tpu.memory_space<semaphore_mem>>
      %dma_start3A = arith.constant 0 : i32
      %dma_start3A_62 = arith.constant 0 : i32
      %dma_start3A_63 = tpu.memref_slice %arg8[%dma_start3A, %dma_start3A_62] : memref<128x128xf32, #tpu.memory_space<vmem>> -> memref<72x128xf32, #tpu.memory_space<vmem>>
      %dma_start3A_64 = arith.constant 0 : i32
      %dma_start3A_65 = tpu.memref_slice %arg10[%add3A_57, %dma_start3A_64] : memref<5248x128xf32, #tpu.memory_space<vmem_shared>> -> memref<72x128xf32, #tpu.memory_space<vmem_shared>>
      %dma_start3A_66 = arith.constant 0 : i32
      %dma_start3A_67 = arith.constant 0 : i32
      %dma_start3A_68 = tpu.memref_slice %arg8[%dma_start3A_66, %dma_start3A_67] : memref<128x128xf32, #tpu.memory_space<vmem>> -> memref<72x128xf32, #tpu.memory_space<vmem>>
      %dma_start3A_69 = arith.constant 0 : i32
      %dma_start3A_70 = tpu.memref_slice %arg10[%add3A_57, %dma_start3A_69] : memref<5248x128xf32, #tpu.memory_space<vmem_shared>> -> memref<72x128xf32, #tpu.memory_space<vmem_shared>>
      tpu.enqueue_dma source(%dma_start3A_70 : memref<72x128xf32, #tpu.memory_space<vmem_shared>>) target(%dma_start3A_68 : memref<72x128xf32, #tpu.memory_space<vmem>>) target_semaphore(%run_scoped3A_61 : memref<!tpu.dma_semaphore, #tpu.memory_space<semaphore_mem>>)
      %dma_wait3A = arith.constant 0 : i32
      %dma_wait3A_71 = arith.constant 0 : i32
      %dma_wait3A_72 = tpu.memref_slice %arg8[%dma_wait3A, %dma_wait3A_71] : memref<128x128xf32, #tpu.memory_space<vmem>> -> memref<72x128xf32, #tpu.memory_space<vmem>>
      %dma_wait3A_73 = arith.constant 0 : i32
      %dma_wait3A_74 = tpu.memref_slice %arg10[%add3A_57, %dma_wait3A_73] : memref<5248x128xf32, #tpu.memory_space<vmem_shared>> -> memref<72x128xf32, #tpu.memory_space<vmem_shared>>
      %dma_wait3A_75 = arith.constant 0 : i32
      %dma_wait3A_76 = arith.constant 0 : i32
      %dma_wait3A_77 = tpu.memref_slice %arg8[%dma_wait3A_75, %dma_wait3A_76] : memref<128x128xf32, #tpu.memory_space<vmem>> -> memref<72x128xf32, #tpu.memory_space<vmem>>
      %dma_wait3A_78 = arith.constant 0 : i32
      %dma_wait3A_79 = tpu.memref_slice %arg10[%add3A_57, %dma_wait3A_78] : memref<5248x128xf32, #tpu.memory_space<vmem_shared>> -> memref<72x128xf32, #tpu.memory_space<vmem_shared>>
      tpu.wait_dma2 semaphore(%run_scoped3A_61 : memref<!tpu.dma_semaphore, #tpu.memory_space<semaphore_mem>>) src(%dma_wait3A_79 : memref<72x128xf32, #tpu.memory_space<vmem_shared>>) dst(%dma_wait3A_77 : memref<72x128xf32, #tpu.memory_space<vmem>>)
      tpu.yield
    }) : () -> ()
    %add3A_58 = arith.constant 256 : i32
    %add3A_59 = arith.addi %mul3A_5, %add3A_58 : i32
    %run_scoped3A_60 = arith.constant 1 : i32
    "tpu.region"() ({
      %run_scoped3A_61 = tpu.sem_alloc : memref<!tpu.dma_semaphore, #tpu.memory_space<semaphore_mem>>
      %dma_start3A = arith.constant 0 : i32
      %dma_start3A_62 = arith.constant 0 : i32
      %dma_start3A_63 = tpu.memref_slice %arg8[%dma_start3A, %dma_start3A_62] : memref<128x128xf32, #tpu.memory_space<vmem>> -> memref<72x128xf32, #tpu.memory_space<vmem>>
      %dma_start3A_64 = arith.constant 0 : i32
      %dma_start3A_65 = tpu.memref_slice %arg5[%arg0, %run_scoped3A_60, %add3A_59, %dma_start3A_64] : memref<2x2x5248x128xf32, #tpu.memory_space<hbm>> -> memref<1x1x72x128xf32, #tpu.memory_space<hbm>>
      %dma_start3A_66 = tpu.memref_squeeze %dma_start3A_65 : memref<1x1x72x128xf32, #tpu.memory_space<hbm>> -> memref<72x128xf32, #tpu.memory_space<hbm>>
      %dma_start3A_67 = arith.constant 0 : i32
      %dma_start3A_68 = tpu.memref_slice %arg5[%arg0, %run_scoped3A_60, %add3A_59, %dma_start3A_67] : memref<2x2x5248x128xf32, #tpu.memory_space<hbm>> -> memref<1x1x72x128xf32, #tpu.memory_space<hbm>>
      %dma_start3A_69 = tpu.memref_squeeze %dma_start3A_68 : memref<1x1x72x128xf32, #tpu.memory_space<hbm>> -> memref<72x128xf32, #tpu.memory_space<hbm>>
      %dma_start3A_70 = arith.constant 0 : i32
      %dma_start3A_71 = arith.constant 0 : i32
      %dma_start3A_72 = tpu.memref_slice %arg8[%dma_start3A_70, %dma_start3A_71] : memref<128x128xf32, #tpu.memory_space<vmem>> -> memref<72x128xf32, #tpu.memory_space<vmem>>
      tpu.enqueue_dma source(%dma_start3A_72 : memref<72x128xf32, #tpu.memory_space<vmem>>) target(%dma_start3A_69 : memref<72x128xf32, #tpu.memory_space<hbm>>) target_semaphore(%run_scoped3A_61 : memref<!tpu.dma_semaphore, #tpu.memory_space<semaphore_mem>>)
      %dma_wait3A = arith.constant 0 : i32
      %dma_wait3A_73 = arith.constant 0 : i32
      %dma_wait3A_74 = tpu.memref_slice %arg8[%dma_wait3A, %dma_wait3A_73] : memref<128x128xf32, #tpu.memory_space<vmem>> -> memref<72x128xf32, #tpu.memory_space<vmem>>
      %dma_wait3A_75 = arith.constant 0 : i32
      %dma_wait3A_76 = tpu.memref_slice %arg5[%arg0, %run_scoped3A_60, %add3A_59, %dma_wait3A_75] : memref<2x2x5248x128xf32, #tpu.memory_space<hbm>> -> memref<1x1x72x128xf32, #tpu.memory_space<hbm>>
      %dma_wait3A_77 = tpu.memref_squeeze %dma_wait3A_76 : memref<1x1x72x128xf32, #tpu.memory_space<hbm>> -> memref<72x128xf32, #tpu.memory_space<hbm>>
      %dma_wait3A_78 = arith.constant 0 : i32
      %dma_wait3A_79 = tpu.memref_slice %arg5[%arg0, %run_scoped3A_60, %add3A_59, %dma_wait3A_78] : memref<2x2x5248x128xf32, #tpu.memory_space<hbm>> -> memref<1x1x72x128xf32, #tpu.memory_space<hbm>>
      %dma_wait3A_80 = tpu.memref_squeeze %dma_wait3A_79 : memref<1x1x72x128xf32, #tpu.memory_space<hbm>> -> memref<72x128xf32, #tpu.memory_space<hbm>>
      %dma_wait3A_81 = arith.constant 0 : i32
      %dma_wait3A_82 = arith.constant 0 : i32
      %dma_wait3A_83 = tpu.memref_slice %arg8[%dma_wait3A_81, %dma_wait3A_82] : memref<128x128xf32, #tpu.memory_space<vmem>> -> memref<72x128xf32, #tpu.memory_space<vmem>>
      tpu.wait_dma2 semaphore(%run_scoped3A_61 : memref<!tpu.dma_semaphore, #tpu.memory_space<semaphore_mem>>) src(%dma_wait3A_83 : memref<72x128xf32, #tpu.memory_space<vmem>>) dst(%dma_wait3A_80 : memref<72x128xf32, #tpu.memory_space<hbm>>)
      tpu.yield
    }) : () -> ()
    return
  }
}

#map = affine_map<(d0, d1) -> (0, 0, 0, 0)>
#map1 = affine_map<(d0, d1) -> (0)>
module attributes {stable_mosaic.version = 14 : i64} {
  func.func @_sc_degrees(%arg0: i32, %arg1: i32, %arg2: memref<2x16x157x128xi32, #tpu.memory_space<hbm>>, %arg3: memref<20224xf32, #tpu.memory_space<hbm>>, %arg4: memref<157x128xi32, #tpu.memory_space<vmem>>, %arg5: memref<128xf32, #tpu.memory_space<vmem>>, %arg6: memref<128xf32, #tpu.memory_space<vmem>>, %arg7: memref<632xf32, #tpu.memory_space<vmem>>, %arg8: memref<10112xf32, #tpu.memory_space<vmem_shared>>) attributes {dimension_semantics = [#tpu.dimension_semantics<core_parallel>, #tpu.dimension_semantics<subcore_parallel>], iteration_bounds = array<i64: 2, 16>, scalar_prefetch = 0 : i64, scratch_operands = 5 : i64, tpu.core_type = #tpu.core_type<sc_vector_subcore>, window_params = [{transform_indices = #map}, {transform_indices = #map1}]} {
    %broadcast_in_dim3A = arith.constant 1.000000e+00 : f32
    %broadcast_in_dim3A_0 = vector.broadcast %broadcast_in_dim3A : f32 to vector<16xf32>
    %swap3A = arith.constant 0 : index
    %swap3A_1 = tpu.vector_load %arg5[%swap3A] {strides = array<i32>} : memref<128xf32, #tpu.memory_space<vmem>>, vector<16xf32>,
    %swap3A_2 = vector.shape_cast %swap3A_1 : vector<16xf32> to vector<16xf32>
    %swap3A_3 = vector.shape_cast %broadcast_in_dim3A_0 : vector<16xf32> to vector<16xf32>
    tpu.vector_store %arg5[%swap3A], %swap3A_3 {strides = array<i32>} : memref<128xf32, #tpu.memory_space<vmem>>, vector<16xf32>,
    %broadcast_in_dim3A_4 = arith.constant 0.000000e+00 : f32
    %broadcast_in_dim3A_5 = vector.broadcast %broadcast_in_dim3A_4 : f32 to vector<16xf32>
    %swap3A_6 = arith.constant 0 : index
    %swap3A_7 = tpu.vector_load %arg6[%swap3A_6] {strides = array<i32>} : memref<128xf32, #tpu.memory_space<vmem>>, vector<16xf32>,
    %swap3A_8 = vector.shape_cast %swap3A_7 : vector<16xf32> to vector<16xf32>
    %swap3A_9 = vector.shape_cast %broadcast_in_dim3A_5 : vector<16xf32> to vector<16xf32>
    tpu.vector_store %arg6[%swap3A_6], %swap3A_9 {strides = array<i32>} : memref<128xf32, #tpu.memory_space<vmem>>, vector<16xf32>,
    %broadcast_in_dim3A_10 = arith.constant 1.000000e+00 : f32
    %broadcast_in_dim3A_11 = vector.broadcast %broadcast_in_dim3A_10 : f32 to vector<16xf32>
    %swap3A_12 = arith.constant 16 : index
    %swap3A_13 = tpu.vector_load %arg5[%swap3A_12] {strides = array<i32>} : memref<128xf32, #tpu.memory_space<vmem>>, vector<16xf32>,
    %swap3A_14 = vector.shape_cast %swap3A_13 : vector<16xf32> to vector<16xf32>
    %swap3A_15 = vector.shape_cast %broadcast_in_dim3A_11 : vector<16xf32> to vector<16xf32>
    tpu.vector_store %arg5[%swap3A_12], %swap3A_15 {strides = array<i32>} : memref<128xf32, #tpu.memory_space<vmem>>, vector<16xf32>,
    %broadcast_in_dim3A_16 = arith.constant 0.000000e+00 : f32
    %broadcast_in_dim3A_17 = vector.broadcast %broadcast_in_dim3A_16 : f32 to vector<16xf32>
    %swap3A_18 = arith.constant 16 : index
    %swap3A_19 = tpu.vector_load %arg6[%swap3A_18] {strides = array<i32>} : memref<128xf32, #tpu.memory_space<vmem>>, vector<16xf32>,
    %swap3A_20 = vector.shape_cast %swap3A_19 : vector<16xf32> to vector<16xf32>
    %swap3A_21 = vector.shape_cast %broadcast_in_dim3A_17 : vector<16xf32> to vector<16xf32>
    tpu.vector_store %arg6[%swap3A_18], %swap3A_21 {strides = array<i32>} : memref<128xf32, #tpu.memory_space<vmem>>, vector<16xf32>,
    %broadcast_in_dim3A_22 = arith.constant 1.000000e+00 : f32
    %broadcast_in_dim3A_23 = vector.broadcast %broadcast_in_dim3A_22 : f32 to vector<16xf32>
    %swap3A_24 = arith.constant 32 : index
    %swap3A_25 = tpu.vector_load %arg5[%swap3A_24] {strides = array<i32>} : memref<128xf32, #tpu.memory_space<vmem>>, vector<16xf32>,
    %swap3A_26 = vector.shape_cast %swap3A_25 : vector<16xf32> to vector<16xf32>
    %swap3A_27 = vector.shape_cast %broadcast_in_dim3A_23 : vector<16xf32> to vector<16xf32>
    tpu.vector_store %arg5[%swap3A_24], %swap3A_27 {strides = array<i32>} : memref<128xf32, #tpu.memory_space<vmem>>, vector<16xf32>,
    %broadcast_in_dim3A_28 = arith.constant 0.000000e+00 : f32
    %broadcast_in_dim3A_29 = vector.broadcast %broadcast_in_dim3A_28 : f32 to vector<16xf32>
    %swap3A_30 = arith.constant 32 : index
    %swap3A_31 = tpu.vector_load %arg6[%swap3A_30] {strides = array<i32>} : memref<128xf32, #tpu.memory_space<vmem>>, vector<16xf32>,
    %swap3A_32 = vector.shape_cast %swap3A_31 : vector<16xf32> to vector<16xf32>
    %swap3A_33 = vector.shape_cast %broadcast_in_dim3A_29 : vector<16xf32> to vector<16xf32>
    tpu.vector_store %arg6[%swap3A_30], %swap3A_33 {strides = array<i32>} : memref<128xf32, #tpu.memory_space<vmem>>, vector<16xf32>,
    %broadcast_in_dim3A_34 = arith.constant 1.000000e+00 : f32
    %broadcast_in_dim3A_35 = vector.broadcast %broadcast_in_dim3A_34 : f32 to vector<16xf32>
    %swap3A_36 = arith.constant 48 : index
    %swap3A_37 = tpu.vector_load %arg5[%swap3A_36] {strides = array<i32>} : memref<128xf32, #tpu.memory_space<vmem>>, vector<16xf32>,
    %swap3A_38 = vector.shape_cast %swap3A_37 : vector<16xf32> to vector<16xf32>
    %swap3A_39 = vector.shape_cast %broadcast_in_dim3A_35 : vector<16xf32> to vector<16xf32>
    tpu.vector_store %arg5[%swap3A_36], %swap3A_39 {strides = array<i32>} : memref<128xf32, #tpu.memory_space<vmem>>, vector<16xf32>,
    %broadcast_in_dim3A_40 = arith.constant 0.000000e+00 : f32
    %broadcast_in_dim3A_41 = vector.broadcast %broadcast_in_dim3A_40 : f32 to vector<16xf32>
    %swap3A_42 = arith.constant 48 : index
    %swap3A_43 = tpu.vector_load %arg6[%swap3A_42] {strides = array<i32>} : memref<128xf32, #tpu.memory_space<vmem>>, vector<16xf32>,
    %swap3A_44 = vector.shape_cast %swap3A_43 : vector<16xf32> to vector<16xf32>
    %swap3A_45 = vector.shape_cast %broadcast_in_dim3A_41 : vector<16xf32> to vector<16xf32>
    tpu.vector_store %arg6[%swap3A_42], %swap3A_45 {strides = array<i32>} : memref<128xf32, #tpu.memory_space<vmem>>, vector<16xf32>,
    %broadcast_in_dim3A_46 = arith.constant 1.000000e+00 : f32
    %broadcast_in_dim3A_47 = vector.broadcast %broadcast_in_dim3A_46 : f32 to vector<16xf32>
    %swap3A_48 = arith.constant 64 : index
    %swap3A_49 = tpu.vector_load %arg5[%swap3A_48] {strides = array<i32>} : memref<128xf32, #tpu.memory_space<vmem>>, vector<16xf32>,
    %swap3A_50 = vector.shape_cast %swap3A_49 : vector<16xf32> to vector<16xf32>
    %swap3A_51 = vector.shape_cast %broadcast_in_dim3A_47 : vector<16xf32> to vector<16xf32>
    tpu.vector_store %arg5[%swap3A_48], %swap3A_51 {strides = array<i32>} : memref<128xf32, #tpu.memory_space<vmem>>, vector<16xf32>,
    %broadcast_in_dim3A_52 = arith.constant 0.000000e+00 : f32
    %broadcast_in_dim3A_53 = vector.broadcast %broadcast_in_dim3A_52 : f32 to vector<16xf32>
    %swap3A_54 = arith.constant 64 : index
    %swap3A_55 = tpu.vector_load %arg6[%swap3A_54] {strides = array<i32>} : memref<128xf32, #tpu.memory_space<vmem>>, vector<16xf32>,
    %swap3A_56 = vector.shape_cast %swap3A_55 : vector<16xf32> to vector<16xf32>
    %swap3A_57 = vector.shape_cast %broadcast_in_dim3A_53 : vector<16xf32> to vector<16xf32>
    tpu.vector_store %arg6[%swap3A_54], %swap3A_57 {strides = array<i32>} : memref<128xf32, #tpu.memory_space<vmem>>, vector<16xf32>,
    %broadcast_in_dim3A_58 = arith.constant 1.000000e+00 : f32
    %broadcast_in_dim3A_59 = vector.broadcast %broadcast_in_dim3A_58 : f32 to vector<16xf32>
    %swap3A_60 = arith.constant 80 : index
    %swap3A_61 = tpu.vector_load %arg5[%swap3A_60] {strides = array<i32>} : memref<128xf32, #tpu.memory_space<vmem>>, vector<16xf32>,
    %swap3A_62 = vector.shape_cast %swap3A_61 : vector<16xf32> to vector<16xf32>
    %swap3A_63 = vector.shape_cast %broadcast_in_dim3A_59 : vector<16xf32> to vector<16xf32>
    tpu.vector_store %arg5[%swap3A_60], %swap3A_63 {strides = array<i32>} : memref<128xf32, #tpu.memory_space<vmem>>, vector<16xf32>,
    %broadcast_in_dim3A_64 = arith.constant 0.000000e+00 : f32
    %broadcast_in_dim3A_65 = vector.broadcast %broadcast_in_dim3A_64 : f32 to vector<16xf32>
    %swap3A_66 = arith.constant 80 : index
    %swap3A_67 = tpu.vector_load %arg6[%swap3A_66] {strides = array<i32>} : memref<128xf32, #tpu.memory_space<vmem>>, vector<16xf32>,
    %swap3A_68 = vector.shape_cast %swap3A_67 : vector<16xf32> to vector<16xf32>
    %swap3A_69 = vector.shape_cast %broadcast_in_dim3A_65 : vector<16xf32> to vector<16xf32>
    tpu.vector_store %arg6[%swap3A_66], %swap3A_69 {strides = array<i32>} : memref<128xf32, #tpu.memory_space<vmem>>, vector<16xf32>,
    %broadcast_in_dim3A_70 = arith.constant 1.000000e+00 : f32
    %broadcast_in_dim3A_71 = vector.broadcast %broadcast_in_dim3A_70 : f32 to vector<16xf32>
    %swap3A_72 = arith.constant 96 : index
    %swap3A_73 = tpu.vector_load %arg5[%swap3A_72] {strides = array<i32>} : memref<128xf32, #tpu.memory_space<vmem>>, vector<16xf32>,
    %swap3A_74 = vector.shape_cast %swap3A_73 : vector<16xf32> to vector<16xf32>
    %swap3A_75 = vector.shape_cast %broadcast_in_dim3A_71 : vector<16xf32> to vector<16xf32>
    tpu.vector_store %arg5[%swap3A_72], %swap3A_75 {strides = array<i32>} : memref<128xf32, #tpu.memory_space<vmem>>, vector<16xf32>,
    %broadcast_in_dim3A_76 = arith.constant 0.000000e+00 : f32
    %broadcast_in_dim3A_77 = vector.broadcast %broadcast_in_dim3A_76 : f32 to vector<16xf32>
    %swap3A_78 = arith.constant 96 : index
    %swap3A_79 = tpu.vector_load %arg6[%swap3A_78] {strides = array<i32>} : memref<128xf32, #tpu.memory_space<vmem>>, vector<16xf32>,
    %swap3A_80 = vector.shape_cast %swap3A_79 : vector<16xf32> to vector<16xf32>
    %swap3A_81 = vector.shape_cast %broadcast_in_dim3A_77 : vector<16xf32> to vector<16xf32>
    tpu.vector_store %arg6[%swap3A_78], %swap3A_81 {strides = array<i32>} : memref<128xf32, #tpu.memory_space<vmem>>, vector<16xf32>,
    %broadcast_in_dim3A_82 = arith.constant 1.000000e+00 : f32
    %broadcast_in_dim3A_83 = vector.broadcast %broadcast_in_dim3A_82 : f32 to vector<16xf32>
    %swap3A_84 = arith.constant 112 : index
    %swap3A_85 = tpu.vector_load %arg5[%swap3A_84] {strides = array<i32>} : memref<128xf32, #tpu.memory_space<vmem>>, vector<16xf32>,
    %swap3A_86 = vector.shape_cast %swap3A_85 : vector<16xf32> to vector<16xf32>
    %swap3A_87 = vector.shape_cast %broadcast_in_dim3A_83 : vector<16xf32> to vector<16xf32>
    tpu.vector_store %arg5[%swap3A_84], %swap3A_87 {strides = array<i32>} : memref<128xf32, #tpu.memory_space<vmem>>, vector<16xf32>,
    %broadcast_in_dim3A_88 = arith.constant 0.000000e+00 : f32
    %broadcast_in_dim3A_89 = vector.broadcast %broadcast_in_dim3A_88 : f32 to vector<16xf32>
    %swap3A_90 = arith.constant 112 : index
    %swap3A_91 = tpu.vector_load %arg6[%swap3A_90] {strides = array<i32>} : memref<128xf32, #tpu.memory_space<vmem>>, vector<16xf32>,
    %swap3A_92 = vector.shape_cast %swap3A_91 : vector<16xf32> to vector<16xf32>
    %swap3A_93 = vector.shape_cast %broadcast_in_dim3A_89 : vector<16xf32> to vector<16xf32>
    tpu.vector_store %arg6[%swap3A_90], %swap3A_93 {strides = array<i32>} : memref<128xf32, #tpu.memory_space<vmem>>, vector<16xf32>,
    %mul3A = arith.constant 632 : i32
    %mul3A_94 = arith.muli %arg1, %mul3A : i32
    %add3A = arith.constant 0 : i32
    %add3A_95 = arith.addi %mul3A_94, %add3A : i32
    "tpu.region"() ({
      %run_scoped3A = tpu.sem_alloc : memref<!tpu.dma_semaphore, #tpu.memory_space<semaphore_mem>>
      %dma_start3A = tpu.memref_slice %arg8[%add3A_95] : memref<10112xf32, #tpu.memory_space<vmem_shared>> -> memref<128xf32, #tpu.memory_space<vmem_shared>>
      %dma_start3A_112 = tpu.memref_slice %arg8[%add3A_95] : memref<10112xf32, #tpu.memory_space<vmem_shared>> -> memref<128xf32, #tpu.memory_space<vmem_shared>>
      tpu.enqueue_dma source(%arg6 : memref<128xf32, #tpu.memory_space<vmem>>) target(%dma_start3A_112 : memref<128xf32, #tpu.memory_space<vmem_shared>>) target_semaphore(%run_scoped3A : memref<!tpu.dma_semaphore, #tpu.memory_space<semaphore_mem>>)
      %dma_wait3A = tpu.memref_slice %arg8[%add3A_95] : memref<10112xf32, #tpu.memory_space<vmem_shared>> -> memref<128xf32, #tpu.memory_space<vmem_shared>>
      %dma_wait3A_113 = tpu.memref_slice %arg8[%add3A_95] : memref<10112xf32, #tpu.memory_space<vmem_shared>> -> memref<128xf32, #tpu.memory_space<vmem_shared>>
      tpu.wait_dma2 semaphore(%run_scoped3A : memref<!tpu.dma_semaphore, #tpu.memory_space<semaphore_mem>>) src(%arg6 : memref<128xf32, #tpu.memory_space<vmem>>) dst(%dma_wait3A_113 : memref<128xf32, #tpu.memory_space<vmem_shared>>)
      tpu.yield
    }) : () -> ()
    %add3A_96 = arith.constant 128 : i32
    %add3A_97 = arith.addi %mul3A_94, %add3A_96 : i32
    "tpu.region"() ({
      %run_scoped3A = tpu.sem_alloc : memref<!tpu.dma_semaphore, #tpu.memory_space<semaphore_mem>>
      %dma_start3A = tpu.memref_slice %arg8[%add3A_97] : memref<10112xf32, #tpu.memory_space<vmem_shared>> -> memref<128xf32, #tpu.memory_space<vmem_shared>>
      %dma_start3A_112 = tpu.memref_slice %arg8[%add3A_97] : memref<10112xf32, #tpu.memory_space<vmem_shared>> -> memref<128xf32, #tpu.memory_space<vmem_shared>>
      tpu.enqueue_dma source(%arg6 : memref<128xf32, #tpu.memory_space<vmem>>) target(%dma_start3A_112 : memref<128xf32, #tpu.memory_space<vmem_shared>>) target_semaphore(%run_scoped3A : memref<!tpu.dma_semaphore, #tpu.memory_space<semaphore_mem>>)
      %dma_wait3A = tpu.memref_slice %arg8[%add3A_97] : memref<10112xf32, #tpu.memory_space<vmem_shared>> -> memref<128xf32, #tpu.memory_space<vmem_shared>>
      %dma_wait3A_113 = tpu.memref_slice %arg8[%add3A_97] : memref<10112xf32, #tpu.memory_space<vmem_shared>> -> memref<128xf32, #tpu.memory_space<vmem_shared>>
      tpu.wait_dma2 semaphore(%run_scoped3A : memref<!tpu.dma_semaphore, #tpu.memory_space<semaphore_mem>>) src(%arg6 : memref<128xf32, #tpu.memory_space<vmem>>) dst(%dma_wait3A_113 : memref<128xf32, #tpu.memory_space<vmem_shared>>)
      tpu.yield
    }) : () -> ()
    %add3A_98 = arith.constant 256 : i32
    %add3A_99 = arith.addi %mul3A_94, %add3A_98 : i32
    "tpu.region"() ({
      %run_scoped3A = tpu.sem_alloc : memref<!tpu.dma_semaphore, #tpu.memory_space<semaphore_mem>>
      %dma_start3A = tpu.memref_slice %arg8[%add3A_99] : memref<10112xf32, #tpu.memory_space<vmem_shared>> -> memref<128xf32, #tpu.memory_space<vmem_shared>>
      %dma_start3A_112 = tpu.memref_slice %arg8[%add3A_99] : memref<10112xf32, #tpu.memory_space<vmem_shared>> -> memref<128xf32, #tpu.memory_space<vmem_shared>>
      tpu.enqueue_dma source(%arg6 : memref<128xf32, #tpu.memory_space<vmem>>) target(%dma_start3A_112 : memref<128xf32, #tpu.memory_space<vmem_shared>>) target_semaphore(%run_scoped3A : memref<!tpu.dma_semaphore, #tpu.memory_space<semaphore_mem>>)
      %dma_wait3A = tpu.memref_slice %arg8[%add3A_99] : memref<10112xf32, #tpu.memory_space<vmem_shared>> -> memref<128xf32, #tpu.memory_space<vmem_shared>>
      %dma_wait3A_113 = tpu.memref_slice %arg8[%add3A_99] : memref<10112xf32, #tpu.memory_space<vmem_shared>> -> memref<128xf32, #tpu.memory_space<vmem_shared>>
      tpu.wait_dma2 semaphore(%run_scoped3A : memref<!tpu.dma_semaphore, #tpu.memory_space<semaphore_mem>>) src(%arg6 : memref<128xf32, #tpu.memory_space<vmem>>) dst(%dma_wait3A_113 : memref<128xf32, #tpu.memory_space<vmem_shared>>)
      tpu.yield
    }) : () -> ()
    %add3A_100 = arith.constant 384 : i32
    %add3A_101 = arith.addi %mul3A_94, %add3A_100 : i32
    "tpu.region"() ({
      %run_scoped3A = tpu.sem_alloc : memref<!tpu.dma_semaphore, #tpu.memory_space<semaphore_mem>>
      %dma_start3A = tpu.memref_slice %arg8[%add3A_101] : memref<10112xf32, #tpu.memory_space<vmem_shared>> -> memref<128xf32, #tpu.memory_space<vmem_shared>>
      %dma_start3A_112 = tpu.memref_slice %arg8[%add3A_101] : memref<10112xf32, #tpu.memory_space<vmem_shared>> -> memref<128xf32, #tpu.memory_space<vmem_shared>>
      tpu.enqueue_dma source(%arg6 : memref<128xf32, #tpu.memory_space<vmem>>) target(%dma_start3A_112 : memref<128xf32, #tpu.memory_space<vmem_shared>>) target_semaphore(%run_scoped3A : memref<!tpu.dma_semaphore, #tpu.memory_space<semaphore_mem>>)
      %dma_wait3A = tpu.memref_slice %arg8[%add3A_101] : memref<10112xf32, #tpu.memory_space<vmem_shared>> -> memref<128xf32, #tpu.memory_space<vmem_shared>>
      %dma_wait3A_113 = tpu.memref_slice %arg8[%add3A_101] : memref<10112xf32, #tpu.memory_space<vmem_shared>> -> memref<128xf32, #tpu.memory_space<vmem_shared>>
      tpu.wait_dma2 semaphore(%run_scoped3A : memref<!tpu.dma_semaphore, #tpu.memory_space<semaphore_mem>>) src(%arg6 : memref<128xf32, #tpu.memory_space<vmem>>) dst(%dma_wait3A_113 : memref<128xf32, #tpu.memory_space<vmem_shared>>)
      tpu.yield
    }) : () -> ()
    %add3A_102 = arith.constant 512 : i32
    %add3A_103 = arith.addi %mul3A_94, %add3A_102 : i32
    "tpu.region"() ({
      %run_scoped3A = tpu.sem_alloc : memref<!tpu.dma_semaphore, #tpu.memory_space<semaphore_mem>>
      %dma_start3A = arith.constant 0 : i32
      %dma_start3A_112 = tpu.memref_slice %arg6[%dma_start3A] : memref<128xf32, #tpu.memory_space<vmem>> -> memref<120xf32, #tpu.memory_space<vmem>>
      %dma_start3A_113 = tpu.memref_slice %arg8[%add3A_103] : memref<10112xf32, #tpu.memory_space<vmem_shared>> -> memref<120xf32, #tpu.memory_space<vmem_shared>>
      %dma_start3A_114 = tpu.memref_slice %arg8[%add3A_103] : memref<10112xf32, #tpu.memory_space<vmem_shared>> -> memref<120xf32, #tpu.memory_space<vmem_shared>>
      %dma_start3A_115 = arith.constant 0 : i32
      %dma_start3A_116 = tpu.memref_slice %arg6[%dma_start3A_115] : memref<128xf32, #tpu.memory_space<vmem>> -> memref<120xf32, #tpu.memory_space<vmem>>
      tpu.enqueue_dma source(%dma_start3A_116 : memref<120xf32, #tpu.memory_space<vmem>>) target(%dma_start3A_114 : memref<120xf32, #tpu.memory_space<vmem_shared>>) target_semaphore(%run_scoped3A : memref<!tpu.dma_semaphore, #tpu.memory_space<semaphore_mem>>)
      %dma_wait3A = arith.constant 0 : i32
      %dma_wait3A_117 = tpu.memref_slice %arg6[%dma_wait3A] : memref<128xf32, #tpu.memory_space<vmem>> -> memref<120xf32, #tpu.memory_space<vmem>>
      %dma_wait3A_118 = tpu.memref_slice %arg8[%add3A_103] : memref<10112xf32, #tpu.memory_space<vmem_shared>> -> memref<120xf32, #tpu.memory_space<vmem_shared>>
      %dma_wait3A_119 = tpu.memref_slice %arg8[%add3A_103] : memref<10112xf32, #tpu.memory_space<vmem_shared>> -> memref<120xf32, #tpu.memory_space<vmem_shared>>
      %dma_wait3A_120 = arith.constant 0 : i32
      %dma_wait3A_121 = tpu.memref_slice %arg6[%dma_wait3A_120] : memref<128xf32, #tpu.memory_space<vmem>> -> memref<120xf32, #tpu.memory_space<vmem>>
      tpu.wait_dma2 semaphore(%run_scoped3A : memref<!tpu.dma_semaphore, #tpu.memory_space<semaphore_mem>>) src(%dma_wait3A_121 : memref<120xf32, #tpu.memory_space<vmem>>) dst(%dma_wait3A_119 : memref<120xf32, #tpu.memory_space<vmem_shared>>)
      tpu.yield
    }) : () -> ()
    %barrier3A = arith.constant 0 : index
    tpu.barrier barrier_id(%barrier3A)
    "tpu.region"() ({
      %run_scoped3A = tpu.sem_alloc : memref<!tpu.dma_semaphore, #tpu.memory_space<semaphore_mem>>
      %dma_start3A = arith.constant 0 : i32
      %dma_start3A_112 = arith.constant 0 : i32
      %dma_start3A_113 = tpu.memref_slice %arg2[%arg0, %arg1, %dma_start3A, %dma_start3A_112] : memref<2x16x157x128xi32, #tpu.memory_space<hbm>> -> memref<1x1x157x128xi32, #tpu.memory_space<hbm>>
      %dma_start3A_114 = tpu.memref_squeeze %dma_start3A_113 : memref<1x1x157x128xi32, #tpu.memory_space<hbm>> -> memref<157x128xi32, #tpu.memory_space<hbm>>
      %dma_start3A_115 = arith.constant 0 : i32
      %dma_start3A_116 = arith.constant 0 : i32
      %dma_start3A_117 = tpu.memref_slice %arg2[%arg0, %arg1, %dma_start3A_115, %dma_start3A_116] : memref<2x16x157x128xi32, #tpu.memory_space<hbm>> -> memref<1x1x157x128xi32, #tpu.memory_space<hbm>>
      %dma_start3A_118 = tpu.memref_squeeze %dma_start3A_117 : memref<1x1x157x128xi32, #tpu.memory_space<hbm>> -> memref<157x128xi32, #tpu.memory_space<hbm>>
      tpu.enqueue_dma source(%dma_start3A_118 : memref<157x128xi32, #tpu.memory_space<hbm>>) target(%arg4 : memref<157x128xi32, #tpu.memory_space<vmem>>) target_semaphore(%run_scoped3A : memref<!tpu.dma_semaphore, #tpu.memory_space<semaphore_mem>>)
      %dma_wait3A = arith.constant 0 : i32
      %dma_wait3A_119 = arith.constant 0 : i32
      %dma_wait3A_120 = tpu.memref_slice %arg2[%arg0, %arg1, %dma_wait3A, %dma_wait3A_119] : memref<2x16x157x128xi32, #tpu.memory_space<hbm>> -> memref<1x1x157x128xi32, #tpu.memory_space<hbm>>
      %dma_wait3A_121 = tpu.memref_squeeze %dma_wait3A_120 : memref<1x1x157x128xi32, #tpu.memory_space<hbm>> -> memref<157x128xi32, #tpu.memory_space<hbm>>
      %dma_wait3A_122 = arith.constant 0 : i32
      %dma_wait3A_123 = arith.constant 0 : i32
      %dma_wait3A_124 = tpu.memref_slice %arg2[%arg0, %arg1, %dma_wait3A_122, %dma_wait3A_123] : memref<2x16x157x128xi32, #tpu.memory_space<hbm>> -> memref<1x1x157x128xi32, #tpu.memory_space<hbm>>
      %dma_wait3A_125 = tpu.memref_squeeze %dma_wait3A_124 : memref<1x1x157x128xi32, #tpu.memory_space<hbm>> -> memref<157x128xi32, #tpu.memory_space<hbm>>
      tpu.wait_dma2 semaphore(%run_scoped3A : memref<!tpu.dma_semaphore, #tpu.memory_space<semaphore_mem>>) src(%dma_wait3A_125 : memref<157x128xi32, #tpu.memory_space<hbm>>) dst(%arg4 : memref<157x128xi32, #tpu.memory_space<vmem>>)
      tpu.yield
    }) : () -> ()
    %scan3A = arith.constant 0 : i32
    %scan3A_104 = arith.constant 157 : i32
    %scan3A_105 = arith.addi %scan3A, %scan3A_104 : i32
    %scan3A_106 = arith.constant 1 : i32
    scf.for %scan3A_112 = %scan3A to %scan3A_105 step %scan3A_106  : i32 {
      "tpu.region"() ({
        %run_scoped3A = tpu.sem_alloc : memref<!tpu.dma_semaphore, #tpu.memory_space<semaphore_mem>>
        %dma_start3A = arith.constant 0 : i32
        %dma_start3A_113 = tpu.memref_slice %arg4[%scan3A_112, %dma_start3A] : memref<157x128xi32, #tpu.memory_space<vmem>> -> memref<1x128xi32, #tpu.memory_space<vmem>>
        %dma_start3A_114 = tpu.memref_squeeze %dma_start3A_113 : memref<1x128xi32, #tpu.memory_space<vmem>> -> memref<128xi32, #tpu.memory_space<vmem>>
        %dma_start3A_115 = arith.constant 0 : i32
        %dma_start3A_116 = tpu.memref_slice %arg8[%dma_start3A_115] : memref<10112xf32, #tpu.memory_space<vmem_shared>> -> memref<10112xf32, #tpu.memory_space<vmem_shared>>
        tpu.enqueue_indirect_dma source(%arg5 : memref<128xf32, #tpu.memory_space<vmem>>) target(%dma_start3A_116 : memref<10112xf32, #tpu.memory_space<vmem_shared>>) offsets(%dma_start3A_114 : memref<128xi32, #tpu.memory_space<vmem>>) semaphore(%run_scoped3A : memref<!tpu.dma_semaphore, #tpu.memory_space<semaphore_mem>>) {add = true}
        %dma_wait3A = arith.constant 0 : i32
        %dma_wait3A_117 = tpu.memref_slice %arg4[%scan3A_112, %dma_wait3A] : memref<157x128xi32, #tpu.memory_space<vmem>> -> memref<1x128xi32, #tpu.memory_space<vmem>>
        %dma_wait3A_118 = tpu.memref_squeeze %dma_wait3A_117 : memref<1x128xi32, #tpu.memory_space<vmem>> -> memref<128xi32, #tpu.memory_space<vmem>>
        %dma_wait3A_119 = arith.constant 0 : i32
        %dma_wait3A_120 = tpu.memref_slice %arg8[%dma_wait3A_119] : memref<10112xf32, #tpu.memory_space<vmem_shared>> -> memref<10112xf32, #tpu.memory_space<vmem_shared>>
        tpu.wait_indirect_dma semaphore(%run_scoped3A : memref<!tpu.dma_semaphore, #tpu.memory_space<semaphore_mem>>) src(%arg5 : memref<128xf32, #tpu.memory_space<vmem>>) dst(%dma_wait3A_120 : memref<10112xf32, #tpu.memory_space<vmem_shared>>)
        tpu.yield
      }) : () -> ()
    }
    %scan3A_107 = arith.constant 157 : i32
    %barrier3A_108 = arith.constant 0 : index
    tpu.barrier barrier_id(%barrier3A_108)
    "tpu.region"() ({
      %run_scoped3A = tpu.sem_alloc : memref<!tpu.dma_semaphore, #tpu.memory_space<semaphore_mem>>
      %dma_start3A = tpu.memref_slice %arg8[%mul3A_94] : memref<10112xf32, #tpu.memory_space<vmem_shared>> -> memref<632xf32, #tpu.memory_space<vmem_shared>>
      %dma_start3A_112 = tpu.memref_slice %arg8[%mul3A_94] : memref<10112xf32, #tpu.memory_space<vmem_shared>> -> memref<632xf32, #tpu.memory_space<vmem_shared>>
      tpu.enqueue_dma source(%dma_start3A_112 : memref<632xf32, #tpu.memory_space<vmem_shared>>) target(%arg7 : memref<632xf32, #tpu.memory_space<vmem>>) target_semaphore(%run_scoped3A : memref<!tpu.dma_semaphore, #tpu.memory_space<semaphore_mem>>)
      %dma_wait3A = tpu.memref_slice %arg8[%mul3A_94] : memref<10112xf32, #tpu.memory_space<vmem_shared>> -> memref<632xf32, #tpu.memory_space<vmem_shared>>
      %dma_wait3A_113 = tpu.memref_slice %arg8[%mul3A_94] : memref<10112xf32, #tpu.memory_space<vmem_shared>> -> memref<632xf32, #tpu.memory_space<vmem_shared>>
      tpu.wait_dma2 semaphore(%run_scoped3A : memref<!tpu.dma_semaphore, #tpu.memory_space<semaphore_mem>>) src(%dma_wait3A_113 : memref<632xf32, #tpu.memory_space<vmem_shared>>) dst(%arg7 : memref<632xf32, #tpu.memory_space<vmem>>)
      tpu.yield
    }) : () -> ()
    %mul3A_109 = arith.constant 10112 : i32
    %mul3A_110 = arith.muli %arg0, %mul3A_109 : i32
    %add3A_111 = arith.addi %mul3A_110, %mul3A_94 : i32
    "tpu.region"() ({
      %run_scoped3A = tpu.sem_alloc : memref<!tpu.dma_semaphore, #tpu.memory_space<semaphore_mem>>
      %dma_start3A = tpu.memref_slice %arg3[%add3A_111] : memref<20224xf32, #tpu.memory_space<hbm>> -> memref<632xf32, #tpu.memory_space<hbm>>
      %dma_start3A_112 = tpu.memref_slice %arg3[%add3A_111] : memref<20224xf32, #tpu.memory_space<hbm>> -> memref<632xf32, #tpu.memory_space<hbm>>
      tpu.enqueue_dma source(%arg7 : memref<632xf32, #tpu.memory_space<vmem>>) target(%dma_start3A_112 : memref<632xf32, #tpu.memory_space<hbm>>) target_semaphore(%run_scoped3A : memref<!tpu.dma_semaphore, #tpu.memory_space<semaphore_mem>>)
      %dma_wait3A = tpu.memref_slice %arg3[%add3A_111] : memref<20224xf32, #tpu.memory_space<hbm>> -> memref<632xf32, #tpu.memory_space<hbm>>
      %dma_wait3A_113 = tpu.memref_slice %arg3[%add3A_111] : memref<20224xf32, #tpu.memory_space<hbm>> -> memref<632xf32, #tpu.memory_space<hbm>>
      tpu.wait_dma2 semaphore(%run_scoped3A : memref<!tpu.dma_semaphore, #tpu.memory_space<semaphore_mem>>) src(%arg7 : memref<632xf32, #tpu.memory_space<vmem>>) dst(%dma_wait3A_113 : memref<632xf32, #tpu.memory_space<hbm>>)
      tpu.yield
    }) : () -> ()
    return
  }
}

#map = affine_map<(d0, d1) -> (0, 0)>
#map1 = affine_map<(d0, d1) -> (0, 0, 0, 0)>
module attributes {stable_mosaic.version = 14 : i64} {
  func.func @_sc_aggregate(%arg0: i32, %arg1: i32, %arg2: memref<20000x128xf32, #tpu.memory_space<hbm>>, %arg3: memref<2x16x157x128xi32, #tpu.memory_space<hbm>>, %arg4: memref<2x16x157x128xi32, #tpu.memory_space<hbm>>, %arg5: memref<2x2x5248x128xf32, #tpu.memory_space<hbm>>, %arg6: memref<157x128xi32, #tpu.memory_space<vmem>>, %arg7: memref<157x128xi32, #tpu.memory_space<vmem>>, %arg8: memref<128x128xf32, #tpu.memory_space<vmem>>, %arg9: memref<128x128xf32, #tpu.memory_space<vmem>>, %arg10: memref<5248x128xf32, #tpu.memory_space<vmem_shared>>, %arg11: memref<!tpu.dma_semaphore, #tpu.memory_space<semaphore_mem>>) attributes {dimension_semantics = [#tpu.dimension_semantics<core_parallel>, #tpu.dimension_semantics<subcore_parallel>], iteration_bounds = array<i64: 2, 16>, scalar_prefetch = 0 : i64, scratch_operands = 6 : i64, tpu.core_type = #tpu.core_type<sc_vector_subcore>, window_params = [{transform_indices = #map}, {transform_indices = #map1}, {transform_indices = #map1}, {transform_indices = #map1}]} {
    %broadcast_in_dim3A = arith.constant 0.000000e+00 : f32
    %broadcast_in_dim3A_0 = vector.broadcast %broadcast_in_dim3A : f32 to vector<16xf32>
    %scan3A = arith.constant 0 : i32
    %scan3A_1 = arith.constant 128 : i32
    %scan3A_2 = arith.addi %scan3A, %scan3A_1 : i32
    %scan3A_3 = arith.constant 1 : i32
    scf.for %scan3A_61 = %scan3A to %scan3A_2 step %scan3A_3  : i32 {
      %swap3A = arith.index_cast %scan3A_61 : i32 to index
      %swap3A_62 = arith.constant 0 : index
      %swap3A_63 = tpu.vector_load %arg9[%swap3A, %swap3A_62] {strides = array<i32>} : memref<128x128xf32, #tpu.memory_space<vmem>>, vector<1x16xf32>,
      %swap3A_64 = vector.shape_cast %swap3A_63 : vector<1x16xf32> to vector<16xf32>
      %swap3A_65 = vector.shape_cast %broadcast_in_dim3A_0 : vector<16xf32> to vector<1x16xf32>
      tpu.vector_store %arg9[%swap3A, %swap3A_62], %swap3A_65 {strides = array<i32>} : memref<128x128xf32, #tpu.memory_space<vmem>>, vector<1x16xf32>,
      %swap3A_66 = arith.index_cast %scan3A_61 : i32 to index
      %swap3A_67 = arith.constant 16 : index
      %swap3A_68 = tpu.vector_load %arg9[%swap3A_66, %swap3A_67] {strides = array<i32>} : memref<128x128xf32, #tpu.memory_space<vmem>>, vector<1x16xf32>,
      %swap3A_69 = vector.shape_cast %swap3A_68 : vector<1x16xf32> to vector<16xf32>
      %swap3A_70 = vector.shape_cast %broadcast_in_dim3A_0 : vector<16xf32> to vector<1x16xf32>
      tpu.vector_store %arg9[%swap3A_66, %swap3A_67], %swap3A_70 {strides = array<i32>} : memref<128x128xf32, #tpu.memory_space<vmem>>, vector<1x16xf32>,
      %swap3A_71 = arith.index_cast %scan3A_61 : i32 to index
      %swap3A_72 = arith.constant 32 : index
      %swap3A_73 = tpu.vector_load %arg9[%swap3A_71, %swap3A_72] {strides = array<i32>} : memref<128x128xf32, #tpu.memory_space<vmem>>, vector<1x16xf32>,
      %swap3A_74 = vector.shape_cast %swap3A_73 : vector<1x16xf32> to vector<16xf32>
      %swap3A_75 = vector.shape_cast %broadcast_in_dim3A_0 : vector<16xf32> to vector<1x16xf32>
      tpu.vector_store %arg9[%swap3A_71, %swap3A_72], %swap3A_75 {strides = array<i32>} : memref<128x128xf32, #tpu.memory_space<vmem>>, vector<1x16xf32>,
      %swap3A_76 = arith.index_cast %scan3A_61 : i32 to index
      %swap3A_77 = arith.constant 48 : index
      %swap3A_78 = tpu.vector_load %arg9[%swap3A_76, %swap3A_77] {strides = array<i32>} : memref<128x128xf32, #tpu.memory_space<vmem>>, vector<1x16xf32>,
      %swap3A_79 = vector.shape_cast %swap3A_78 : vector<1x16xf32> to vector<16xf32>
      %swap3A_80 = vector.shape_cast %broadcast_in_dim3A_0 : vector<16xf32> to vector<1x16xf32>
      tpu.vector_store %arg9[%swap3A_76, %swap3A_77], %swap3A_80 {strides = array<i32>} : memref<128x128xf32, #tpu.memory_space<vmem>>, vector<1x16xf32>,
      %swap3A_81 = arith.index_cast %scan3A_61 : i32 to index
      %swap3A_82 = arith.constant 64 : index
      %swap3A_83 = tpu.vector_load %arg9[%swap3A_81, %swap3A_82] {strides = array<i32>} : memref<128x128xf32, #tpu.memory_space<vmem>>, vector<1x16xf32>,
      %swap3A_84 = vector.shape_cast %swap3A_83 : vector<1x16xf32> to vector<16xf32>
      %swap3A_85 = vector.shape_cast %broadcast_in_dim3A_0 : vector<16xf32> to vector<1x16xf32>
      tpu.vector_store %arg9[%swap3A_81, %swap3A_82], %swap3A_85 {strides = array<i32>} : memref<128x128xf32, #tpu.memory_space<vmem>>, vector<1x16xf32>,
      %swap3A_86 = arith.index_cast %scan3A_61 : i32 to index
      %swap3A_87 = arith.constant 80 : index
      %swap3A_88 = tpu.vector_load %arg9[%swap3A_86, %swap3A_87] {strides = array<i32>} : memref<128x128xf32, #tpu.memory_space<vmem>>, vector<1x16xf32>,
      %swap3A_89 = vector.shape_cast %swap3A_88 : vector<1x16xf32> to vector<16xf32>
      %swap3A_90 = vector.shape_cast %broadcast_in_dim3A_0 : vector<16xf32> to vector<1x16xf32>
      tpu.vector_store %arg9[%swap3A_86, %swap3A_87], %swap3A_90 {strides = array<i32>} : memref<128x128xf32, #tpu.memory_space<vmem>>, vector<1x16xf32>,
      %swap3A_91 = arith.index_cast %scan3A_61 : i32 to index
      %swap3A_92 = arith.constant 96 : index
      %swap3A_93 = tpu.vector_load %arg9[%swap3A_91, %swap3A_92] {strides = array<i32>} : memref<128x128xf32, #tpu.memory_space<vmem>>, vector<1x16xf32>,
      %swap3A_94 = vector.shape_cast %swap3A_93 : vector<1x16xf32> to vector<16xf32>
      %swap3A_95 = vector.shape_cast %broadcast_in_dim3A_0 : vector<16xf32> to vector<1x16xf32>
      tpu.vector_store %arg9[%swap3A_91, %swap3A_92], %swap3A_95 {strides = array<i32>} : memref<128x128xf32, #tpu.memory_space<vmem>>, vector<1x16xf32>,
      %swap3A_96 = arith.index_cast %scan3A_61 : i32 to index
      %swap3A_97 = arith.constant 112 : index
      %swap3A_98 = tpu.vector_load %arg9[%swap3A_96, %swap3A_97] {strides = array<i32>} : memref<128x128xf32, #tpu.memory_space<vmem>>, vector<1x16xf32>,
      %swap3A_99 = vector.shape_cast %swap3A_98 : vector<1x16xf32> to vector<16xf32>
      %swap3A_100 = vector.shape_cast %broadcast_in_dim3A_0 : vector<16xf32> to vector<1x16xf32>
      tpu.vector_store %arg9[%swap3A_96, %swap3A_97], %swap3A_100 {strides = array<i32>} : memref<128x128xf32, #tpu.memory_space<vmem>>, vector<1x16xf32>,
    }
    %scan3A_4 = arith.constant 128 : i32
    %mul3A = arith.constant 328 : i32
    %mul3A_5 = arith.muli %arg1, %mul3A : i32
    "tpu.region"() ({
      %run_scoped3A_61 = tpu.sem_alloc : memref<!tpu.dma_semaphore, #tpu.memory_space<semaphore_mem>>
      %dma_start3A = arith.constant 0 : i32
      %dma_start3A_62 = arith.constant 0 : i32
      %dma_start3A_63 = tpu.memref_slice %arg3[%arg0, %arg1, %dma_start3A, %dma_start3A_62] : memref<2x16x157x128xi32, #tpu.memory_space<hbm>> -> memref<1x1x157x128xi32, #tpu.memory_space<hbm>>
      %dma_start3A_64 = tpu.memref_squeeze %dma_start3A_63 : memref<1x1x157x128xi32, #tpu.memory_space<hbm>> -> memref<157x128xi32, #tpu.memory_space<hbm>>
      %dma_start3A_65 = arith.constant 0 : i32
      %dma_start3A_66 = arith.constant 0 : i32
      %dma_start3A_67 = tpu.memref_slice %arg3[%arg0, %arg1, %dma_start3A_65, %dma_start3A_66] : memref<2x16x157x128xi32, #tpu.memory_space<hbm>> -> memref<1x1x157x128xi32, #tpu.memory_space<hbm>>
      %dma_start3A_68 = tpu.memref_squeeze %dma_start3A_67 : memref<1x1x157x128xi32, #tpu.memory_space<hbm>> -> memref<157x128xi32, #tpu.memory_space<hbm>>
      tpu.enqueue_dma source(%dma_start3A_68 : memref<157x128xi32, #tpu.memory_space<hbm>>) target(%arg6 : memref<157x128xi32, #tpu.memory_space<vmem>>) target_semaphore(%run_scoped3A_61 : memref<!tpu.dma_semaphore, #tpu.memory_space<semaphore_mem>>)
      %dma_wait3A = arith.constant 0 : i32
      %dma_wait3A_69 = arith.constant 0 : i32
      %dma_wait3A_70 = tpu.memref_slice %arg3[%arg0, %arg1, %dma_wait3A, %dma_wait3A_69] : memref<2x16x157x128xi32, #tpu.memory_space<hbm>> -> memref<1x1x157x128xi32, #tpu.memory_space<hbm>>
      %dma_wait3A_71 = tpu.memref_squeeze %dma_wait3A_70 : memref<1x1x157x128xi32, #tpu.memory_space<hbm>> -> memref<157x128xi32, #tpu.memory_space<hbm>>
      %dma_wait3A_72 = arith.constant 0 : i32
      %dma_wait3A_73 = arith.constant 0 : i32
      %dma_wait3A_74 = tpu.memref_slice %arg3[%arg0, %arg1, %dma_wait3A_72, %dma_wait3A_73] : memref<2x16x157x128xi32, #tpu.memory_space<hbm>> -> memref<1x1x157x128xi32, #tpu.memory_space<hbm>>
      %dma_wait3A_75 = tpu.memref_squeeze %dma_wait3A_74 : memref<1x1x157x128xi32, #tpu.memory_space<hbm>> -> memref<157x128xi32, #tpu.memory_space<hbm>>
      tpu.wait_dma2 semaphore(%run_scoped3A_61 : memref<!tpu.dma_semaphore, #tpu.memory_space<semaphore_mem>>) src(%dma_wait3A_75 : memref<157x128xi32, #tpu.memory_space<hbm>>) dst(%arg6 : memref<157x128xi32, #tpu.memory_space<vmem>>)
      tpu.yield
    }) : () -> ()
    %add3A = arith.constant 0 : i32
    %add3A_6 = arith.addi %mul3A_5, %add3A : i32
    "tpu.region"() ({
      %run_scoped3A_61 = tpu.sem_alloc : memref<!tpu.dma_semaphore, #tpu.memory_space<semaphore_mem>>
      %dma_start3A = arith.constant 0 : i32
      %dma_start3A_62 = tpu.memref_slice %arg10[%add3A_6, %dma_start3A] : memref<5248x128xf32, #tpu.memory_space<vmem_shared>> -> memref<128x128xf32, #tpu.memory_space<vmem_shared>>
      %dma_start3A_63 = arith.constant 0 : i32
      %dma_start3A_64 = tpu.memref_slice %arg10[%add3A_6, %dma_start3A_63] : memref<5248x128xf32, #tpu.memory_space<vmem_shared>> -> memref<128x128xf32, #tpu.memory_space<vmem_shared>>
      tpu.enqueue_dma source(%arg9 : memref<128x128xf32, #tpu.memory_space<vmem>>) target(%dma_start3A_64 : memref<128x128xf32, #tpu.memory_space<vmem_shared>>) target_semaphore(%run_scoped3A_61 : memref<!tpu.dma_semaphore, #tpu.memory_space<semaphore_mem>>)
      %dma_wait3A = arith.constant 0 : i32
      %dma_wait3A_65 = tpu.memref_slice %arg10[%add3A_6, %dma_wait3A] : memref<5248x128xf32, #tpu.memory_space<vmem_shared>> -> memref<128x128xf32, #tpu.memory_space<vmem_shared>>
      %dma_wait3A_66 = arith.constant 0 : i32
      %dma_wait3A_67 = tpu.memref_slice %arg10[%add3A_6, %dma_wait3A_66] : memref<5248x128xf32, #tpu.memory_space<vmem_shared>> -> memref<128x128xf32, #tpu.memory_space<vmem_shared>>
      tpu.wait_dma2 semaphore(%run_scoped3A_61 : memref<!tpu.dma_semaphore, #tpu.memory_space<semaphore_mem>>) src(%arg9 : memref<128x128xf32, #tpu.memory_space<vmem>>) dst(%dma_wait3A_67 : memref<128x128xf32, #tpu.memory_space<vmem_shared>>)
      tpu.yield
    }) : () -> ()
    %add3A_7 = arith.constant 128 : i32
    %add3A_8 = arith.addi %mul3A_5, %add3A_7 : i32
    "tpu.region"() ({
      %run_scoped3A_61 = tpu.sem_alloc : memref<!tpu.dma_semaphore, #tpu.memory_space<semaphore_mem>>
      %dma_start3A = arith.constant 0 : i32
      %dma_start3A_62 = tpu.memref_slice %arg10[%add3A_8, %dma_start3A] : memref<5248x128xf32, #tpu.memory_space<vmem_shared>> -> memref<128x128xf32, #tpu.memory_space<vmem_shared>>
      %dma_start3A_63 = arith.constant 0 : i32
      %dma_start3A_64 = tpu.memref_slice %arg10[%add3A_8, %dma_start3A_63] : memref<5248x128xf32, #tpu.memory_space<vmem_shared>> -> memref<128x128xf32, #tpu.memory_space<vmem_shared>>
      tpu.enqueue_dma source(%arg9 : memref<128x128xf32, #tpu.memory_space<vmem>>) target(%dma_start3A_64 : memref<128x128xf32, #tpu.memory_space<vmem_shared>>) target_semaphore(%run_scoped3A_61 : memref<!tpu.dma_semaphore, #tpu.memory_space<semaphore_mem>>)
      %dma_wait3A = arith.constant 0 : i32
      %dma_wait3A_65 = tpu.memref_slice %arg10[%add3A_8, %dma_wait3A] : memref<5248x128xf32, #tpu.memory_space<vmem_shared>> -> memref<128x128xf32, #tpu.memory_space<vmem_shared>>
      %dma_wait3A_66 = arith.constant 0 : i32
      %dma_wait3A_67 = tpu.memref_slice %arg10[%add3A_8, %dma_wait3A_66] : memref<5248x128xf32, #tpu.memory_space<vmem_shared>> -> memref<128x128xf32, #tpu.memory_space<vmem_shared>>
      tpu.wait_dma2 semaphore(%run_scoped3A_61 : memref<!tpu.dma_semaphore, #tpu.memory_space<semaphore_mem>>) src(%arg9 : memref<128x128xf32, #tpu.memory_space<vmem>>) dst(%dma_wait3A_67 : memref<128x128xf32, #tpu.memory_space<vmem_shared>>)
      tpu.yield
    }) : () -> ()
    %add3A_9 = arith.constant 256 : i32
    %add3A_10 = arith.addi %mul3A_5, %add3A_9 : i32
    "tpu.region"() ({
      %run_scoped3A_61 = tpu.sem_alloc : memref<!tpu.dma_semaphore, #tpu.memory_space<semaphore_mem>>
      %dma_start3A = arith.constant 0 : i32
      %dma_start3A_62 = arith.constant 0 : i32
      %dma_start3A_63 = tpu.memref_slice %arg9[%dma_start3A, %dma_start3A_62] : memref<128x128xf32, #tpu.memory_space<vmem>> -> memref<72x128xf32, #tpu.memory_space<vmem>>
      %dma_start3A_64 = arith.constant 0 : i32
      %dma_start3A_65 = tpu.memref_slice %arg10[%add3A_10, %dma_start3A_64] : memref<5248x128xf32, #tpu.memory_space<vmem_shared>> -> memref<72x128xf32, #tpu.memory_space<vmem_shared>>
      %dma_start3A_66 = arith.constant 0 : i32
      %dma_start3A_67 = tpu.memref_slice %arg10[%add3A_10, %dma_start3A_66] : memref<5248x128xf32, #tpu.memory_space<vmem_shared>> -> memref<72x128xf32, #tpu.memory_space<vmem_shared>>
      %dma_start3A_68 = arith.constant 0 : i32
      %dma_start3A_69 = arith.constant 0 : i32
      %dma_start3A_70 = tpu.memref_slice %arg9[%dma_start3A_68, %dma_start3A_69] : memref<128x128xf32, #tpu.memory_space<vmem>> -> memref<72x128xf32, #tpu.memory_space<vmem>>
      tpu.enqueue_dma source(%dma_start3A_70 : memref<72x128xf32, #tpu.memory_space<vmem>>) target(%dma_start3A_67 : memref<72x128xf32, #tpu.memory_space<vmem_shared>>) target_semaphore(%run_scoped3A_61 : memref<!tpu.dma_semaphore, #tpu.memory_space<semaphore_mem>>)
      %dma_wait3A = arith.constant 0 : i32
      %dma_wait3A_71 = arith.constant 0 : i32
      %dma_wait3A_72 = tpu.memref_slice %arg9[%dma_wait3A, %dma_wait3A_71] : memref<128x128xf32, #tpu.memory_space<vmem>> -> memref<72x128xf32, #tpu.memory_space<vmem>>
      %dma_wait3A_73 = arith.constant 0 : i32
      %dma_wait3A_74 = tpu.memref_slice %arg10[%add3A_10, %dma_wait3A_73] : memref<5248x128xf32, #tpu.memory_space<vmem_shared>> -> memref<72x128xf32, #tpu.memory_space<vmem_shared>>
      %dma_wait3A_75 = arith.constant 0 : i32
      %dma_wait3A_76 = tpu.memref_slice %arg10[%add3A_10, %dma_wait3A_75] : memref<5248x128xf32, #tpu.memory_space<vmem_shared>> -> memref<72x128xf32, #tpu.memory_space<vmem_shared>>
      %dma_wait3A_77 = arith.constant 0 : i32
      %dma_wait3A_78 = arith.constant 0 : i32
      %dma_wait3A_79 = tpu.memref_slice %arg9[%dma_wait3A_77, %dma_wait3A_78] : memref<128x128xf32, #tpu.memory_space<vmem>> -> memref<72x128xf32, #tpu.memory_space<vmem>>
      tpu.wait_dma2 semaphore(%run_scoped3A_61 : memref<!tpu.dma_semaphore, #tpu.memory_space<semaphore_mem>>) src(%dma_wait3A_79 : memref<72x128xf32, #tpu.memory_space<vmem>>) dst(%dma_wait3A_76 : memref<72x128xf32, #tpu.memory_space<vmem_shared>>)
      tpu.yield
    }) : () -> ()
    %barrier3A = arith.constant 0 : index
    tpu.barrier barrier_id(%barrier3A)
    %run_scoped3A = arith.constant 0 : i32
    "tpu.region"() ({
      %run_scoped3A_61 = tpu.sem_alloc : memref<!tpu.dma_semaphore, #tpu.memory_space<semaphore_mem>>
      %dma_start3A = arith.constant 0 : i32
      %dma_start3A_62 = arith.constant 0 : i32
      %dma_start3A_63 = tpu.memref_slice %arg4[%run_scoped3A, %arg1, %dma_start3A, %dma_start3A_62] : memref<2x16x157x128xi32, #tpu.memory_space<hbm>> -> memref<1x1x157x128xi32, #tpu.memory_space<hbm>>
      %dma_start3A_64 = tpu.memref_squeeze %dma_start3A_63 : memref<1x1x157x128xi32, #tpu.memory_space<hbm>> -> memref<157x128xi32, #tpu.memory_space<hbm>>
      %dma_start3A_65 = arith.constant 0 : i32
      %dma_start3A_66 = arith.constant 0 : i32
      %dma_start3A_67 = tpu.memref_slice %arg4[%run_scoped3A, %arg1, %dma_start3A_65, %dma_start3A_66] : memref<2x16x157x128xi32, #tpu.memory_space<hbm>> -> memref<1x1x157x128xi32, #tpu.memory_space<hbm>>
      %dma_start3A_68 = tpu.memref_squeeze %dma_start3A_67 : memref<1x1x157x128xi32, #tpu.memory_space<hbm>> -> memref<157x128xi32, #tpu.memory_space<hbm>>
      tpu.enqueue_dma source(%dma_start3A_68 : memref<157x128xi32, #tpu.memory_space<hbm>>) target(%arg7 : memref<157x128xi32, #tpu.memory_space<vmem>>) target_semaphore(%run_scoped3A_61 : memref<!tpu.dma_semaphore, #tpu.memory_space<semaphore_mem>>)
      %dma_wait3A = arith.constant 0 : i32
      %dma_wait3A_69 = arith.constant 0 : i32
      %dma_wait3A_70 = tpu.memref_slice %arg4[%run_scoped3A, %arg1, %dma_wait3A, %dma_wait3A_69] : memref<2x16x157x128xi32, #tpu.memory_space<hbm>> -> memref<1x1x157x128xi32, #tpu.memory_space<hbm>>
      %dma_wait3A_71 = tpu.memref_squeeze %dma_wait3A_70 : memref<1x1x157x128xi32, #tpu.memory_space<hbm>> -> memref<157x128xi32, #tpu.memory_space<hbm>>
      %dma_wait3A_72 = arith.constant 0 : i32
      %dma_wait3A_73 = arith.constant 0 : i32
      %dma_wait3A_74 = tpu.memref_slice %arg4[%run_scoped3A, %arg1, %dma_wait3A_72, %dma_wait3A_73] : memref<2x16x157x128xi32, #tpu.memory_space<hbm>> -> memref<1x1x157x128xi32, #tpu.memory_space<hbm>>
      %dma_wait3A_75 = tpu.memref_squeeze %dma_wait3A_74 : memref<1x1x157x128xi32, #tpu.memory_space<hbm>> -> memref<157x128xi32, #tpu.memory_space<hbm>>
      tpu.wait_dma2 semaphore(%run_scoped3A_61 : memref<!tpu.dma_semaphore, #tpu.memory_space<semaphore_mem>>) src(%dma_wait3A_75 : memref<157x128xi32, #tpu.memory_space<hbm>>) dst(%arg7 : memref<157x128xi32, #tpu.memory_space<vmem>>)
      tpu.yield
    }) : () -> ()
    %scan3A_11 = arith.constant 0 : i32
    %scan3A_12 = arith.constant 157 : i32
    %scan3A_13 = arith.addi %scan3A_11, %scan3A_12 : i32
    %scan3A_14 = arith.constant 1 : i32
    scf.for %scan3A_61 = %scan3A_11 to %scan3A_13 step %scan3A_14  : i32 {
      %dma_start3A = arith.constant 0 : i32
      %dma_start3A_62 = tpu.memref_slice %arg6[%scan3A_61, %dma_start3A] : memref<157x128xi32, #tpu.memory_space<vmem>> -> memref<1x128xi32, #tpu.memory_space<vmem>>
      %dma_start3A_63 = tpu.memref_squeeze %dma_start3A_62 : memref<1x128xi32, #tpu.memory_space<vmem>> -> memref<128xi32, #tpu.memory_space<vmem>>
      %dma_start3A_64 = arith.constant 0 : i32
      %dma_start3A_65 = arith.constant 0 : i32
      %dma_start3A_66 = tpu.memref_slice %arg2[%dma_start3A_64, %dma_start3A_65] : memref<20000x128xf32, #tpu.memory_space<hbm>> -> memref<20000x128xf32, #tpu.memory_space<hbm>>
      tpu.enqueue_indirect_dma source(%dma_start3A_66 : memref<20000x128xf32, #tpu.memory_space<hbm>>) target(%arg8 : memref<128x128xf32, #tpu.memory_space<vmem>>) offsets(%dma_start3A_63 : memref<128xi32, #tpu.memory_space<vmem>>) semaphore(%arg11 : memref<!tpu.dma_semaphore, #tpu.memory_space<semaphore_mem>>)
      %dma_wait3A = arith.constant 0 : i32
      %dma_wait3A_67 = tpu.memref_slice %arg6[%scan3A_61, %dma_wait3A] : memref<157x128xi32, #tpu.memory_space<vmem>> -> memref<1x128xi32, #tpu.memory_space<vmem>>
      %dma_wait3A_68 = tpu.memref_squeeze %dma_wait3A_67 : memref<1x128xi32, #tpu.memory_space<vmem>> -> memref<128xi32, #tpu.memory_space<vmem>>
      %dma_wait3A_69 = arith.constant 0 : i32
      %dma_wait3A_70 = arith.constant 0 : i32
      %dma_wait3A_71 = tpu.memref_slice %arg2[%dma_wait3A_69, %dma_wait3A_70] : memref<20000x128xf32, #tpu.memory_space<hbm>> -> memref<20000x128xf32, #tpu.memory_space<hbm>>
      tpu.wait_indirect_dma semaphore(%arg11 : memref<!tpu.dma_semaphore, #tpu.memory_space<semaphore_mem>>) src(%dma_wait3A_71 : memref<20000x128xf32, #tpu.memory_space<hbm>>) dst(%arg8 : memref<128x128xf32, #tpu.memory_space<vmem>>)
      "tpu.region"() ({
        %run_scoped3A_72 = tpu.sem_alloc : memref<!tpu.dma_semaphore, #tpu.memory_space<semaphore_mem>>
        %dma_start3A_73 = arith.constant 0 : i32
        %dma_start3A_74 = tpu.memref_slice %arg7[%scan3A_61, %dma_start3A_73] : memref<157x128xi32, #tpu.memory_space<vmem>> -> memref<1x128xi32, #tpu.memory_space<vmem>>
        %dma_start3A_75 = tpu.memref_squeeze %dma_start3A_74 : memref<1x128xi32, #tpu.memory_space<vmem>> -> memref<128xi32, #tpu.memory_space<vmem>>
        %dma_start3A_76 = arith.constant 0 : i32
        %dma_start3A_77 = arith.constant 0 : i32
        %dma_start3A_78 = tpu.memref_slice %arg10[%dma_start3A_76, %dma_start3A_77] : memref<5248x128xf32, #tpu.memory_space<vmem_shared>> -> memref<5248x128xf32, #tpu.memory_space<vmem_shared>>
        tpu.enqueue_indirect_dma source(%arg8 : memref<128x128xf32, #tpu.memory_space<vmem>>) target(%dma_start3A_78 : memref<5248x128xf32, #tpu.memory_space<vmem_shared>>) offsets(%dma_start3A_75 : memref<128xi32, #tpu.memory_space<vmem>>) semaphore(%run_scoped3A_72 : memref<!tpu.dma_semaphore, #tpu.memory_space<semaphore_mem>>) {add = true}
        %dma_wait3A_79 = arith.constant 0 : i32
        %dma_wait3A_80 = tpu.memref_slice %arg7[%scan3A_61, %dma_wait3A_79] : memref<157x128xi32, #tpu.memory_space<vmem>> -> memref<1x128xi32, #tpu.memory_space<vmem>>
        %dma_wait3A_81 = tpu.memref_squeeze %dma_wait3A_80 : memref<1x128xi32, #tpu.memory_space<vmem>> -> memref<128xi32, #tpu.memory_space<vmem>>
        %dma_wait3A_82 = arith.constant 0 : i32
        %dma_wait3A_83 = arith.constant 0 : i32
        %dma_wait3A_84 = tpu.memref_slice %arg10[%dma_wait3A_82, %dma_wait3A_83] : memref<5248x128xf32, #tpu.memory_space<vmem_shared>> -> memref<5248x128xf32, #tpu.memory_space<vmem_shared>>
        tpu.wait_indirect_dma semaphore(%run_scoped3A_72 : memref<!tpu.dma_semaphore, #tpu.memory_space<semaphore_mem>>) src(%arg8 : memref<128x128xf32, #tpu.memory_space<vmem>>) dst(%dma_wait3A_84 : memref<5248x128xf32, #tpu.memory_space<vmem_shared>>)
        tpu.yield
      }) : () -> ()
    }
    %scan3A_15 = arith.constant 157 : i32
    %barrier3A_16 = arith.constant 0 : index
    tpu.barrier barrier_id(%barrier3A_16)
    %add3A_17 = arith.constant 0 : i32
    %add3A_18 = arith.addi %mul3A_5, %add3A_17 : i32
    "tpu.region"() ({
      %run_scoped3A_61 = tpu.sem_alloc : memref<!tpu.dma_semaphore, #tpu.memory_space<semaphore_mem>>
      %dma_start3A = arith.constant 0 : i32
      %dma_start3A_62 = tpu.memref_slice %arg10[%add3A_18, %dma_start3A] : memref<5248x128xf32, #tpu.memory_space<vmem_shared>> -> memref<128x128xf32, #tpu.memory_space<vmem_shared>>
      %dma_start3A_63 = arith.constant 0 : i32
      %dma_start3A_64 = tpu.memref_slice %arg10[%add3A_18, %dma_start3A_63] : memref<5248x128xf32, #tpu.memory_space<vmem_shared>> -> memref<128x128xf32, #tpu.memory_space<vmem_shared>>
      tpu.enqueue_dma source(%dma_start3A_64 : memref<128x128xf32, #tpu.memory_space<vmem_shared>>) target(%arg8 : memref<128x128xf32, #tpu.memory_space<vmem>>) target_semaphore(%run_scoped3A_61 : memref<!tpu.dma_semaphore, #tpu.memory_space<semaphore_mem>>)
      %dma_wait3A = arith.constant 0 : i32
      %dma_wait3A_65 = tpu.memref_slice %arg10[%add3A_18, %dma_wait3A] : memref<5248x128xf32, #tpu.memory_space<vmem_shared>> -> memref<128x128xf32, #tpu.memory_space<vmem_shared>>
      %dma_wait3A_66 = arith.constant 0 : i32
      %dma_wait3A_67 = tpu.memref_slice %arg10[%add3A_18, %dma_wait3A_66] : memref<5248x128xf32, #tpu.memory_space<vmem_shared>> -> memref<128x128xf32, #tpu.memory_space<vmem_shared>>
      tpu.wait_dma2 semaphore(%run_scoped3A_61 : memref<!tpu.dma_semaphore, #tpu.memory_space<semaphore_mem>>) src(%dma_wait3A_67 : memref<128x128xf32, #tpu.memory_space<vmem_shared>>) dst(%arg8 : memref<128x128xf32, #tpu.memory_space<vmem>>)
      tpu.yield
    }) : () -> ()
    %add3A_19 = arith.constant 0 : i32
    %add3A_20 = arith.addi %mul3A_5, %add3A_19 : i32
    %run_scoped3A_21 = arith.constant 0 : i32
    "tpu.region"() ({
      %run_scoped3A_61 = tpu.sem_alloc : memref<!tpu.dma_semaphore, #tpu.memory_space<semaphore_mem>>
      %dma_start3A = arith.constant 0 : i32
      %dma_start3A_62 = tpu.memref_slice %arg5[%arg0, %run_scoped3A_21, %add3A_20, %dma_start3A] : memref<2x2x5248x128xf32, #tpu.memory_space<hbm>> -> memref<1x1x128x128xf32, #tpu.memory_space<hbm>>
      %dma_start3A_63 = tpu.memref_squeeze %dma_start3A_62 : memref<1x1x128x128xf32, #tpu.memory_space<hbm>> -> memref<128x128xf32, #tpu.memory_space<hbm>>
      %dma_start3A_64 = arith.constant 0 : i32
      %dma_start3A_65 = tpu.memref_slice %arg5[%arg0, %run_scoped3A_21, %add3A_20, %dma_start3A_64] : memref<2x2x5248x128xf32, #tpu.memory_space<hbm>> -> memref<1x1x128x128xf32, #tpu.memory_space<hbm>>
      %dma_start3A_66 = tpu.memref_squeeze %dma_start3A_65 : memref<1x1x128x128xf32, #tpu.memory_space<hbm>> -> memref<128x128xf32, #tpu.memory_space<hbm>>
      tpu.enqueue_dma source(%arg8 : memref<128x128xf32, #tpu.memory_space<vmem>>) target(%dma_start3A_66 : memref<128x128xf32, #tpu.memory_space<hbm>>) target_semaphore(%run_scoped3A_61 : memref<!tpu.dma_semaphore, #tpu.memory_space<semaphore_mem>>)
      %dma_wait3A = arith.constant 0 : i32
      %dma_wait3A_67 = tpu.memref_slice %arg5[%arg0, %run_scoped3A_21, %add3A_20, %dma_wait3A] : memref<2x2x5248x128xf32, #tpu.memory_space<hbm>> -> memref<1x1x128x128xf32, #tpu.memory_space<hbm>>
      %dma_wait3A_68 = tpu.memref_squeeze %dma_wait3A_67 : memref<1x1x128x128xf32, #tpu.memory_space<hbm>> -> memref<128x128xf32, #tpu.memory_space<hbm>>
      %dma_wait3A_69 = arith.constant 0 : i32
      %dma_wait3A_70 = tpu.memref_slice %arg5[%arg0, %run_scoped3A_21, %add3A_20, %dma_wait3A_69] : memref<2x2x5248x128xf32, #tpu.memory_space<hbm>> -> memref<1x1x128x128xf32, #tpu.memory_space<hbm>>
      %dma_wait3A_71 = tpu.memref_squeeze %dma_wait3A_70 : memref<1x1x128x128xf32, #tpu.memory_space<hbm>> -> memref<128x128xf32, #tpu.memory_space<hbm>>
      tpu.wait_dma2 semaphore(%run_scoped3A_61 : memref<!tpu.dma_semaphore, #tpu.memory_space<semaphore_mem>>) src(%arg8 : memref<128x128xf32, #tpu.memory_space<vmem>>) dst(%dma_wait3A_71 : memref<128x128xf32, #tpu.memory_space<hbm>>)
      tpu.yield
    }) : () -> ()
    %add3A_22 = arith.constant 128 : i32
    %add3A_23 = arith.addi %mul3A_5, %add3A_22 : i32
    "tpu.region"() ({
      %run_scoped3A_61 = tpu.sem_alloc : memref<!tpu.dma_semaphore, #tpu.memory_space<semaphore_mem>>
      %dma_start3A = arith.constant 0 : i32
      %dma_start3A_62 = tpu.memref_slice %arg10[%add3A_23, %dma_start3A] : memref<5248x128xf32, #tpu.memory_space<vmem_shared>> -> memref<128x128xf32, #tpu.memory_space<vmem_shared>>
      %dma_start3A_63 = arith.constant 0 : i32
      %dma_start3A_64 = tpu.memref_slice %arg10[%add3A_23, %dma_start3A_63] : memref<5248x128xf32, #tpu.memory_space<vmem_shared>> -> memref<128x128xf32, #tpu.memory_space<vmem_shared>>
      tpu.enqueue_dma source(%dma_start3A_64 : memref<128x128xf32, #tpu.memory_space<vmem_shared>>) target(%arg8 : memref<128x128xf32, #tpu.memory_space<vmem>>) target_semaphore(%run_scoped3A_61 : memref<!tpu.dma_semaphore, #tpu.memory_space<semaphore_mem>>)
      %dma_wait3A = arith.constant 0 : i32
      %dma_wait3A_65 = tpu.memref_slice %arg10[%add3A_23, %dma_wait3A] : memref<5248x128xf32, #tpu.memory_space<vmem_shared>> -> memref<128x128xf32, #tpu.memory_space<vmem_shared>>
      %dma_wait3A_66 = arith.constant 0 : i32
      %dma_wait3A_67 = tpu.memref_slice %arg10[%add3A_23, %dma_wait3A_66] : memref<5248x128xf32, #tpu.memory_space<vmem_shared>> -> memref<128x128xf32, #tpu.memory_space<vmem_shared>>
      tpu.wait_dma2 semaphore(%run_scoped3A_61 : memref<!tpu.dma_semaphore, #tpu.memory_space<semaphore_mem>>) src(%dma_wait3A_67 : memref<128x128xf32, #tpu.memory_space<vmem_shared>>) dst(%arg8 : memref<128x128xf32, #tpu.memory_space<vmem>>)
      tpu.yield
    }) : () -> ()
    %add3A_24 = arith.constant 128 : i32
    %add3A_25 = arith.addi %mul3A_5, %add3A_24 : i32
    %run_scoped3A_26 = arith.constant 0 : i32
    "tpu.region"() ({
      %run_scoped3A_61 = tpu.sem_alloc : memref<!tpu.dma_semaphore, #tpu.memory_space<semaphore_mem>>
      %dma_start3A = arith.constant 0 : i32
      %dma_start3A_62 = tpu.memref_slice %arg5[%arg0, %run_scoped3A_26, %add3A_25, %dma_start3A] : memref<2x2x5248x128xf32, #tpu.memory_space<hbm>> -> memref<1x1x128x128xf32, #tpu.memory_space<hbm>>
      %dma_start3A_63 = tpu.memref_squeeze %dma_start3A_62 : memref<1x1x128x128xf32, #tpu.memory_space<hbm>> -> memref<128x128xf32, #tpu.memory_space<hbm>>
      %dma_start3A_64 = arith.constant 0 : i32
      %dma_start3A_65 = tpu.memref_slice %arg5[%arg0, %run_scoped3A_26, %add3A_25, %dma_start3A_64] : memref<2x2x5248x128xf32, #tpu.memory_space<hbm>> -> memref<1x1x128x128xf32, #tpu.memory_space<hbm>>
      %dma_start3A_66 = tpu.memref_squeeze %dma_start3A_65 : memref<1x1x128x128xf32, #tpu.memory_space<hbm>> -> memref<128x128xf32, #tpu.memory_space<hbm>>
      tpu.enqueue_dma source(%arg8 : memref<128x128xf32, #tpu.memory_space<vmem>>) target(%dma_start3A_66 : memref<128x128xf32, #tpu.memory_space<hbm>>) target_semaphore(%run_scoped3A_61 : memref<!tpu.dma_semaphore, #tpu.memory_space<semaphore_mem>>)
      %dma_wait3A = arith.constant 0 : i32
      %dma_wait3A_67 = tpu.memref_slice %arg5[%arg0, %run_scoped3A_26, %add3A_25, %dma_wait3A] : memref<2x2x5248x128xf32, #tpu.memory_space<hbm>> -> memref<1x1x128x128xf32, #tpu.memory_space<hbm>>
      %dma_wait3A_68 = tpu.memref_squeeze %dma_wait3A_67 : memref<1x1x128x128xf32, #tpu.memory_space<hbm>> -> memref<128x128xf32, #tpu.memory_space<hbm>>
      %dma_wait3A_69 = arith.constant 0 : i32
      %dma_wait3A_70 = tpu.memref_slice %arg5[%arg0, %run_scoped3A_26, %add3A_25, %dma_wait3A_69] : memref<2x2x5248x128xf32, #tpu.memory_space<hbm>> -> memref<1x1x128x128xf32, #tpu.memory_space<hbm>>
      %dma_wait3A_71 = tpu.memref_squeeze %dma_wait3A_70 : memref<1x1x128x128xf32, #tpu.memory_space<hbm>> -> memref<128x128xf32, #tpu.memory_space<hbm>>
      tpu.wait_dma2 semaphore(%run_scoped3A_61 : memref<!tpu.dma_semaphore, #tpu.memory_space<semaphore_mem>>) src(%arg8 : memref<128x128xf32, #tpu.memory_space<vmem>>) dst(%dma_wait3A_71 : memref<128x128xf32, #tpu.memory_space<hbm>>)
      tpu.yield
    }) : () -> ()
    %add3A_27 = arith.constant 256 : i32
    %add3A_28 = arith.addi %mul3A_5, %add3A_27 : i32
    "tpu.region"() ({
      %run_scoped3A_61 = tpu.sem_alloc : memref<!tpu.dma_semaphore, #tpu.memory_space<semaphore_mem>>
      %dma_start3A = arith.constant 0 : i32
      %dma_start3A_62 = arith.constant 0 : i32
      %dma_start3A_63 = tpu.memref_slice %arg8[%dma_start3A, %dma_start3A_62] : memref<128x128xf32, #tpu.memory_space<vmem>> -> memref<72x128xf32, #tpu.memory_space<vmem>>
      %dma_start3A_64 = arith.constant 0 : i32
      %dma_start3A_65 = tpu.memref_slice %arg10[%add3A_28, %dma_start3A_64] : memref<5248x128xf32, #tpu.memory_space<vmem_shared>> -> memref<72x128xf32, #tpu.memory_space<vmem_shared>>
      %dma_start3A_66 = arith.constant 0 : i32
      %dma_start3A_67 = arith.constant 0 : i32
      %dma_start3A_68 = tpu.memref_slice %arg8[%dma_start3A_66, %dma_start3A_67] : memref<128x128xf32, #tpu.memory_space<vmem>> -> memref<72x128xf32, #tpu.memory_space<vmem>>
      %dma_start3A_69 = arith.constant 0 : i32
      %dma_start3A_70 = tpu.memref_slice %arg10[%add3A_28, %dma_start3A_69] : memref<5248x128xf32, #tpu.memory_space<vmem_shared>> -> memref<72x128xf32, #tpu.memory_space<vmem_shared>>
      tpu.enqueue_dma source(%dma_start3A_70 : memref<72x128xf32, #tpu.memory_space<vmem_shared>>) target(%dma_start3A_68 : memref<72x128xf32, #tpu.memory_space<vmem>>) target_semaphore(%run_scoped3A_61 : memref<!tpu.dma_semaphore, #tpu.memory_space<semaphore_mem>>)
      %dma_wait3A = arith.constant 0 : i32
      %dma_wait3A_71 = arith.constant 0 : i32
      %dma_wait3A_72 = tpu.memref_slice %arg8[%dma_wait3A, %dma_wait3A_71] : memref<128x128xf32, #tpu.memory_space<vmem>> -> memref<72x128xf32, #tpu.memory_space<vmem>>
      %dma_wait3A_73 = arith.constant 0 : i32
      %dma_wait3A_74 = tpu.memref_slice %arg10[%add3A_28, %dma_wait3A_73] : memref<5248x128xf32, #tpu.memory_space<vmem_shared>> -> memref<72x128xf32, #tpu.memory_space<vmem_shared>>
      %dma_wait3A_75 = arith.constant 0 : i32
      %dma_wait3A_76 = arith.constant 0 : i32
      %dma_wait3A_77 = tpu.memref_slice %arg8[%dma_wait3A_75, %dma_wait3A_76] : memref<128x128xf32, #tpu.memory_space<vmem>> -> memref<72x128xf32, #tpu.memory_space<vmem>>
      %dma_wait3A_78 = arith.constant 0 : i32
      %dma_wait3A_79 = tpu.memref_slice %arg10[%add3A_28, %dma_wait3A_78] : memref<5248x128xf32, #tpu.memory_space<vmem_shared>> -> memref<72x128xf32, #tpu.memory_space<vmem_shared>>
      tpu.wait_dma2 semaphore(%run_scoped3A_61 : memref<!tpu.dma_semaphore, #tpu.memory_space<semaphore_mem>>) src(%dma_wait3A_79 : memref<72x128xf32, #tpu.memory_space<vmem_shared>>) dst(%dma_wait3A_77 : memref<72x128xf32, #tpu.memory_space<vmem>>)
      tpu.yield
    }) : () -> ()
    %add3A_29 = arith.constant 256 : i32
    %add3A_30 = arith.addi %mul3A_5, %add3A_29 : i32
    %run_scoped3A_31 = arith.constant 0 : i32
    "tpu.region"() ({
      %run_scoped3A_61 = tpu.sem_alloc : memref<!tpu.dma_semaphore, #tpu.memory_space<semaphore_mem>>
      %dma_start3A = arith.constant 0 : i32
      %dma_start3A_62 = arith.constant 0 : i32
      %dma_start3A_63 = tpu.memref_slice %arg8[%dma_start3A, %dma_start3A_62] : memref<128x128xf32, #tpu.memory_space<vmem>> -> memref<72x128xf32, #tpu.memory_space<vmem>>
      %dma_start3A_64 = arith.constant 0 : i32
      %dma_start3A_65 = tpu.memref_slice %arg5[%arg0, %run_scoped3A_31, %add3A_30, %dma_start3A_64] : memref<2x2x5248x128xf32, #tpu.memory_space<hbm>> -> memref<1x1x72x128xf32, #tpu.memory_space<hbm>>
      %dma_start3A_66 = tpu.memref_squeeze %dma_start3A_65 : memref<1x1x72x128xf32, #tpu.memory_space<hbm>> -> memref<72x128xf32, #tpu.memory_space<hbm>>
      %dma_start3A_67 = arith.constant 0 : i32
      %dma_start3A_68 = tpu.memref_slice %arg5[%arg0, %run_scoped3A_31, %add3A_30, %dma_start3A_67] : memref<2x2x5248x128xf32, #tpu.memory_space<hbm>> -> memref<1x1x72x128xf32, #tpu.memory_space<hbm>>
      %dma_start3A_69 = tpu.memref_squeeze %dma_start3A_68 : memref<1x1x72x128xf32, #tpu.memory_space<hbm>> -> memref<72x128xf32, #tpu.memory_space<hbm>>
      %dma_start3A_70 = arith.constant 0 : i32
      %dma_start3A_71 = arith.constant 0 : i32
      %dma_start3A_72 = tpu.memref_slice %arg8[%dma_start3A_70, %dma_start3A_71] : memref<128x128xf32, #tpu.memory_space<vmem>> -> memref<72x128xf32, #tpu.memory_space<vmem>>
      tpu.enqueue_dma source(%dma_start3A_72 : memref<72x128xf32, #tpu.memory_space<vmem>>) target(%dma_start3A_69 : memref<72x128xf32, #tpu.memory_space<hbm>>) target_semaphore(%run_scoped3A_61 : memref<!tpu.dma_semaphore, #tpu.memory_space<semaphore_mem>>)
      %dma_wait3A = arith.constant 0 : i32
      %dma_wait3A_73 = arith.constant 0 : i32
      %dma_wait3A_74 = tpu.memref_slice %arg8[%dma_wait3A, %dma_wait3A_73] : memref<128x128xf32, #tpu.memory_space<vmem>> -> memref<72x128xf32, #tpu.memory_space<vmem>>
      %dma_wait3A_75 = arith.constant 0 : i32
      %dma_wait3A_76 = tpu.memref_slice %arg5[%arg0, %run_scoped3A_31, %add3A_30, %dma_wait3A_75] : memref<2x2x5248x128xf32, #tpu.memory_space<hbm>> -> memref<1x1x72x128xf32, #tpu.memory_space<hbm>>
      %dma_wait3A_77 = tpu.memref_squeeze %dma_wait3A_76 : memref<1x1x72x128xf32, #tpu.memory_space<hbm>> -> memref<72x128xf32, #tpu.memory_space<hbm>>
      %dma_wait3A_78 = arith.constant 0 : i32
      %dma_wait3A_79 = tpu.memref_slice %arg5[%arg0, %run_scoped3A_31, %add3A_30, %dma_wait3A_78] : memref<2x2x5248x128xf32, #tpu.memory_space<hbm>> -> memref<1x1x72x128xf32, #tpu.memory_space<hbm>>
      %dma_wait3A_80 = tpu.memref_squeeze %dma_wait3A_79 : memref<1x1x72x128xf32, #tpu.memory_space<hbm>> -> memref<72x128xf32, #tpu.memory_space<hbm>>
      %dma_wait3A_81 = arith.constant 0 : i32
      %dma_wait3A_82 = arith.constant 0 : i32
      %dma_wait3A_83 = tpu.memref_slice %arg8[%dma_wait3A_81, %dma_wait3A_82] : memref<128x128xf32, #tpu.memory_space<vmem>> -> memref<72x128xf32, #tpu.memory_space<vmem>>
      tpu.wait_dma2 semaphore(%run_scoped3A_61 : memref<!tpu.dma_semaphore, #tpu.memory_space<semaphore_mem>>) src(%dma_wait3A_83 : memref<72x128xf32, #tpu.memory_space<vmem>>) dst(%dma_wait3A_80 : memref<72x128xf32, #tpu.memory_space<hbm>>)
      tpu.yield
    }) : () -> ()
    %add3A_32 = arith.constant 0 : i32
    %add3A_33 = arith.addi %mul3A_5, %add3A_32 : i32
    "tpu.region"() ({
      %run_scoped3A_61 = tpu.sem_alloc : memref<!tpu.dma_semaphore, #tpu.memory_space<semaphore_mem>>
      %dma_start3A = arith.constant 0 : i32
      %dma_start3A_62 = tpu.memref_slice %arg10[%add3A_33, %dma_start3A] : memref<5248x128xf32, #tpu.memory_space<vmem_shared>> -> memref<128x128xf32, #tpu.memory_space<vmem_shared>>
      %dma_start3A_63 = arith.constant 0 : i32
      %dma_start3A_64 = tpu.memref_slice %arg10[%add3A_33, %dma_start3A_63] : memref<5248x128xf32, #tpu.memory_space<vmem_shared>> -> memref<128x128xf32, #tpu.memory_space<vmem_shared>>
      tpu.enqueue_dma source(%arg9 : memref<128x128xf32, #tpu.memory_space<vmem>>) target(%dma_start3A_64 : memref<128x128xf32, #tpu.memory_space<vmem_shared>>) target_semaphore(%run_scoped3A_61 : memref<!tpu.dma_semaphore, #tpu.memory_space<semaphore_mem>>)
      %dma_wait3A = arith.constant 0 : i32
      %dma_wait3A_65 = tpu.memref_slice %arg10[%add3A_33, %dma_wait3A] : memref<5248x128xf32, #tpu.memory_space<vmem_shared>> -> memref<128x128xf32, #tpu.memory_space<vmem_shared>>
      %dma_wait3A_66 = arith.constant 0 : i32
      %dma_wait3A_67 = tpu.memref_slice %arg10[%add3A_33, %dma_wait3A_66] : memref<5248x128xf32, #tpu.memory_space<vmem_shared>> -> memref<128x128xf32, #tpu.memory_space<vmem_shared>>
      tpu.wait_dma2 semaphore(%run_scoped3A_61 : memref<!tpu.dma_semaphore, #tpu.memory_space<semaphore_mem>>) src(%arg9 : memref<128x128xf32, #tpu.memory_space<vmem>>) dst(%dma_wait3A_67 : memref<128x128xf32, #tpu.memory_space<vmem_shared>>)
      tpu.yield
    }) : () -> ()
    %add3A_34 = arith.constant 128 : i32
    %add3A_35 = arith.addi %mul3A_5, %add3A_34 : i32
    "tpu.region"() ({
      %run_scoped3A_61 = tpu.sem_alloc : memref<!tpu.dma_semaphore, #tpu.memory_space<semaphore_mem>>
      %dma_start3A = arith.constant 0 : i32
      %dma_start3A_62 = tpu.memref_slice %arg10[%add3A_35, %dma_start3A] : memref<5248x128xf32, #tpu.memory_space<vmem_shared>> -> memref<128x128xf32, #tpu.memory_space<vmem_shared>>
      %dma_start3A_63 = arith.constant 0 : i32
      %dma_start3A_64 = tpu.memref_slice %arg10[%add3A_35, %dma_start3A_63] : memref<5248x128xf32, #tpu.memory_space<vmem_shared>> -> memref<128x128xf32, #tpu.memory_space<vmem_shared>>
      tpu.enqueue_dma source(%arg9 : memref<128x128xf32, #tpu.memory_space<vmem>>) target(%dma_start3A_64 : memref<128x128xf32, #tpu.memory_space<vmem_shared>>) target_semaphore(%run_scoped3A_61 : memref<!tpu.dma_semaphore, #tpu.memory_space<semaphore_mem>>)
      %dma_wait3A = arith.constant 0 : i32
      %dma_wait3A_65 = tpu.memref_slice %arg10[%add3A_35, %dma_wait3A] : memref<5248x128xf32, #tpu.memory_space<vmem_shared>> -> memref<128x128xf32, #tpu.memory_space<vmem_shared>>
      %dma_wait3A_66 = arith.constant 0 : i32
      %dma_wait3A_67 = tpu.memref_slice %arg10[%add3A_35, %dma_wait3A_66] : memref<5248x128xf32, #tpu.memory_space<vmem_shared>> -> memref<128x128xf32, #tpu.memory_space<vmem_shared>>
      tpu.wait_dma2 semaphore(%run_scoped3A_61 : memref<!tpu.dma_semaphore, #tpu.memory_space<semaphore_mem>>) src(%arg9 : memref<128x128xf32, #tpu.memory_space<vmem>>) dst(%dma_wait3A_67 : memref<128x128xf32, #tpu.memory_space<vmem_shared>>)
      tpu.yield
    }) : () -> ()
    %add3A_36 = arith.constant 256 : i32
    %add3A_37 = arith.addi %mul3A_5, %add3A_36 : i32
    "tpu.region"() ({
      %run_scoped3A_61 = tpu.sem_alloc : memref<!tpu.dma_semaphore, #tpu.memory_space<semaphore_mem>>
      %dma_start3A = arith.constant 0 : i32
      %dma_start3A_62 = arith.constant 0 : i32
      %dma_start3A_63 = tpu.memref_slice %arg9[%dma_start3A, %dma_start3A_62] : memref<128x128xf32, #tpu.memory_space<vmem>> -> memref<72x128xf32, #tpu.memory_space<vmem>>
      %dma_start3A_64 = arith.constant 0 : i32
      %dma_start3A_65 = tpu.memref_slice %arg10[%add3A_37, %dma_start3A_64] : memref<5248x128xf32, #tpu.memory_space<vmem_shared>> -> memref<72x128xf32, #tpu.memory_space<vmem_shared>>
      %dma_start3A_66 = arith.constant 0 : i32
      %dma_start3A_67 = tpu.memref_slice %arg10[%add3A_37, %dma_start3A_66] : memref<5248x128xf32, #tpu.memory_space<vmem_shared>> -> memref<72x128xf32, #tpu.memory_space<vmem_shared>>
      %dma_start3A_68 = arith.constant 0 : i32
      %dma_start3A_69 = arith.constant 0 : i32
      %dma_start3A_70 = tpu.memref_slice %arg9[%dma_start3A_68, %dma_start3A_69] : memref<128x128xf32, #tpu.memory_space<vmem>> -> memref<72x128xf32, #tpu.memory_space<vmem>>
      tpu.enqueue_dma source(%dma_start3A_70 : memref<72x128xf32, #tpu.memory_space<vmem>>) target(%dma_start3A_67 : memref<72x128xf32, #tpu.memory_space<vmem_shared>>) target_semaphore(%run_scoped3A_61 : memref<!tpu.dma_semaphore, #tpu.memory_space<semaphore_mem>>)
      %dma_wait3A = arith.constant 0 : i32
      %dma_wait3A_71 = arith.constant 0 : i32
      %dma_wait3A_72 = tpu.memref_slice %arg9[%dma_wait3A, %dma_wait3A_71] : memref<128x128xf32, #tpu.memory_space<vmem>> -> memref<72x128xf32, #tpu.memory_space<vmem>>
      %dma_wait3A_73 = arith.constant 0 : i32
      %dma_wait3A_74 = tpu.memref_slice %arg10[%add3A_37, %dma_wait3A_73] : memref<5248x128xf32, #tpu.memory_space<vmem_shared>> -> memref<72x128xf32, #tpu.memory_space<vmem_shared>>
      %dma_wait3A_75 = arith.constant 0 : i32
      %dma_wait3A_76 = tpu.memref_slice %arg10[%add3A_37, %dma_wait3A_75] : memref<5248x128xf32, #tpu.memory_space<vmem_shared>> -> memref<72x128xf32, #tpu.memory_space<vmem_shared>>
      %dma_wait3A_77 = arith.constant 0 : i32
      %dma_wait3A_78 = arith.constant 0 : i32
      %dma_wait3A_79 = tpu.memref_slice %arg9[%dma_wait3A_77, %dma_wait3A_78] : memref<128x128xf32, #tpu.memory_space<vmem>> -> memref<72x128xf32, #tpu.memory_space<vmem>>
      tpu.wait_dma2 semaphore(%run_scoped3A_61 : memref<!tpu.dma_semaphore, #tpu.memory_space<semaphore_mem>>) src(%dma_wait3A_79 : memref<72x128xf32, #tpu.memory_space<vmem>>) dst(%dma_wait3A_76 : memref<72x128xf32, #tpu.memory_space<vmem_shared>>)
      tpu.yield
    }) : () -> ()
    %barrier3A_38 = arith.constant 0 : index
    tpu.barrier barrier_id(%barrier3A_38)
    %run_scoped3A_39 = arith.constant 1 : i32
    "tpu.region"() ({
      %run_scoped3A_61 = tpu.sem_alloc : memref<!tpu.dma_semaphore, #tpu.memory_space<semaphore_mem>>
      %dma_start3A = arith.constant 0 : i32
      %dma_start3A_62 = arith.constant 0 : i32
      %dma_start3A_63 = tpu.memref_slice %arg4[%run_scoped3A_39, %arg1, %dma_start3A, %dma_start3A_62] : memref<2x16x157x128xi32, #tpu.memory_space<hbm>> -> memref<1x1x157x128xi32, #tpu.memory_space<hbm>>
      %dma_start3A_64 = tpu.memref_squeeze %dma_start3A_63 : memref<1x1x157x128xi32, #tpu.memory_space<hbm>> -> memref<157x128xi32, #tpu.memory_space<hbm>>
      %dma_start3A_65 = arith.constant 0 : i32
      %dma_start3A_66 = arith.constant 0 : i32
      %dma_start3A_67 = tpu.memref_slice %arg4[%run_scoped3A_39, %arg1, %dma_start3A_65, %dma_start3A_66] : memref<2x16x157x128xi32, #tpu.memory_space<hbm>> -> memref<1x1x157x128xi32, #tpu.memory_space<hbm>>
      %dma_start3A_68 = tpu.memref_squeeze %dma_start3A_67 : memref<1x1x157x128xi32, #tpu.memory_space<hbm>> -> memref<157x128xi32, #tpu.memory_space<hbm>>
      tpu.enqueue_dma source(%dma_start3A_68 : memref<157x128xi32, #tpu.memory_space<hbm>>) target(%arg7 : memref<157x128xi32, #tpu.memory_space<vmem>>) target_semaphore(%run_scoped3A_61 : memref<!tpu.dma_semaphore, #tpu.memory_space<semaphore_mem>>)
      %dma_wait3A = arith.constant 0 : i32
      %dma_wait3A_69 = arith.constant 0 : i32
      %dma_wait3A_70 = tpu.memref_slice %arg4[%run_scoped3A_39, %arg1, %dma_wait3A, %dma_wait3A_69] : memref<2x16x157x128xi32, #tpu.memory_space<hbm>> -> memref<1x1x157x128xi32, #tpu.memory_space<hbm>>
      %dma_wait3A_71 = tpu.memref_squeeze %dma_wait3A_70 : memref<1x1x157x128xi32, #tpu.memory_space<hbm>> -> memref<157x128xi32, #tpu.memory_space<hbm>>
      %dma_wait3A_72 = arith.constant 0 : i32
      %dma_wait3A_73 = arith.constant 0 : i32
      %dma_wait3A_74 = tpu.memref_slice %arg4[%run_scoped3A_39, %arg1, %dma_wait3A_72, %dma_wait3A_73] : memref<2x16x157x128xi32, #tpu.memory_space<hbm>> -> memref<1x1x157x128xi32, #tpu.memory_space<hbm>>
      %dma_wait3A_75 = tpu.memref_squeeze %dma_wait3A_74 : memref<1x1x157x128xi32, #tpu.memory_space<hbm>> -> memref<157x128xi32, #tpu.memory_space<hbm>>
      tpu.wait_dma2 semaphore(%run_scoped3A_61 : memref<!tpu.dma_semaphore, #tpu.memory_space<semaphore_mem>>) src(%dma_wait3A_75 : memref<157x128xi32, #tpu.memory_space<hbm>>) dst(%arg7 : memref<157x128xi32, #tpu.memory_space<vmem>>)
      tpu.yield
    }) : () -> ()
    %scan3A_40 = arith.constant 0 : i32
    %scan3A_41 = arith.constant 157 : i32
    %scan3A_42 = arith.addi %scan3A_40, %scan3A_41 : i32
    %scan3A_43 = arith.constant 1 : i32
    scf.for %scan3A_61 = %scan3A_40 to %scan3A_42 step %scan3A_43  : i32 {
      %dma_start3A = arith.constant 0 : i32
      %dma_start3A_62 = tpu.memref_slice %arg6[%scan3A_61, %dma_start3A] : memref<157x128xi32, #tpu.memory_space<vmem>> -> memref<1x128xi32, #tpu.memory_space<vmem>>
      %dma_start3A_63 = tpu.memref_squeeze %dma_start3A_62 : memref<1x128xi32, #tpu.memory_space<vmem>> -> memref<128xi32, #tpu.memory_space<vmem>>
      %dma_start3A_64 = arith.constant 0 : i32
      %dma_start3A_65 = arith.constant 0 : i32
      %dma_start3A_66 = tpu.memref_slice %arg2[%dma_start3A_64, %dma_start3A_65] : memref<20000x128xf32, #tpu.memory_space<hbm>> -> memref<20000x128xf32, #tpu.memory_space<hbm>>
      tpu.enqueue_indirect_dma source(%dma_start3A_66 : memref<20000x128xf32, #tpu.memory_space<hbm>>) target(%arg8 : memref<128x128xf32, #tpu.memory_space<vmem>>) offsets(%dma_start3A_63 : memref<128xi32, #tpu.memory_space<vmem>>) semaphore(%arg11 : memref<!tpu.dma_semaphore, #tpu.memory_space<semaphore_mem>>)
      %dma_wait3A = arith.constant 0 : i32
      %dma_wait3A_67 = tpu.memref_slice %arg6[%scan3A_61, %dma_wait3A] : memref<157x128xi32, #tpu.memory_space<vmem>> -> memref<1x128xi32, #tpu.memory_space<vmem>>
      %dma_wait3A_68 = tpu.memref_squeeze %dma_wait3A_67 : memref<1x128xi32, #tpu.memory_space<vmem>> -> memref<128xi32, #tpu.memory_space<vmem>>
      %dma_wait3A_69 = arith.constant 0 : i32
      %dma_wait3A_70 = arith.constant 0 : i32
      %dma_wait3A_71 = tpu.memref_slice %arg2[%dma_wait3A_69, %dma_wait3A_70] : memref<20000x128xf32, #tpu.memory_space<hbm>> -> memref<20000x128xf32, #tpu.memory_space<hbm>>
      tpu.wait_indirect_dma semaphore(%arg11 : memref<!tpu.dma_semaphore, #tpu.memory_space<semaphore_mem>>) src(%dma_wait3A_71 : memref<20000x128xf32, #tpu.memory_space<hbm>>) dst(%arg8 : memref<128x128xf32, #tpu.memory_space<vmem>>)
      "tpu.region"() ({
        %run_scoped3A_72 = tpu.sem_alloc : memref<!tpu.dma_semaphore, #tpu.memory_space<semaphore_mem>>
        %dma_start3A_73 = arith.constant 0 : i32
        %dma_start3A_74 = tpu.memref_slice %arg7[%scan3A_61, %dma_start3A_73] : memref<157x128xi32, #tpu.memory_space<vmem>> -> memref<1x128xi32, #tpu.memory_space<vmem>>
        %dma_start3A_75 = tpu.memref_squeeze %dma_start3A_74 : memref<1x128xi32, #tpu.memory_space<vmem>> -> memref<128xi32, #tpu.memory_space<vmem>>
        %dma_start3A_76 = arith.constant 0 : i32
        %dma_start3A_77 = arith.constant 0 : i32
        %dma_start3A_78 = tpu.memref_slice %arg10[%dma_start3A_76, %dma_start3A_77] : memref<5248x128xf32, #tpu.memory_space<vmem_shared>> -> memref<5248x128xf32, #tpu.memory_space<vmem_shared>>
        tpu.enqueue_indirect_dma source(%arg8 : memref<128x128xf32, #tpu.memory_space<vmem>>) target(%dma_start3A_78 : memref<5248x128xf32, #tpu.memory_space<vmem_shared>>) offsets(%dma_start3A_75 : memref<128xi32, #tpu.memory_space<vmem>>) semaphore(%run_scoped3A_72 : memref<!tpu.dma_semaphore, #tpu.memory_space<semaphore_mem>>) {add = true}
        %dma_wait3A_79 = arith.constant 0 : i32
        %dma_wait3A_80 = tpu.memref_slice %arg7[%scan3A_61, %dma_wait3A_79] : memref<157x128xi32, #tpu.memory_space<vmem>> -> memref<1x128xi32, #tpu.memory_space<vmem>>
        %dma_wait3A_81 = tpu.memref_squeeze %dma_wait3A_80 : memref<1x128xi32, #tpu.memory_space<vmem>> -> memref<128xi32, #tpu.memory_space<vmem>>
        %dma_wait3A_82 = arith.constant 0 : i32
        %dma_wait3A_83 = arith.constant 0 : i32
        %dma_wait3A_84 = tpu.memref_slice %arg10[%dma_wait3A_82, %dma_wait3A_83] : memref<5248x128xf32, #tpu.memory_space<vmem_shared>> -> memref<5248x128xf32, #tpu.memory_space<vmem_shared>>
        tpu.wait_indirect_dma semaphore(%run_scoped3A_72 : memref<!tpu.dma_semaphore, #tpu.memory_space<semaphore_mem>>) src(%arg8 : memref<128x128xf32, #tpu.memory_space<vmem>>) dst(%dma_wait3A_84 : memref<5248x128xf32, #tpu.memory_space<vmem_shared>>)
        tpu.yield
      }) : () -> ()
    }
    %scan3A_44 = arith.constant 157 : i32
    %barrier3A_45 = arith.constant 0 : index
    tpu.barrier barrier_id(%barrier3A_45)
    %add3A_46 = arith.constant 0 : i32
    %add3A_47 = arith.addi %mul3A_5, %add3A_46 : i32
    "tpu.region"() ({
      %run_scoped3A_61 = tpu.sem_alloc : memref<!tpu.dma_semaphore, #tpu.memory_space<semaphore_mem>>
      %dma_start3A = arith.constant 0 : i32
      %dma_start3A_62 = tpu.memref_slice %arg10[%add3A_47, %dma_start3A] : memref<5248x128xf32, #tpu.memory_space<vmem_shared>> -> memref<128x128xf32, #tpu.memory_space<vmem_shared>>
      %dma_start3A_63 = arith.constant 0 : i32
      %dma_start3A_64 = tpu.memref_slice %arg10[%add3A_47, %dma_start3A_63] : memref<5248x128xf32, #tpu.memory_space<vmem_shared>> -> memref<128x128xf32, #tpu.memory_space<vmem_shared>>
      tpu.enqueue_dma source(%dma_start3A_64 : memref<128x128xf32, #tpu.memory_space<vmem_shared>>) target(%arg8 : memref<128x128xf32, #tpu.memory_space<vmem>>) target_semaphore(%run_scoped3A_61 : memref<!tpu.dma_semaphore, #tpu.memory_space<semaphore_mem>>)
      %dma_wait3A = arith.constant 0 : i32
      %dma_wait3A_65 = tpu.memref_slice %arg10[%add3A_47, %dma_wait3A] : memref<5248x128xf32, #tpu.memory_space<vmem_shared>> -> memref<128x128xf32, #tpu.memory_space<vmem_shared>>
      %dma_wait3A_66 = arith.constant 0 : i32
      %dma_wait3A_67 = tpu.memref_slice %arg10[%add3A_47, %dma_wait3A_66] : memref<5248x128xf32, #tpu.memory_space<vmem_shared>> -> memref<128x128xf32, #tpu.memory_space<vmem_shared>>
      tpu.wait_dma2 semaphore(%run_scoped3A_61 : memref<!tpu.dma_semaphore, #tpu.memory_space<semaphore_mem>>) src(%dma_wait3A_67 : memref<128x128xf32, #tpu.memory_space<vmem_shared>>) dst(%arg8 : memref<128x128xf32, #tpu.memory_space<vmem>>)
      tpu.yield
    }) : () -> ()
    %add3A_48 = arith.constant 0 : i32
    %add3A_49 = arith.addi %mul3A_5, %add3A_48 : i32
    %run_scoped3A_50 = arith.constant 1 : i32
    "tpu.region"() ({
      %run_scoped3A_61 = tpu.sem_alloc : memref<!tpu.dma_semaphore, #tpu.memory_space<semaphore_mem>>
      %dma_start3A = arith.constant 0 : i32
      %dma_start3A_62 = tpu.memref_slice %arg5[%arg0, %run_scoped3A_50, %add3A_49, %dma_start3A] : memref<2x2x5248x128xf32, #tpu.memory_space<hbm>> -> memref<1x1x128x128xf32, #tpu.memory_space<hbm>>
      %dma_start3A_63 = tpu.memref_squeeze %dma_start3A_62 : memref<1x1x128x128xf32, #tpu.memory_space<hbm>> -> memref<128x128xf32, #tpu.memory_space<hbm>>
      %dma_start3A_64 = arith.constant 0 : i32
      %dma_start3A_65 = tpu.memref_slice %arg5[%arg0, %run_scoped3A_50, %add3A_49, %dma_start3A_64] : memref<2x2x5248x128xf32, #tpu.memory_space<hbm>> -> memref<1x1x128x128xf32, #tpu.memory_space<hbm>>
      %dma_start3A_66 = tpu.memref_squeeze %dma_start3A_65 : memref<1x1x128x128xf32, #tpu.memory_space<hbm>> -> memref<128x128xf32, #tpu.memory_space<hbm>>
      tpu.enqueue_dma source(%arg8 : memref<128x128xf32, #tpu.memory_space<vmem>>) target(%dma_start3A_66 : memref<128x128xf32, #tpu.memory_space<hbm>>) target_semaphore(%run_scoped3A_61 : memref<!tpu.dma_semaphore, #tpu.memory_space<semaphore_mem>>)
      %dma_wait3A = arith.constant 0 : i32
      %dma_wait3A_67 = tpu.memref_slice %arg5[%arg0, %run_scoped3A_50, %add3A_49, %dma_wait3A] : memref<2x2x5248x128xf32, #tpu.memory_space<hbm>> -> memref<1x1x128x128xf32, #tpu.memory_space<hbm>>
      %dma_wait3A_68 = tpu.memref_squeeze %dma_wait3A_67 : memref<1x1x128x128xf32, #tpu.memory_space<hbm>> -> memref<128x128xf32, #tpu.memory_space<hbm>>
      %dma_wait3A_69 = arith.constant 0 : i32
      %dma_wait3A_70 = tpu.memref_slice %arg5[%arg0, %run_scoped3A_50, %add3A_49, %dma_wait3A_69] : memref<2x2x5248x128xf32, #tpu.memory_space<hbm>> -> memref<1x1x128x128xf32, #tpu.memory_space<hbm>>
      %dma_wait3A_71 = tpu.memref_squeeze %dma_wait3A_70 : memref<1x1x128x128xf32, #tpu.memory_space<hbm>> -> memref<128x128xf32, #tpu.memory_space<hbm>>
      tpu.wait_dma2 semaphore(%run_scoped3A_61 : memref<!tpu.dma_semaphore, #tpu.memory_space<semaphore_mem>>) src(%arg8 : memref<128x128xf32, #tpu.memory_space<vmem>>) dst(%dma_wait3A_71 : memref<128x128xf32, #tpu.memory_space<hbm>>)
      tpu.yield
    }) : () -> ()
    %add3A_51 = arith.constant 128 : i32
    %add3A_52 = arith.addi %mul3A_5, %add3A_51 : i32
    "tpu.region"() ({
      %run_scoped3A_61 = tpu.sem_alloc : memref<!tpu.dma_semaphore, #tpu.memory_space<semaphore_mem>>
      %dma_start3A = arith.constant 0 : i32
      %dma_start3A_62 = tpu.memref_slice %arg10[%add3A_52, %dma_start3A] : memref<5248x128xf32, #tpu.memory_space<vmem_shared>> -> memref<128x128xf32, #tpu.memory_space<vmem_shared>>
      %dma_start3A_63 = arith.constant 0 : i32
      %dma_start3A_64 = tpu.memref_slice %arg10[%add3A_52, %dma_start3A_63] : memref<5248x128xf32, #tpu.memory_space<vmem_shared>> -> memref<128x128xf32, #tpu.memory_space<vmem_shared>>
      tpu.enqueue_dma source(%dma_start3A_64 : memref<128x128xf32, #tpu.memory_space<vmem_shared>>) target(%arg8 : memref<128x128xf32, #tpu.memory_space<vmem>>) target_semaphore(%run_scoped3A_61 : memref<!tpu.dma_semaphore, #tpu.memory_space<semaphore_mem>>)
      %dma_wait3A = arith.constant 0 : i32
      %dma_wait3A_65 = tpu.memref_slice %arg10[%add3A_52, %dma_wait3A] : memref<5248x128xf32, #tpu.memory_space<vmem_shared>> -> memref<128x128xf32, #tpu.memory_space<vmem_shared>>
      %dma_wait3A_66 = arith.constant 0 : i32
      %dma_wait3A_67 = tpu.memref_slice %arg10[%add3A_52, %dma_wait3A_66] : memref<5248x128xf32, #tpu.memory_space<vmem_shared>> -> memref<128x128xf32, #tpu.memory_space<vmem_shared>>
      tpu.wait_dma2 semaphore(%run_scoped3A_61 : memref<!tpu.dma_semaphore, #tpu.memory_space<semaphore_mem>>) src(%dma_wait3A_67 : memref<128x128xf32, #tpu.memory_space<vmem_shared>>) dst(%arg8 : memref<128x128xf32, #tpu.memory_space<vmem>>)
      tpu.yield
    }) : () -> ()
    %add3A_53 = arith.constant 128 : i32
    %add3A_54 = arith.addi %mul3A_5, %add3A_53 : i32
    %run_scoped3A_55 = arith.constant 1 : i32
    "tpu.region"() ({
      %run_scoped3A_61 = tpu.sem_alloc : memref<!tpu.dma_semaphore, #tpu.memory_space<semaphore_mem>>
      %dma_start3A = arith.constant 0 : i32
      %dma_start3A_62 = tpu.memref_slice %arg5[%arg0, %run_scoped3A_55, %add3A_54, %dma_start3A] : memref<2x2x5248x128xf32, #tpu.memory_space<hbm>> -> memref<1x1x128x128xf32, #tpu.memory_space<hbm>>
      %dma_start3A_63 = tpu.memref_squeeze %dma_start3A_62 : memref<1x1x128x128xf32, #tpu.memory_space<hbm>> -> memref<128x128xf32, #tpu.memory_space<hbm>>
      %dma_start3A_64 = arith.constant 0 : i32
      %dma_start3A_65 = tpu.memref_slice %arg5[%arg0, %run_scoped3A_55, %add3A_54, %dma_start3A_64] : memref<2x2x5248x128xf32, #tpu.memory_space<hbm>> -> memref<1x1x128x128xf32, #tpu.memory_space<hbm>>
      %dma_start3A_66 = tpu.memref_squeeze %dma_start3A_65 : memref<1x1x128x128xf32, #tpu.memory_space<hbm>> -> memref<128x128xf32, #tpu.memory_space<hbm>>
      tpu.enqueue_dma source(%arg8 : memref<128x128xf32, #tpu.memory_space<vmem>>) target(%dma_start3A_66 : memref<128x128xf32, #tpu.memory_space<hbm>>) target_semaphore(%run_scoped3A_61 : memref<!tpu.dma_semaphore, #tpu.memory_space<semaphore_mem>>)
      %dma_wait3A = arith.constant 0 : i32
      %dma_wait3A_67 = tpu.memref_slice %arg5[%arg0, %run_scoped3A_55, %add3A_54, %dma_wait3A] : memref<2x2x5248x128xf32, #tpu.memory_space<hbm>> -> memref<1x1x128x128xf32, #tpu.memory_space<hbm>>
      %dma_wait3A_68 = tpu.memref_squeeze %dma_wait3A_67 : memref<1x1x128x128xf32, #tpu.memory_space<hbm>> -> memref<128x128xf32, #tpu.memory_space<hbm>>
      %dma_wait3A_69 = arith.constant 0 : i32
      %dma_wait3A_70 = tpu.memref_slice %arg5[%arg0, %run_scoped3A_55, %add3A_54, %dma_wait3A_69] : memref<2x2x5248x128xf32, #tpu.memory_space<hbm>> -> memref<1x1x128x128xf32, #tpu.memory_space<hbm>>
      %dma_wait3A_71 = tpu.memref_squeeze %dma_wait3A_70 : memref<1x1x128x128xf32, #tpu.memory_space<hbm>> -> memref<128x128xf32, #tpu.memory_space<hbm>>
      tpu.wait_dma2 semaphore(%run_scoped3A_61 : memref<!tpu.dma_semaphore, #tpu.memory_space<semaphore_mem>>) src(%arg8 : memref<128x128xf32, #tpu.memory_space<vmem>>) dst(%dma_wait3A_71 : memref<128x128xf32, #tpu.memory_space<hbm>>)
      tpu.yield
    }) : () -> ()
    %add3A_56 = arith.constant 256 : i32
    %add3A_57 = arith.addi %mul3A_5, %add3A_56 : i32
    "tpu.region"() ({
      %run_scoped3A_61 = tpu.sem_alloc : memref<!tpu.dma_semaphore, #tpu.memory_space<semaphore_mem>>
      %dma_start3A = arith.constant 0 : i32
      %dma_start3A_62 = arith.constant 0 : i32
      %dma_start3A_63 = tpu.memref_slice %arg8[%dma_start3A, %dma_start3A_62] : memref<128x128xf32, #tpu.memory_space<vmem>> -> memref<72x128xf32, #tpu.memory_space<vmem>>
      %dma_start3A_64 = arith.constant 0 : i32
      %dma_start3A_65 = tpu.memref_slice %arg10[%add3A_57, %dma_start3A_64] : memref<5248x128xf32, #tpu.memory_space<vmem_shared>> -> memref<72x128xf32, #tpu.memory_space<vmem_shared>>
      %dma_start3A_66 = arith.constant 0 : i32
      %dma_start3A_67 = arith.constant 0 : i32
      %dma_start3A_68 = tpu.memref_slice %arg8[%dma_start3A_66, %dma_start3A_67] : memref<128x128xf32, #tpu.memory_space<vmem>> -> memref<72x128xf32, #tpu.memory_space<vmem>>
      %dma_start3A_69 = arith.constant 0 : i32
      %dma_start3A_70 = tpu.memref_slice %arg10[%add3A_57, %dma_start3A_69] : memref<5248x128xf32, #tpu.memory_space<vmem_shared>> -> memref<72x128xf32, #tpu.memory_space<vmem_shared>>
      tpu.enqueue_dma source(%dma_start3A_70 : memref<72x128xf32, #tpu.memory_space<vmem_shared>>) target(%dma_start3A_68 : memref<72x128xf32, #tpu.memory_space<vmem>>) target_semaphore(%run_scoped3A_61 : memref<!tpu.dma_semaphore, #tpu.memory_space<semaphore_mem>>)
      %dma_wait3A = arith.constant 0 : i32
      %dma_wait3A_71 = arith.constant 0 : i32
      %dma_wait3A_72 = tpu.memref_slice %arg8[%dma_wait3A, %dma_wait3A_71] : memref<128x128xf32, #tpu.memory_space<vmem>> -> memref<72x128xf32, #tpu.memory_space<vmem>>
      %dma_wait3A_73 = arith.constant 0 : i32
      %dma_wait3A_74 = tpu.memref_slice %arg10[%add3A_57, %dma_wait3A_73] : memref<5248x128xf32, #tpu.memory_space<vmem_shared>> -> memref<72x128xf32, #tpu.memory_space<vmem_shared>>
      %dma_wait3A_75 = arith.constant 0 : i32
      %dma_wait3A_76 = arith.constant 0 : i32
      %dma_wait3A_77 = tpu.memref_slice %arg8[%dma_wait3A_75, %dma_wait3A_76] : memref<128x128xf32, #tpu.memory_space<vmem>> -> memref<72x128xf32, #tpu.memory_space<vmem>>
      %dma_wait3A_78 = arith.constant 0 : i32
      %dma_wait3A_79 = tpu.memref_slice %arg10[%add3A_57, %dma_wait3A_78] : memref<5248x128xf32, #tpu.memory_space<vmem_shared>> -> memref<72x128xf32, #tpu.memory_space<vmem_shared>>
      tpu.wait_dma2 semaphore(%run_scoped3A_61 : memref<!tpu.dma_semaphore, #tpu.memory_space<semaphore_mem>>) src(%dma_wait3A_79 : memref<72x128xf32, #tpu.memory_space<vmem_shared>>) dst(%dma_wait3A_77 : memref<72x128xf32, #tpu.memory_space<vmem>>)
      tpu.yield
    }) : () -> ()
    %add3A_58 = arith.constant 256 : i32
    %add3A_59 = arith.addi %mul3A_5, %add3A_58 : i32
    %run_scoped3A_60 = arith.constant 1 : i32
    "tpu.region"() ({
      %run_scoped3A_61 = tpu.sem_alloc : memref<!tpu.dma_semaphore, #tpu.memory_space<semaphore_mem>>
      %dma_start3A = arith.constant 0 : i32
      %dma_start3A_62 = arith.constant 0 : i32
      %dma_start3A_63 = tpu.memref_slice %arg8[%dma_start3A, %dma_start3A_62] : memref<128x128xf32, #tpu.memory_space<vmem>> -> memref<72x128xf32, #tpu.memory_space<vmem>>
      %dma_start3A_64 = arith.constant 0 : i32
      %dma_start3A_65 = tpu.memref_slice %arg5[%arg0, %run_scoped3A_60, %add3A_59, %dma_start3A_64] : memref<2x2x5248x128xf32, #tpu.memory_space<hbm>> -> memref<1x1x72x128xf32, #tpu.memory_space<hbm>>
      %dma_start3A_66 = tpu.memref_squeeze %dma_start3A_65 : memref<1x1x72x128xf32, #tpu.memory_space<hbm>> -> memref<72x128xf32, #tpu.memory_space<hbm>>
      %dma_start3A_67 = arith.constant 0 : i32
      %dma_start3A_68 = tpu.memref_slice %arg5[%arg0, %run_scoped3A_60, %add3A_59, %dma_start3A_67] : memref<2x2x5248x128xf32, #tpu.memory_space<hbm>> -> memref<1x1x72x128xf32, #tpu.memory_space<hbm>>
      %dma_start3A_69 = tpu.memref_squeeze %dma_start3A_68 : memref<1x1x72x128xf32, #tpu.memory_space<hbm>> -> memref<72x128xf32, #tpu.memory_space<hbm>>
      %dma_start3A_70 = arith.constant 0 : i32
      %dma_start3A_71 = arith.constant 0 : i32
      %dma_start3A_72 = tpu.memref_slice %arg8[%dma_start3A_70, %dma_start3A_71] : memref<128x128xf32, #tpu.memory_space<vmem>> -> memref<72x128xf32, #tpu.memory_space<vmem>>
      tpu.enqueue_dma source(%dma_start3A_72 : memref<72x128xf32, #tpu.memory_space<vmem>>) target(%dma_start3A_69 : memref<72x128xf32, #tpu.memory_space<hbm>>) target_semaphore(%run_scoped3A_61 : memref<!tpu.dma_semaphore, #tpu.memory_space<semaphore_mem>>)
      %dma_wait3A = arith.constant 0 : i32
      %dma_wait3A_73 = arith.constant 0 : i32
      %dma_wait3A_74 = tpu.memref_slice %arg8[%dma_wait3A, %dma_wait3A_73] : memref<128x128xf32, #tpu.memory_space<vmem>> -> memref<72x128xf32, #tpu.memory_space<vmem>>
      %dma_wait3A_75 = arith.constant 0 : i32
      %dma_wait3A_76 = tpu.memref_slice %arg5[%arg0, %run_scoped3A_60, %add3A_59, %dma_wait3A_75] : memref<2x2x5248x128xf32, #tpu.memory_space<hbm>> -> memref<1x1x72x128xf32, #tpu.memory_space<hbm>>
      %dma_wait3A_77 = tpu.memref_squeeze %dma_wait3A_76 : memref<1x1x72x128xf32, #tpu.memory_space<hbm>> -> memref<72x128xf32, #tpu.memory_space<hbm>>
      %dma_wait3A_78 = arith.constant 0 : i32
      %dma_wait3A_79 = tpu.memref_slice %arg5[%arg0, %run_scoped3A_60, %add3A_59, %dma_wait3A_78] : memref<2x2x5248x128xf32, #tpu.memory_space<hbm>> -> memref<1x1x72x128xf32, #tpu.memory_space<hbm>>
      %dma_wait3A_80 = tpu.memref_squeeze %dma_wait3A_79 : memref<1x1x72x128xf32, #tpu.memory_space<hbm>> -> memref<72x128xf32, #tpu.memory_space<hbm>>
      %dma_wait3A_81 = arith.constant 0 : i32
      %dma_wait3A_82 = arith.constant 0 : i32
      %dma_wait3A_83 = tpu.memref_slice %arg8[%dma_wait3A_81, %dma_wait3A_82] : memref<128x128xf32, #tpu.memory_space<vmem>> -> memref<72x128xf32, #tpu.memory_space<vmem>>
      tpu.wait_dma2 semaphore(%run_scoped3A_61 : memref<!tpu.dma_semaphore, #tpu.memory_space<semaphore_mem>>) src(%dma_wait3A_83 : memref<72x128xf32, #tpu.memory_space<vmem>>) dst(%dma_wait3A_80 : memref<72x128xf32, #tpu.memory_space<hbm>>)
      tpu.yield
    }) : () -> ()
    return
  }
}

#map = affine_map<(d0, d1) -> (0, 0)>
#map1 = affine_map<(d0, d1) -> (0, 0, 0, 0)>
module attributes {stable_mosaic.version = 14 : i64} {
  func.func @_sc_aggregate(%arg0: i32, %arg1: i32, %arg2: memref<20000x128xf32, #tpu.memory_space<hbm>>, %arg3: memref<2x16x157x128xi32, #tpu.memory_space<hbm>>, %arg4: memref<2x16x157x128xi32, #tpu.memory_space<hbm>>, %arg5: memref<2x2x5248x128xf32, #tpu.memory_space<hbm>>, %arg6: memref<157x128xi32, #tpu.memory_space<vmem>>, %arg7: memref<157x128xi32, #tpu.memory_space<vmem>>, %arg8: memref<128x128xf32, #tpu.memory_space<vmem>>, %arg9: memref<128x128xf32, #tpu.memory_space<vmem>>, %arg10: memref<5248x128xf32, #tpu.memory_space<vmem_shared>>, %arg11: memref<!tpu.dma_semaphore, #tpu.memory_space<semaphore_mem>>) attributes {dimension_semantics = [#tpu.dimension_semantics<core_parallel>, #tpu.dimension_semantics<subcore_parallel>], iteration_bounds = array<i64: 2, 16>, scalar_prefetch = 0 : i64, scratch_operands = 6 : i64, tpu.core_type = #tpu.core_type<sc_vector_subcore>, window_params = [{transform_indices = #map}, {transform_indices = #map1}, {transform_indices = #map1}, {transform_indices = #map1}]} {
    %broadcast_in_dim3A = arith.constant 0.000000e+00 : f32
    %broadcast_in_dim3A_0 = vector.broadcast %broadcast_in_dim3A : f32 to vector<16xf32>
    %scan3A = arith.constant 0 : i32
    %scan3A_1 = arith.constant 128 : i32
    %scan3A_2 = arith.addi %scan3A, %scan3A_1 : i32
    %scan3A_3 = arith.constant 1 : i32
    scf.for %scan3A_61 = %scan3A to %scan3A_2 step %scan3A_3  : i32 {
      %swap3A = arith.index_cast %scan3A_61 : i32 to index
      %swap3A_62 = arith.constant 0 : index
      %swap3A_63 = tpu.vector_load %arg9[%swap3A, %swap3A_62] {strides = array<i32>} : memref<128x128xf32, #tpu.memory_space<vmem>>, vector<1x16xf32>,
      %swap3A_64 = vector.shape_cast %swap3A_63 : vector<1x16xf32> to vector<16xf32>
      %swap3A_65 = vector.shape_cast %broadcast_in_dim3A_0 : vector<16xf32> to vector<1x16xf32>
      tpu.vector_store %arg9[%swap3A, %swap3A_62], %swap3A_65 {strides = array<i32>} : memref<128x128xf32, #tpu.memory_space<vmem>>, vector<1x16xf32>,
      %swap3A_66 = arith.index_cast %scan3A_61 : i32 to index
      %swap3A_67 = arith.constant 16 : index
      %swap3A_68 = tpu.vector_load %arg9[%swap3A_66, %swap3A_67] {strides = array<i32>} : memref<128x128xf32, #tpu.memory_space<vmem>>, vector<1x16xf32>,
      %swap3A_69 = vector.shape_cast %swap3A_68 : vector<1x16xf32> to vector<16xf32>
      %swap3A_70 = vector.shape_cast %broadcast_in_dim3A_0 : vector<16xf32> to vector<1x16xf32>
      tpu.vector_store %arg9[%swap3A_66, %swap3A_67], %swap3A_70 {strides = array<i32>} : memref<128x128xf32, #tpu.memory_space<vmem>>, vector<1x16xf32>,
      %swap3A_71 = arith.index_cast %scan3A_61 : i32 to index
      %swap3A_72 = arith.constant 32 : index
      %swap3A_73 = tpu.vector_load %arg9[%swap3A_71, %swap3A_72] {strides = array<i32>} : memref<128x128xf32, #tpu.memory_space<vmem>>, vector<1x16xf32>,
      %swap3A_74 = vector.shape_cast %swap3A_73 : vector<1x16xf32> to vector<16xf32>
      %swap3A_75 = vector.shape_cast %broadcast_in_dim3A_0 : vector<16xf32> to vector<1x16xf32>
      tpu.vector_store %arg9[%swap3A_71, %swap3A_72], %swap3A_75 {strides = array<i32>} : memref<128x128xf32, #tpu.memory_space<vmem>>, vector<1x16xf32>,
      %swap3A_76 = arith.index_cast %scan3A_61 : i32 to index
      %swap3A_77 = arith.constant 48 : index
      %swap3A_78 = tpu.vector_load %arg9[%swap3A_76, %swap3A_77] {strides = array<i32>} : memref<128x128xf32, #tpu.memory_space<vmem>>, vector<1x16xf32>,
      %swap3A_79 = vector.shape_cast %swap3A_78 : vector<1x16xf32> to vector<16xf32>
      %swap3A_80 = vector.shape_cast %broadcast_in_dim3A_0 : vector<16xf32> to vector<1x16xf32>
      tpu.vector_store %arg9[%swap3A_76, %swap3A_77], %swap3A_80 {strides = array<i32>} : memref<128x128xf32, #tpu.memory_space<vmem>>, vector<1x16xf32>,
      %swap3A_81 = arith.index_cast %scan3A_61 : i32 to index
      %swap3A_82 = arith.constant 64 : index
      %swap3A_83 = tpu.vector_load %arg9[%swap3A_81, %swap3A_82] {strides = array<i32>} : memref<128x128xf32, #tpu.memory_space<vmem>>, vector<1x16xf32>,
      %swap3A_84 = vector.shape_cast %swap3A_83 : vector<1x16xf32> to vector<16xf32>
      %swap3A_85 = vector.shape_cast %broadcast_in_dim3A_0 : vector<16xf32> to vector<1x16xf32>
      tpu.vector_store %arg9[%swap3A_81, %swap3A_82], %swap3A_85 {strides = array<i32>} : memref<128x128xf32, #tpu.memory_space<vmem>>, vector<1x16xf32>,
      %swap3A_86 = arith.index_cast %scan3A_61 : i32 to index
      %swap3A_87 = arith.constant 80 : index
      %swap3A_88 = tpu.vector_load %arg9[%swap3A_86, %swap3A_87] {strides = array<i32>} : memref<128x128xf32, #tpu.memory_space<vmem>>, vector<1x16xf32>,
      %swap3A_89 = vector.shape_cast %swap3A_88 : vector<1x16xf32> to vector<16xf32>
      %swap3A_90 = vector.shape_cast %broadcast_in_dim3A_0 : vector<16xf32> to vector<1x16xf32>
      tpu.vector_store %arg9[%swap3A_86, %swap3A_87], %swap3A_90 {strides = array<i32>} : memref<128x128xf32, #tpu.memory_space<vmem>>, vector<1x16xf32>,
      %swap3A_91 = arith.index_cast %scan3A_61 : i32 to index
      %swap3A_92 = arith.constant 96 : index
      %swap3A_93 = tpu.vector_load %arg9[%swap3A_91, %swap3A_92] {strides = array<i32>} : memref<128x128xf32, #tpu.memory_space<vmem>>, vector<1x16xf32>,
      %swap3A_94 = vector.shape_cast %swap3A_93 : vector<1x16xf32> to vector<16xf32>
      %swap3A_95 = vector.shape_cast %broadcast_in_dim3A_0 : vector<16xf32> to vector<1x16xf32>
      tpu.vector_store %arg9[%swap3A_91, %swap3A_92], %swap3A_95 {strides = array<i32>} : memref<128x128xf32, #tpu.memory_space<vmem>>, vector<1x16xf32>,
      %swap3A_96 = arith.index_cast %scan3A_61 : i32 to index
      %swap3A_97 = arith.constant 112 : index
      %swap3A_98 = tpu.vector_load %arg9[%swap3A_96, %swap3A_97] {strides = array<i32>} : memref<128x128xf32, #tpu.memory_space<vmem>>, vector<1x16xf32>,
      %swap3A_99 = vector.shape_cast %swap3A_98 : vector<1x16xf32> to vector<16xf32>
      %swap3A_100 = vector.shape_cast %broadcast_in_dim3A_0 : vector<16xf32> to vector<1x16xf32>
      tpu.vector_store %arg9[%swap3A_96, %swap3A_97], %swap3A_100 {strides = array<i32>} : memref<128x128xf32, #tpu.memory_space<vmem>>, vector<1x16xf32>,
    }
    %scan3A_4 = arith.constant 128 : i32
    %mul3A = arith.constant 328 : i32
    %mul3A_5 = arith.muli %arg1, %mul3A : i32
    "tpu.region"() ({
      %run_scoped3A_61 = tpu.sem_alloc : memref<!tpu.dma_semaphore, #tpu.memory_space<semaphore_mem>>
      %dma_start3A = arith.constant 0 : i32
      %dma_start3A_62 = arith.constant 0 : i32
      %dma_start3A_63 = tpu.memref_slice %arg3[%arg0, %arg1, %dma_start3A, %dma_start3A_62] : memref<2x16x157x128xi32, #tpu.memory_space<hbm>> -> memref<1x1x157x128xi32, #tpu.memory_space<hbm>>
      %dma_start3A_64 = tpu.memref_squeeze %dma_start3A_63 : memref<1x1x157x128xi32, #tpu.memory_space<hbm>> -> memref<157x128xi32, #tpu.memory_space<hbm>>
      %dma_start3A_65 = arith.constant 0 : i32
      %dma_start3A_66 = arith.constant 0 : i32
      %dma_start3A_67 = tpu.memref_slice %arg3[%arg0, %arg1, %dma_start3A_65, %dma_start3A_66] : memref<2x16x157x128xi32, #tpu.memory_space<hbm>> -> memref<1x1x157x128xi32, #tpu.memory_space<hbm>>
      %dma_start3A_68 = tpu.memref_squeeze %dma_start3A_67 : memref<1x1x157x128xi32, #tpu.memory_space<hbm>> -> memref<157x128xi32, #tpu.memory_space<hbm>>
      tpu.enqueue_dma source(%dma_start3A_68 : memref<157x128xi32, #tpu.memory_space<hbm>>) target(%arg6 : memref<157x128xi32, #tpu.memory_space<vmem>>) target_semaphore(%run_scoped3A_61 : memref<!tpu.dma_semaphore, #tpu.memory_space<semaphore_mem>>)
      %dma_wait3A = arith.constant 0 : i32
      %dma_wait3A_69 = arith.constant 0 : i32
      %dma_wait3A_70 = tpu.memref_slice %arg3[%arg0, %arg1, %dma_wait3A, %dma_wait3A_69] : memref<2x16x157x128xi32, #tpu.memory_space<hbm>> -> memref<1x1x157x128xi32, #tpu.memory_space<hbm>>
      %dma_wait3A_71 = tpu.memref_squeeze %dma_wait3A_70 : memref<1x1x157x128xi32, #tpu.memory_space<hbm>> -> memref<157x128xi32, #tpu.memory_space<hbm>>
      %dma_wait3A_72 = arith.constant 0 : i32
      %dma_wait3A_73 = arith.constant 0 : i32
      %dma_wait3A_74 = tpu.memref_slice %arg3[%arg0, %arg1, %dma_wait3A_72, %dma_wait3A_73] : memref<2x16x157x128xi32, #tpu.memory_space<hbm>> -> memref<1x1x157x128xi32, #tpu.memory_space<hbm>>
      %dma_wait3A_75 = tpu.memref_squeeze %dma_wait3A_74 : memref<1x1x157x128xi32, #tpu.memory_space<hbm>> -> memref<157x128xi32, #tpu.memory_space<hbm>>
      tpu.wait_dma2 semaphore(%run_scoped3A_61 : memref<!tpu.dma_semaphore, #tpu.memory_space<semaphore_mem>>) src(%dma_wait3A_75 : memref<157x128xi32, #tpu.memory_space<hbm>>) dst(%arg6 : memref<157x128xi32, #tpu.memory_space<vmem>>)
      tpu.yield
    }) : () -> ()
    %add3A = arith.constant 0 : i32
    %add3A_6 = arith.addi %mul3A_5, %add3A : i32
    "tpu.region"() ({
      %run_scoped3A_61 = tpu.sem_alloc : memref<!tpu.dma_semaphore, #tpu.memory_space<semaphore_mem>>
      %dma_start3A = arith.constant 0 : i32
      %dma_start3A_62 = tpu.memref_slice %arg10[%add3A_6, %dma_start3A] : memref<5248x128xf32, #tpu.memory_space<vmem_shared>> -> memref<128x128xf32, #tpu.memory_space<vmem_shared>>
      %dma_start3A_63 = arith.constant 0 : i32
      %dma_start3A_64 = tpu.memref_slice %arg10[%add3A_6, %dma_start3A_63] : memref<5248x128xf32, #tpu.memory_space<vmem_shared>> -> memref<128x128xf32, #tpu.memory_space<vmem_shared>>
      tpu.enqueue_dma source(%arg9 : memref<128x128xf32, #tpu.memory_space<vmem>>) target(%dma_start3A_64 : memref<128x128xf32, #tpu.memory_space<vmem_shared>>) target_semaphore(%run_scoped3A_61 : memref<!tpu.dma_semaphore, #tpu.memory_space<semaphore_mem>>)
      %dma_wait3A = arith.constant 0 : i32
      %dma_wait3A_65 = tpu.memref_slice %arg10[%add3A_6, %dma_wait3A] : memref<5248x128xf32, #tpu.memory_space<vmem_shared>> -> memref<128x128xf32, #tpu.memory_space<vmem_shared>>
      %dma_wait3A_66 = arith.constant 0 : i32
      %dma_wait3A_67 = tpu.memref_slice %arg10[%add3A_6, %dma_wait3A_66] : memref<5248x128xf32, #tpu.memory_space<vmem_shared>> -> memref<128x128xf32, #tpu.memory_space<vmem_shared>>
      tpu.wait_dma2 semaphore(%run_scoped3A_61 : memref<!tpu.dma_semaphore, #tpu.memory_space<semaphore_mem>>) src(%arg9 : memref<128x128xf32, #tpu.memory_space<vmem>>) dst(%dma_wait3A_67 : memref<128x128xf32, #tpu.memory_space<vmem_shared>>)
      tpu.yield
    }) : () -> ()
    %add3A_7 = arith.constant 128 : i32
    %add3A_8 = arith.addi %mul3A_5, %add3A_7 : i32
    "tpu.region"() ({
      %run_scoped3A_61 = tpu.sem_alloc : memref<!tpu.dma_semaphore, #tpu.memory_space<semaphore_mem>>
      %dma_start3A = arith.constant 0 : i32
      %dma_start3A_62 = tpu.memref_slice %arg10[%add3A_8, %dma_start3A] : memref<5248x128xf32, #tpu.memory_space<vmem_shared>> -> memref<128x128xf32, #tpu.memory_space<vmem_shared>>
      %dma_start3A_63 = arith.constant 0 : i32
      %dma_start3A_64 = tpu.memref_slice %arg10[%add3A_8, %dma_start3A_63] : memref<5248x128xf32, #tpu.memory_space<vmem_shared>> -> memref<128x128xf32, #tpu.memory_space<vmem_shared>>
      tpu.enqueue_dma source(%arg9 : memref<128x128xf32, #tpu.memory_space<vmem>>) target(%dma_start3A_64 : memref<128x128xf32, #tpu.memory_space<vmem_shared>>) target_semaphore(%run_scoped3A_61 : memref<!tpu.dma_semaphore, #tpu.memory_space<semaphore_mem>>)
      %dma_wait3A = arith.constant 0 : i32
      %dma_wait3A_65 = tpu.memref_slice %arg10[%add3A_8, %dma_wait3A] : memref<5248x128xf32, #tpu.memory_space<vmem_shared>> -> memref<128x128xf32, #tpu.memory_space<vmem_shared>>
      %dma_wait3A_66 = arith.constant 0 : i32
      %dma_wait3A_67 = tpu.memref_slice %arg10[%add3A_8, %dma_wait3A_66] : memref<5248x128xf32, #tpu.memory_space<vmem_shared>> -> memref<128x128xf32, #tpu.memory_space<vmem_shared>>
      tpu.wait_dma2 semaphore(%run_scoped3A_61 : memref<!tpu.dma_semaphore, #tpu.memory_space<semaphore_mem>>) src(%arg9 : memref<128x128xf32, #tpu.memory_space<vmem>>) dst(%dma_wait3A_67 : memref<128x128xf32, #tpu.memory_space<vmem_shared>>)
      tpu.yield
    }) : () -> ()
    %add3A_9 = arith.constant 256 : i32
    %add3A_10 = arith.addi %mul3A_5, %add3A_9 : i32
    "tpu.region"() ({
      %run_scoped3A_61 = tpu.sem_alloc : memref<!tpu.dma_semaphore, #tpu.memory_space<semaphore_mem>>
      %dma_start3A = arith.constant 0 : i32
      %dma_start3A_62 = arith.constant 0 : i32
      %dma_start3A_63 = tpu.memref_slice %arg9[%dma_start3A, %dma_start3A_62] : memref<128x128xf32, #tpu.memory_space<vmem>> -> memref<72x128xf32, #tpu.memory_space<vmem>>
      %dma_start3A_64 = arith.constant 0 : i32
      %dma_start3A_65 = tpu.memref_slice %arg10[%add3A_10, %dma_start3A_64] : memref<5248x128xf32, #tpu.memory_space<vmem_shared>> -> memref<72x128xf32, #tpu.memory_space<vmem_shared>>
      %dma_start3A_66 = arith.constant 0 : i32
      %dma_start3A_67 = tpu.memref_slice %arg10[%add3A_10, %dma_start3A_66] : memref<5248x128xf32, #tpu.memory_space<vmem_shared>> -> memref<72x128xf32, #tpu.memory_space<vmem_shared>>
      %dma_start3A_68 = arith.constant 0 : i32
      %dma_start3A_69 = arith.constant 0 : i32
      %dma_start3A_70 = tpu.memref_slice %arg9[%dma_start3A_68, %dma_start3A_69] : memref<128x128xf32, #tpu.memory_space<vmem>> -> memref<72x128xf32, #tpu.memory_space<vmem>>
      tpu.enqueue_dma source(%dma_start3A_70 : memref<72x128xf32, #tpu.memory_space<vmem>>) target(%dma_start3A_67 : memref<72x128xf32, #tpu.memory_space<vmem_shared>>) target_semaphore(%run_scoped3A_61 : memref<!tpu.dma_semaphore, #tpu.memory_space<semaphore_mem>>)
      %dma_wait3A = arith.constant 0 : i32
      %dma_wait3A_71 = arith.constant 0 : i32
      %dma_wait3A_72 = tpu.memref_slice %arg9[%dma_wait3A, %dma_wait3A_71] : memref<128x128xf32, #tpu.memory_space<vmem>> -> memref<72x128xf32, #tpu.memory_space<vmem>>
      %dma_wait3A_73 = arith.constant 0 : i32
      %dma_wait3A_74 = tpu.memref_slice %arg10[%add3A_10, %dma_wait3A_73] : memref<5248x128xf32, #tpu.memory_space<vmem_shared>> -> memref<72x128xf32, #tpu.memory_space<vmem_shared>>
      %dma_wait3A_75 = arith.constant 0 : i32
      %dma_wait3A_76 = tpu.memref_slice %arg10[%add3A_10, %dma_wait3A_75] : memref<5248x128xf32, #tpu.memory_space<vmem_shared>> -> memref<72x128xf32, #tpu.memory_space<vmem_shared>>
      %dma_wait3A_77 = arith.constant 0 : i32
      %dma_wait3A_78 = arith.constant 0 : i32
      %dma_wait3A_79 = tpu.memref_slice %arg9[%dma_wait3A_77, %dma_wait3A_78] : memref<128x128xf32, #tpu.memory_space<vmem>> -> memref<72x128xf32, #tpu.memory_space<vmem>>
      tpu.wait_dma2 semaphore(%run_scoped3A_61 : memref<!tpu.dma_semaphore, #tpu.memory_space<semaphore_mem>>) src(%dma_wait3A_79 : memref<72x128xf32, #tpu.memory_space<vmem>>) dst(%dma_wait3A_76 : memref<72x128xf32, #tpu.memory_space<vmem_shared>>)
      tpu.yield
    }) : () -> ()
    %barrier3A = arith.constant 0 : index
    tpu.barrier barrier_id(%barrier3A)
    %run_scoped3A = arith.constant 0 : i32
    "tpu.region"() ({
      %run_scoped3A_61 = tpu.sem_alloc : memref<!tpu.dma_semaphore, #tpu.memory_space<semaphore_mem>>
      %dma_start3A = arith.constant 0 : i32
      %dma_start3A_62 = arith.constant 0 : i32
      %dma_start3A_63 = tpu.memref_slice %arg4[%run_scoped3A, %arg1, %dma_start3A, %dma_start3A_62] : memref<2x16x157x128xi32, #tpu.memory_space<hbm>> -> memref<1x1x157x128xi32, #tpu.memory_space<hbm>>
      %dma_start3A_64 = tpu.memref_squeeze %dma_start3A_63 : memref<1x1x157x128xi32, #tpu.memory_space<hbm>> -> memref<157x128xi32, #tpu.memory_space<hbm>>
      %dma_start3A_65 = arith.constant 0 : i32
      %dma_start3A_66 = arith.constant 0 : i32
      %dma_start3A_67 = tpu.memref_slice %arg4[%run_scoped3A, %arg1, %dma_start3A_65, %dma_start3A_66] : memref<2x16x157x128xi32, #tpu.memory_space<hbm>> -> memref<1x1x157x128xi32, #tpu.memory_space<hbm>>
      %dma_start3A_68 = tpu.memref_squeeze %dma_start3A_67 : memref<1x1x157x128xi32, #tpu.memory_space<hbm>> -> memref<157x128xi32, #tpu.memory_space<hbm>>
      tpu.enqueue_dma source(%dma_start3A_68 : memref<157x128xi32, #tpu.memory_space<hbm>>) target(%arg7 : memref<157x128xi32, #tpu.memory_space<vmem>>) target_semaphore(%run_scoped3A_61 : memref<!tpu.dma_semaphore, #tpu.memory_space<semaphore_mem>>)
      %dma_wait3A = arith.constant 0 : i32
      %dma_wait3A_69 = arith.constant 0 : i32
      %dma_wait3A_70 = tpu.memref_slice %arg4[%run_scoped3A, %arg1, %dma_wait3A, %dma_wait3A_69] : memref<2x16x157x128xi32, #tpu.memory_space<hbm>> -> memref<1x1x157x128xi32, #tpu.memory_space<hbm>>
      %dma_wait3A_71 = tpu.memref_squeeze %dma_wait3A_70 : memref<1x1x157x128xi32, #tpu.memory_space<hbm>> -> memref<157x128xi32, #tpu.memory_space<hbm>>
      %dma_wait3A_72 = arith.constant 0 : i32
      %dma_wait3A_73 = arith.constant 0 : i32
      %dma_wait3A_74 = tpu.memref_slice %arg4[%run_scoped3A, %arg1, %dma_wait3A_72, %dma_wait3A_73] : memref<2x16x157x128xi32, #tpu.memory_space<hbm>> -> memref<1x1x157x128xi32, #tpu.memory_space<hbm>>
      %dma_wait3A_75 = tpu.memref_squeeze %dma_wait3A_74 : memref<1x1x157x128xi32, #tpu.memory_space<hbm>> -> memref<157x128xi32, #tpu.memory_space<hbm>>
      tpu.wait_dma2 semaphore(%run_scoped3A_61 : memref<!tpu.dma_semaphore, #tpu.memory_space<semaphore_mem>>) src(%dma_wait3A_75 : memref<157x128xi32, #tpu.memory_space<hbm>>) dst(%arg7 : memref<157x128xi32, #tpu.memory_space<vmem>>)
      tpu.yield
    }) : () -> ()
    %scan3A_11 = arith.constant 0 : i32
    %scan3A_12 = arith.constant 157 : i32
    %scan3A_13 = arith.addi %scan3A_11, %scan3A_12 : i32
    %scan3A_14 = arith.constant 1 : i32
    scf.for %scan3A_61 = %scan3A_11 to %scan3A_13 step %scan3A_14  : i32 {
      %dma_start3A = arith.constant 0 : i32
      %dma_start3A_62 = tpu.memref_slice %arg6[%scan3A_61, %dma_start3A] : memref<157x128xi32, #tpu.memory_space<vmem>> -> memref<1x128xi32, #tpu.memory_space<vmem>>
      %dma_start3A_63 = tpu.memref_squeeze %dma_start3A_62 : memref<1x128xi32, #tpu.memory_space<vmem>> -> memref<128xi32, #tpu.memory_space<vmem>>
      %dma_start3A_64 = arith.constant 0 : i32
      %dma_start3A_65 = arith.constant 0 : i32
      %dma_start3A_66 = tpu.memref_slice %arg2[%dma_start3A_64, %dma_start3A_65] : memref<20000x128xf32, #tpu.memory_space<hbm>> -> memref<20000x128xf32, #tpu.memory_space<hbm>>
      tpu.enqueue_indirect_dma source(%dma_start3A_66 : memref<20000x128xf32, #tpu.memory_space<hbm>>) target(%arg8 : memref<128x128xf32, #tpu.memory_space<vmem>>) offsets(%dma_start3A_63 : memref<128xi32, #tpu.memory_space<vmem>>) semaphore(%arg11 : memref<!tpu.dma_semaphore, #tpu.memory_space<semaphore_mem>>)
      %dma_wait3A = arith.constant 0 : i32
      %dma_wait3A_67 = tpu.memref_slice %arg6[%scan3A_61, %dma_wait3A] : memref<157x128xi32, #tpu.memory_space<vmem>> -> memref<1x128xi32, #tpu.memory_space<vmem>>
      %dma_wait3A_68 = tpu.memref_squeeze %dma_wait3A_67 : memref<1x128xi32, #tpu.memory_space<vmem>> -> memref<128xi32, #tpu.memory_space<vmem>>
      %dma_wait3A_69 = arith.constant 0 : i32
      %dma_wait3A_70 = arith.constant 0 : i32
      %dma_wait3A_71 = tpu.memref_slice %arg2[%dma_wait3A_69, %dma_wait3A_70] : memref<20000x128xf32, #tpu.memory_space<hbm>> -> memref<20000x128xf32, #tpu.memory_space<hbm>>
      tpu.wait_indirect_dma semaphore(%arg11 : memref<!tpu.dma_semaphore, #tpu.memory_space<semaphore_mem>>) src(%dma_wait3A_71 : memref<20000x128xf32, #tpu.memory_space<hbm>>) dst(%arg8 : memref<128x128xf32, #tpu.memory_space<vmem>>)
      "tpu.region"() ({
        %run_scoped3A_72 = tpu.sem_alloc : memref<!tpu.dma_semaphore, #tpu.memory_space<semaphore_mem>>
        %dma_start3A_73 = arith.constant 0 : i32
        %dma_start3A_74 = tpu.memref_slice %arg7[%scan3A_61, %dma_start3A_73] : memref<157x128xi32, #tpu.memory_space<vmem>> -> memref<1x128xi32, #tpu.memory_space<vmem>>
        %dma_start3A_75 = tpu.memref_squeeze %dma_start3A_74 : memref<1x128xi32, #tpu.memory_space<vmem>> -> memref<128xi32, #tpu.memory_space<vmem>>
        %dma_start3A_76 = arith.constant 0 : i32
        %dma_start3A_77 = arith.constant 0 : i32
        %dma_start3A_78 = tpu.memref_slice %arg10[%dma_start3A_76, %dma_start3A_77] : memref<5248x128xf32, #tpu.memory_space<vmem_shared>> -> memref<5248x128xf32, #tpu.memory_space<vmem_shared>>
        tpu.enqueue_indirect_dma source(%arg8 : memref<128x128xf32, #tpu.memory_space<vmem>>) target(%dma_start3A_78 : memref<5248x128xf32, #tpu.memory_space<vmem_shared>>) offsets(%dma_start3A_75 : memref<128xi32, #tpu.memory_space<vmem>>) semaphore(%run_scoped3A_72 : memref<!tpu.dma_semaphore, #tpu.memory_space<semaphore_mem>>) {add = true}
        %dma_wait3A_79 = arith.constant 0 : i32
        %dma_wait3A_80 = tpu.memref_slice %arg7[%scan3A_61, %dma_wait3A_79] : memref<157x128xi32, #tpu.memory_space<vmem>> -> memref<1x128xi32, #tpu.memory_space<vmem>>
        %dma_wait3A_81 = tpu.memref_squeeze %dma_wait3A_80 : memref<1x128xi32, #tpu.memory_space<vmem>> -> memref<128xi32, #tpu.memory_space<vmem>>
        %dma_wait3A_82 = arith.constant 0 : i32
        %dma_wait3A_83 = arith.constant 0 : i32
        %dma_wait3A_84 = tpu.memref_slice %arg10[%dma_wait3A_82, %dma_wait3A_83] : memref<5248x128xf32, #tpu.memory_space<vmem_shared>> -> memref<5248x128xf32, #tpu.memory_space<vmem_shared>>
        tpu.wait_indirect_dma semaphore(%run_scoped3A_72 : memref<!tpu.dma_semaphore, #tpu.memory_space<semaphore_mem>>) src(%arg8 : memref<128x128xf32, #tpu.memory_space<vmem>>) dst(%dma_wait3A_84 : memref<5248x128xf32, #tpu.memory_space<vmem_shared>>)
        tpu.yield
      }) : () -> ()
    }
    %scan3A_15 = arith.constant 157 : i32
    %barrier3A_16 = arith.constant 0 : index
    tpu.barrier barrier_id(%barrier3A_16)
    %add3A_17 = arith.constant 0 : i32
    %add3A_18 = arith.addi %mul3A_5, %add3A_17 : i32
    "tpu.region"() ({
      %run_scoped3A_61 = tpu.sem_alloc : memref<!tpu.dma_semaphore, #tpu.memory_space<semaphore_mem>>
      %dma_start3A = arith.constant 0 : i32
      %dma_start3A_62 = tpu.memref_slice %arg10[%add3A_18, %dma_start3A] : memref<5248x128xf32, #tpu.memory_space<vmem_shared>> -> memref<128x128xf32, #tpu.memory_space<vmem_shared>>
      %dma_start3A_63 = arith.constant 0 : i32
      %dma_start3A_64 = tpu.memref_slice %arg10[%add3A_18, %dma_start3A_63] : memref<5248x128xf32, #tpu.memory_space<vmem_shared>> -> memref<128x128xf32, #tpu.memory_space<vmem_shared>>
      tpu.enqueue_dma source(%dma_start3A_64 : memref<128x128xf32, #tpu.memory_space<vmem_shared>>) target(%arg8 : memref<128x128xf32, #tpu.memory_space<vmem>>) target_semaphore(%run_scoped3A_61 : memref<!tpu.dma_semaphore, #tpu.memory_space<semaphore_mem>>)
      %dma_wait3A = arith.constant 0 : i32
      %dma_wait3A_65 = tpu.memref_slice %arg10[%add3A_18, %dma_wait3A] : memref<5248x128xf32, #tpu.memory_space<vmem_shared>> -> memref<128x128xf32, #tpu.memory_space<vmem_shared>>
      %dma_wait3A_66 = arith.constant 0 : i32
      %dma_wait3A_67 = tpu.memref_slice %arg10[%add3A_18, %dma_wait3A_66] : memref<5248x128xf32, #tpu.memory_space<vmem_shared>> -> memref<128x128xf32, #tpu.memory_space<vmem_shared>>
      tpu.wait_dma2 semaphore(%run_scoped3A_61 : memref<!tpu.dma_semaphore, #tpu.memory_space<semaphore_mem>>) src(%dma_wait3A_67 : memref<128x128xf32, #tpu.memory_space<vmem_shared>>) dst(%arg8 : memref<128x128xf32, #tpu.memory_space<vmem>>)
      tpu.yield
    }) : () -> ()
    %add3A_19 = arith.constant 0 : i32
    %add3A_20 = arith.addi %mul3A_5, %add3A_19 : i32
    %run_scoped3A_21 = arith.constant 0 : i32
    "tpu.region"() ({
      %run_scoped3A_61 = tpu.sem_alloc : memref<!tpu.dma_semaphore, #tpu.memory_space<semaphore_mem>>
      %dma_start3A = arith.constant 0 : i32
      %dma_start3A_62 = tpu.memref_slice %arg5[%arg0, %run_scoped3A_21, %add3A_20, %dma_start3A] : memref<2x2x5248x128xf32, #tpu.memory_space<hbm>> -> memref<1x1x128x128xf32, #tpu.memory_space<hbm>>
      %dma_start3A_63 = tpu.memref_squeeze %dma_start3A_62 : memref<1x1x128x128xf32, #tpu.memory_space<hbm>> -> memref<128x128xf32, #tpu.memory_space<hbm>>
      %dma_start3A_64 = arith.constant 0 : i32
      %dma_start3A_65 = tpu.memref_slice %arg5[%arg0, %run_scoped3A_21, %add3A_20, %dma_start3A_64] : memref<2x2x5248x128xf32, #tpu.memory_space<hbm>> -> memref<1x1x128x128xf32, #tpu.memory_space<hbm>>
      %dma_start3A_66 = tpu.memref_squeeze %dma_start3A_65 : memref<1x1x128x128xf32, #tpu.memory_space<hbm>> -> memref<128x128xf32, #tpu.memory_space<hbm>>
      tpu.enqueue_dma source(%arg8 : memref<128x128xf32, #tpu.memory_space<vmem>>) target(%dma_start3A_66 : memref<128x128xf32, #tpu.memory_space<hbm>>) target_semaphore(%run_scoped3A_61 : memref<!tpu.dma_semaphore, #tpu.memory_space<semaphore_mem>>)
      %dma_wait3A = arith.constant 0 : i32
      %dma_wait3A_67 = tpu.memref_slice %arg5[%arg0, %run_scoped3A_21, %add3A_20, %dma_wait3A] : memref<2x2x5248x128xf32, #tpu.memory_space<hbm>> -> memref<1x1x128x128xf32, #tpu.memory_space<hbm>>
      %dma_wait3A_68 = tpu.memref_squeeze %dma_wait3A_67 : memref<1x1x128x128xf32, #tpu.memory_space<hbm>> -> memref<128x128xf32, #tpu.memory_space<hbm>>
      %dma_wait3A_69 = arith.constant 0 : i32
      %dma_wait3A_70 = tpu.memref_slice %arg5[%arg0, %run_scoped3A_21, %add3A_20, %dma_wait3A_69] : memref<2x2x5248x128xf32, #tpu.memory_space<hbm>> -> memref<1x1x128x128xf32, #tpu.memory_space<hbm>>
      %dma_wait3A_71 = tpu.memref_squeeze %dma_wait3A_70 : memref<1x1x128x128xf32, #tpu.memory_space<hbm>> -> memref<128x128xf32, #tpu.memory_space<hbm>>
      tpu.wait_dma2 semaphore(%run_scoped3A_61 : memref<!tpu.dma_semaphore, #tpu.memory_space<semaphore_mem>>) src(%arg8 : memref<128x128xf32, #tpu.memory_space<vmem>>) dst(%dma_wait3A_71 : memref<128x128xf32, #tpu.memory_space<hbm>>)
      tpu.yield
    }) : () -> ()
    %add3A_22 = arith.constant 128 : i32
    %add3A_23 = arith.addi %mul3A_5, %add3A_22 : i32
    "tpu.region"() ({
      %run_scoped3A_61 = tpu.sem_alloc : memref<!tpu.dma_semaphore, #tpu.memory_space<semaphore_mem>>
      %dma_start3A = arith.constant 0 : i32
      %dma_start3A_62 = tpu.memref_slice %arg10[%add3A_23, %dma_start3A] : memref<5248x128xf32, #tpu.memory_space<vmem_shared>> -> memref<128x128xf32, #tpu.memory_space<vmem_shared>>
      %dma_start3A_63 = arith.constant 0 : i32
      %dma_start3A_64 = tpu.memref_slice %arg10[%add3A_23, %dma_start3A_63] : memref<5248x128xf32, #tpu.memory_space<vmem_shared>> -> memref<128x128xf32, #tpu.memory_space<vmem_shared>>
      tpu.enqueue_dma source(%dma_start3A_64 : memref<128x128xf32, #tpu.memory_space<vmem_shared>>) target(%arg8 : memref<128x128xf32, #tpu.memory_space<vmem>>) target_semaphore(%run_scoped3A_61 : memref<!tpu.dma_semaphore, #tpu.memory_space<semaphore_mem>>)
      %dma_wait3A = arith.constant 0 : i32
      %dma_wait3A_65 = tpu.memref_slice %arg10[%add3A_23, %dma_wait3A] : memref<5248x128xf32, #tpu.memory_space<vmem_shared>> -> memref<128x128xf32, #tpu.memory_space<vmem_shared>>
      %dma_wait3A_66 = arith.constant 0 : i32
      %dma_wait3A_67 = tpu.memref_slice %arg10[%add3A_23, %dma_wait3A_66] : memref<5248x128xf32, #tpu.memory_space<vmem_shared>> -> memref<128x128xf32, #tpu.memory_space<vmem_shared>>
      tpu.wait_dma2 semaphore(%run_scoped3A_61 : memref<!tpu.dma_semaphore, #tpu.memory_space<semaphore_mem>>) src(%dma_wait3A_67 : memref<128x128xf32, #tpu.memory_space<vmem_shared>>) dst(%arg8 : memref<128x128xf32, #tpu.memory_space<vmem>>)
      tpu.yield
    }) : () -> ()
    %add3A_24 = arith.constant 128 : i32
    %add3A_25 = arith.addi %mul3A_5, %add3A_24 : i32
    %run_scoped3A_26 = arith.constant 0 : i32
    "tpu.region"() ({
      %run_scoped3A_61 = tpu.sem_alloc : memref<!tpu.dma_semaphore, #tpu.memory_space<semaphore_mem>>
      %dma_start3A = arith.constant 0 : i32
      %dma_start3A_62 = tpu.memref_slice %arg5[%arg0, %run_scoped3A_26, %add3A_25, %dma_start3A] : memref<2x2x5248x128xf32, #tpu.memory_space<hbm>> -> memref<1x1x128x128xf32, #tpu.memory_space<hbm>>
      %dma_start3A_63 = tpu.memref_squeeze %dma_start3A_62 : memref<1x1x128x128xf32, #tpu.memory_space<hbm>> -> memref<128x128xf32, #tpu.memory_space<hbm>>
      %dma_start3A_64 = arith.constant 0 : i32
      %dma_start3A_65 = tpu.memref_slice %arg5[%arg0, %run_scoped3A_26, %add3A_25, %dma_start3A_64] : memref<2x2x5248x128xf32, #tpu.memory_space<hbm>> -> memref<1x1x128x128xf32, #tpu.memory_space<hbm>>
      %dma_start3A_66 = tpu.memref_squeeze %dma_start3A_65 : memref<1x1x128x128xf32, #tpu.memory_space<hbm>> -> memref<128x128xf32, #tpu.memory_space<hbm>>
      tpu.enqueue_dma source(%arg8 : memref<128x128xf32, #tpu.memory_space<vmem>>) target(%dma_start3A_66 : memref<128x128xf32, #tpu.memory_space<hbm>>) target_semaphore(%run_scoped3A_61 : memref<!tpu.dma_semaphore, #tpu.memory_space<semaphore_mem>>)
      %dma_wait3A = arith.constant 0 : i32
      %dma_wait3A_67 = tpu.memref_slice %arg5[%arg0, %run_scoped3A_26, %add3A_25, %dma_wait3A] : memref<2x2x5248x128xf32, #tpu.memory_space<hbm>> -> memref<1x1x128x128xf32, #tpu.memory_space<hbm>>
      %dma_wait3A_68 = tpu.memref_squeeze %dma_wait3A_67 : memref<1x1x128x128xf32, #tpu.memory_space<hbm>> -> memref<128x128xf32, #tpu.memory_space<hbm>>
      %dma_wait3A_69 = arith.constant 0 : i32
      %dma_wait3A_70 = tpu.memref_slice %arg5[%arg0, %run_scoped3A_26, %add3A_25, %dma_wait3A_69] : memref<2x2x5248x128xf32, #tpu.memory_space<hbm>> -> memref<1x1x128x128xf32, #tpu.memory_space<hbm>>
      %dma_wait3A_71 = tpu.memref_squeeze %dma_wait3A_70 : memref<1x1x128x128xf32, #tpu.memory_space<hbm>> -> memref<128x128xf32, #tpu.memory_space<hbm>>
      tpu.wait_dma2 semaphore(%run_scoped3A_61 : memref<!tpu.dma_semaphore, #tpu.memory_space<semaphore_mem>>) src(%arg8 : memref<128x128xf32, #tpu.memory_space<vmem>>) dst(%dma_wait3A_71 : memref<128x128xf32, #tpu.memory_space<hbm>>)
      tpu.yield
    }) : () -> ()
    %add3A_27 = arith.constant 256 : i32
    %add3A_28 = arith.addi %mul3A_5, %add3A_27 : i32
    "tpu.region"() ({
      %run_scoped3A_61 = tpu.sem_alloc : memref<!tpu.dma_semaphore, #tpu.memory_space<semaphore_mem>>
      %dma_start3A = arith.constant 0 : i32
      %dma_start3A_62 = arith.constant 0 : i32
      %dma_start3A_63 = tpu.memref_slice %arg8[%dma_start3A, %dma_start3A_62] : memref<128x128xf32, #tpu.memory_space<vmem>> -> memref<72x128xf32, #tpu.memory_space<vmem>>
      %dma_start3A_64 = arith.constant 0 : i32
      %dma_start3A_65 = tpu.memref_slice %arg10[%add3A_28, %dma_start3A_64] : memref<5248x128xf32, #tpu.memory_space<vmem_shared>> -> memref<72x128xf32, #tpu.memory_space<vmem_shared>>
      %dma_start3A_66 = arith.constant 0 : i32
      %dma_start3A_67 = arith.constant 0 : i32
      %dma_start3A_68 = tpu.memref_slice %arg8[%dma_start3A_66, %dma_start3A_67] : memref<128x128xf32, #tpu.memory_space<vmem>> -> memref<72x128xf32, #tpu.memory_space<vmem>>
      %dma_start3A_69 = arith.constant 0 : i32
      %dma_start3A_70 = tpu.memref_slice %arg10[%add3A_28, %dma_start3A_69] : memref<5248x128xf32, #tpu.memory_space<vmem_shared>> -> memref<72x128xf32, #tpu.memory_space<vmem_shared>>
      tpu.enqueue_dma source(%dma_start3A_70 : memref<72x128xf32, #tpu.memory_space<vmem_shared>>) target(%dma_start3A_68 : memref<72x128xf32, #tpu.memory_space<vmem>>) target_semaphore(%run_scoped3A_61 : memref<!tpu.dma_semaphore, #tpu.memory_space<semaphore_mem>>)
      %dma_wait3A = arith.constant 0 : i32
      %dma_wait3A_71 = arith.constant 0 : i32
      %dma_wait3A_72 = tpu.memref_slice %arg8[%dma_wait3A, %dma_wait3A_71] : memref<128x128xf32, #tpu.memory_space<vmem>> -> memref<72x128xf32, #tpu.memory_space<vmem>>
      %dma_wait3A_73 = arith.constant 0 : i32
      %dma_wait3A_74 = tpu.memref_slice %arg10[%add3A_28, %dma_wait3A_73] : memref<5248x128xf32, #tpu.memory_space<vmem_shared>> -> memref<72x128xf32, #tpu.memory_space<vmem_shared>>
      %dma_wait3A_75 = arith.constant 0 : i32
      %dma_wait3A_76 = arith.constant 0 : i32
      %dma_wait3A_77 = tpu.memref_slice %arg8[%dma_wait3A_75, %dma_wait3A_76] : memref<128x128xf32, #tpu.memory_space<vmem>> -> memref<72x128xf32, #tpu.memory_space<vmem>>
      %dma_wait3A_78 = arith.constant 0 : i32
      %dma_wait3A_79 = tpu.memref_slice %arg10[%add3A_28, %dma_wait3A_78] : memref<5248x128xf32, #tpu.memory_space<vmem_shared>> -> memref<72x128xf32, #tpu.memory_space<vmem_shared>>
      tpu.wait_dma2 semaphore(%run_scoped3A_61 : memref<!tpu.dma_semaphore, #tpu.memory_space<semaphore_mem>>) src(%dma_wait3A_79 : memref<72x128xf32, #tpu.memory_space<vmem_shared>>) dst(%dma_wait3A_77 : memref<72x128xf32, #tpu.memory_space<vmem>>)
      tpu.yield
    }) : () -> ()
    %add3A_29 = arith.constant 256 : i32
    %add3A_30 = arith.addi %mul3A_5, %add3A_29 : i32
    %run_scoped3A_31 = arith.constant 0 : i32
    "tpu.region"() ({
      %run_scoped3A_61 = tpu.sem_alloc : memref<!tpu.dma_semaphore, #tpu.memory_space<semaphore_mem>>
      %dma_start3A = arith.constant 0 : i32
      %dma_start3A_62 = arith.constant 0 : i32
      %dma_start3A_63 = tpu.memref_slice %arg8[%dma_start3A, %dma_start3A_62] : memref<128x128xf32, #tpu.memory_space<vmem>> -> memref<72x128xf32, #tpu.memory_space<vmem>>
      %dma_start3A_64 = arith.constant 0 : i32
      %dma_start3A_65 = tpu.memref_slice %arg5[%arg0, %run_scoped3A_31, %add3A_30, %dma_start3A_64] : memref<2x2x5248x128xf32, #tpu.memory_space<hbm>> -> memref<1x1x72x128xf32, #tpu.memory_space<hbm>>
      %dma_start3A_66 = tpu.memref_squeeze %dma_start3A_65 : memref<1x1x72x128xf32, #tpu.memory_space<hbm>> -> memref<72x128xf32, #tpu.memory_space<hbm>>
      %dma_start3A_67 = arith.constant 0 : i32
      %dma_start3A_68 = tpu.memref_slice %arg5[%arg0, %run_scoped3A_31, %add3A_30, %dma_start3A_67] : memref<2x2x5248x128xf32, #tpu.memory_space<hbm>> -> memref<1x1x72x128xf32, #tpu.memory_space<hbm>>
      %dma_start3A_69 = tpu.memref_squeeze %dma_start3A_68 : memref<1x1x72x128xf32, #tpu.memory_space<hbm>> -> memref<72x128xf32, #tpu.memory_space<hbm>>
      %dma_start3A_70 = arith.constant 0 : i32
      %dma_start3A_71 = arith.constant 0 : i32
      %dma_start3A_72 = tpu.memref_slice %arg8[%dma_start3A_70, %dma_start3A_71] : memref<128x128xf32, #tpu.memory_space<vmem>> -> memref<72x128xf32, #tpu.memory_space<vmem>>
      tpu.enqueue_dma source(%dma_start3A_72 : memref<72x128xf32, #tpu.memory_space<vmem>>) target(%dma_start3A_69 : memref<72x128xf32, #tpu.memory_space<hbm>>) target_semaphore(%run_scoped3A_61 : memref<!tpu.dma_semaphore, #tpu.memory_space<semaphore_mem>>)
      %dma_wait3A = arith.constant 0 : i32
      %dma_wait3A_73 = arith.constant 0 : i32
      %dma_wait3A_74 = tpu.memref_slice %arg8[%dma_wait3A, %dma_wait3A_73] : memref<128x128xf32, #tpu.memory_space<vmem>> -> memref<72x128xf32, #tpu.memory_space<vmem>>
      %dma_wait3A_75 = arith.constant 0 : i32
      %dma_wait3A_76 = tpu.memref_slice %arg5[%arg0, %run_scoped3A_31, %add3A_30, %dma_wait3A_75] : memref<2x2x5248x128xf32, #tpu.memory_space<hbm>> -> memref<1x1x72x128xf32, #tpu.memory_space<hbm>>
      %dma_wait3A_77 = tpu.memref_squeeze %dma_wait3A_76 : memref<1x1x72x128xf32, #tpu.memory_space<hbm>> -> memref<72x128xf32, #tpu.memory_space<hbm>>
      %dma_wait3A_78 = arith.constant 0 : i32
      %dma_wait3A_79 = tpu.memref_slice %arg5[%arg0, %run_scoped3A_31, %add3A_30, %dma_wait3A_78] : memref<2x2x5248x128xf32, #tpu.memory_space<hbm>> -> memref<1x1x72x128xf32, #tpu.memory_space<hbm>>
      %dma_wait3A_80 = tpu.memref_squeeze %dma_wait3A_79 : memref<1x1x72x128xf32, #tpu.memory_space<hbm>> -> memref<72x128xf32, #tpu.memory_space<hbm>>
      %dma_wait3A_81 = arith.constant 0 : i32
      %dma_wait3A_82 = arith.constant 0 : i32
      %dma_wait3A_83 = tpu.memref_slice %arg8[%dma_wait3A_81, %dma_wait3A_82] : memref<128x128xf32, #tpu.memory_space<vmem>> -> memref<72x128xf32, #tpu.memory_space<vmem>>
      tpu.wait_dma2 semaphore(%run_scoped3A_61 : memref<!tpu.dma_semaphore, #tpu.memory_space<semaphore_mem>>) src(%dma_wait3A_83 : memref<72x128xf32, #tpu.memory_space<vmem>>) dst(%dma_wait3A_80 : memref<72x128xf32, #tpu.memory_space<hbm>>)
      tpu.yield
    }) : () -> ()
    %add3A_32 = arith.constant 0 : i32
    %add3A_33 = arith.addi %mul3A_5, %add3A_32 : i32
    "tpu.region"() ({
      %run_scoped3A_61 = tpu.sem_alloc : memref<!tpu.dma_semaphore, #tpu.memory_space<semaphore_mem>>
      %dma_start3A = arith.constant 0 : i32
      %dma_start3A_62 = tpu.memref_slice %arg10[%add3A_33, %dma_start3A] : memref<5248x128xf32, #tpu.memory_space<vmem_shared>> -> memref<128x128xf32, #tpu.memory_space<vmem_shared>>
      %dma_start3A_63 = arith.constant 0 : i32
      %dma_start3A_64 = tpu.memref_slice %arg10[%add3A_33, %dma_start3A_63] : memref<5248x128xf32, #tpu.memory_space<vmem_shared>> -> memref<128x128xf32, #tpu.memory_space<vmem_shared>>
      tpu.enqueue_dma source(%arg9 : memref<128x128xf32, #tpu.memory_space<vmem>>) target(%dma_start3A_64 : memref<128x128xf32, #tpu.memory_space<vmem_shared>>) target_semaphore(%run_scoped3A_61 : memref<!tpu.dma_semaphore, #tpu.memory_space<semaphore_mem>>)
      %dma_wait3A = arith.constant 0 : i32
      %dma_wait3A_65 = tpu.memref_slice %arg10[%add3A_33, %dma_wait3A] : memref<5248x128xf32, #tpu.memory_space<vmem_shared>> -> memref<128x128xf32, #tpu.memory_space<vmem_shared>>
      %dma_wait3A_66 = arith.constant 0 : i32
      %dma_wait3A_67 = tpu.memref_slice %arg10[%add3A_33, %dma_wait3A_66] : memref<5248x128xf32, #tpu.memory_space<vmem_shared>> -> memref<128x128xf32, #tpu.memory_space<vmem_shared>>
      tpu.wait_dma2 semaphore(%run_scoped3A_61 : memref<!tpu.dma_semaphore, #tpu.memory_space<semaphore_mem>>) src(%arg9 : memref<128x128xf32, #tpu.memory_space<vmem>>) dst(%dma_wait3A_67 : memref<128x128xf32, #tpu.memory_space<vmem_shared>>)
      tpu.yield
    }) : () -> ()
    %add3A_34 = arith.constant 128 : i32
    %add3A_35 = arith.addi %mul3A_5, %add3A_34 : i32
    "tpu.region"() ({
      %run_scoped3A_61 = tpu.sem_alloc : memref<!tpu.dma_semaphore, #tpu.memory_space<semaphore_mem>>
      %dma_start3A = arith.constant 0 : i32
      %dma_start3A_62 = tpu.memref_slice %arg10[%add3A_35, %dma_start3A] : memref<5248x128xf32, #tpu.memory_space<vmem_shared>> -> memref<128x128xf32, #tpu.memory_space<vmem_shared>>
      %dma_start3A_63 = arith.constant 0 : i32
      %dma_start3A_64 = tpu.memref_slice %arg10[%add3A_35, %dma_start3A_63] : memref<5248x128xf32, #tpu.memory_space<vmem_shared>> -> memref<128x128xf32, #tpu.memory_space<vmem_shared>>
      tpu.enqueue_dma source(%arg9 : memref<128x128xf32, #tpu.memory_space<vmem>>) target(%dma_start3A_64 : memref<128x128xf32, #tpu.memory_space<vmem_shared>>) target_semaphore(%run_scoped3A_61 : memref<!tpu.dma_semaphore, #tpu.memory_space<semaphore_mem>>)
      %dma_wait3A = arith.constant 0 : i32
      %dma_wait3A_65 = tpu.memref_slice %arg10[%add3A_35, %dma_wait3A] : memref<5248x128xf32, #tpu.memory_space<vmem_shared>> -> memref<128x128xf32, #tpu.memory_space<vmem_shared>>
      %dma_wait3A_66 = arith.constant 0 : i32
      %dma_wait3A_67 = tpu.memref_slice %arg10[%add3A_35, %dma_wait3A_66] : memref<5248x128xf32, #tpu.memory_space<vmem_shared>> -> memref<128x128xf32, #tpu.memory_space<vmem_shared>>
      tpu.wait_dma2 semaphore(%run_scoped3A_61 : memref<!tpu.dma_semaphore, #tpu.memory_space<semaphore_mem>>) src(%arg9 : memref<128x128xf32, #tpu.memory_space<vmem>>) dst(%dma_wait3A_67 : memref<128x128xf32, #tpu.memory_space<vmem_shared>>)
      tpu.yield
    }) : () -> ()
    %add3A_36 = arith.constant 256 : i32
    %add3A_37 = arith.addi %mul3A_5, %add3A_36 : i32
    "tpu.region"() ({
      %run_scoped3A_61 = tpu.sem_alloc : memref<!tpu.dma_semaphore, #tpu.memory_space<semaphore_mem>>
      %dma_start3A = arith.constant 0 : i32
      %dma_start3A_62 = arith.constant 0 : i32
      %dma_start3A_63 = tpu.memref_slice %arg9[%dma_start3A, %dma_start3A_62] : memref<128x128xf32, #tpu.memory_space<vmem>> -> memref<72x128xf32, #tpu.memory_space<vmem>>
      %dma_start3A_64 = arith.constant 0 : i32
      %dma_start3A_65 = tpu.memref_slice %arg10[%add3A_37, %dma_start3A_64] : memref<5248x128xf32, #tpu.memory_space<vmem_shared>> -> memref<72x128xf32, #tpu.memory_space<vmem_shared>>
      %dma_start3A_66 = arith.constant 0 : i32
      %dma_start3A_67 = tpu.memref_slice %arg10[%add3A_37, %dma_start3A_66] : memref<5248x128xf32, #tpu.memory_space<vmem_shared>> -> memref<72x128xf32, #tpu.memory_space<vmem_shared>>
      %dma_start3A_68 = arith.constant 0 : i32
      %dma_start3A_69 = arith.constant 0 : i32
      %dma_start3A_70 = tpu.memref_slice %arg9[%dma_start3A_68, %dma_start3A_69] : memref<128x128xf32, #tpu.memory_space<vmem>> -> memref<72x128xf32, #tpu.memory_space<vmem>>
      tpu.enqueue_dma source(%dma_start3A_70 : memref<72x128xf32, #tpu.memory_space<vmem>>) target(%dma_start3A_67 : memref<72x128xf32, #tpu.memory_space<vmem_shared>>) target_semaphore(%run_scoped3A_61 : memref<!tpu.dma_semaphore, #tpu.memory_space<semaphore_mem>>)
      %dma_wait3A = arith.constant 0 : i32
      %dma_wait3A_71 = arith.constant 0 : i32
      %dma_wait3A_72 = tpu.memref_slice %arg9[%dma_wait3A, %dma_wait3A_71] : memref<128x128xf32, #tpu.memory_space<vmem>> -> memref<72x128xf32, #tpu.memory_space<vmem>>
      %dma_wait3A_73 = arith.constant 0 : i32
      %dma_wait3A_74 = tpu.memref_slice %arg10[%add3A_37, %dma_wait3A_73] : memref<5248x128xf32, #tpu.memory_space<vmem_shared>> -> memref<72x128xf32, #tpu.memory_space<vmem_shared>>
      %dma_wait3A_75 = arith.constant 0 : i32
      %dma_wait3A_76 = tpu.memref_slice %arg10[%add3A_37, %dma_wait3A_75] : memref<5248x128xf32, #tpu.memory_space<vmem_shared>> -> memref<72x128xf32, #tpu.memory_space<vmem_shared>>
      %dma_wait3A_77 = arith.constant 0 : i32
      %dma_wait3A_78 = arith.constant 0 : i32
      %dma_wait3A_79 = tpu.memref_slice %arg9[%dma_wait3A_77, %dma_wait3A_78] : memref<128x128xf32, #tpu.memory_space<vmem>> -> memref<72x128xf32, #tpu.memory_space<vmem>>
      tpu.wait_dma2 semaphore(%run_scoped3A_61 : memref<!tpu.dma_semaphore, #tpu.memory_space<semaphore_mem>>) src(%dma_wait3A_79 : memref<72x128xf32, #tpu.memory_space<vmem>>) dst(%dma_wait3A_76 : memref<72x128xf32, #tpu.memory_space<vmem_shared>>)
      tpu.yield
    }) : () -> ()
    %barrier3A_38 = arith.constant 0 : index
    tpu.barrier barrier_id(%barrier3A_38)
    %run_scoped3A_39 = arith.constant 1 : i32
    "tpu.region"() ({
      %run_scoped3A_61 = tpu.sem_alloc : memref<!tpu.dma_semaphore, #tpu.memory_space<semaphore_mem>>
      %dma_start3A = arith.constant 0 : i32
      %dma_start3A_62 = arith.constant 0 : i32
      %dma_start3A_63 = tpu.memref_slice %arg4[%run_scoped3A_39, %arg1, %dma_start3A, %dma_start3A_62] : memref<2x16x157x128xi32, #tpu.memory_space<hbm>> -> memref<1x1x157x128xi32, #tpu.memory_space<hbm>>
      %dma_start3A_64 = tpu.memref_squeeze %dma_start3A_63 : memref<1x1x157x128xi32, #tpu.memory_space<hbm>> -> memref<157x128xi32, #tpu.memory_space<hbm>>
      %dma_start3A_65 = arith.constant 0 : i32
      %dma_start3A_66 = arith.constant 0 : i32
      %dma_start3A_67 = tpu.memref_slice %arg4[%run_scoped3A_39, %arg1, %dma_start3A_65, %dma_start3A_66] : memref<2x16x157x128xi32, #tpu.memory_space<hbm>> -> memref<1x1x157x128xi32, #tpu.memory_space<hbm>>
      %dma_start3A_68 = tpu.memref_squeeze %dma_start3A_67 : memref<1x1x157x128xi32, #tpu.memory_space<hbm>> -> memref<157x128xi32, #tpu.memory_space<hbm>>
      tpu.enqueue_dma source(%dma_start3A_68 : memref<157x128xi32, #tpu.memory_space<hbm>>) target(%arg7 : memref<157x128xi32, #tpu.memory_space<vmem>>) target_semaphore(%run_scoped3A_61 : memref<!tpu.dma_semaphore, #tpu.memory_space<semaphore_mem>>)
      %dma_wait3A = arith.constant 0 : i32
      %dma_wait3A_69 = arith.constant 0 : i32
      %dma_wait3A_70 = tpu.memref_slice %arg4[%run_scoped3A_39, %arg1, %dma_wait3A, %dma_wait3A_69] : memref<2x16x157x128xi32, #tpu.memory_space<hbm>> -> memref<1x1x157x128xi32, #tpu.memory_space<hbm>>
      %dma_wait3A_71 = tpu.memref_squeeze %dma_wait3A_70 : memref<1x1x157x128xi32, #tpu.memory_space<hbm>> -> memref<157x128xi32, #tpu.memory_space<hbm>>
      %dma_wait3A_72 = arith.constant 0 : i32
      %dma_wait3A_73 = arith.constant 0 : i32
      %dma_wait3A_74 = tpu.memref_slice %arg4[%run_scoped3A_39, %arg1, %dma_wait3A_72, %dma_wait3A_73] : memref<2x16x157x128xi32, #tpu.memory_space<hbm>> -> memref<1x1x157x128xi32, #tpu.memory_space<hbm>>
      %dma_wait3A_75 = tpu.memref_squeeze %dma_wait3A_74 : memref<1x1x157x128xi32, #tpu.memory_space<hbm>> -> memref<157x128xi32, #tpu.memory_space<hbm>>
      tpu.wait_dma2 semaphore(%run_scoped3A_61 : memref<!tpu.dma_semaphore, #tpu.memory_space<semaphore_mem>>) src(%dma_wait3A_75 : memref<157x128xi32, #tpu.memory_space<hbm>>) dst(%arg7 : memref<157x128xi32, #tpu.memory_space<vmem>>)
      tpu.yield
    }) : () -> ()
    %scan3A_40 = arith.constant 0 : i32
    %scan3A_41 = arith.constant 157 : i32
    %scan3A_42 = arith.addi %scan3A_40, %scan3A_41 : i32
    %scan3A_43 = arith.constant 1 : i32
    scf.for %scan3A_61 = %scan3A_40 to %scan3A_42 step %scan3A_43  : i32 {
      %dma_start3A = arith.constant 0 : i32
      %dma_start3A_62 = tpu.memref_slice %arg6[%scan3A_61, %dma_start3A] : memref<157x128xi32, #tpu.memory_space<vmem>> -> memref<1x128xi32, #tpu.memory_space<vmem>>
      %dma_start3A_63 = tpu.memref_squeeze %dma_start3A_62 : memref<1x128xi32, #tpu.memory_space<vmem>> -> memref<128xi32, #tpu.memory_space<vmem>>
      %dma_start3A_64 = arith.constant 0 : i32
      %dma_start3A_65 = arith.constant 0 : i32
      %dma_start3A_66 = tpu.memref_slice %arg2[%dma_start3A_64, %dma_start3A_65] : memref<20000x128xf32, #tpu.memory_space<hbm>> -> memref<20000x128xf32, #tpu.memory_space<hbm>>
      tpu.enqueue_indirect_dma source(%dma_start3A_66 : memref<20000x128xf32, #tpu.memory_space<hbm>>) target(%arg8 : memref<128x128xf32, #tpu.memory_space<vmem>>) offsets(%dma_start3A_63 : memref<128xi32, #tpu.memory_space<vmem>>) semaphore(%arg11 : memref<!tpu.dma_semaphore, #tpu.memory_space<semaphore_mem>>)
      %dma_wait3A = arith.constant 0 : i32
      %dma_wait3A_67 = tpu.memref_slice %arg6[%scan3A_61, %dma_wait3A] : memref<157x128xi32, #tpu.memory_space<vmem>> -> memref<1x128xi32, #tpu.memory_space<vmem>>
      %dma_wait3A_68 = tpu.memref_squeeze %dma_wait3A_67 : memref<1x128xi32, #tpu.memory_space<vmem>> -> memref<128xi32, #tpu.memory_space<vmem>>
      %dma_wait3A_69 = arith.constant 0 : i32
      %dma_wait3A_70 = arith.constant 0 : i32
      %dma_wait3A_71 = tpu.memref_slice %arg2[%dma_wait3A_69, %dma_wait3A_70] : memref<20000x128xf32, #tpu.memory_space<hbm>> -> memref<20000x128xf32, #tpu.memory_space<hbm>>
      tpu.wait_indirect_dma semaphore(%arg11 : memref<!tpu.dma_semaphore, #tpu.memory_space<semaphore_mem>>) src(%dma_wait3A_71 : memref<20000x128xf32, #tpu.memory_space<hbm>>) dst(%arg8 : memref<128x128xf32, #tpu.memory_space<vmem>>)
      "tpu.region"() ({
        %run_scoped3A_72 = tpu.sem_alloc : memref<!tpu.dma_semaphore, #tpu.memory_space<semaphore_mem>>
        %dma_start3A_73 = arith.constant 0 : i32
        %dma_start3A_74 = tpu.memref_slice %arg7[%scan3A_61, %dma_start3A_73] : memref<157x128xi32, #tpu.memory_space<vmem>> -> memref<1x128xi32, #tpu.memory_space<vmem>>
        %dma_start3A_75 = tpu.memref_squeeze %dma_start3A_74 : memref<1x128xi32, #tpu.memory_space<vmem>> -> memref<128xi32, #tpu.memory_space<vmem>>
        %dma_start3A_76 = arith.constant 0 : i32
        %dma_start3A_77 = arith.constant 0 : i32
        %dma_start3A_78 = tpu.memref_slice %arg10[%dma_start3A_76, %dma_start3A_77] : memref<5248x128xf32, #tpu.memory_space<vmem_shared>> -> memref<5248x128xf32, #tpu.memory_space<vmem_shared>>
        tpu.enqueue_indirect_dma source(%arg8 : memref<128x128xf32, #tpu.memory_space<vmem>>) target(%dma_start3A_78 : memref<5248x128xf32, #tpu.memory_space<vmem_shared>>) offsets(%dma_start3A_75 : memref<128xi32, #tpu.memory_space<vmem>>) semaphore(%run_scoped3A_72 : memref<!tpu.dma_semaphore, #tpu.memory_space<semaphore_mem>>) {add = true}
        %dma_wait3A_79 = arith.constant 0 : i32
        %dma_wait3A_80 = tpu.memref_slice %arg7[%scan3A_61, %dma_wait3A_79] : memref<157x128xi32, #tpu.memory_space<vmem>> -> memref<1x128xi32, #tpu.memory_space<vmem>>
        %dma_wait3A_81 = tpu.memref_squeeze %dma_wait3A_80 : memref<1x128xi32, #tpu.memory_space<vmem>> -> memref<128xi32, #tpu.memory_space<vmem>>
        %dma_wait3A_82 = arith.constant 0 : i32
        %dma_wait3A_83 = arith.constant 0 : i32
        %dma_wait3A_84 = tpu.memref_slice %arg10[%dma_wait3A_82, %dma_wait3A_83] : memref<5248x128xf32, #tpu.memory_space<vmem_shared>> -> memref<5248x128xf32, #tpu.memory_space<vmem_shared>>
        tpu.wait_indirect_dma semaphore(%run_scoped3A_72 : memref<!tpu.dma_semaphore, #tpu.memory_space<semaphore_mem>>) src(%arg8 : memref<128x128xf32, #tpu.memory_space<vmem>>) dst(%dma_wait3A_84 : memref<5248x128xf32, #tpu.memory_space<vmem_shared>>)
        tpu.yield
      }) : () -> ()
    }
    %scan3A_44 = arith.constant 157 : i32
    %barrier3A_45 = arith.constant 0 : index
    tpu.barrier barrier_id(%barrier3A_45)
    %add3A_46 = arith.constant 0 : i32
    %add3A_47 = arith.addi %mul3A_5, %add3A_46 : i32
    "tpu.region"() ({
      %run_scoped3A_61 = tpu.sem_alloc : memref<!tpu.dma_semaphore, #tpu.memory_space<semaphore_mem>>
      %dma_start3A = arith.constant 0 : i32
      %dma_start3A_62 = tpu.memref_slice %arg10[%add3A_47, %dma_start3A] : memref<5248x128xf32, #tpu.memory_space<vmem_shared>> -> memref<128x128xf32, #tpu.memory_space<vmem_shared>>
      %dma_start3A_63 = arith.constant 0 : i32
      %dma_start3A_64 = tpu.memref_slice %arg10[%add3A_47, %dma_start3A_63] : memref<5248x128xf32, #tpu.memory_space<vmem_shared>> -> memref<128x128xf32, #tpu.memory_space<vmem_shared>>
      tpu.enqueue_dma source(%dma_start3A_64 : memref<128x128xf32, #tpu.memory_space<vmem_shared>>) target(%arg8 : memref<128x128xf32, #tpu.memory_space<vmem>>) target_semaphore(%run_scoped3A_61 : memref<!tpu.dma_semaphore, #tpu.memory_space<semaphore_mem>>)
      %dma_wait3A = arith.constant 0 : i32
      %dma_wait3A_65 = tpu.memref_slice %arg10[%add3A_47, %dma_wait3A] : memref<5248x128xf32, #tpu.memory_space<vmem_shared>> -> memref<128x128xf32, #tpu.memory_space<vmem_shared>>
      %dma_wait3A_66 = arith.constant 0 : i32
      %dma_wait3A_67 = tpu.memref_slice %arg10[%add3A_47, %dma_wait3A_66] : memref<5248x128xf32, #tpu.memory_space<vmem_shared>> -> memref<128x128xf32, #tpu.memory_space<vmem_shared>>
      tpu.wait_dma2 semaphore(%run_scoped3A_61 : memref<!tpu.dma_semaphore, #tpu.memory_space<semaphore_mem>>) src(%dma_wait3A_67 : memref<128x128xf32, #tpu.memory_space<vmem_shared>>) dst(%arg8 : memref<128x128xf32, #tpu.memory_space<vmem>>)
      tpu.yield
    }) : () -> ()
    %add3A_48 = arith.constant 0 : i32
    %add3A_49 = arith.addi %mul3A_5, %add3A_48 : i32
    %run_scoped3A_50 = arith.constant 1 : i32
    "tpu.region"() ({
      %run_scoped3A_61 = tpu.sem_alloc : memref<!tpu.dma_semaphore, #tpu.memory_space<semaphore_mem>>
      %dma_start3A = arith.constant 0 : i32
      %dma_start3A_62 = tpu.memref_slice %arg5[%arg0, %run_scoped3A_50, %add3A_49, %dma_start3A] : memref<2x2x5248x128xf32, #tpu.memory_space<hbm>> -> memref<1x1x128x128xf32, #tpu.memory_space<hbm>>
      %dma_start3A_63 = tpu.memref_squeeze %dma_start3A_62 : memref<1x1x128x128xf32, #tpu.memory_space<hbm>> -> memref<128x128xf32, #tpu.memory_space<hbm>>
      %dma_start3A_64 = arith.constant 0 : i32
      %dma_start3A_65 = tpu.memref_slice %arg5[%arg0, %run_scoped3A_50, %add3A_49, %dma_start3A_64] : memref<2x2x5248x128xf32, #tpu.memory_space<hbm>> -> memref<1x1x128x128xf32, #tpu.memory_space<hbm>>
      %dma_start3A_66 = tpu.memref_squeeze %dma_start3A_65 : memref<1x1x128x128xf32, #tpu.memory_space<hbm>> -> memref<128x128xf32, #tpu.memory_space<hbm>>
      tpu.enqueue_dma source(%arg8 : memref<128x128xf32, #tpu.memory_space<vmem>>) target(%dma_start3A_66 : memref<128x128xf32, #tpu.memory_space<hbm>>) target_semaphore(%run_scoped3A_61 : memref<!tpu.dma_semaphore, #tpu.memory_space<semaphore_mem>>)
      %dma_wait3A = arith.constant 0 : i32
      %dma_wait3A_67 = tpu.memref_slice %arg5[%arg0, %run_scoped3A_50, %add3A_49, %dma_wait3A] : memref<2x2x5248x128xf32, #tpu.memory_space<hbm>> -> memref<1x1x128x128xf32, #tpu.memory_space<hbm>>
      %dma_wait3A_68 = tpu.memref_squeeze %dma_wait3A_67 : memref<1x1x128x128xf32, #tpu.memory_space<hbm>> -> memref<128x128xf32, #tpu.memory_space<hbm>>
      %dma_wait3A_69 = arith.constant 0 : i32
      %dma_wait3A_70 = tpu.memref_slice %arg5[%arg0, %run_scoped3A_50, %add3A_49, %dma_wait3A_69] : memref<2x2x5248x128xf32, #tpu.memory_space<hbm>> -> memref<1x1x128x128xf32, #tpu.memory_space<hbm>>
      %dma_wait3A_71 = tpu.memref_squeeze %dma_wait3A_70 : memref<1x1x128x128xf32, #tpu.memory_space<hbm>> -> memref<128x128xf32, #tpu.memory_space<hbm>>
      tpu.wait_dma2 semaphore(%run_scoped3A_61 : memref<!tpu.dma_semaphore, #tpu.memory_space<semaphore_mem>>) src(%arg8 : memref<128x128xf32, #tpu.memory_space<vmem>>) dst(%dma_wait3A_71 : memref<128x128xf32, #tpu.memory_space<hbm>>)
      tpu.yield
    }) : () -> ()
    %add3A_51 = arith.constant 128 : i32
    %add3A_52 = arith.addi %mul3A_5, %add3A_51 : i32
    "tpu.region"() ({
      %run_scoped3A_61 = tpu.sem_alloc : memref<!tpu.dma_semaphore, #tpu.memory_space<semaphore_mem>>
      %dma_start3A = arith.constant 0 : i32
      %dma_start3A_62 = tpu.memref_slice %arg10[%add3A_52, %dma_start3A] : memref<5248x128xf32, #tpu.memory_space<vmem_shared>> -> memref<128x128xf32, #tpu.memory_space<vmem_shared>>
      %dma_start3A_63 = arith.constant 0 : i32
      %dma_start3A_64 = tpu.memref_slice %arg10[%add3A_52, %dma_start3A_63] : memref<5248x128xf32, #tpu.memory_space<vmem_shared>> -> memref<128x128xf32, #tpu.memory_space<vmem_shared>>
      tpu.enqueue_dma source(%dma_start3A_64 : memref<128x128xf32, #tpu.memory_space<vmem_shared>>) target(%arg8 : memref<128x128xf32, #tpu.memory_space<vmem>>) target_semaphore(%run_scoped3A_61 : memref<!tpu.dma_semaphore, #tpu.memory_space<semaphore_mem>>)
      %dma_wait3A = arith.constant 0 : i32
      %dma_wait3A_65 = tpu.memref_slice %arg10[%add3A_52, %dma_wait3A] : memref<5248x128xf32, #tpu.memory_space<vmem_shared>> -> memref<128x128xf32, #tpu.memory_space<vmem_shared>>
      %dma_wait3A_66 = arith.constant 0 : i32
      %dma_wait3A_67 = tpu.memref_slice %arg10[%add3A_52, %dma_wait3A_66] : memref<5248x128xf32, #tpu.memory_space<vmem_shared>> -> memref<128x128xf32, #tpu.memory_space<vmem_shared>>
      tpu.wait_dma2 semaphore(%run_scoped3A_61 : memref<!tpu.dma_semaphore, #tpu.memory_space<semaphore_mem>>) src(%dma_wait3A_67 : memref<128x128xf32, #tpu.memory_space<vmem_shared>>) dst(%arg8 : memref<128x128xf32, #tpu.memory_space<vmem>>)
      tpu.yield
    }) : () -> ()
    %add3A_53 = arith.constant 128 : i32
    %add3A_54 = arith.addi %mul3A_5, %add3A_53 : i32
    %run_scoped3A_55 = arith.constant 1 : i32
    "tpu.region"() ({
      %run_scoped3A_61 = tpu.sem_alloc : memref<!tpu.dma_semaphore, #tpu.memory_space<semaphore_mem>>
      %dma_start3A = arith.constant 0 : i32
      %dma_start3A_62 = tpu.memref_slice %arg5[%arg0, %run_scoped3A_55, %add3A_54, %dma_start3A] : memref<2x2x5248x128xf32, #tpu.memory_space<hbm>> -> memref<1x1x128x128xf32, #tpu.memory_space<hbm>>
      %dma_start3A_63 = tpu.memref_squeeze %dma_start3A_62 : memref<1x1x128x128xf32, #tpu.memory_space<hbm>> -> memref<128x128xf32, #tpu.memory_space<hbm>>
      %dma_start3A_64 = arith.constant 0 : i32
      %dma_start3A_65 = tpu.memref_slice %arg5[%arg0, %run_scoped3A_55, %add3A_54, %dma_start3A_64] : memref<2x2x5248x128xf32, #tpu.memory_space<hbm>> -> memref<1x1x128x128xf32, #tpu.memory_space<hbm>>
      %dma_start3A_66 = tpu.memref_squeeze %dma_start3A_65 : memref<1x1x128x128xf32, #tpu.memory_space<hbm>> -> memref<128x128xf32, #tpu.memory_space<hbm>>
      tpu.enqueue_dma source(%arg8 : memref<128x128xf32, #tpu.memory_space<vmem>>) target(%dma_start3A_66 : memref<128x128xf32, #tpu.memory_space<hbm>>) target_semaphore(%run_scoped3A_61 : memref<!tpu.dma_semaphore, #tpu.memory_space<semaphore_mem>>)
      %dma_wait3A = arith.constant 0 : i32
      %dma_wait3A_67 = tpu.memref_slice %arg5[%arg0, %run_scoped3A_55, %add3A_54, %dma_wait3A] : memref<2x2x5248x128xf32, #tpu.memory_space<hbm>> -> memref<1x1x128x128xf32, #tpu.memory_space<hbm>>
      %dma_wait3A_68 = tpu.memref_squeeze %dma_wait3A_67 : memref<1x1x128x128xf32, #tpu.memory_space<hbm>> -> memref<128x128xf32, #tpu.memory_space<hbm>>
      %dma_wait3A_69 = arith.constant 0 : i32
      %dma_wait3A_70 = tpu.memref_slice %arg5[%arg0, %run_scoped3A_55, %add3A_54, %dma_wait3A_69] : memref<2x2x5248x128xf32, #tpu.memory_space<hbm>> -> memref<1x1x128x128xf32, #tpu.memory_space<hbm>>
      %dma_wait3A_71 = tpu.memref_squeeze %dma_wait3A_70 : memref<1x1x128x128xf32, #tpu.memory_space<hbm>> -> memref<128x128xf32, #tpu.memory_space<hbm>>
      tpu.wait_dma2 semaphore(%run_scoped3A_61 : memref<!tpu.dma_semaphore, #tpu.memory_space<semaphore_mem>>) src(%arg8 : memref<128x128xf32, #tpu.memory_space<vmem>>) dst(%dma_wait3A_71 : memref<128x128xf32, #tpu.memory_space<hbm>>)
      tpu.yield
    }) : () -> ()
    %add3A_56 = arith.constant 256 : i32
    %add3A_57 = arith.addi %mul3A_5, %add3A_56 : i32
    "tpu.region"() ({
      %run_scoped3A_61 = tpu.sem_alloc : memref<!tpu.dma_semaphore, #tpu.memory_space<semaphore_mem>>
      %dma_start3A = arith.constant 0 : i32
      %dma_start3A_62 = arith.constant 0 : i32
      %dma_start3A_63 = tpu.memref_slice %arg8[%dma_start3A, %dma_start3A_62] : memref<128x128xf32, #tpu.memory_space<vmem>> -> memref<72x128xf32, #tpu.memory_space<vmem>>
      %dma_start3A_64 = arith.constant 0 : i32
      %dma_start3A_65 = tpu.memref_slice %arg10[%add3A_57, %dma_start3A_64] : memref<5248x128xf32, #tpu.memory_space<vmem_shared>> -> memref<72x128xf32, #tpu.memory_space<vmem_shared>>
      %dma_start3A_66 = arith.constant 0 : i32
      %dma_start3A_67 = arith.constant 0 : i32
      %dma_start3A_68 = tpu.memref_slice %arg8[%dma_start3A_66, %dma_start3A_67] : memref<128x128xf32, #tpu.memory_space<vmem>> -> memref<72x128xf32, #tpu.memory_space<vmem>>
      %dma_start3A_69 = arith.constant 0 : i32
      %dma_start3A_70 = tpu.memref_slice %arg10[%add3A_57, %dma_start3A_69] : memref<5248x128xf32, #tpu.memory_space<vmem_shared>> -> memref<72x128xf32, #tpu.memory_space<vmem_shared>>
      tpu.enqueue_dma source(%dma_start3A_70 : memref<72x128xf32, #tpu.memory_space<vmem_shared>>) target(%dma_start3A_68 : memref<72x128xf32, #tpu.memory_space<vmem>>) target_semaphore(%run_scoped3A_61 : memref<!tpu.dma_semaphore, #tpu.memory_space<semaphore_mem>>)
      %dma_wait3A = arith.constant 0 : i32
      %dma_wait3A_71 = arith.constant 0 : i32
      %dma_wait3A_72 = tpu.memref_slice %arg8[%dma_wait3A, %dma_wait3A_71] : memref<128x128xf32, #tpu.memory_space<vmem>> -> memref<72x128xf32, #tpu.memory_space<vmem>>
      %dma_wait3A_73 = arith.constant 0 : i32
      %dma_wait3A_74 = tpu.memref_slice %arg10[%add3A_57, %dma_wait3A_73] : memref<5248x128xf32, #tpu.memory_space<vmem_shared>> -> memref<72x128xf32, #tpu.memory_space<vmem_shared>>
      %dma_wait3A_75 = arith.constant 0 : i32
      %dma_wait3A_76 = arith.constant 0 : i32
      %dma_wait3A_77 = tpu.memref_slice %arg8[%dma_wait3A_75, %dma_wait3A_76] : memref<128x128xf32, #tpu.memory_space<vmem>> -> memref<72x128xf32, #tpu.memory_space<vmem>>
      %dma_wait3A_78 = arith.constant 0 : i32
      %dma_wait3A_79 = tpu.memref_slice %arg10[%add3A_57, %dma_wait3A_78] : memref<5248x128xf32, #tpu.memory_space<vmem_shared>> -> memref<72x128xf32, #tpu.memory_space<vmem_shared>>
      tpu.wait_dma2 semaphore(%run_scoped3A_61 : memref<!tpu.dma_semaphore, #tpu.memory_space<semaphore_mem>>) src(%dma_wait3A_79 : memref<72x128xf32, #tpu.memory_space<vmem_shared>>) dst(%dma_wait3A_77 : memref<72x128xf32, #tpu.memory_space<vmem>>)
      tpu.yield
    }) : () -> ()
    %add3A_58 = arith.constant 256 : i32
    %add3A_59 = arith.addi %mul3A_5, %add3A_58 : i32
    %run_scoped3A_60 = arith.constant 1 : i32
    "tpu.region"() ({
      %run_scoped3A_61 = tpu.sem_alloc : memref<!tpu.dma_semaphore, #tpu.memory_space<semaphore_mem>>
      %dma_start3A = arith.constant 0 : i32
      %dma_start3A_62 = arith.constant 0 : i32
      %dma_start3A_63 = tpu.memref_slice %arg8[%dma_start3A, %dma_start3A_62] : memref<128x128xf32, #tpu.memory_space<vmem>> -> memref<72x128xf32, #tpu.memory_space<vmem>>
      %dma_start3A_64 = arith.constant 0 : i32
      %dma_start3A_65 = tpu.memref_slice %arg5[%arg0, %run_scoped3A_60, %add3A_59, %dma_start3A_64] : memref<2x2x5248x128xf32, #tpu.memory_space<hbm>> -> memref<1x1x72x128xf32, #tpu.memory_space<hbm>>
      %dma_start3A_66 = tpu.memref_squeeze %dma_start3A_65 : memref<1x1x72x128xf32, #tpu.memory_space<hbm>> -> memref<72x128xf32, #tpu.memory_space<hbm>>
      %dma_start3A_67 = arith.constant 0 : i32
      %dma_start3A_68 = tpu.memref_slice %arg5[%arg0, %run_scoped3A_60, %add3A_59, %dma_start3A_67] : memref<2x2x5248x128xf32, #tpu.memory_space<hbm>> -> memref<1x1x72x128xf32, #tpu.memory_space<hbm>>
      %dma_start3A_69 = tpu.memref_squeeze %dma_start3A_68 : memref<1x1x72x128xf32, #tpu.memory_space<hbm>> -> memref<72x128xf32, #tpu.memory_space<hbm>>
      %dma_start3A_70 = arith.constant 0 : i32
      %dma_start3A_71 = arith.constant 0 : i32
      %dma_start3A_72 = tpu.memref_slice %arg8[%dma_start3A_70, %dma_start3A_71] : memref<128x128xf32, #tpu.memory_space<vmem>> -> memref<72x128xf32, #tpu.memory_space<vmem>>
      tpu.enqueue_dma source(%dma_start3A_72 : memref<72x128xf32, #tpu.memory_space<vmem>>) target(%dma_start3A_69 : memref<72x128xf32, #tpu.memory_space<hbm>>) target_semaphore(%run_scoped3A_61 : memref<!tpu.dma_semaphore, #tpu.memory_space<semaphore_mem>>)
      %dma_wait3A = arith.constant 0 : i32
      %dma_wait3A_73 = arith.constant 0 : i32
      %dma_wait3A_74 = tpu.memref_slice %arg8[%dma_wait3A, %dma_wait3A_73] : memref<128x128xf32, #tpu.memory_space<vmem>> -> memref<72x128xf32, #tpu.memory_space<vmem>>
      %dma_wait3A_75 = arith.constant 0 : i32
      %dma_wait3A_76 = tpu.memref_slice %arg5[%arg0, %run_scoped3A_60, %add3A_59, %dma_wait3A_75] : memref<2x2x5248x128xf32, #tpu.memory_space<hbm>> -> memref<1x1x72x128xf32, #tpu.memory_space<hbm>>
      %dma_wait3A_77 = tpu.memref_squeeze %dma_wait3A_76 : memref<1x1x72x128xf32, #tpu.memory_space<hbm>> -> memref<72x128xf32, #tpu.memory_space<hbm>>
      %dma_wait3A_78 = arith.constant 0 : i32
      %dma_wait3A_79 = tpu.memref_slice %arg5[%arg0, %run_scoped3A_60, %add3A_59, %dma_wait3A_78] : memref<2x2x5248x128xf32, #tpu.memory_space<hbm>> -> memref<1x1x72x128xf32, #tpu.memory_space<hbm>>
      %dma_wait3A_80 = tpu.memref_squeeze %dma_wait3A_79 : memref<1x1x72x128xf32, #tpu.memory_space<hbm>> -> memref<72x128xf32, #tpu.memory_space<hbm>>
      %dma_wait3A_81 = arith.constant 0 : i32
      %dma_wait3A_82 = arith.constant 0 : i32
      %dma_wait3A_83 = tpu.memref_slice %arg8[%dma_wait3A_81, %dma_wait3A_82] : memref<128x128xf32, #tpu.memory_space<vmem>> -> memref<72x128xf32, #tpu.memory_space<vmem>>
      tpu.wait_dma2 semaphore(%run_scoped3A_61 : memref<!tpu.dma_semaphore, #tpu.memory_space<semaphore_mem>>) src(%dma_wait3A_83 : memref<72x128xf32, #tpu.memory_space<vmem>>) dst(%dma_wait3A_80 : memref<72x128xf32, #tpu.memory_space<hbm>>)
      tpu.yield
    }) : () -> ()
    return
  }
}

module attributes {stable_mosaic.version = 14 : i64} {
  func.func @_t1_body(%arg0: i32, %arg1: i32, %arg2: memref<400x128xf32, #tpu.memory_space<vmem>>, %arg3: memref<1x128x128xf32, #tpu.memory_space<vmem>>, %arg4: memref<400x1xf32, #tpu.memory_space<vmem>>, %arg5: memref<1x400x128xf32, #tpu.memory_space<vmem>>) attributes {dimension_semantics = [#tpu.dimension_semantics<arbitrary>, #tpu.dimension_semantics<arbitrary>], iteration_bounds = array<i64: 25, 2>, scalar_prefetch = 0 : i64, scratch_operands = 0 : i64, tpu.core_type = #tpu.core_type<tc>, window_params = [{transform_indices = @transform_0, window_bounds = array<i64: 400, 128>}, {transform_indices = @transform_1, window_bounds = array<i64: 1, 128, 128>}, {transform_indices = @transform_2, window_bounds = array<i64: 400, 1>}, {transform_indices = @transform_3, window_bounds = array<i64: 1, 400, 128>}]} {
    %get3A = arith.constant 0 : index
    %get3A_0 = arith.constant 0 : index
    %get3A_1 = vector.load %arg4[%get3A, %get3A_0] : memref<400x1xf32, #tpu.memory_space<vmem>>, vector<400x1xf32>
    %max3A = arith.constant 1.000000e+00 : f32
    %max3A_2 = vector.broadcast %max3A : f32 to vector<400x1xf32>
    %max3A_3 = arith.maximumf %get3A_1, %max3A_2 : vector<400x1xf32>
    %rsqrt3A = math.rsqrt %max3A_3 : vector<400x1xf32>
    %get3A_4 = arith.constant 0 : index
    %get3A_5 = arith.constant 0 : index
    %get3A_6 = vector.load %arg2[%get3A_4, %get3A_5] : memref<400x128xf32, #tpu.memory_space<vmem>>, vector<400x128xf32>
    %get3A_7 = arith.constant 0 : index
    %get3A_8 = arith.constant 0 : index
    %get3A_9 = arith.constant 0 : index
    %get3A_10 = vector.load %arg3[%get3A_7, %get3A_8, %get3A_9] : memref<1x128x128xf32, #tpu.memory_space<vmem>>, vector<1x128x128xf32>
    %get3A_11 = vector.shape_cast %get3A_10 : vector<1x128x128xf32> to vector<128x128xf32>
    %dot_general3A = arith.constant dense<0.000000e+00> : vector<400x128xf32>
    %dot_general3A_12 = tpu.matmul %get3A_6, %get3A_11, %dot_general3A {dimension_numbers = #tpu.dot_dimension_numbers<[1], [0], [0], [1], [0, 0, 1, 1], [], []>, transpose_lhs_hint = false} : vector<400x128xf32>, vector<128x128xf32>, vector<400x128xf32> -> vector<400x128xf32>
    %mul3A = vector.broadcast %rsqrt3A : vector<400x1xf32> to vector<400x128xf32>
    %mul3A_13 = arith.mulf %dot_general3A_12, %mul3A : vector<400x128xf32>
    %swap3A = arith.constant 0 : index
    %swap3A_14 = arith.constant 0 : index
    %swap3A_15 = arith.constant 0 : index
    %swap3A_16 = vector.load %arg5[%swap3A, %swap3A_14, %swap3A_15] : memref<1x400x128xf32, #tpu.memory_space<vmem>>, vector<1x400x128xf32>
    %swap3A_17 = vector.shape_cast %swap3A_16 : vector<1x400x128xf32> to vector<400x128xf32>
    %swap3A_18 = vector.shape_cast %mul3A_13 : vector<400x128xf32> to vector<1x400x128xf32>
    tpu.vector_store %arg5[%swap3A, %swap3A_14, %swap3A_15], %swap3A_18 {strides = array<i32>} : memref<1x400x128xf32, #tpu.memory_space<vmem>>, vector<1x400x128xf32>,
    return
  }
  func.func @transform_0(%arg0: i32, %arg1: i32) -> (i32, i32) {
    %c0_i32 = arith.constant 0 : i32
    %c0_i32_0 = arith.constant 0 : i32
    return %arg0, %c0_i32 : i32, i32
  }
  func.func @transform_1(%arg0: i32, %arg1: i32) -> (i32, i32, i32) {
    %c0_i32 = arith.constant 0 : i32
    %c0_i32_0 = arith.constant 0 : i32
    %c0_i32_1 = arith.constant 0 : i32
    return %arg1, %c0_i32, %c0_i32_0 : i32, i32, i32
  }
  func.func @transform_2(%arg0: i32, %arg1: i32) -> (i32, i32) {
    %c0_i32 = arith.constant 0 : i32
    %c0_i32_0 = arith.constant 0 : i32
    return %arg0, %c0_i32 : i32, i32
  }
  func.func @transform_3(%arg0: i32, %arg1: i32) -> (i32, i32, i32) {
    %c0_i32 = arith.constant 0 : i32
    %c0_i32_0 = arith.constant 0 : i32
    return %arg1, %arg0, %c0_i32 : i32, i32, i32
  }
}

module attributes {stable_mosaic.version = 14 : i64} {
  func.func @_tmid_body(%arg0: i32, %arg1: i32, %arg2: memref<2x1x400x128xf32, #tpu.memory_space<vmem>>, %arg3: memref<400x1xf32, #tpu.memory_space<vmem>>, %arg4: memref<400x1xf32, #tpu.memory_space<vmem>>, %arg5: memref<1x256xf32, #tpu.memory_space<vmem>>, %arg6: memref<1x256x128xf32, #tpu.memory_space<vmem>>, %arg7: memref<1x400x128xf32, #tpu.memory_space<vmem>>) attributes {dimension_semantics = [#tpu.dimension_semantics<arbitrary>, #tpu.dimension_semantics<arbitrary>], iteration_bounds = array<i64: 25, 2>, scalar_prefetch = 0 : i64, scratch_operands = 0 : i64, tpu.core_type = #tpu.core_type<tc>, window_params = [{transform_indices = @transform_0, window_bounds = array<i64: 2, 1, 400, 128>}, {transform_indices = @transform_1, window_bounds = array<i64: 400, 1>}, {transform_indices = @transform_2, window_bounds = array<i64: 400, 1>}, {pipeline_mode = #tpu.pipeline_mode<synchronous>, transform_indices = @transform_3, window_bounds = array<i64: 1, 256>}, {transform_indices = @transform_4, window_bounds = array<i64: 1, 256, 128>}, {transform_indices = @transform_5, window_bounds = array<i64: 1, 400, 128>}]} {
    %get3A = arith.constant 0 : index
    %get3A_0 = arith.constant 0 : index
    %get3A_1 = vector.load %arg3[%get3A, %get3A_0] : memref<400x1xf32, #tpu.memory_space<vmem>>, vector<400x1xf32>
    %max3A = arith.constant 1.000000e+00 : f32
    %max3A_2 = vector.broadcast %max3A : f32 to vector<400x1xf32>
    %max3A_3 = arith.maximumf %get3A_1, %max3A_2 : vector<400x1xf32>
    %rsqrt3A = math.rsqrt %max3A_3 : vector<400x1xf32>
    %get3A_4 = arith.constant 0 : index
    %get3A_5 = arith.constant 0 : index
    %get3A_6 = arith.constant 0 : index
    %get3A_7 = arith.constant 0 : index
    %get3A_8 = vector.load %arg2[%get3A_4, %get3A_5, %get3A_6, %get3A_7] : memref<2x1x400x128xf32, #tpu.memory_space<vmem>>, vector<1x1x400x128xf32>
    %get3A_9 = vector.shape_cast %get3A_8 : vector<1x1x400x128xf32> to vector<400x128xf32>
    %get3A_10 = arith.constant 1 : index
    %get3A_11 = arith.constant 0 : index
    %get3A_12 = arith.constant 0 : index
    %get3A_13 = arith.constant 0 : index
    %get3A_14 = vector.load %arg2[%get3A_10, %get3A_11, %get3A_12, %get3A_13] : memref<2x1x400x128xf32, #tpu.memory_space<vmem>>, vector<1x1x400x128xf32>
    %get3A_15 = vector.shape_cast %get3A_14 : vector<1x1x400x128xf32> to vector<400x128xf32>
    %concatenate3A = tpu.concatenate %get3A_9, %get3A_15 in 1 : vector<400x128xf32>, vector<400x128xf32> -> vector<400x256xf32>
    %mul3A = vector.broadcast %rsqrt3A : vector<400x1xf32> to vector<400x256xf32>
    %mul3A_16 = arith.mulf %concatenate3A, %mul3A : vector<400x256xf32>
    %get3A_17 = arith.constant 0 : index
    %get3A_18 = arith.constant 0 : index
    %get3A_19 = vector.load %arg5[%get3A_17, %get3A_18] : memref<1x256xf32, #tpu.memory_space<vmem>>, vector<1x256xf32>
    %add3A = vector.broadcast %get3A_19 : vector<1x256xf32> to vector<400x256xf32>
    %add3A_20 = arith.addf %mul3A_16, %add3A : vector<400x256xf32>
    %max3A_21 = arith.constant 0.000000e+00 : f32
    %max3A_22 = vector.broadcast %max3A_21 : f32 to vector<400x256xf32>
    %max3A_23 = arith.maximumf %add3A_20, %max3A_22 : vector<400x256xf32>
    %get3A_24 = arith.constant 0 : index
    %get3A_25 = arith.constant 0 : index
    %get3A_26 = arith.constant 0 : index
    %get3A_27 = vector.load %arg6[%get3A_24, %get3A_25, %get3A_26] : memref<1x256x128xf32, #tpu.memory_space<vmem>>, vector<1x256x128xf32>
    %get3A_28 = vector.shape_cast %get3A_27 : vector<1x256x128xf32> to vector<256x128xf32>
    %dot_general3A = arith.constant dense<0.000000e+00> : vector<400x128xf32>
    %dot_general3A_29 = tpu.matmul %max3A_23, %get3A_28, %dot_general3A {dimension_numbers = #tpu.dot_dimension_numbers<[1], [0], [0], [1], [0, 0, 1, 1], [], []>, transpose_lhs_hint = false} : vector<400x256xf32>, vector<256x128xf32>, vector<400x128xf32> -> vector<400x128xf32>
    %get3A_30 = arith.constant 0 : index
    %get3A_31 = arith.constant 0 : index
    %get3A_32 = vector.load %arg4[%get3A_30, %get3A_31] : memref<400x1xf32, #tpu.memory_space<vmem>>, vector<400x1xf32>
    %max3A_33 = arith.constant 1.000000e+00 : f32
    %max3A_34 = vector.broadcast %max3A_33 : f32 to vector<400x1xf32>
    %max3A_35 = arith.maximumf %get3A_32, %max3A_34 : vector<400x1xf32>
    %rsqrt3A_36 = math.rsqrt %max3A_35 : vector<400x1xf32>
    %mul3A_37 = vector.broadcast %rsqrt3A_36 : vector<400x1xf32> to vector<400x128xf32>
    %mul3A_38 = arith.mulf %dot_general3A_29, %mul3A_37 : vector<400x128xf32>
    %swap3A = arith.constant 0 : index
    %swap3A_39 = arith.constant 0 : index
    %swap3A_40 = arith.constant 0 : index
    %swap3A_41 = vector.load %arg7[%swap3A, %swap3A_39, %swap3A_40] : memref<1x400x128xf32, #tpu.memory_space<vmem>>, vector<1x400x128xf32>
    %swap3A_42 = vector.shape_cast %swap3A_41 : vector<1x400x128xf32> to vector<400x128xf32>
    %swap3A_43 = vector.shape_cast %mul3A_38 : vector<400x128xf32> to vector<1x400x128xf32>
    tpu.vector_store %arg7[%swap3A, %swap3A_39, %swap3A_40], %swap3A_43 {strides = array<i32>} : memref<1x400x128xf32, #tpu.memory_space<vmem>>, vector<1x400x128xf32>,
    return
  }
  func.func @transform_0(%arg0: i32, %arg1: i32) -> (i32, i32, i32, i32) {
    %ge3A = arith.constant 13 : i32
    %ge3A_0 = arith.cmpi sge, %arg0, %ge3A : i32
    %convert_element_type3A = arith.extui %ge3A_0 : i1 to i32
    %mul3A = arith.constant 13 : i32
    %mul3A_1 = arith.muli %convert_element_type3A, %mul3A : i32
    %sub3A = arith.subi %arg0, %mul3A_1 : i32
    %c0_i32 = arith.constant 0 : i32
    %c0_i32_2 = arith.constant 0 : i32
    %c0_i32_3 = arith.constant 0 : i32
    return %c0_i32, %convert_element_type3A, %sub3A, %c0_i32_2 : i32, i32, i32, i32
  }
  func.func @transform_1(%arg0: i32, %arg1: i32) -> (i32, i32) {
    %c0_i32 = arith.constant 0 : i32
    %c0_i32_0 = arith.constant 0 : i32
    return %arg0, %c0_i32 : i32, i32
  }
  func.func @transform_2(%arg0: i32, %arg1: i32) -> (i32, i32) {
    %c0_i32 = arith.constant 0 : i32
    %c0_i32_0 = arith.constant 0 : i32
    return %arg0, %c0_i32 : i32, i32
  }
  func.func @transform_3(%arg0: i32, %arg1: i32) -> (i32, i32) {
    %c0_i32 = arith.constant 0 : i32
    %c0_i32_0 = arith.constant 0 : i32
    %c0_i32_1 = arith.constant 0 : i32
    return %c0_i32, %c0_i32_0 : i32, i32
  }
  func.func @transform_4(%arg0: i32, %arg1: i32) -> (i32, i32, i32) {
    %c0_i32 = arith.constant 0 : i32
    %c0_i32_0 = arith.constant 0 : i32
    %c0_i32_1 = arith.constant 0 : i32
    return %arg1, %c0_i32, %c0_i32_0 : i32, i32, i32
  }
  func.func @transform_5(%arg0: i32, %arg1: i32) -> (i32, i32, i32) {
    %c0_i32 = arith.constant 0 : i32
    %c0_i32_0 = arith.constant 0 : i32
    return %arg1, %arg0, %c0_i32 : i32, i32, i32
  }
}

module attributes {stable_mosaic.version = 14 : i64} {
  func.func @_t4_body(%arg0: i32, %arg1: memref<2x1x400x128xf32, #tpu.memory_space<vmem>>, %arg2: memref<400x1xf32, #tpu.memory_space<vmem>>, %arg3: memref<1x256xf32, #tpu.memory_space<vmem>>, %arg4: memref<256x1xf32, #tpu.memory_space<vmem>>, %arg5: memref<1x1xf32, #tpu.memory_space<vmem>>, %arg6: memref<1x1xf32, #tpu.memory_space<vmem>>, %arg7: memref<1x256xf32, #tpu.memory_space<vmem>>) attributes {dimension_semantics = [#tpu.dimension_semantics<arbitrary>], iteration_bounds = array<i64: 25>, scalar_prefetch = 0 : i64, scratch_operands = 1 : i64, tpu.core_type = #tpu.core_type<tc>, window_params = [{transform_indices = @transform_0, window_bounds = array<i64: 2, 1, 400, 128>}, {transform_indices = @transform_1, window_bounds = array<i64: 400, 1>}, {pipeline_mode = #tpu.pipeline_mode<synchronous>, transform_indices = @transform_2, window_bounds = array<i64: 1, 256>}, {pipeline_mode = #tpu.pipeline_mode<synchronous>, transform_indices = @transform_3, window_bounds = array<i64: 256, 1>}, {pipeline_mode = #tpu.pipeline_mode<synchronous>, transform_indices = @transform_4, window_bounds = array<i64: 1, 1>}, {pipeline_mode = #tpu.pipeline_mode<synchronous>, transform_indices = @transform_5, window_bounds = array<i64: 1, 1>}]} {
    %get3A = arith.constant 0 : index
    %get3A_0 = arith.constant 0 : index
    %get3A_1 = vector.load %arg2[%get3A, %get3A_0] : memref<400x1xf32, #tpu.memory_space<vmem>>, vector<400x1xf32>
    %max3A = arith.constant 1.000000e+00 : f32
    %max3A_2 = vector.broadcast %max3A : f32 to vector<400x1xf32>
    %max3A_3 = arith.maximumf %get3A_1, %max3A_2 : vector<400x1xf32>
    %rsqrt3A = math.rsqrt %max3A_3 : vector<400x1xf32>
    %get3A_4 = arith.constant 0 : index
    %get3A_5 = arith.constant 0 : index
    %get3A_6 = arith.constant 0 : index
    %get3A_7 = arith.constant 0 : index
    %get3A_8 = vector.load %arg1[%get3A_4, %get3A_5, %get3A_6, %get3A_7] : memref<2x1x400x128xf32, #tpu.memory_space<vmem>>, vector<1x1x400x128xf32>
    %get3A_9 = vector.shape_cast %get3A_8 : vector<1x1x400x128xf32> to vector<400x128xf32>
    %get3A_10 = arith.constant 1 : index
    %get3A_11 = arith.constant 0 : index
    %get3A_12 = arith.constant 0 : index
    %get3A_13 = arith.constant 0 : index
    %get3A_14 = vector.load %arg1[%get3A_10, %get3A_11, %get3A_12, %get3A_13] : memref<2x1x400x128xf32, #tpu.memory_space<vmem>>, vector<1x1x400x128xf32>
    %get3A_15 = vector.shape_cast %get3A_14 : vector<1x1x400x128xf32> to vector<400x128xf32>
    %concatenate3A = tpu.concatenate %get3A_9, %get3A_15 in 1 : vector<400x128xf32>, vector<400x128xf32> -> vector<400x256xf32>
    %mul3A = vector.broadcast %rsqrt3A : vector<400x1xf32> to vector<400x256xf32>
    %mul3A_16 = arith.mulf %concatenate3A, %mul3A : vector<400x256xf32>
    %get3A_17 = arith.constant 0 : index
    %get3A_18 = arith.constant 0 : index
    %get3A_19 = vector.load %arg3[%get3A_17, %get3A_18] : memref<1x256xf32, #tpu.memory_space<vmem>>, vector<1x256xf32>
    %add3A = vector.broadcast %get3A_19 : vector<1x256xf32> to vector<400x256xf32>
    %add3A_20 = arith.addf %mul3A_16, %add3A : vector<400x256xf32>
    %max3A_21 = arith.constant 0.000000e+00 : f32
    %max3A_22 = vector.broadcast %max3A_21 : f32 to vector<400x256xf32>
    %max3A_23 = arith.maximumf %add3A_20, %max3A_22 : vector<400x256xf32>
    %reduce_sum3A = arith.constant dense<0.000000e+00> : vector<256xf32>
    %reduce_sum3A_24 = vector.multi_reduction <add>, %max3A_23, %reduce_sum3A [0] : vector<400x256xf32> to vector<256xf32>
    %broadcast_in_dim3A = vector.shape_cast %reduce_sum3A_24 : vector<256xf32> to vector<1x256xf32>
    %eq3A = arith.constant 0 : i32
    %eq3A_25 = arith.cmpi eq, %arg0, %eq3A : i32
    %convert_element_type3A = arith.extui %eq3A_25 : i1 to i32
    %cond3A = arith.constant 0 : i32
    %cond3A_26 = arith.cmpi ne, %convert_element_type3A, %cond3A : i32
    scf.if %cond3A_26 {
      %swap3A = arith.constant 0 : index
      %swap3A_36 = arith.constant 0 : index
      %swap3A_37 = vector.load %arg7[%swap3A, %swap3A_36] : memref<1x256xf32, #tpu.memory_space<vmem>>, vector<1x256xf32>
      tpu.vector_store %arg7[%swap3A, %swap3A_36], %broadcast_in_dim3A {strides = array<i32>} : memref<1x256xf32, #tpu.memory_space<vmem>>, vector<1x256xf32>,
    } else {
    }
    %gt3A = arith.constant 0 : i32
    %gt3A_27 = arith.cmpi sgt, %arg0, %gt3A : i32
    %convert_element_type3A_28 = arith.extui %gt3A_27 : i1 to i32
    %cond3A_29 = arith.constant 0 : i32
    %cond3A_30 = arith.cmpi ne, %convert_element_type3A_28, %cond3A_29 : i32
    scf.if %cond3A_30 {
      %get3A_36 = arith.constant 0 : index
      %get3A_37 = arith.constant 0 : index
      %get3A_38 = vector.load %arg7[%get3A_36, %get3A_37] : memref<1x256xf32, #tpu.memory_space<vmem>>, vector<1x256xf32>
      %add3A_39 = arith.addf %get3A_38, %broadcast_in_dim3A : vector<1x256xf32>
      %swap3A = arith.constant 0 : index
      %swap3A_40 = arith.constant 0 : index
      %swap3A_41 = vector.load %arg7[%swap3A, %swap3A_40] : memref<1x256xf32, #tpu.memory_space<vmem>>, vector<1x256xf32>
      tpu.vector_store %arg7[%swap3A, %swap3A_40], %add3A_39 {strides = array<i32>} : memref<1x256xf32, #tpu.memory_space<vmem>>, vector<1x256xf32>,
    } else {
    }
    %eq3A_31 = arith.constant 24 : i32
    %eq3A_32 = arith.cmpi eq, %arg0, %eq3A_31 : i32
    %convert_element_type3A_33 = arith.extui %eq3A_32 : i1 to i32
    %cond3A_34 = arith.constant 0 : i32
    %cond3A_35 = arith.cmpi ne, %convert_element_type3A_33, %cond3A_34 : i32
    scf.if %cond3A_35 {
      %get3A_36 = arith.constant 0 : index
      %get3A_37 = arith.constant 0 : index
      %get3A_38 = vector.load %arg7[%get3A_36, %get3A_37] : memref<1x256xf32, #tpu.memory_space<vmem>>, vector<1x256xf32>
      %mul3A_39 = arith.constant 9.99999974E-5 : f32
      %mul3A_40 = vector.broadcast %mul3A_39 : f32 to vector<1x256xf32>
      %mul3A_41 = arith.mulf %get3A_38, %mul3A_40 : vector<1x256xf32>
      %get3A_42 = arith.constant 0 : index
      %get3A_43 = arith.constant 0 : index
      %get3A_44 = vector.load %arg4[%get3A_42, %get3A_43] : memref<256x1xf32, #tpu.memory_space<vmem>>, vector<256x1xf32>
      %dot_general3A = arith.constant dense<0.000000e+00> : vector<1x1xf32>
      %dot_general3A_45 = tpu.matmul %mul3A_41, %get3A_44, %dot_general3A {dimension_numbers = #tpu.dot_dimension_numbers<[1], [0], [0], [1], [0, 0, 1, 1], [], []>, transpose_lhs_hint = false} : vector<1x256xf32>, vector<256x1xf32>, vector<1x1xf32> -> vector<1x1xf32>
      %get3A_46 = arith.constant 0 : index
      %get3A_47 = arith.constant 0 : index
      %get3A_48 = vector.load %arg5[%get3A_46, %get3A_47] : memref<1x1xf32, #tpu.memory_space<vmem>>, vector<1x1xf32>
      %add3A_49 = arith.addf %dot_general3A_45, %get3A_48 : vector<1x1xf32>
      %logistic3A = arith.negf %add3A_49 : vector<1x1xf32>
      %logistic3A_50 = math.exp %logistic3A : vector<1x1xf32>
      %logistic3A_51 = arith.constant 1.000000e+00 : f32
      %logistic3A_52 = vector.broadcast %logistic3A_51 : f32 to vector<1x1xf32>
      %logistic3A_53 = arith.addf %logistic3A_52, %logistic3A_50 : vector<1x1xf32>
      %logistic3A_54 = arith.divf %logistic3A_52, %logistic3A_53 : vector<1x1xf32>
      %swap3A = arith.constant 0 : index
      %swap3A_55 = arith.constant 0 : index
      %swap3A_56 = vector.load %arg6[%swap3A, %swap3A_55] : memref<1x1xf32, #tpu.memory_space<vmem>>, vector<1x1xf32>
      tpu.vector_store %arg6[%swap3A, %swap3A_55], %logistic3A_54 {strides = array<i32>} : memref<1x1xf32, #tpu.memory_space<vmem>>, vector<1x1xf32>,
    } else {
    }
    return
  }
  func.func @transform_0(%arg0: i32) -> (i32, i32, i32, i32) {
    %ge3A = arith.constant 13 : i32
    %ge3A_0 = arith.cmpi sge, %arg0, %ge3A : i32
    %convert_element_type3A = arith.extui %ge3A_0 : i1 to i32
    %mul3A = arith.constant 13 : i32
    %mul3A_1 = arith.muli %convert_element_type3A, %mul3A : i32
    %sub3A = arith.subi %arg0, %mul3A_1 : i32
    %c0_i32 = arith.constant 0 : i32
    %c0_i32_2 = arith.constant 0 : i32
    %c0_i32_3 = arith.constant 0 : i32
    return %c0_i32, %convert_element_type3A, %sub3A, %c0_i32_2 : i32, i32, i32, i32
  }
  func.func @transform_1(%arg0: i32) -> (i32, i32) {
    %c0_i32 = arith.constant 0 : i32
    %c0_i32_0 = arith.constant 0 : i32
    return %arg0, %c0_i32 : i32, i32
  }
  func.func @transform_2(%arg0: i32) -> (i32, i32) {
    %c0_i32 = arith.constant 0 : i32
    %c0_i32_0 = arith.constant 0 : i32
    %c0_i32_1 = arith.constant 0 : i32
    return %c0_i32, %c0_i32_0 : i32, i32
  }
  func.func @transform_3(%arg0: i32) -> (i32, i32) {
    %c0_i32 = arith.constant 0 : i32
    %c0_i32_0 = arith.constant 0 : i32
    %c0_i32_1 = arith.constant 0 : i32
    return %c0_i32, %c0_i32_0 : i32, i32
  }
  func.func @transform_4(%arg0: i32) -> (i32, i32) {
    %c0_i32 = arith.constant 0 : i32
    %c0_i32_0 = arith.constant 0 : i32
    %c0_i32_1 = arith.constant 0 : i32
    return %c0_i32, %c0_i32_0 : i32, i32
  }
  func.func @transform_5(%arg0: i32) -> (i32, i32) {
    %c0_i32 = arith.constant 0 : i32
    %c0_i32_0 = arith.constant 0 : i32
    %c0_i32_1 = arith.constant 0 : i32
    return %c0_i32, %c0_i32_0 : i32, i32
  }
}

</mosaic_0001>

<sc_bundles>
// kernel: kernel.10.cloned.1.call-start
scs
__scs_entry_jumppad:
0x0: {  	(pc) =	sbr.rel $0x88, $3  }
0x1: {  	(tag) =	ssettag $0x0;
	lr =	simm.s32 $0x1  }
0x2: {  	[smem:$0x3F97] =	sst lr;
	_ =	strace $0xD0000000  }
0x3: {  	_ = 	snop  }
0x4: {  	_ = 	snop  }
0x5: {  	_ = 	snop  }
0x6: {  	_ = 	snop  }
0x7: {  	_ = 	snop  }
__scs_overlays_trampoline_lowered:
0x8: {  	[smem:$0x3FA6] =	sst s0  }
0x9: {  	[smem:$0x3FA7] =	sst s1  }
0xa: {  	[smem:$0x3FA8] =	sst s2  }
0xb: {  	[smem:$0x3FA9] =	sst s3  }
0xc: {  	[smem:$0x3FAA] =	sst s4  }
0xd: {  	[smem:$0x3FAB] =	sst s5  }
0xe: {  	[smem:$0x3FAC] =	sst s6  }
0xf: {  	[smem:$0x3FAD] =	sst s7  }
0x10: {  	[smem:$0x3FAE] =	sst s8  }
0x11: {  	[smem:$0x3FAF] =	sst s9;
	s0 =	simm.s32 @!p0 $0x0  }
0x12: {  	s1 =	sld [smem:$0x3F95];
	s0 =	simm.s32 @p0 $0x1  }
0x13: {  	[smem:$0x3FB0] =	sst s0;
	s0 =	simm.s32 @!p1 $0x0  }
0x14: {  	s2 =	sld [smem:$0x3F94];
	s0 =	simm.s32 @p1 $0x1  }
0x15: {  	[smem:$0x3FB1] =	sst s0;
	s0 =	simm.s32 @!p2 $0x0  }
0x16: {  	s3 =	sld [smem:$0x3FDB];
	s0 =	simm.s32 @p2 $0x1  }
0x17: {  	s4 =	simm.s32 $0x1BF5;
	[smem:$0x3FB3] =	sst s0  }
0x18: {  	s0 =	sld [smem:$0x3F96];
	_ =	swait.ge [sflag:s4], $0x0  }
0x19: {  	s7 =	sld [smem:$0x3F97]  }
0x1a: {  	s8 =	sadd.s32 $0xFFFFE003, lr  }
0x1b: {  	s9 =	sadd.s32 $0xFFFFFEF7, lr;
	s5 =	simm.s32 $0xFFFFFFFF;
	p2 =	slt.u32 s8, $0xFFFFF086  }
0x1c: {  	p1 =	slt.u32 s9, $0xF7A;
	s5 =	simm.s32 @!p2 $0x0  }
0x1d: {  	s5 =	simm.s32 @p1 $0x1;
	p0 =	seq.s32 s7, s2  }
0x1e: {  	s7 =	smul.u32 @!p0 $0xF7A, s2;
	p2 =	seq.s32 @!p0 s5, $0x0  }
0x1f: {  	s9 =	smul.u32 $0xF7A, s1;
	s8 =	simm.s32 @!p0 $0x1BF5;
	p2 =	por !p2, p0  }
0x20: {  	[sflag:s8] =	ssyncset.s32 @!p0 $0xFFFFF086;
	s6 =	sadd.s32 @!p0 s3, s7;
	s7 =	simm.s32 @!p0 $0x108  }
0x21: {  	s3 =	sadd.s32 s3, s9;
	s6 =	sadd.s32 @!p0 $0x88, s6;
	s7 =	simm.s32 @p2 $0x1082  }
0x22: {  	[simem:s7], [sflag:s8] =	dma.local @!p0 [hbm:s6], $0xF7A  }
0x23: {  	s9 =	sor.u32 $0xD0000000, s2;
	s6 =	simm.s32 $0x108;
	_ =	swait.ge @!p0 [sflag:s8], $0x0  }
0x24: {  	s3 =	sadd.s32 $0x88, s3;
	s6 =	simm.s32 @!p1 $0x1082;
	[sflag:s4] =	ssyncset.s32 $0xFFFFF086  }
0x25: {  	[simem:s6], [sflag:s4] =	dma.local [hbm:s3], $0xF7A  }
0x26: {  	[smem:$0x3F97] =	sst s1;
	(tag) =	ssettag s2;
	_ =	strace s9  }
0x27: {  	s1 =	sld [smem:$0x3FA7]  }
0x28: {  	s2 =	sld [smem:$0x3FA8]  }
0x29: {  	s4 =	sld [smem:$0x3FAA]  }
0x2a: {  	p0 =	seq.s32 s5, $0x0;
	s5 =	sld [smem:$0x3FAB]  }
0x2b: {  	s6 =	sld [smem:$0x3FAC]  }
0x2c: {  	s7 =	sld [smem:$0x3FAD]  }
0x2d: {  	s3 =	simm.s32 $0x108;
	s8 =	sld [smem:$0x3FAE]  }
0x2e: {  	s3 =	simm.s32 @!p0 $0x1082;
	s9 =	sld [smem:$0x3FAF]  }
0x2f: {  	lr =	sadd.s32 s0, s3;
	s0 =	sld [smem:$0x3FA6]  }
0x30: {  	s3 =	sld [smem:$0x3FA9]  }
0x31: {  	[smem:$0x3FB2] =	sst s10  }
0x32: {  	s10 =	sld [smem:$0x3FB0];
	_ =	sdelay $0x3  }
0x33: {  	p0 =	seq.s32 s10, $0x1;
	s10 =	sld [smem:$0x3FB2];
	_ =	sdelay $0x3  }
0x34: {  	[smem:$0x3FB2] =	sst s10  }
0x35: {  	s10 =	sld [smem:$0x3FB1];
	_ =	sdelay $0x3  }
0x36: {  	p1 =	seq.s32 s10, $0x1;
	s10 =	sld [smem:$0x3FB2];
	_ =	sdelay $0x3  }
0x37: {  	[smem:$0x3FB2] =	sst s10  }
0x38: {  	s10 =	sld [smem:$0x3FB3]  }
0x39: {  	_ = 	snop;
	(pc) =	sbr.ind lr, $3  }
0x3a: {  	_ = 	snop  }
0x3b: {  	_ = 	snop  }
0x3c: {  	p2 =	seq.s32 s10, $0x1;
	s10 =	sld [smem:$0x3FB2]  }
0x3d: {  	_ =	shalt  }
0x3e: {  	_ =	shalt  }
0x3f: {  	_ =	shalt  }
0x40: {  	_ =	shalt  }
0x41: {  	_ =	shalt  }
0x42: {  	_ =	shalt  }
0x43: {  	_ =	shalt  }
0x44: {  	_ =	shalt  }
0x45: {  	_ =	shalt  }
0x46: {  	_ =	shalt  }
0x47: {  	_ =	shalt  }
0x48: {  	_ =	shalt  }
0x49: {  	_ =	shalt  }
0x4a: {  	_ =	shalt  }
0x4b: {  	_ =	shalt  }
0x4c: {  	_ =	shalt  }
0x4d: {  	_ =	shalt  }
0x4e: {  	_ =	shalt  }
0x4f: {  	_ =	shalt  }
0x50: {  	_ =	shalt  }
0x51: {  	_ =	shalt  }
0x52: {  	_ =	shalt  }
0x53: {  	_ =	shalt  }
0x54: {  	_ =	shalt  }
0x55: {  	_ =	shalt  }
0x56: {  	_ =	shalt  }
0x57: {  	_ =	shalt  }
0x58: {  	_ =	shalt  }
0x59: {  	_ =	shalt  }
0x5a: {  	_ =	shalt  }
0x5b: {  	_ =	shalt  }
0x5c: {  	_ =	shalt  }
0x5d: {  	_ =	shalt  }
0x5e: {  	_ =	shalt  }
0x5f: {  	_ =	shalt  }
0x60: {  	_ =	shalt  }
0x61: {  	_ =	shalt  }
0x62: {  	_ =	shalt  }
0x63: {  	_ =	shalt  }
0x64: {  	_ =	shalt  }
0x65: {  	_ =	shalt  }
0x66: {  	_ =	shalt  }
0x67: {  	_ =	shalt  }
0x68: {  	_ =	shalt  }
0x69: {  	_ =	shalt  }
0x6a: {  	_ =	shalt  }
0x6b: {  	_ =	shalt  }
0x6c: {  	_ =	shalt  }
0x6d: {  	_ =	shalt  }
0x6e: {  	_ =	shalt  }
0x6f: {  	_ =	shalt  }
0x70: {  	_ =	shalt  }
0x71: {  	_ =	shalt  }
0x72: {  	_ =	shalt  }
0x73: {  	_ =	shalt  }
0x74: {  	_ =	shalt  }
0x75: {  	_ =	shalt  }
0x76: {  	_ =	shalt  }
0x77: {  	_ =	shalt  }
0x78: {  	_ =	shalt  }
0x79: {  	_ =	shalt  }
0x7a: {  	_ =	shalt  }
0x7b: {  	_ =	shalt  }
0x7c: {  	_ =	shalt  }
0x7d: {  	_ =	shalt  }
0x7e: {  	_ =	shalt  }
0x7f: {  	_ =	shalt  }
0x80: {  	_ =	shalt  }
0x81: {  	_ =	shalt  }
0x82: {  	_ =	shalt  }
0x83: {  	_ =	shalt  }
0x84: {  	_ =	shalt  }
0x85: {  	_ =	shalt  }
0x86: {  	_ =	shalt  }
0x87: {  	_ =	shalt  }
.Lfunc_end0:
.L_simem_size_0:
called_computation_lowered:
.L_overlay_start_0:
0x88: {  	s2 =	sld [smem:$0x3FD9]  }
0x89: {  	s3 =	sld [smem:$0x3FFE];
	_ =	sdelay $0x1  }
0x8a: {  	s1 =	srdreg.scid  }
0x8b: {  	s0 =	sand.u32 $0x1, s1  }
0x8c: {  	s16 =	sshll.u32 s0, $0xA;
	s2 =	sadd.s32 s3, s2  }
0x8d: {  	s2 =	sadd.s32 s2, s16  }
0x8e: {  	[smem:$0x3FBE] =	sst s2  }
0x8f: {  	_ = 	snop  }
0x90: {  	(tm) =	ssettm $0x1  }
0x91: {  	s17 =	sld [smem:$0x3FFB];
	_ =	sdelay $0x3  }
0x92: {  	_ =	strace s17  }
0x93: {  	s2 =	sld [smem:$0x3FFC];
	_ =	sdelay $0x3  }
0x94: {  	_ =	strace s2  }
0x95: {  	s2 =	sld [smem:$0x3FFD];
	_ =	sdelay $0x3  }
0x96: {  	_ =	strace s2  }
0x97: {  	_ =	strace $0x8FFFFFFF  }
0x98: {  	s18 =	sld [smem:$0x3FDB];
	_ =	sdelay $0x1  }
0x99: {  	s19 =	simm.s32 $_scs_section_size  }
0x9a: {  	s4 =	simm.s32 $_size__tile_overlayer_lowered;
	s5 =	simm.s32 $_tile_overlayer_lowered  }
0x9b: {  	s22 =	simm.s32 $0x1BFF;
	s21 =	sshll.u32 s5, $0x1;
	s2 =	sadd.s32 s19, s18  }
0x9c: {  	s6 =	simm.s32 $0x0;
	s20 =	sshll.u32 s4, $0x1;
	s4 =	sadd.s32 s21, s2  }
0x9d: {  	[timem:s6], [sflag:s22] =	dma.local [hbm:s4], s20  }
0x9e: {  	_ =	swait.ge [sflag:s22], s20  }
0x9f: {  	s3 =	ssub.s32 $0x0, s20;
	[sflag:s22] =	ssyncset.done $0x0  }
0xa0: {  	[sflag:s22] =	ssyncadd.s32 s3;
	_ =	sdelay $0x1  }
0xa1: {  	s23 =	simm.s32 $0x1B8B  }
0xa2: {  	_ =	swait.ge [sflag:s23], $0x1  }
0xa3: {  	[sflag:s23] =	ssyncset.done $0x0  }
0xa4: {  	s25 =	simm.s32 $0x1B8E;
	s24 =	sld [smem:$0x3FFE];
	[sflag:s23] =	ssyncadd.s32 $0xFFFFFFFF  }
0xa5: {  	s26 =	simm.s32 $execute0_lowered;
	[smem:$0x3FD2] =	sst s25  }
0xa6: {  	s4 =	sshll.u32 s26, $0x1;
	_ =	strace $0x80000046;
	[dreg:$0x1] =	wrdreg $0xFFFFFFFF  }
0xa7: {  	s28 =	simm.s32 $_size_execute0_lowered;
	s2 =	sadd.s32 s2, s4;
	[dreg:$0x0] =	wrdreg $0x0  }
0xa8: {  	s4 =	sshll.u32 s28, $0x1;
	[dreg:$0x2] =	wrdreg s2  }
0xa9: {  	[dreg:$0x3] =	wrdreg s4  }
0xaa: {  	[dreg:$0x4] =	wrdreg $0xC0  }
0xab: {  	_ =	task [dreg:s6], $0x5FFFF  }
0xac: {  	[dreg:$0x1] =	wrdreg $0xFFFFFFFF  }
0xad: {  	[dreg:$0x0] =	wrdreg $0x60  }
0xae: {  	[dreg:$0x2] =	wrdreg s24  }
0xaf: {  	[dreg:$0x3] =	wrdreg $0x53800  }
0xb0: {  	[dreg:$0x4] =	wrdreg $0x9  }
0xb1: {  	_ =	task.clear_ibuf [dreg:s6], $0x5FFFF;
	_ =	strace $0x90000046  }
0xb2: {  	s29 =	simm.s32 $0x9;
	_ =	strace $0x80000048  }
0xb3: {  	_ =	swait.ge [sflag:s29], $0x1  }
0xb4: {  	[sflag:s29] =	ssyncadd.s32 $0xFFFFFFFF  }
0xb5: {  	_ =	strace $0x90000048  }
0xb6: {  	_ =	sfence  }
0xb7: {  	s30 =	sld [smem:$0x0];
	_ =	sdelay $0x2  }
0xb8: {  	s31 =	sshll.u32 s1, $0xD;
	s1 =	sshrl.u32 s1, $0x2  }
0xb9: {  	s3 =	sand.u32 $0x4000, s31;
	s1 =	sadd.s32 s1, s30  }
0xba: {  	s0 =	sor.u32 s3, s0;
	s1 =	sshll.u32 s1, $0x11  }
0xbb: {  	s0 =	sor.u32 s1, s0  }
0xbc: {  	s0 =	sadd.s32 $0x8F2B, s0  }
0xbd: {  	[sflag:s0] =	ssyncadd.remote.s32 $0x1  }
0xbe: {  	_ =	sfence.sel $0xFFFF  }
0xbf: {  	[dreg:$0x0] =	wrdreg $0xFFFFFFFF;
	(pc) =	sbr.abs _section_cstart, $3  }
0xc0: {  	[dreg:$0x1] =	wrdreg $0xFFFFFFFF  }
0xc1: {  	_ =	task.clear_ibuf [dreg:s6], $0x2FFFF;
	_ =	strace $0x9FFFFFFF  }
0xc2: {  	(tm) =	ssettm $0x7FFFFFFF  }
0xc3: {  	_ =	shalt  }
tec
execute0_lowered:
.L_overlay_start_1:
0x0: {  	(tag) =	ssettag $0x1  }
0x1: {  	s5 =	rddreg [dreg:$0x0]  }
0x2: {  	s0 =	srdreg.scid;
	s2 =	rddreg [dreg:$0x1]  }
0x3: {  	s1 =	rddreg [dreg:$0x2];
	s3 =	simm.s32 $0x0;
	s4 =	sand.u32 $0x1, s0  }
0x4: {  	s13 =	simm.s32 $0x1;
	s0 =	stileid.u32;
	s6 =	smul.u32 $0x50000, s4  }
0x5: {  	s14 =	simm.s32 $0x80;
	s15 =	simm.s32 $0x5000;
	s7 =	smul.u32 $0x5000, s0  }
0x6: {  	s16 =	simm.s32 $0x5100;
	s17 =	simm.s32 $0x0;
	s8 =	smul.u32 $0x278, s0  }
0x7: {  	[smem:$0x7FF] =	sst s3;
	s29 =	smul.u32 $0x2780, s4;
	s31 =	ssub.s32 $0x2, s4  }
0x8: {  	_ =	strace $0x80000047;
	s10 =	sshrl.u32 s31, $0x1;
	s6 =	sadd.s32 s7, s6  }
0x9: {  	s30 =	sadd.s32 s8, s29;
	s4 =	sadd.s32 s8, s2;
	s6 =	sshrl.u32 s6, $0x3  }
0xa: {  	s12 =	ssub.s32 s31, s10;
	s9 =	sadd.s32 s6, s5;
	s6 =	sshrl.u32 s30, $0x3  }
0xb: {  	s7 =	sadd.s32 $0x180, s4;
	s8 =	sadd.s32 $0x200, s4;
	s11 =	sadd.s32 s6, s5  }
0xc: {  	s5 =	sadd.s32 $0x80, s4;
	s6 =	sadd.s32 $0x100, s4;
	s9 =	sadd.s32 $0x2800, s9  }
0xd: {  	v0 =	vimm.f32 $1.000000000e+00;
	v1 =	vimm.f32 $0.0e+00;
	s10 =	sadd.s32 $0x16800, s11;
	s11 =	smax.u32 s12, $0x1;
	s12 =	simm.s32 $0x5080  }
.LBB2_1:
0xe: {  	[tilespmem:$0x5000] =	vst v0  }
0xf: {  	[tilespmem:$0x5080] =	vst v1  }
0x10: {  	[tilespmem:$0x5010] =	vst v0  }
0x11: {  	[tilespmem:$0x5090] =	vst v1  }
0x12: {  	[tilespmem:$0x5020] =	vst v0  }
0x13: {  	[tilespmem:$0x50A0] =	vst v1  }
0x14: {  	[tilespmem:$0x5030] =	vst v0  }
0x15: {  	[tilespmem:$0x50B0] =	vst v1  }
0x16: {  	[tilespmem:$0x5040] =	vst v0  }
0x17: {  	[tilespmem:$0x50C0] =	vst v1  }
0x18: {  	[tilespmem:$0x5050] =	vst v0  }
0x19: {  	[tilespmem:$0x50D0] =	vst v1  }
0x1a: {  	[tilespmem:$0x5060] =	vst v0  }
0x1b: {  	[tilespmem:$0x50E0] =	vst v1  }
0x1c: {  	[tilespmem:$0x5070] =	vst v0  }
0x1d: {  	[tilespmem:$0x50F0] =	vst v1  }
0x1e: {  	[spmem:s4] =	stream.linear.scatter [tilespmem:s12], [sflag:$0x1], $0x80, $0x38;
	[tilespmem:$0x55F8] =	vst v63  }
0x1f: {  	_ =	swait.ge [sflag:s13], $0x80  }
0x20: {  	[sflag:s13] =	ssyncset.done $0x0  }
0x21: {  	[sflag:s13] =	ssyncadd.s32 $0xFFFFFF80  }
0x22: {  	[spmem:s5] =	stream.linear.scatter [tilespmem:s12], [sflag:$0x1], $0x80, $0x38;
	[tilespmem:$0x55F8] =	vst v63  }
0x23: {  	_ =	swait.ge [sflag:s13], $0x80  }
0x24: {  	[sflag:s13] =	ssyncset.done $0x0  }
0x25: {  	[sflag:s13] =	ssyncadd.s32 $0xFFFFFF80  }
0x26: {  	[spmem:s6] =	stream.linear.scatter [tilespmem:s12], [sflag:$0x1], $0x80, $0x38;
	[tilespmem:$0x55F8] =	vst v63  }
0x27: {  	_ =	swait.ge [sflag:s13], $0x80  }
0x28: {  	[sflag:s13] =	ssyncset.done $0x0  }
0x29: {  	[sflag:s13] =	ssyncadd.s32 $0xFFFFFF80  }
0x2a: {  	[spmem:s7] =	stream.linear.scatter [tilespmem:s12], [sflag:$0x1], $0x80, $0x38;
	[tilespmem:$0x55F8] =	vst v63  }
0x2b: {  	_ =	swait.ge [sflag:s13], $0x80  }
0x2c: {  	[sflag:s13] =	ssyncset.done $0x0  }
0x2d: {  	[sflag:s13] =	ssyncadd.s32 $0xFFFFFF80  }
0x2e: {  	[spmem:s8] =	stream.linear.scatter [tilespmem:s12], [sflag:$0x1], $0x78, $0x38;
	[tilespmem:$0x55F8] =	vst v63  }
0x2f: {  	_ =	swait.ge [sflag:s13], $0x78  }
0x30: {  	[sflag:s13] =	ssyncset.done $0x0  }
0x31: {  	[sflag:s13] =	ssyncadd.s32 $0xFFFFFF88  }
0x32: {  	[bflag:$0x0] =	sbarrier.arrive $0xFFFF  }
0x33: {  	[tilespmem:s3], [sflag:$0x1] =	stream.linear.gather [hbm4b:s9+s3], $0x4E80, $0x38;
	[tilespmem:$0x55F8] =	vst v63  }
0x34: {  	_ =	swait.ge [sflag:s13], $0x4E80  }
0x35: {  	[sflag:s13] =	ssyncset.done $0x0  }
0x36: {  	s18 =	simm.s32 $0x0;
	[sflag:s13] =	ssyncadd.s32 $0xFFFFB180  }
0x37: {  	[spmem:s2] =	stream.indirect.scatter.add.f32 [tilespmem:s15], [sflag:$0x1], $0x1, s18, s14, $0xb8;
	[tilespmem:$0x55F8] =	vst v63  }
0x38: {  	_ =	swait.ge [sflag:s13], $0x80  }
0x39: {  	s18 =	simm.s32 $0x200;
	[sflag:s13] =	ssyncset.done $0x0  }
.LBB2_2:
0x3a: {  	s19 =	sshra.s32 s18, $0x2;
	[sflag:s13] =	ssyncadd.s32 $0xFFFFFF80;
	p0 =	sne.s32 s18, $0x13800  }
0x3b: {  	[spmem:s2] =	stream.indirect.scatter.add.f32 [tilespmem:s15], [sflag:$0x1], $0x1, s19, s14, $0xb8;
	[tilespmem:$0x55F8] =	vst v63  }
.Ltmp0:
0x3c: {  	_ = 	snop;
	(pc) =	sbr.rel @p0 .LBB2_2-.Ltmp0, $4  }
0x3d: {  	_ = 	snop  }
0x3e: {  	s18 =	sadd.s32 $0x200, s18  }
0x3f: {  	_ =	swait.ge [sflag:s13], $0x80  }
0x40: {  	[sflag:s13] =	ssyncset.done $0x0  }
0x41: {  	[sflag:s13] =	ssyncadd.s32 $0xFFFFFF80  }
0x42: {  	[bflag:$0x0] =	sbarrier.arrive $0xFFFF  }
0x43: {  	[tilespmem:s16], [sflag:$0x1] =	stream.linear.gather [spmem:s4], $0x278, $0x38;
	[tilespmem:$0x55F8] =	vst v63  }
0x44: {  	s17 =	sadd.s32 $0x1, s17;
	_ =	swait.ge [sflag:s13], $0x278  }
0x45: {  	p0 =	sne.s32 s17, s11;
	[sflag:s13] =	ssyncset.done $0x0  }
.Ltmp1:
0x46: {  	[sflag:s13] =	ssyncadd.s32 $0xFFFFFD88;
	(pc) =	sbr.rel @p0 .LBB2_1-.Ltmp1, $4  }
0x47: {  	[hbm4b:s10+s3] =	stream.linear.scatter [tilespmem:s16], [sflag:$0x1], $0x278, $0x38;
	[tilespmem:$0x55F8] =	vst v63  }
0x48: {  	_ =	swait.ge [sflag:s13], $0x278  }
0x49: {  	[sflag:s13] =	ssyncset.done $0x0  }
0x4a: {  	[sflag:s13] =	ssyncadd.s32 $0xFFFFFD88  }
0x4b: {  	_ =	sfence.sel $0x180000  }
0x4c: {  	[bflag:$0x0] =	sbarrier.arrive $0xFFFF  }
0x4d: {  	p0 =	sne.s32 s0, $0x0;
	_ =	strace $0x90000047  }
0x4e: {  	s0 =	sadd.s32 @!p0 $0x100000, s1;
	[bflag:$0x2] =	sbarrier.arrive $0xFFFF  }
0x4f: {  	[sflag:s0] =	ssyncadd.tile.s32 @!p0 $0x1;
	_ =	shalt  }
.Lfunc_end2:
_tile_overlayer_lowered:
.L_overlay_start_2:
0x50: {  	(tag) =	ssettag $0x2  }
0x51: {  	s0 =	rddreg [dreg:$0x0];
	s2 =	stileid.u32  }
0x52: {  	s1 =	rddreg [dreg:$0x1];
	p0 =	sne.s32 s2, $0x0  }
0x53: {  	s3 =	rddreg [dreg:$0x2];
	[bflag:$0x3] =	sbarrier.arrive $0xFFFF;
	s2 =	simm.s32 @!p0 $0x1C01  }
0x54: {  	[timem:s3], [sflag:s2] =	dma.local @!p0 [hbm:s0], s1  }
0x55: {  	s0 =	simm.s32 @!p0 $0x1  }
0x56: {  	_ =	swait.ge @!p0 [sflag:s0], s1  }
0x57: {  	s1 =	ssub.s32 @!p0 $0x0, s1;
	[sflag:s0] =	ssyncset.done @!p0 $0x0  }
0x58: {  	[sflag:s0] =	ssyncadd.s32 @!p0 s1  }
0x59: {  	[bflag:$0x3] =	sbarrier.arrive $0xFFFF  }
0x5a: {  	_ =	shalt  }

// kernel: kernel.13.cloned.1.call-start
scs
__scs_entry_jumppad:
0x0: {  	(pc) =	sbr.rel $0x88, $3  }
0x1: {  	(tag) =	ssettag $0x0;
	lr =	simm.s32 $0x1  }
0x2: {  	[smem:$0x3F97] =	sst lr;
	_ =	strace $0xD0000000  }
0x3: {  	_ = 	snop  }
0x4: {  	_ = 	snop  }
0x5: {  	_ = 	snop  }
0x6: {  	_ = 	snop  }
0x7: {  	_ = 	snop  }
__scs_overlays_trampoline_lowered:
0x8: {  	[smem:$0x3FA6] =	sst s0  }
0x9: {  	[smem:$0x3FA7] =	sst s1  }
0xa: {  	[smem:$0x3FA8] =	sst s2  }
0xb: {  	[smem:$0x3FA9] =	sst s3  }
0xc: {  	[smem:$0x3FAA] =	sst s4  }
0xd: {  	[smem:$0x3FAB] =	sst s5  }
0xe: {  	[smem:$0x3FAC] =	sst s6  }
0xf: {  	[smem:$0x3FAD] =	sst s7  }
0x10: {  	[smem:$0x3FAE] =	sst s8  }
0x11: {  	[smem:$0x3FAF] =	sst s9;
	s0 =	simm.s32 @!p0 $0x0  }
0x12: {  	s1 =	sld [smem:$0x3F95];
	s0 =	simm.s32 @p0 $0x1  }
0x13: {  	[smem:$0x3FB0] =	sst s0;
	s0 =	simm.s32 @!p1 $0x0  }
0x14: {  	s2 =	sld [smem:$0x3F94];
	s0 =	simm.s32 @p1 $0x1  }
0x15: {  	[smem:$0x3FB1] =	sst s0;
	s0 =	simm.s32 @!p2 $0x0  }
0x16: {  	s3 =	sld [smem:$0x3FDB];
	s0 =	simm.s32 @p2 $0x1  }
0x17: {  	s4 =	simm.s32 $0x1BF5;
	[smem:$0x3FB3] =	sst s0  }
0x18: {  	s0 =	sld [smem:$0x3F96];
	_ =	swait.ge [sflag:s4], $0x0  }
0x19: {  	s7 =	sld [smem:$0x3F97]  }
0x1a: {  	s8 =	sadd.s32 $0xFFFFE003, lr  }
0x1b: {  	s9 =	sadd.s32 $0xFFFFFEF7, lr;
	s5 =	simm.s32 $0xFFFFFFFF;
	p2 =	slt.u32 s8, $0xFFFFF086  }
0x1c: {  	p1 =	slt.u32 s9, $0xF7A;
	s5 =	simm.s32 @!p2 $0x0  }
0x1d: {  	s5 =	simm.s32 @p1 $0x1;
	p0 =	seq.s32 s7, s2  }
0x1e: {  	s7 =	smul.u32 @!p0 $0xF7A, s2;
	p2 =	seq.s32 @!p0 s5, $0x0  }
0x1f: {  	s9 =	smul.u32 $0xF7A, s1;
	s8 =	simm.s32 @!p0 $0x1BF5;
	p2 =	por !p2, p0  }
0x20: {  	[sflag:s8] =	ssyncset.s32 @!p0 $0xFFFFF086;
	s6 =	sadd.s32 @!p0 s3, s7;
	s7 =	simm.s32 @!p0 $0x108  }
0x21: {  	s3 =	sadd.s32 s3, s9;
	s6 =	sadd.s32 @!p0 $0x88, s6;
	s7 =	simm.s32 @p2 $0x1082  }
0x22: {  	[simem:s7], [sflag:s8] =	dma.local @!p0 [hbm:s6], $0xF7A  }
0x23: {  	s9 =	sor.u32 $0xD0000000, s2;
	s6 =	simm.s32 $0x108;
	_ =	swait.ge @!p0 [sflag:s8], $0x0  }
0x24: {  	s3 =	sadd.s32 $0x88, s3;
	s6 =	simm.s32 @!p1 $0x1082;
	[sflag:s4] =	ssyncset.s32 $0xFFFFF086  }
0x25: {  	[simem:s6], [sflag:s4] =	dma.local [hbm:s3], $0xF7A  }
0x26: {  	[smem:$0x3F97] =	sst s1;
	(tag) =	ssettag s2;
	_ =	strace s9  }
0x27: {  	s1 =	sld [smem:$0x3FA7]  }
0x28: {  	s2 =	sld [smem:$0x3FA8]  }
0x29: {  	s4 =	sld [smem:$0x3FAA]  }
0x2a: {  	p0 =	seq.s32 s5, $0x0;
	s5 =	sld [smem:$0x3FAB]  }
0x2b: {  	s6 =	sld [smem:$0x3FAC]  }
0x2c: {  	s7 =	sld [smem:$0x3FAD]  }
0x2d: {  	s3 =	simm.s32 $0x108;
	s8 =	sld [smem:$0x3FAE]  }
0x2e: {  	s3 =	simm.s32 @!p0 $0x1082;
	s9 =	sld [smem:$0x3FAF]  }
0x2f: {  	lr =	sadd.s32 s0, s3;
	s0 =	sld [smem:$0x3FA6]  }
0x30: {  	s3 =	sld [smem:$0x3FA9]  }
0x31: {  	[smem:$0x3FB2] =	sst s10  }
0x32: {  	s10 =	sld [smem:$0x3FB0];
	_ =	sdelay $0x3  }
0x33: {  	p0 =	seq.s32 s10, $0x1;
	s10 =	sld [smem:$0x3FB2];
	_ =	sdelay $0x3  }
0x34: {  	[smem:$0x3FB2] =	sst s10  }
0x35: {  	s10 =	sld [smem:$0x3FB1];
	_ =	sdelay $0x3  }
0x36: {  	p1 =	seq.s32 s10, $0x1;
	s10 =	sld [smem:$0x3FB2];
	_ =	sdelay $0x3  }
0x37: {  	[smem:$0x3FB2] =	sst s10  }
0x38: {  	s10 =	sld [smem:$0x3FB3]  }
0x39: {  	_ = 	snop;
	(pc) =	sbr.ind lr, $3  }
0x3a: {  	_ = 	snop  }
0x3b: {  	_ = 	snop  }
0x3c: {  	p2 =	seq.s32 s10, $0x1;
	s10 =	sld [smem:$0x3FB2]  }
0x3d: {  	_ =	shalt  }
0x3e: {  	_ =	shalt  }
0x3f: {  	_ =	shalt  }
0x40: {  	_ =	shalt  }
0x41: {  	_ =	shalt  }
0x42: {  	_ =	shalt  }
0x43: {  	_ =	shalt  }
0x44: {  	_ =	shalt  }
0x45: {  	_ =	shalt  }
0x46: {  	_ =	shalt  }
0x47: {  	_ =	shalt  }
0x48: {  	_ =	shalt  }
0x49: {  	_ =	shalt  }
0x4a: {  	_ =	shalt  }
0x4b: {  	_ =	shalt  }
0x4c: {  	_ =	shalt  }
0x4d: {  	_ =	shalt  }
0x4e: {  	_ =	shalt  }
0x4f: {  	_ =	shalt  }
0x50: {  	_ =	shalt  }
0x51: {  	_ =	shalt  }
0x52: {  	_ =	shalt  }
0x53: {  	_ =	shalt  }
0x54: {  	_ =	shalt  }
0x55: {  	_ =	shalt  }
0x56: {  	_ =	shalt  }
0x57: {  	_ =	shalt  }
0x58: {  	_ =	shalt  }
0x59: {  	_ =	shalt  }
0x5a: {  	_ =	shalt  }
0x5b: {  	_ =	shalt  }
0x5c: {  	_ =	shalt  }
0x5d: {  	_ =	shalt  }
0x5e: {  	_ =	shalt  }
0x5f: {  	_ =	shalt  }
0x60: {  	_ =	shalt  }
0x61: {  	_ =	shalt  }
0x62: {  	_ =	shalt  }
0x63: {  	_ =	shalt  }
0x64: {  	_ =	shalt  }
0x65: {  	_ =	shalt  }
0x66: {  	_ =	shalt  }
0x67: {  	_ =	shalt  }
0x68: {  	_ =	shalt  }
0x69: {  	_ =	shalt  }
0x6a: {  	_ =	shalt  }
0x6b: {  	_ =	shalt  }
0x6c: {  	_ =	shalt  }
0x6d: {  	_ =	shalt  }
0x6e: {  	_ =	shalt  }
0x6f: {  	_ =	shalt  }
0x70: {  	_ =	shalt  }
0x71: {  	_ =	shalt  }
0x72: {  	_ =	shalt  }
0x73: {  	_ =	shalt  }
0x74: {  	_ =	shalt  }
0x75: {  	_ =	shalt  }
0x76: {  	_ =	shalt  }
0x77: {  	_ =	shalt  }
0x78: {  	_ =	shalt  }
0x79: {  	_ =	shalt  }
0x7a: {  	_ =	shalt  }
0x7b: {  	_ =	shalt  }
0x7c: {  	_ =	shalt  }
0x7d: {  	_ =	shalt  }
0x7e: {  	_ =	shalt  }
0x7f: {  	_ =	shalt  }
0x80: {  	_ =	shalt  }
0x81: {  	_ =	shalt  }
0x82: {  	_ =	shalt  }
0x83: {  	_ =	shalt  }
0x84: {  	_ =	shalt  }
0x85: {  	_ =	shalt  }
0x86: {  	_ =	shalt  }
0x87: {  	_ =	shalt  }
.Lfunc_end0:
.L_simem_size_0:
called_computation.1_lowered:
.L_overlay_start_0:
0x88: {  	s2 =	sld [smem:$0x3FD9]  }
0x89: {  	s3 =	sld [smem:$0x3FFE];
	_ =	sdelay $0x1  }
0x8a: {  	s1 =	srdreg.scid  }
0x8b: {  	s0 =	sand.u32 $0x1, s1  }
0x8c: {  	s16 =	sshll.u32 s0, $0xA;
	s2 =	sadd.s32 s3, s2  }
0x8d: {  	s2 =	sadd.s32 s2, s16  }
0x8e: {  	[smem:$0x3FBE] =	sst s2  }
0x8f: {  	_ = 	snop  }
0x90: {  	(tm) =	ssettm $0x1  }
0x91: {  	s17 =	sld [smem:$0x3FFB];
	_ =	sdelay $0x3  }
0x92: {  	_ =	strace s17  }
0x93: {  	s2 =	sld [smem:$0x3FFC];
	_ =	sdelay $0x3  }
0x94: {  	_ =	strace s2  }
0x95: {  	s2 =	sld [smem:$0x3FFD];
	_ =	sdelay $0x3  }
0x96: {  	_ =	strace s2  }
0x97: {  	_ =	strace $0x8FFFFFFF  }
0x98: {  	s18 =	sld [smem:$0x3FDB];
	_ =	sdelay $0x1  }
0x99: {  	s19 =	simm.s32 $_scs_section_size  }
0x9a: {  	s4 =	simm.s32 $_size__tile_overlayer_lowered;
	s5 =	simm.s32 $_tile_overlayer_lowered  }
0x9b: {  	s22 =	simm.s32 $0x1BFF;
	s21 =	sshll.u32 s5, $0x1;
	s2 =	sadd.s32 s19, s18  }
0x9c: {  	s6 =	simm.s32 $0x0;
	s20 =	sshll.u32 s4, $0x1;
	s4 =	sadd.s32 s21, s2  }
0x9d: {  	[timem:s6], [sflag:s22] =	dma.local [hbm:s4], s20  }
0x9e: {  	_ =	swait.ge [sflag:s22], s20  }
0x9f: {  	s3 =	ssub.s32 $0x0, s20;
	[sflag:s22] =	ssyncset.done $0x0  }
0xa0: {  	[sflag:s22] =	ssyncadd.s32 s3;
	_ =	sdelay $0x1  }
0xa1: {  	s23 =	simm.s32 $0x1B8B  }
0xa2: {  	_ =	swait.ge [sflag:s23], $0x1  }
0xa3: {  	[sflag:s23] =	ssyncset.done $0x0  }
0xa4: {  	s25 =	simm.s32 $0x1B8E;
	s24 =	sld [smem:$0x3FFE];
	[sflag:s23] =	ssyncadd.s32 $0xFFFFFFFF  }
0xa5: {  	s26 =	simm.s32 $execute0_lowered;
	[smem:$0x3FD2] =	sst s25  }
0xa6: {  	s4 =	sshll.u32 s26, $0x1;
	_ =	strace $0x80000049;
	[dreg:$0x1] =	wrdreg $0xFFFFFFFF  }
0xa7: {  	s28 =	simm.s32 $_size_execute0_lowered;
	s2 =	sadd.s32 s2, s4;
	[dreg:$0x0] =	wrdreg $0x0  }
0xa8: {  	s4 =	sshll.u32 s28, $0x1;
	[dreg:$0x2] =	wrdreg s2  }
0xa9: {  	[dreg:$0x3] =	wrdreg s4  }
0xaa: {  	[dreg:$0x4] =	wrdreg $0xC0  }
0xab: {  	_ =	task [dreg:s6], $0x5FFFF  }
0xac: {  	[dreg:$0x1] =	wrdreg $0xFFFFFFFF  }
0xad: {  	[dreg:$0x0] =	wrdreg $0x60  }
0xae: {  	[dreg:$0x2] =	wrdreg s24  }
0xaf: {  	[dreg:$0x3] =	wrdreg $0x120000  }
0xb0: {  	[dreg:$0x4] =	wrdreg $0x9  }
0xb1: {  	_ =	task.clear_ibuf [dreg:s6], $0x5FFFF;
	_ =	strace $0x90000049  }
0xb2: {  	s29 =	simm.s32 $0x9;
	_ =	strace $0x8000004B  }
0xb3: {  	_ =	swait.ge [sflag:s29], $0x1  }
0xb4: {  	[sflag:s29] =	ssyncadd.s32 $0xFFFFFFFF  }
0xb5: {  	_ =	strace $0x9000004B  }
0xb6: {  	_ =	sfence  }
0xb7: {  	s30 =	sld [smem:$0x0];
	_ =	sdelay $0x2  }
0xb8: {  	s31 =	sshll.u32 s1, $0xD;
	s1 =	sshrl.u32 s1, $0x2  }
0xb9: {  	s3 =	sand.u32 $0x4000, s31;
	s1 =	sadd.s32 s1, s30  }
0xba: {  	s0 =	sor.u32 s3, s0;
	s1 =	sshll.u32 s1, $0x11  }
0xbb: {  	s0 =	sor.u32 s1, s0  }
0xbc: {  	s0 =	sadd.s32 $0x8F2B, s0  }
0xbd: {  	[sflag:s0] =	ssyncadd.remote.s32 $0x1  }
0xbe: {  	_ =	sfence.sel $0xFFFF  }
0xbf: {  	[dreg:$0x0] =	wrdreg $0xFFFFFFFF;
	(pc) =	sbr.abs _section_cstart, $3  }
0xc0: {  	[dreg:$0x1] =	wrdreg $0xFFFFFFFF  }
0xc1: {  	_ =	task.clear_ibuf [dreg:s6], $0x2FFFF;
	_ =	strace $0x9FFFFFFF  }
0xc2: {  	(tm) =	ssettm $0x7FFFFFFF  }
0xc3: {  	_ =	shalt  }
tec
execute0_lowered:
.L_overlay_start_1:
0x0: {  	(tag) =	ssettag $0x1  }
0x1: {  	s1 =	srdreg.scid;
	s5 =	rddreg [dreg:$0x0]  }
0x2: {  	s0 =	stileid.u32;
	s2 =	rddreg [dreg:$0x1];
	s3 =	simm.s32 $0x0  }
0x3: {  	s18 =	simm.s32 $0x2;
	s19 =	simm.s32 $0xE000;
	s20 =	simm.s32 $0x5000  }
0x4: {  	s21 =	simm.s32 $0x80;
	s22 =	simm.s32 $0xA000;
	s6 =	smul.u32 $0x5000, s0  }
0x5: {  	s23 =	simm.s32 $0x1;
	s24 =	simm.s32 $0x0;
	s9 =	smul.u32 $0x29000, s0  }
0x6: {  	s7 =	sand.u32 $0x1, s1;
	s1 =	rddreg [dreg:$0x2];
	s10 =	smul.u32 $0xA400, s0  }
0x7: {  	[smem:$0x7FF] =	sst s3;
	s12 =	sadd.s32 $0x8D400, s5;
	s4 =	smul.u32 $0x50000, s7  }
0x8: {  	_ =	strace $0x8000004A;
	s30 =	ssub.s32 $0x2, s7;
	s15 =	smul.u32 $0x148000, s7  }
0x9: {  	s31 =	sshrl.u32 s30, $0x1;
	s9 =	sshrl.u32 s9, $0x2;
	s11 =	sadd.s32 $0x4000, s10  }
0xa: {  	s14 =	sadd.s32 $0x8000, s10;
	s8 =	sadd.s32 s6, s4;
	s4 =	sadd.s32 $0x3F200, s5  }
0xb: {  	s6 =	sshrl.u32 s6, $0x3;
	s17 =	ssub.s32 s30, s31;
	s7 =	sadd.s32 s11, s2  }
0xc: {  	s10 =	sadd.s32 s10, s15;
	s11 =	sadd.s32 s15, s11;
	s8 =	sshrl.u32 s8, $0x3  }
0xd: {  	s13 =	sadd.s32 s6, s5;
	s6 =	sadd.s32 s9, s2;
	s10 =	sshrl.u32 s10, $0x3  }
0xe: {  	s11 =	sshrl.u32 s11, $0x3;
	s17 =	smax.u32 s17, $0x1;
	s8 =	sadd.s32 s8, s5  }
0xf: {  	s5 =	sadd.s32 $0x17200, s8;
	s8 =	sadd.s32 s14, s2;
	s14 =	sadd.s32 s15, s14  }
0x10: {  	s9 =	sadd.s32 $0x2B200, s13;
	s10 =	sadd.s32 s12, s10;
	s14 =	sshrl.u32 s14, $0x3  }
0x11: {  	s11 =	sadd.s32 s12, s11;
	s13 =	sadd.s32 $0x35200, s13;
	s12 =	sadd.s32 s12, s14  }
0x12: {  	v0 =	vimm.f32 $0.0e+00;
	s15 =	sadd.s32 $0x14800, s11;
	s14 =	sadd.s32 $0x14800, s10;
	s16 =	sadd.s32 $0x14800, s12  }
.LBB2_1:
0x13: {  	s25 =	simm.s32 $0x0;
	s26 =	simm.s32 $0x200  }
.LBB2_2:
0x14: {  	p0 =	sne.s32 s26, $0xFE00;
	[tilespmem:s25+$0xE070] =	vst v0  }
0x15: {  	[tilespmem:s25+$0xE000] =	vst v0  }
0x16: {  	[tilespmem:s25+$0xE010] =	vst v0  }
.Ltmp0:
0x17: {  	[tilespmem:s25+$0xE020] =	vst v0;
	(pc) =	sbr.rel @p0 .LBB2_2-.Ltmp0, $4  }
0x18: {  	[tilespmem:s25+$0xE030] =	vst v0  }
0x19: {  	[tilespmem:s25+$0xE040] =	vst v0  }
0x1a: {  	[tilespmem:s25+$0xE050] =	vst v0  }
0x1b: {  	[tilespmem:s25+$0xE060] =	vst v0;
	s25 =	sshra.s32 s26, $0x2;
	s26 =	sadd.s32 $0x200, s26  }
0x1c: {  	[tilespmem:s25+$0xE070] =	vst v0  }
0x1d: {  	[tilespmem:s25+$0xE000] =	vst v0  }
0x1e: {  	[tilespmem:s25+$0xE010] =	vst v0  }
0x1f: {  	[tilespmem:s25+$0xE020] =	vst v0  }
0x20: {  	[tilespmem:s25+$0xE030] =	vst v0  }
0x21: {  	[tilespmem:s25+$0xE040] =	vst v0  }
0x22: {  	[tilespmem:s25+$0xE050] =	vst v0  }
0x23: {  	[tilespmem:s25+$0xE060] =	vst v0;
	s29 =	simm.s32 $0x0  }
0x24: {  	[tilespmem:s29], [sflag:$0x2] =	stream.linear.gather [hbm4b:s5+s29], $0x4E80, $0x38;
	[tilespmem:$0x1C400] =	vst v63  }
0x25: {  	_ =	swait.ge [sflag:s18], $0x4E80  }
0x26: {  	[sflag:s18] =	ssyncset.done $0x0  }
0x27: {  	[sflag:s18] =	ssyncadd.s32 $0xFFFFB180  }
0x28: {  	[spmem:s6] =	stream.linear.scatter [tilespmem:s19], [sflag:$0x2], $0x4000, $0x38;
	[tilespmem:$0x1C400] =	vst v63  }
0x29: {  	_ =	swait.ge [sflag:s18], $0x4000  }
0x2a: {  	[sflag:s18] =	ssyncset.done $0x0  }
0x2b: {  	[sflag:s18] =	ssyncadd.s32 $0xFFFFC000  }
0x2c: {  	[spmem:s7] =	stream.linear.scatter [tilespmem:s19], [sflag:$0x2], $0x4000, $0x38;
	[tilespmem:$0x1C400] =	vst v63  }
0x2d: {  	_ =	swait.ge [sflag:s18], $0x4000  }
0x2e: {  	[sflag:s18] =	ssyncset.done $0x0  }
0x2f: {  	[sflag:s18] =	ssyncadd.s32 $0xFFFFC000  }
0x30: {  	[spmem:s8] =	stream.linear.scatter [tilespmem:s19], [sflag:$0x2], $0x2400, $0x38;
	[tilespmem:$0x1C400] =	vst v63  }
0x31: {  	_ =	swait.ge [sflag:s18], $0x2400  }
0x32: {  	[sflag:s18] =	ssyncset.done $0x0  }
0x33: {  	[sflag:s18] =	ssyncadd.s32 $0xFFFFDC00  }
0x34: {  	[bflag:$0x0] =	sbarrier.arrive $0xFFFF  }
0x35: {  	[tilespmem:s20], [sflag:$0x2] =	stream.linear.gather [hbm4b:s9+s29], $0x4E80, $0x38;
	[tilespmem:$0x1C400] =	vst v63  }
0x36: {  	_ =	swait.ge [sflag:s18], $0x4E80  }
0x37: {  	[sflag:s18] =	ssyncset.done $0x0  }
0x38: {  	s30 =	simm.s32 $0x0;
	[sflag:s18] =	ssyncadd.s32 $0xFFFFB180  }
0x39: {  	[tilespmem:s22], [sflag:$0x1] =	stream.indirect.gather [hbm4b:s4+s21], $0x80, s30, s21, $0xb8;
	[tilespmem:$0x1C400] =	vst v63  }
0x3a: {  	_ =	swait.ge [sflag:s23], $0x4000  }
0x3b: {  	[sflag:s23] =	ssyncset.done $0x0  }
0x3c: {  	s31 =	simm.s32 $0x5000;
	[sflag:s23] =	ssyncadd.s32 $0xFFFFC000  }
0x3d: {  	[spmem:s2] =	stream.indirect.scatter.add.f32 [tilespmem:s22], [sflag:$0x2], $0x80, s31, s21, $0xb8;
	[tilespmem:$0x1C400] =	vst v63  }
0x3e: {  	_ =	swait.ge [sflag:s18], $0x4000  }
0x3f: {  	s25 =	simm.s32 $0x200;
	s26 =	simm.s32 $0x400;
	[sflag:s18] =	ssyncset.done $0x0  }
.LBB2_4:
0x40: {  	s28 =	sshra.s32 s25, $0x2  }
0x41: {  	[sflag:s18] =	ssyncadd.s32 $0xFFFFC000;
	s25 =	smov.u32 s26;
	s29 =	sadd.s32 $0x200, s26  }
0x42: {  	[tilespmem:s22], [sflag:$0x1] =	stream.indirect.gather [hbm4b:s4+s21], $0x80, s28, s21, $0xb8;
	[tilespmem:$0x1C400] =	vst v63  }
0x43: {  	p0 =	sne.s32 s26, $0x13800;
	_ =	swait.ge [sflag:s23], $0x4000  }
.Ltmp1:
0x44: {  	[sflag:s23] =	ssyncset.done $0x0;
	(pc) =	sbr.rel @p0 .LBB2_4-.Ltmp1, $4  }
0x45: {  	s26 =	sadd.s32 $0x5000, s28;
	[sflag:s23] =	ssyncadd.s32 $0xFFFFC000  }
0x46: {  	[spmem:s2] =	stream.indirect.scatter.add.f32 [tilespmem:s22], [sflag:$0x2], $0x80, s26, s21, $0xb8;
	[tilespmem:$0x1C400] =	vst v63  }
0x47: {  	_ =	swait.ge [sflag:s18], $0x4000  }
0x48: {  	s26 =	smov.u32 s29;
	[sflag:s18] =	ssyncset.done $0x0  }
0x49: {  	s25 =	sshra.s32 s25, $0x2;
	[sflag:s18] =	ssyncadd.s32 $0xFFFFC000  }
0x4a: {  	[tilespmem:s22], [sflag:$0x1] =	stream.indirect.gather [hbm4b:s4+s21], $0x80, s25, s21, $0xb8;
	[tilespmem:$0x1C400] =	vst v63  }
0x4b: {  	_ =	swait.ge [sflag:s23], $0x4000  }
0x4c: {  	[sflag:s23] =	ssyncset.done $0x0  }
0x4d: {  	s25 =	sadd.s32 $0x5000, s25;
	[sflag:s23] =	ssyncadd.s32 $0xFFFFC000  }
0x4e: {  	[spmem:s2] =	stream.indirect.scatter.add.f32 [tilespmem:s22], [sflag:$0x2], $0x80, s25, s21, $0xb8;
	[tilespmem:$0x1C400] =	vst v63  }
0x4f: {  	_ =	swait.ge [sflag:s18], $0x4000  }
0x50: {  	[sflag:s18] =	ssyncset.done $0x0  }
0x51: {  	[sflag:s18] =	ssyncadd.s32 $0xFFFFC000  }
0x52: {  	[bflag:$0x0] =	sbarrier.arrive $0xFFFF  }
0x53: {  	[tilespmem:s22], [sflag:$0x2] =	stream.linear.gather [spmem:s6], $0x4000, $0x38;
	[tilespmem:$0x1C400] =	vst v63  }
0x54: {  	_ =	swait.ge [sflag:s18], $0x4000  }
0x55: {  	[sflag:s18] =	ssyncset.done $0x0  }
0x56: {  	s29 =	simm.s32 $0x0;
	[sflag:s18] =	ssyncadd.s32 $0xFFFFC000  }
0x57: {  	[hbm4b:s10+s29] =	stream.linear.scatter [tilespmem:s22], [sflag:$0x2], $0x4000, $0x38;
	[tilespmem:$0x1C400] =	vst v63  }
0x58: {  	_ =	swait.ge [sflag:s18], $0x4000  }
0x59: {  	[sflag:s18] =	ssyncset.done $0x0  }
0x5a: {  	[sflag:s18] =	ssyncadd.s32 $0xFFFFC000  }
0x5b: {  	[tilespmem:s22], [sflag:$0x2] =	stream.linear.gather [spmem:s7], $0x4000, $0x38;
	[tilespmem:$0x1C400] =	vst v63  }
0x5c: {  	_ =	swait.ge [sflag:s18], $0x4000  }
0x5d: {  	[sflag:s18] =	ssyncset.done $0x0  }
0x5e: {  	[sflag:s18] =	ssyncadd.s32 $0xFFFFC000  }
0x5f: {  	[hbm4b:s11+s29] =	stream.linear.scatter [tilespmem:s22], [sflag:$0x2], $0x4000, $0x38;
	[tilespmem:$0x1C400] =	vst v63  }
0x60: {  	_ =	swait.ge [sflag:s18], $0x4000  }
0x61: {  	[sflag:s18] =	ssyncset.done $0x0  }
0x62: {  	[sflag:s18] =	ssyncadd.s32 $0xFFFFC000  }
0x63: {  	[tilespmem:s22], [sflag:$0x2] =	stream.linear.gather [spmem:s8], $0x2400, $0x38;
	[tilespmem:$0x1C400] =	vst v63  }
0x64: {  	_ =	swait.ge [sflag:s18], $0x2400  }
0x65: {  	[sflag:s18] =	ssyncset.done $0x0  }
0x66: {  	[sflag:s18] =	ssyncadd.s32 $0xFFFFDC00  }
0x67: {  	[hbm4b:s12+s29] =	stream.linear.scatter [tilespmem:s22], [sflag:$0x2], $0x2400, $0x38;
	[tilespmem:$0x1C400] =	vst v63  }
0x68: {  	_ =	swait.ge [sflag:s18], $0x2400  }
0x69: {  	[sflag:s18] =	ssyncset.done $0x0  }
0x6a: {  	[sflag:s18] =	ssyncadd.s32 $0xFFFFDC00  }
0x6b: {  	[spmem:s6] =	stream.linear.scatter [tilespmem:s19], [sflag:$0x2], $0x4000, $0x38;
	[tilespmem:$0x1C400] =	vst v63  }
0x6c: {  	_ =	swait.ge [sflag:s18], $0x4000  }
0x6d: {  	[sflag:s18] =	ssyncset.done $0x0  }
0x6e: {  	[sflag:s18] =	ssyncadd.s32 $0xFFFFC000  }
0x6f: {  	[spmem:s7] =	stream.linear.scatter [tilespmem:s19], [sflag:$0x2], $0x4000, $0x38;
	[tilespmem:$0x1C400] =	vst v63  }
0x70: {  	_ =	swait.ge [sflag:s18], $0x4000  }
0x71: {  	[sflag:s18] =	ssyncset.done $0x0  }
0x72: {  	[sflag:s18] =	ssyncadd.s32 $0xFFFFC000  }
0x73: {  	[spmem:s8] =	stream.linear.scatter [tilespmem:s19], [sflag:$0x2], $0x2400, $0x38;
	[tilespmem:$0x1C400] =	vst v63  }
0x74: {  	_ =	swait.ge [sflag:s18], $0x2400  }
0x75: {  	[sflag:s18] =	ssyncset.done $0x0  }
0x76: {  	[sflag:s18] =	ssyncadd.s32 $0xFFFFDC00  }
0x77: {  	[bflag:$0x0] =	sbarrier.arrive $0xFFFF  }
0x78: {  	[tilespmem:s20], [sflag:$0x2] =	stream.linear.gather [hbm4b:s13+s29], $0x4E80, $0x38;
	[tilespmem:$0x1C400] =	vst v63  }
0x79: {  	_ =	swait.ge [sflag:s18], $0x4E80  }
0x7a: {  	[sflag:s18] =	ssyncset.done $0x0  }
0x7b: {  	s30 =	simm.s32 $0x0;
	[sflag:s18] =	ssyncadd.s32 $0xFFFFB180  }
0x7c: {  	[tilespmem:s22], [sflag:$0x1] =	stream.indirect.gather [hbm4b:s4+s21], $0x80, s30, s21, $0xb8;
	[tilespmem:$0x1C400] =	vst v63  }
0x7d: {  	_ =	swait.ge [sflag:s23], $0x4000  }
0x7e: {  	[sflag:s23] =	ssyncset.done $0x0  }
0x7f: {  	s31 =	simm.s32 $0x5000;
	[sflag:s23] =	ssyncadd.s32 $0xFFFFC000  }
0x80: {  	[spmem:s2] =	stream.indirect.scatter.add.f32 [tilespmem:s22], [sflag:$0x2], $0x80, s31, s21, $0xb8;
	[tilespmem:$0x1C400] =	vst v63  }
0x81: {  	_ =	swait.ge [sflag:s18], $0x4000  }
0x82: {  	s26 =	simm.s32 $0x400;
	s25 =	simm.s32 $0x200;
	[sflag:s18] =	ssyncset.done $0x0  }
.LBB2_6:
0x83: {  	s28 =	sshra.s32 s25, $0x2  }
0x84: {  	[sflag:s18] =	ssyncadd.s32 $0xFFFFC000;
	s25 =	smov.u32 s26;
	s29 =	sadd.s32 $0x200, s26  }
0x85: {  	[tilespmem:s22], [sflag:$0x1] =	stream.indirect.gather [hbm4b:s4+s21], $0x80, s28, s21, $0xb8;
	[tilespmem:$0x1C400] =	vst v63  }
0x86: {  	p0 =	sne.s32 s26, $0x13800;
	_ =	swait.ge [sflag:s23], $0x4000  }
.Ltmp2:
0x87: {  	[sflag:s23] =	ssyncset.done $0x0;
	(pc) =	sbr.rel @p0 .LBB2_6-.Ltmp2, $4  }
0x88: {  	s26 =	sadd.s32 $0x5000, s28;
	[sflag:s23] =	ssyncadd.s32 $0xFFFFC000  }
0x89: {  	[spmem:s2] =	stream.indirect.scatter.add.f32 [tilespmem:s22], [sflag:$0x2], $0x80, s26, s21, $0xb8;
	[tilespmem:$0x1C400] =	vst v63  }
0x8a: {  	_ =	swait.ge [sflag:s18], $0x4000  }
0x8b: {  	s26 =	smov.u32 s29;
	[sflag:s18] =	ssyncset.done $0x0  }
0x8c: {  	s25 =	sshra.s32 s25, $0x2;
	[sflag:s18] =	ssyncadd.s32 $0xFFFFC000  }
0x8d: {  	[tilespmem:s22], [sflag:$0x1] =	stream.indirect.gather [hbm4b:s4+s21], $0x80, s25, s21, $0xb8;
	[tilespmem:$0x1C400] =	vst v63  }
0x8e: {  	_ =	swait.ge [sflag:s23], $0x4000  }
0x8f: {  	[sflag:s23] =	ssyncset.done $0x0  }
0x90: {  	s25 =	sadd.s32 $0x5000, s25;
	[sflag:s23] =	ssyncadd.s32 $0xFFFFC000  }
0x91: {  	[spmem:s2] =	stream.indirect.scatter.add.f32 [tilespmem:s22], [sflag:$0x2], $0x80, s25, s21, $0xb8;
	[tilespmem:$0x1C400] =	vst v63  }
0x92: {  	_ =	swait.ge [sflag:s18], $0x4000  }
0x93: {  	[sflag:s18] =	ssyncset.done $0x0  }
0x94: {  	[sflag:s18] =	ssyncadd.s32 $0xFFFFC000  }
0x95: {  	[bflag:$0x0] =	sbarrier.arrive $0xFFFF  }
0x96: {  	[tilespmem:s22], [sflag:$0x2] =	stream.linear.gather [spmem:s6], $0x4000, $0x38;
	[tilespmem:$0x1C400] =	vst v63  }
0x97: {  	_ =	swait.ge [sflag:s18], $0x4000  }
0x98: {  	[sflag:s18] =	ssyncset.done $0x0  }
0x99: {  	[sflag:s18] =	ssyncadd.s32 $0xFFFFC000  }
0x9a: {  	[hbm4b:s14+s3] =	stream.linear.scatter [tilespmem:s22], [sflag:$0x2], $0x4000, $0x38;
	[tilespmem:$0x1C400] =	vst v63  }
0x9b: {  	_ =	swait.ge [sflag:s18], $0x4000  }
0x9c: {  	[sflag:s18] =	ssyncset.done $0x0  }
0x9d: {  	[sflag:s18] =	ssyncadd.s32 $0xFFFFC000  }
0x9e: {  	[tilespmem:s22], [sflag:$0x2] =	stream.linear.gather [spmem:s7], $0x4000, $0x38;
	[tilespmem:$0x1C400] =	vst v63  }
0x9f: {  	_ =	swait.ge [sflag:s18], $0x4000  }
0xa0: {  	[sflag:s18] =	ssyncset.done $0x0  }
0xa1: {  	[sflag:s18] =	ssyncadd.s32 $0xFFFFC000  }
0xa2: {  	[hbm4b:s15+s3] =	stream.linear.scatter [tilespmem:s22], [sflag:$0x2], $0x4000, $0x38;
	[tilespmem:$0x1C400] =	vst v63  }
0xa3: {  	_ =	swait.ge [sflag:s18], $0x4000  }
0xa4: {  	[sflag:s18] =	ssyncset.done $0x0  }
0xa5: {  	[sflag:s18] =	ssyncadd.s32 $0xFFFFC000  }
0xa6: {  	[tilespmem:s22], [sflag:$0x2] =	stream.linear.gather [spmem:s8], $0x2400, $0x38;
	[tilespmem:$0x1C400] =	vst v63  }
0xa7: {  	s24 =	sadd.s32 $0x1, s24;
	_ =	swait.ge [sflag:s18], $0x2400  }
0xa8: {  	p0 =	sne.s32 s24, s17;
	[sflag:s18] =	ssyncset.done $0x0  }
.Ltmp3:
0xa9: {  	[sflag:s18] =	ssyncadd.s32 $0xFFFFDC00;
	(pc) =	sbr.rel @p0 .LBB2_1-.Ltmp3, $4  }
0xaa: {  	[hbm4b:s16+s3] =	stream.linear.scatter [tilespmem:s22], [sflag:$0x2], $0x2400, $0x38;
	[tilespmem:$0x1C400] =	vst v63  }
0xab: {  	_ =	swait.ge [sflag:s18], $0x2400  }
0xac: {  	[sflag:s18] =	ssyncset.done $0x0  }
0xad: {  	[sflag:s18] =	ssyncadd.s32 $0xFFFFDC00  }
0xae: {  	_ =	sfence.sel $0x180000  }
0xaf: {  	[bflag:$0x0] =	sbarrier.arrive $0xFFFF  }
0xb0: {  	p0 =	sne.s32 s0, $0x0;
	_ =	strace $0x9000004A  }
0xb1: {  	s0 =	sadd.s32 @!p0 $0x100000, s1;
	[bflag:$0x2] =	sbarrier.arrive $0xFFFF  }
0xb2: {  	[sflag:s0] =	ssyncadd.tile.s32 @!p0 $0x1;
	_ =	shalt  }
.Lfunc_end2:
_tile_overlayer_lowered:
.L_overlay_start_2:
0xb3: {  	(tag) =	ssettag $0x2  }
0xb4: {  	s0 =	rddreg [dreg:$0x0];
	s2 =	stileid.u32  }
0xb5: {  	s1 =	rddreg [dreg:$0x1];
	p0 =	sne.s32 s2, $0x0  }
0xb6: {  	s3 =	rddreg [dreg:$0x2];
	[bflag:$0x3] =	sbarrier.arrive $0xFFFF;
	s2 =	simm.s32 @!p0 $0x1C02  }
0xb7: {  	[timem:s3], [sflag:s2] =	dma.local @!p0 [hbm:s0], s1  }
0xb8: {  	s0 =	simm.s32 @!p0 $0x2  }
0xb9: {  	_ =	swait.ge @!p0 [sflag:s0], s1  }
0xba: {  	s1 =	ssub.s32 @!p0 $0x0, s1;
	[sflag:s0] =	ssyncset.done @!p0 $0x0  }
0xbb: {  	[sflag:s0] =	ssyncadd.s32 @!p0 s1  }
0xbc: {  	[bflag:$0x3] =	sbarrier.arrive $0xFFFF  }
0xbd: {  	_ =	shalt  }

// kernel: kernel.16.cloned.1.call-start
scs
__scs_entry_jumppad:
0x0: {  	(pc) =	sbr.rel $0x88, $3  }
0x1: {  	(tag) =	ssettag $0x0;
	lr =	simm.s32 $0x1  }
0x2: {  	[smem:$0x3F97] =	sst lr;
	_ =	strace $0xD0000000  }
0x3: {  	_ = 	snop  }
0x4: {  	_ = 	snop  }
0x5: {  	_ = 	snop  }
0x6: {  	_ = 	snop  }
0x7: {  	_ = 	snop  }
__scs_overlays_trampoline_lowered:
0x8: {  	[smem:$0x3FA6] =	sst s0  }
0x9: {  	[smem:$0x3FA7] =	sst s1  }
0xa: {  	[smem:$0x3FA8] =	sst s2  }
0xb: {  	[smem:$0x3FA9] =	sst s3  }
0xc: {  	[smem:$0x3FAA] =	sst s4  }
0xd: {  	[smem:$0x3FAB] =	sst s5  }
0xe: {  	[smem:$0x3FAC] =	sst s6  }
0xf: {  	[smem:$0x3FAD] =	sst s7  }
0x10: {  	[smem:$0x3FAE] =	sst s8  }
0x11: {  	[smem:$0x3FAF] =	sst s9;
	s0 =	simm.s32 @!p0 $0x0  }
0x12: {  	s1 =	sld [smem:$0x3F95];
	s0 =	simm.s32 @p0 $0x1  }
0x13: {  	[smem:$0x3FB0] =	sst s0;
	s0 =	simm.s32 @!p1 $0x0  }
0x14: {  	s2 =	sld [smem:$0x3F94];
	s0 =	simm.s32 @p1 $0x1  }
0x15: {  	[smem:$0x3FB1] =	sst s0;
	s0 =	simm.s32 @!p2 $0x0  }
0x16: {  	s3 =	sld [smem:$0x3FDB];
	s0 =	simm.s32 @p2 $0x1  }
0x17: {  	s4 =	simm.s32 $0x1BF5;
	[smem:$0x3FB3] =	sst s0  }
0x18: {  	s0 =	sld [smem:$0x3F96];
	_ =	swait.ge [sflag:s4], $0x0  }
0x19: {  	s7 =	sld [smem:$0x3F97]  }
0x1a: {  	s8 =	sadd.s32 $0xFFFFE003, lr  }
0x1b: {  	s9 =	sadd.s32 $0xFFFFFEF7, lr;
	s5 =	simm.s32 $0xFFFFFFFF;
	p2 =	slt.u32 s8, $0xFFFFF086  }
0x1c: {  	p1 =	slt.u32 s9, $0xF7A;
	s5 =	simm.s32 @!p2 $0x0  }
0x1d: {  	s5 =	simm.s32 @p1 $0x1;
	p0 =	seq.s32 s7, s2  }
0x1e: {  	s7 =	smul.u32 @!p0 $0xF7A, s2;
	p2 =	seq.s32 @!p0 s5, $0x0  }
0x1f: {  	s9 =	smul.u32 $0xF7A, s1;
	s8 =	simm.s32 @!p0 $0x1BF5;
	p2 =	por !p2, p0  }
0x20: {  	[sflag:s8] =	ssyncset.s32 @!p0 $0xFFFFF086;
	s6 =	sadd.s32 @!p0 s3, s7;
	s7 =	simm.s32 @!p0 $0x108  }
0x21: {  	s3 =	sadd.s32 s3, s9;
	s6 =	sadd.s32 @!p0 $0x88, s6;
	s7 =	simm.s32 @p2 $0x1082  }
0x22: {  	[simem:s7], [sflag:s8] =	dma.local @!p0 [hbm:s6], $0xF7A  }
0x23: {  	s9 =	sor.u32 $0xD0000000, s2;
	s6 =	simm.s32 $0x108;
	_ =	swait.ge @!p0 [sflag:s8], $0x0  }
0x24: {  	s3 =	sadd.s32 $0x88, s3;
	s6 =	simm.s32 @!p1 $0x1082;
	[sflag:s4] =	ssyncset.s32 $0xFFFFF086  }
0x25: {  	[simem:s6], [sflag:s4] =	dma.local [hbm:s3], $0xF7A  }
0x26: {  	[smem:$0x3F97] =	sst s1;
	(tag) =	ssettag s2;
	_ =	strace s9  }
0x27: {  	s1 =	sld [smem:$0x3FA7]  }
0x28: {  	s2 =	sld [smem:$0x3FA8]  }
0x29: {  	s4 =	sld [smem:$0x3FAA]  }
0x2a: {  	p0 =	seq.s32 s5, $0x0;
	s5 =	sld [smem:$0x3FAB]  }
0x2b: {  	s6 =	sld [smem:$0x3FAC]  }
0x2c: {  	s7 =	sld [smem:$0x3FAD]  }
0x2d: {  	s3 =	simm.s32 $0x108;
	s8 =	sld [smem:$0x3FAE]  }
0x2e: {  	s3 =	simm.s32 @!p0 $0x1082;
	s9 =	sld [smem:$0x3FAF]  }
0x2f: {  	lr =	sadd.s32 s0, s3;
	s0 =	sld [smem:$0x3FA6]  }
0x30: {  	s3 =	sld [smem:$0x3FA9]  }
0x31: {  	[smem:$0x3FB2] =	sst s10  }
0x32: {  	s10 =	sld [smem:$0x3FB0];
	_ =	sdelay $0x3  }
0x33: {  	p0 =	seq.s32 s10, $0x1;
	s10 =	sld [smem:$0x3FB2];
	_ =	sdelay $0x3  }
0x34: {  	[smem:$0x3FB2] =	sst s10  }
0x35: {  	s10 =	sld [smem:$0x3FB1];
	_ =	sdelay $0x3  }
0x36: {  	p1 =	seq.s32 s10, $0x1;
	s10 =	sld [smem:$0x3FB2];
	_ =	sdelay $0x3  }
0x37: {  	[smem:$0x3FB2] =	sst s10  }
0x38: {  	s10 =	sld [smem:$0x3FB3]  }
0x39: {  	_ = 	snop;
	(pc) =	sbr.ind lr, $3  }
0x3a: {  	_ = 	snop  }
0x3b: {  	_ = 	snop  }
0x3c: {  	p2 =	seq.s32 s10, $0x1;
	s10 =	sld [smem:$0x3FB2]  }
0x3d: {  	_ =	shalt  }
0x3e: {  	_ =	shalt  }
0x3f: {  	_ =	shalt  }
0x40: {  	_ =	shalt  }
0x41: {  	_ =	shalt  }
0x42: {  	_ =	shalt  }
0x43: {  	_ =	shalt  }
0x44: {  	_ =	shalt  }
0x45: {  	_ =	shalt  }
0x46: {  	_ =	shalt  }
0x47: {  	_ =	shalt  }
0x48: {  	_ =	shalt  }
0x49: {  	_ =	shalt  }
0x4a: {  	_ =	shalt  }
0x4b: {  	_ =	shalt  }
0x4c: {  	_ =	shalt  }
0x4d: {  	_ =	shalt  }
0x4e: {  	_ =	shalt  }
0x4f: {  	_ =	shalt  }
0x50: {  	_ =	shalt  }
0x51: {  	_ =	shalt  }
0x52: {  	_ =	shalt  }
0x53: {  	_ =	shalt  }
0x54: {  	_ =	shalt  }
0x55: {  	_ =	shalt  }
0x56: {  	_ =	shalt  }
0x57: {  	_ =	shalt  }
0x58: {  	_ =	shalt  }
0x59: {  	_ =	shalt  }
0x5a: {  	_ =	shalt  }
0x5b: {  	_ =	shalt  }
0x5c: {  	_ =	shalt  }
0x5d: {  	_ =	shalt  }
0x5e: {  	_ =	shalt  }
0x5f: {  	_ =	shalt  }
0x60: {  	_ =	shalt  }
0x61: {  	_ =	shalt  }
0x62: {  	_ =	shalt  }
0x63: {  	_ =	shalt  }
0x64: {  	_ =	shalt  }
0x65: {  	_ =	shalt  }
0x66: {  	_ =	shalt  }
0x67: {  	_ =	shalt  }
0x68: {  	_ =	shalt  }
0x69: {  	_ =	shalt  }
0x6a: {  	_ =	shalt  }
0x6b: {  	_ =	shalt  }
0x6c: {  	_ =	shalt  }
0x6d: {  	_ =	shalt  }
0x6e: {  	_ =	shalt  }
0x6f: {  	_ =	shalt  }
0x70: {  	_ =	shalt  }
0x71: {  	_ =	shalt  }
0x72: {  	_ =	shalt  }
0x73: {  	_ =	shalt  }
0x74: {  	_ =	shalt  }
0x75: {  	_ =	shalt  }
0x76: {  	_ =	shalt  }
0x77: {  	_ =	shalt  }
0x78: {  	_ =	shalt  }
0x79: {  	_ =	shalt  }
0x7a: {  	_ =	shalt  }
0x7b: {  	_ =	shalt  }
0x7c: {  	_ =	shalt  }
0x7d: {  	_ =	shalt  }
0x7e: {  	_ =	shalt  }
0x7f: {  	_ =	shalt  }
0x80: {  	_ =	shalt  }
0x81: {  	_ =	shalt  }
0x82: {  	_ =	shalt  }
0x83: {  	_ =	shalt  }
0x84: {  	_ =	shalt  }
0x85: {  	_ =	shalt  }
0x86: {  	_ =	shalt  }
0x87: {  	_ =	shalt  }
.Lfunc_end0:
.L_simem_size_0:
called_computation.2_lowered:
.L_overlay_start_0:
0x88: {  	s2 =	sld [smem:$0x3FD9]  }
0x89: {  	s3 =	sld [smem:$0x3FFE];
	_ =	sdelay $0x1  }
0x8a: {  	s1 =	srdreg.scid  }
0x8b: {  	s0 =	sand.u32 $0x1, s1  }
0x8c: {  	s16 =	sshll.u32 s0, $0xA;
	s2 =	sadd.s32 s3, s2  }
0x8d: {  	s2 =	sadd.s32 s2, s16  }
0x8e: {  	[smem:$0x3FBE] =	sst s2  }
0x8f: {  	_ = 	snop  }
0x90: {  	(tm) =	ssettm $0x1  }
0x91: {  	s17 =	sld [smem:$0x3FFB];
	_ =	sdelay $0x3  }
0x92: {  	_ =	strace s17  }
0x93: {  	s2 =	sld [smem:$0x3FFC];
	_ =	sdelay $0x3  }
0x94: {  	_ =	strace s2  }
0x95: {  	s2 =	sld [smem:$0x3FFD];
	_ =	sdelay $0x3  }
0x96: {  	_ =	strace s2  }
0x97: {  	_ =	strace $0x8FFFFFFF  }
0x98: {  	s18 =	sld [smem:$0x3FDB];
	_ =	sdelay $0x1  }
0x99: {  	s19 =	simm.s32 $_scs_section_size  }
0x9a: {  	s4 =	simm.s32 $_size__tile_overlayer_lowered;
	s5 =	simm.s32 $_tile_overlayer_lowered  }
0x9b: {  	s22 =	simm.s32 $0x1BFF;
	s21 =	sshll.u32 s5, $0x1;
	s2 =	sadd.s32 s19, s18  }
0x9c: {  	s6 =	simm.s32 $0x0;
	s20 =	sshll.u32 s4, $0x1;
	s4 =	sadd.s32 s21, s2  }
0x9d: {  	[timem:s6], [sflag:s22] =	dma.local [hbm:s4], s20  }
0x9e: {  	_ =	swait.ge [sflag:s22], s20  }
0x9f: {  	s3 =	ssub.s32 $0x0, s20;
	[sflag:s22] =	ssyncset.done $0x0  }
0xa0: {  	[sflag:s22] =	ssyncadd.s32 s3;
	_ =	sdelay $0x1  }
0xa1: {  	s23 =	simm.s32 $0x1B8B  }
0xa2: {  	_ =	swait.ge [sflag:s23], $0x1  }
0xa3: {  	[sflag:s23] =	ssyncset.done $0x0  }
0xa4: {  	s25 =	simm.s32 $0x1B8E;
	s24 =	sld [smem:$0x3FFE];
	[sflag:s23] =	ssyncadd.s32 $0xFFFFFFFF  }
0xa5: {  	s26 =	simm.s32 $execute0_lowered;
	[smem:$0x3FD2] =	sst s25  }
0xa6: {  	s4 =	sshll.u32 s26, $0x1;
	_ =	strace $0x8000004C;
	[dreg:$0x1] =	wrdreg $0xFFFFFFFF  }
0xa7: {  	s28 =	simm.s32 $_size_execute0_lowered;
	s2 =	sadd.s32 s2, s4;
	[dreg:$0x0] =	wrdreg $0x0  }
0xa8: {  	s4 =	sshll.u32 s28, $0x1;
	[dreg:$0x2] =	wrdreg s2  }
0xa9: {  	[dreg:$0x3] =	wrdreg s4  }
0xaa: {  	[dreg:$0x4] =	wrdreg $0xC0  }
0xab: {  	_ =	task [dreg:s6], $0x5FFFF  }
0xac: {  	[dreg:$0x1] =	wrdreg $0xFFFFFFFF  }
0xad: {  	[dreg:$0x0] =	wrdreg $0x60  }
0xae: {  	[dreg:$0x2] =	wrdreg s24  }
0xaf: {  	[dreg:$0x3] =	wrdreg $0x120000  }
0xb0: {  	[dreg:$0x4] =	wrdreg $0x9  }
0xb1: {  	_ =	task.clear_ibuf [dreg:s6], $0x5FFFF;
	_ =	strace $0x9000004C  }
0xb2: {  	s29 =	simm.s32 $0x9;
	_ =	strace $0x8000004E  }
0xb3: {  	_ =	swait.ge [sflag:s29], $0x1  }
0xb4: {  	[sflag:s29] =	ssyncadd.s32 $0xFFFFFFFF  }
0xb5: {  	_ =	strace $0x9000004E  }
0xb6: {  	_ =	sfence  }
0xb7: {  	s30 =	sld [smem:$0x0];
	_ =	sdelay $0x2  }
0xb8: {  	s31 =	sshll.u32 s1, $0xD;
	s1 =	sshrl.u32 s1, $0x2  }
0xb9: {  	s3 =	sand.u32 $0x4000, s31;
	s1 =	sadd.s32 s1, s30  }
0xba: {  	s0 =	sor.u32 s3, s0;
	s1 =	sshll.u32 s1, $0x11  }
0xbb: {  	s0 =	sor.u32 s1, s0  }
0xbc: {  	s0 =	sadd.s32 $0x8F2B, s0  }
0xbd: {  	[sflag:s0] =	ssyncadd.remote.s32 $0x1  }
0xbe: {  	_ =	sfence.sel $0xFFFF  }
0xbf: {  	[dreg:$0x0] =	wrdreg $0xFFFFFFFF;
	(pc) =	sbr.abs _section_cstart, $3  }
0xc0: {  	[dreg:$0x1] =	wrdreg $0xFFFFFFFF  }
0xc1: {  	_ =	task.clear_ibuf [dreg:s6], $0x2FFFF;
	_ =	strace $0x9FFFFFFF  }
0xc2: {  	(tm) =	ssettm $0x7FFFFFFF  }
0xc3: {  	_ =	shalt  }
tec
execute0_lowered:
.L_overlay_start_1:
0x0: {  	(tag) =	ssettag $0x1  }
0x1: {  	s1 =	srdreg.scid;
	s5 =	rddreg [dreg:$0x0]  }
0x2: {  	s0 =	stileid.u32;
	s2 =	rddreg [dreg:$0x1];
	s3 =	simm.s32 $0x0  }
0x3: {  	s18 =	simm.s32 $0x2;
	s19 =	simm.s32 $0xE000;
	s20 =	simm.s32 $0x5000  }
0x4: {  	s21 =	simm.s32 $0x80;
	s22 =	simm.s32 $0xA000;
	s6 =	smul.u32 $0x5000, s0  }
0x5: {  	s23 =	simm.s32 $0x1;
	s24 =	simm.s32 $0x0;
	s9 =	smul.u32 $0x29000, s0  }
0x6: {  	s7 =	sand.u32 $0x1, s1;
	s1 =	rddreg [dreg:$0x2];
	s10 =	smul.u32 $0xA400, s0  }
0x7: {  	[smem:$0x7FF] =	sst s3;
	s12 =	sadd.s32 $0x8D400, s5;
	s4 =	smul.u32 $0x50000, s7  }
0x8: {  	_ =	strace $0x8000004D;
	s30 =	ssub.s32 $0x2, s7;
	s15 =	smul.u32 $0x148000, s7  }
0x9: {  	s31 =	sshrl.u32 s30, $0x1;
	s9 =	sshrl.u32 s9, $0x2;
	s11 =	sadd.s32 $0x4000, s10  }
0xa: {  	s14 =	sadd.s32 $0x8000, s10;
	s8 =	sadd.s32 s6, s4;
	s4 =	sadd.s32 $0x3F200, s5  }
0xb: {  	s6 =	sshrl.u32 s6, $0x3;
	s17 =	ssub.s32 s30, s31;
	s7 =	sadd.s32 s11, s2  }
0xc: {  	s10 =	sadd.s32 s10, s15;
	s11 =	sadd.s32 s15, s11;
	s8 =	sshrl.u32 s8, $0x3  }
0xd: {  	s13 =	sadd.s32 s6, s5;
	s6 =	sadd.s32 s9, s2;
	s10 =	sshrl.u32 s10, $0x3  }
0xe: {  	s11 =	sshrl.u32 s11, $0x3;
	s17 =	smax.u32 s17, $0x1;
	s8 =	sadd.s32 s8, s5  }
0xf: {  	s5 =	sadd.s32 $0x17200, s8;
	s8 =	sadd.s32 s14, s2;
	s14 =	sadd.s32 s15, s14  }
0x10: {  	s9 =	sadd.s32 $0x2B200, s13;
	s10 =	sadd.s32 s12, s10;
	s14 =	sshrl.u32 s14, $0x3  }
0x11: {  	s11 =	sadd.s32 s12, s11;
	s13 =	sadd.s32 $0x35200, s13;
	s12 =	sadd.s32 s12, s14  }
0x12: {  	v0 =	vimm.f32 $0.0e+00;
	s15 =	sadd.s32 $0x14800, s11;
	s14 =	sadd.s32 $0x14800, s10;
	s16 =	sadd.s32 $0x14800, s12  }
.LBB2_1:
0x13: {  	s25 =	simm.s32 $0x0;
	s26 =	simm.s32 $0x200  }
.LBB2_2:
0x14: {  	p0 =	sne.s32 s26, $0xFE00;
	[tilespmem:s25+$0xE070] =	vst v0  }
0x15: {  	[tilespmem:s25+$0xE000] =	vst v0  }
0x16: {  	[tilespmem:s25+$0xE010] =	vst v0  }
.Ltmp0:
0x17: {  	[tilespmem:s25+$0xE020] =	vst v0;
	(pc) =	sbr.rel @p0 .LBB2_2-.Ltmp0, $4  }
0x18: {  	[tilespmem:s25+$0xE030] =	vst v0  }
0x19: {  	[tilespmem:s25+$0xE040] =	vst v0  }
0x1a: {  	[tilespmem:s25+$0xE050] =	vst v0  }
0x1b: {  	[tilespmem:s25+$0xE060] =	vst v0;
	s25 =	sshra.s32 s26, $0x2;
	s26 =	sadd.s32 $0x200, s26  }
0x1c: {  	[tilespmem:s25+$0xE070] =	vst v0  }
0x1d: {  	[tilespmem:s25+$0xE000] =	vst v0  }
0x1e: {  	[tilespmem:s25+$0xE010] =	vst v0  }
0x1f: {  	[tilespmem:s25+$0xE020] =	vst v0  }
0x20: {  	[tilespmem:s25+$0xE030] =	vst v0  }
0x21: {  	[tilespmem:s25+$0xE040] =	vst v0  }
0x22: {  	[tilespmem:s25+$0xE050] =	vst v0  }
0x23: {  	[tilespmem:s25+$0xE060] =	vst v0;
	s29 =	simm.s32 $0x0  }
0x24: {  	[tilespmem:s29], [sflag:$0x2] =	stream.linear.gather [hbm4b:s5+s29], $0x4E80, $0x38;
	[tilespmem:$0x1C400] =	vst v63  }
0x25: {  	_ =	swait.ge [sflag:s18], $0x4E80  }
0x26: {  	[sflag:s18] =	ssyncset.done $0x0  }
0x27: {  	[sflag:s18] =	ssyncadd.s32 $0xFFFFB180  }
0x28: {  	[spmem:s6] =	stream.linear.scatter [tilespmem:s19], [sflag:$0x2], $0x4000, $0x38;
	[tilespmem:$0x1C400] =	vst v63  }
0x29: {  	_ =	swait.ge [sflag:s18], $0x4000  }
0x2a: {  	[sflag:s18] =	ssyncset.done $0x0  }
0x2b: {  	[sflag:s18] =	ssyncadd.s32 $0xFFFFC000  }
0x2c: {  	[spmem:s7] =	stream.linear.scatter [tilespmem:s19], [sflag:$0x2], $0x4000, $0x38;
	[tilespmem:$0x1C400] =	vst v63  }
0x2d: {  	_ =	swait.ge [sflag:s18], $0x4000  }
0x2e: {  	[sflag:s18] =	ssyncset.done $0x0  }
0x2f: {  	[sflag:s18] =	ssyncadd.s32 $0xFFFFC000  }
0x30: {  	[spmem:s8] =	stream.linear.scatter [tilespmem:s19], [sflag:$0x2], $0x2400, $0x38;
	[tilespmem:$0x1C400] =	vst v63  }
0x31: {  	_ =	swait.ge [sflag:s18], $0x2400  }
0x32: {  	[sflag:s18] =	ssyncset.done $0x0  }
0x33: {  	[sflag:s18] =	ssyncadd.s32 $0xFFFFDC00  }
0x34: {  	[bflag:$0x0] =	sbarrier.arrive $0xFFFF  }
0x35: {  	[tilespmem:s20], [sflag:$0x2] =	stream.linear.gather [hbm4b:s9+s29], $0x4E80, $0x38;
	[tilespmem:$0x1C400] =	vst v63  }
0x36: {  	_ =	swait.ge [sflag:s18], $0x4E80  }
0x37: {  	[sflag:s18] =	ssyncset.done $0x0  }
0x38: {  	s30 =	simm.s32 $0x0;
	[sflag:s18] =	ssyncadd.s32 $0xFFFFB180  }
0x39: {  	[tilespmem:s22], [sflag:$0x1] =	stream.indirect.gather [hbm4b:s4+s21], $0x80, s30, s21, $0xb8;
	[tilespmem:$0x1C400] =	vst v63  }
0x3a: {  	_ =	swait.ge [sflag:s23], $0x4000  }
0x3b: {  	[sflag:s23] =	ssyncset.done $0x0  }
0x3c: {  	s31 =	simm.s32 $0x5000;
	[sflag:s23] =	ssyncadd.s32 $0xFFFFC000  }
0x3d: {  	[spmem:s2] =	stream.indirect.scatter.add.f32 [tilespmem:s22], [sflag:$0x2], $0x80, s31, s21, $0xb8;
	[tilespmem:$0x1C400] =	vst v63  }
0x3e: {  	_ =	swait.ge [sflag:s18], $0x4000  }
0x3f: {  	s25 =	simm.s32 $0x200;
	s26 =	simm.s32 $0x400;
	[sflag:s18] =	ssyncset.done $0x0  }
.LBB2_4:
0x40: {  	s28 =	sshra.s32 s25, $0x2  }
0x41: {  	[sflag:s18] =	ssyncadd.s32 $0xFFFFC000;
	s25 =	smov.u32 s26;
	s29 =	sadd.s32 $0x200, s26  }
0x42: {  	[tilespmem:s22], [sflag:$0x1] =	stream.indirect.gather [hbm4b:s4+s21], $0x80, s28, s21, $0xb8;
	[tilespmem:$0x1C400] =	vst v63  }
0x43: {  	p0 =	sne.s32 s26, $0x13800;
	_ =	swait.ge [sflag:s23], $0x4000  }
.Ltmp1:
0x44: {  	[sflag:s23] =	ssyncset.done $0x0;
	(pc) =	sbr.rel @p0 .LBB2_4-.Ltmp1, $4  }
0x45: {  	s26 =	sadd.s32 $0x5000, s28;
	[sflag:s23] =	ssyncadd.s32 $0xFFFFC000  }
0x46: {  	[spmem:s2] =	stream.indirect.scatter.add.f32 [tilespmem:s22], [sflag:$0x2], $0x80, s26, s21, $0xb8;
	[tilespmem:$0x1C400] =	vst v63  }
0x47: {  	_ =	swait.ge [sflag:s18], $0x4000  }
0x48: {  	s26 =	smov.u32 s29;
	[sflag:s18] =	ssyncset.done $0x0  }
0x49: {  	s25 =	sshra.s32 s25, $0x2;
	[sflag:s18] =	ssyncadd.s32 $0xFFFFC000  }
0x4a: {  	[tilespmem:s22], [sflag:$0x1] =	stream.indirect.gather [hbm4b:s4+s21], $0x80, s25, s21, $0xb8;
	[tilespmem:$0x1C400] =	vst v63  }
0x4b: {  	_ =	swait.ge [sflag:s23], $0x4000  }
0x4c: {  	[sflag:s23] =	ssyncset.done $0x0  }
0x4d: {  	s25 =	sadd.s32 $0x5000, s25;
	[sflag:s23] =	ssyncadd.s32 $0xFFFFC000  }
0x4e: {  	[spmem:s2] =	stream.indirect.scatter.add.f32 [tilespmem:s22], [sflag:$0x2], $0x80, s25, s21, $0xb8;
	[tilespmem:$0x1C400] =	vst v63  }
0x4f: {  	_ =	swait.ge [sflag:s18], $0x4000  }
0x50: {  	[sflag:s18] =	ssyncset.done $0x0  }
0x51: {  	[sflag:s18] =	ssyncadd.s32 $0xFFFFC000  }
0x52: {  	[bflag:$0x0] =	sbarrier.arrive $0xFFFF  }
0x53: {  	[tilespmem:s22], [sflag:$0x2] =	stream.linear.gather [spmem:s6], $0x4000, $0x38;
	[tilespmem:$0x1C400] =	vst v63  }
0x54: {  	_ =	swait.ge [sflag:s18], $0x4000  }
0x55: {  	[sflag:s18] =	ssyncset.done $0x0  }
0x56: {  	s29 =	simm.s32 $0x0;
	[sflag:s18] =	ssyncadd.s32 $0xFFFFC000  }
0x57: {  	[hbm4b:s10+s29] =	stream.linear.scatter [tilespmem:s22], [sflag:$0x2], $0x4000, $0x38;
	[tilespmem:$0x1C400] =	vst v63  }
0x58: {  	_ =	swait.ge [sflag:s18], $0x4000  }
0x59: {  	[sflag:s18] =	ssyncset.done $0x0  }
0x5a: {  	[sflag:s18] =	ssyncadd.s32 $0xFFFFC000  }
0x5b: {  	[tilespmem:s22], [sflag:$0x2] =	stream.linear.gather [spmem:s7], $0x4000, $0x38;
	[tilespmem:$0x1C400] =	vst v63  }
0x5c: {  	_ =	swait.ge [sflag:s18], $0x4000  }
0x5d: {  	[sflag:s18] =	ssyncset.done $0x0  }
0x5e: {  	[sflag:s18] =	ssyncadd.s32 $0xFFFFC000  }
0x5f: {  	[hbm4b:s11+s29] =	stream.linear.scatter [tilespmem:s22], [sflag:$0x2], $0x4000, $0x38;
	[tilespmem:$0x1C400] =	vst v63  }
0x60: {  	_ =	swait.ge [sflag:s18], $0x4000  }
0x61: {  	[sflag:s18] =	ssyncset.done $0x0  }
0x62: {  	[sflag:s18] =	ssyncadd.s32 $0xFFFFC000  }
0x63: {  	[tilespmem:s22], [sflag:$0x2] =	stream.linear.gather [spmem:s8], $0x2400, $0x38;
	[tilespmem:$0x1C400] =	vst v63  }
0x64: {  	_ =	swait.ge [sflag:s18], $0x2400  }
0x65: {  	[sflag:s18] =	ssyncset.done $0x0  }
0x66: {  	[sflag:s18] =	ssyncadd.s32 $0xFFFFDC00  }
0x67: {  	[hbm4b:s12+s29] =	stream.linear.scatter [tilespmem:s22], [sflag:$0x2], $0x2400, $0x38;
	[tilespmem:$0x1C400] =	vst v63  }
0x68: {  	_ =	swait.ge [sflag:s18], $0x2400  }
0x69: {  	[sflag:s18] =	ssyncset.done $0x0  }
0x6a: {  	[sflag:s18] =	ssyncadd.s32 $0xFFFFDC00  }
0x6b: {  	[spmem:s6] =	stream.linear.scatter [tilespmem:s19], [sflag:$0x2], $0x4000, $0x38;
	[tilespmem:$0x1C400] =	vst v63  }
0x6c: {  	_ =	swait.ge [sflag:s18], $0x4000  }
0x6d: {  	[sflag:s18] =	ssyncset.done $0x0  }
0x6e: {  	[sflag:s18] =	ssyncadd.s32 $0xFFFFC000  }
0x6f: {  	[spmem:s7] =	stream.linear.scatter [tilespmem:s19], [sflag:$0x2], $0x4000, $0x38;
	[tilespmem:$0x1C400] =	vst v63  }
0x70: {  	_ =	swait.ge [sflag:s18], $0x4000  }
0x71: {  	[sflag:s18] =	ssyncset.done $0x0  }
0x72: {  	[sflag:s18] =	ssyncadd.s32 $0xFFFFC000  }
0x73: {  	[spmem:s8] =	stream.linear.scatter [tilespmem:s19], [sflag:$0x2], $0x2400, $0x38;
	[tilespmem:$0x1C400] =	vst v63  }
0x74: {  	_ =	swait.ge [sflag:s18], $0x2400  }
0x75: {  	[sflag:s18] =	ssyncset.done $0x0  }
0x76: {  	[sflag:s18] =	ssyncadd.s32 $0xFFFFDC00  }
0x77: {  	[bflag:$0x0] =	sbarrier.arrive $0xFFFF  }
0x78: {  	[tilespmem:s20], [sflag:$0x2] =	stream.linear.gather [hbm4b:s13+s29], $0x4E80, $0x38;
	[tilespmem:$0x1C400] =	vst v63  }
0x79: {  	_ =	swait.ge [sflag:s18], $0x4E80  }
0x7a: {  	[sflag:s18] =	ssyncset.done $0x0  }
0x7b: {  	s30 =	simm.s32 $0x0;
	[sflag:s18] =	ssyncadd.s32 $0xFFFFB180  }
0x7c: {  	[tilespmem:s22], [sflag:$0x1] =	stream.indirect.gather [hbm4b:s4+s21], $0x80, s30, s21, $0xb8;
	[tilespmem:$0x1C400] =	vst v63  }
0x7d: {  	_ =	swait.ge [sflag:s23], $0x4000  }
0x7e: {  	[sflag:s23] =	ssyncset.done $0x0  }
0x7f: {  	s31 =	simm.s32 $0x5000;
	[sflag:s23] =	ssyncadd.s32 $0xFFFFC000  }
0x80: {  	[spmem:s2] =	stream.indirect.scatter.add.f32 [tilespmem:s22], [sflag:$0x2], $0x80, s31, s21, $0xb8;
	[tilespmem:$0x1C400] =	vst v63  }
0x81: {  	_ =	swait.ge [sflag:s18], $0x4000  }
0x82: {  	s26 =	simm.s32 $0x400;
	s25 =	simm.s32 $0x200;
	[sflag:s18] =	ssyncset.done $0x0  }
.LBB2_6:
0x83: {  	s28 =	sshra.s32 s25, $0x2  }
0x84: {  	[sflag:s18] =	ssyncadd.s32 $0xFFFFC000;
	s25 =	smov.u32 s26;
	s29 =	sadd.s32 $0x200, s26  }
0x85: {  	[tilespmem:s22], [sflag:$0x1] =	stream.indirect.gather [hbm4b:s4+s21], $0x80, s28, s21, $0xb8;
	[tilespmem:$0x1C400] =	vst v63  }
0x86: {  	p0 =	sne.s32 s26, $0x13800;
	_ =	swait.ge [sflag:s23], $0x4000  }
.Ltmp2:
0x87: {  	[sflag:s23] =	ssyncset.done $0x0;
	(pc) =	sbr.rel @p0 .LBB2_6-.Ltmp2, $4  }
0x88: {  	s26 =	sadd.s32 $0x5000, s28;
	[sflag:s23] =	ssyncadd.s32 $0xFFFFC000  }
0x89: {  	[spmem:s2] =	stream.indirect.scatter.add.f32 [tilespmem:s22], [sflag:$0x2], $0x80, s26, s21, $0xb8;
	[tilespmem:$0x1C400] =	vst v63  }
0x8a: {  	_ =	swait.ge [sflag:s18], $0x4000  }
0x8b: {  	s26 =	smov.u32 s29;
	[sflag:s18] =	ssyncset.done $0x0  }
0x8c: {  	s25 =	sshra.s32 s25, $0x2;
	[sflag:s18] =	ssyncadd.s32 $0xFFFFC000  }
0x8d: {  	[tilespmem:s22], [sflag:$0x1] =	stream.indirect.gather [hbm4b:s4+s21], $0x80, s25, s21, $0xb8;
	[tilespmem:$0x1C400] =	vst v63  }
0x8e: {  	_ =	swait.ge [sflag:s23], $0x4000  }
0x8f: {  	[sflag:s23] =	ssyncset.done $0x0  }
0x90: {  	s25 =	sadd.s32 $0x5000, s25;
	[sflag:s23] =	ssyncadd.s32 $0xFFFFC000  }
0x91: {  	[spmem:s2] =	stream.indirect.scatter.add.f32 [tilespmem:s22], [sflag:$0x2], $0x80, s25, s21, $0xb8;
	[tilespmem:$0x1C400] =	vst v63  }
0x92: {  	_ =	swait.ge [sflag:s18], $0x4000  }
0x93: {  	[sflag:s18] =	ssyncset.done $0x0  }
0x94: {  	[sflag:s18] =	ssyncadd.s32 $0xFFFFC000  }
0x95: {  	[bflag:$0x0] =	sbarrier.arrive $0xFFFF  }
0x96: {  	[tilespmem:s22], [sflag:$0x2] =	stream.linear.gather [spmem:s6], $0x4000, $0x38;
	[tilespmem:$0x1C400] =	vst v63  }
0x97: {  	_ =	swait.ge [sflag:s18], $0x4000  }
0x98: {  	[sflag:s18] =	ssyncset.done $0x0  }
0x99: {  	[sflag:s18] =	ssyncadd.s32 $0xFFFFC000  }
0x9a: {  	[hbm4b:s14+s3] =	stream.linear.scatter [tilespmem:s22], [sflag:$0x2], $0x4000, $0x38;
	[tilespmem:$0x1C400] =	vst v63  }
0x9b: {  	_ =	swait.ge [sflag:s18], $0x4000  }
0x9c: {  	[sflag:s18] =	ssyncset.done $0x0  }
0x9d: {  	[sflag:s18] =	ssyncadd.s32 $0xFFFFC000  }
0x9e: {  	[tilespmem:s22], [sflag:$0x2] =	stream.linear.gather [spmem:s7], $0x4000, $0x38;
	[tilespmem:$0x1C400] =	vst v63  }
0x9f: {  	_ =	swait.ge [sflag:s18], $0x4000  }
0xa0: {  	[sflag:s18] =	ssyncset.done $0x0  }
0xa1: {  	[sflag:s18] =	ssyncadd.s32 $0xFFFFC000  }
0xa2: {  	[hbm4b:s15+s3] =	stream.linear.scatter [tilespmem:s22], [sflag:$0x2], $0x4000, $0x38;
	[tilespmem:$0x1C400] =	vst v63  }
0xa3: {  	_ =	swait.ge [sflag:s18], $0x4000  }
0xa4: {  	[sflag:s18] =	ssyncset.done $0x0  }
0xa5: {  	[sflag:s18] =	ssyncadd.s32 $0xFFFFC000  }
0xa6: {  	[tilespmem:s22], [sflag:$0x2] =	stream.linear.gather [spmem:s8], $0x2400, $0x38;
	[tilespmem:$0x1C400] =	vst v63  }
0xa7: {  	s24 =	sadd.s32 $0x1, s24;
	_ =	swait.ge [sflag:s18], $0x2400  }
0xa8: {  	p0 =	sne.s32 s24, s17;
	[sflag:s18] =	ssyncset.done $0x0  }
.Ltmp3:
0xa9: {  	[sflag:s18] =	ssyncadd.s32 $0xFFFFDC00;
	(pc) =	sbr.rel @p0 .LBB2_1-.Ltmp3, $4  }
0xaa: {  	[hbm4b:s16+s3] =	stream.linear.scatter [tilespmem:s22], [sflag:$0x2], $0x2400, $0x38;
	[tilespmem:$0x1C400] =	vst v63  }
0xab: {  	_ =	swait.ge [sflag:s18], $0x2400  }
0xac: {  	[sflag:s18] =	ssyncset.done $0x0  }
0xad: {  	[sflag:s18] =	ssyncadd.s32 $0xFFFFDC00  }
0xae: {  	_ =	sfence.sel $0x180000  }
0xaf: {  	[bflag:$0x0] =	sbarrier.arrive $0xFFFF  }
0xb0: {  	p0 =	sne.s32 s0, $0x0;
	_ =	strace $0x9000004D  }
0xb1: {  	s0 =	sadd.s32 @!p0 $0x100000, s1;
	[bflag:$0x2] =	sbarrier.arrive $0xFFFF  }
0xb2: {  	[sflag:s0] =	ssyncadd.tile.s32 @!p0 $0x1;
	_ =	shalt  }
.Lfunc_end2:
_tile_overlayer_lowered:
.L_overlay_start_2:
0xb3: {  	(tag) =	ssettag $0x2  }
0xb4: {  	s0 =	rddreg [dreg:$0x0];
	s2 =	stileid.u32  }
0xb5: {  	s1 =	rddreg [dreg:$0x1];
	p0 =	sne.s32 s2, $0x0  }
0xb6: {  	s3 =	rddreg [dreg:$0x2];
	[bflag:$0x3] =	sbarrier.arrive $0xFFFF;
	s2 =	simm.s32 @!p0 $0x1C02  }
0xb7: {  	[timem:s3], [sflag:s2] =	dma.local @!p0 [hbm:s0], s1  }
0xb8: {  	s0 =	simm.s32 @!p0 $0x2  }
0xb9: {  	_ =	swait.ge @!p0 [sflag:s0], s1  }
0xba: {  	s1 =	ssub.s32 @!p0 $0x0, s1;
	[sflag:s0] =	ssyncset.done @!p0 $0x0  }
0xbb: {  	[sflag:s0] =	ssyncadd.s32 @!p0 s1  }
0xbc: {  	[bflag:$0x3] =	sbarrier.arrive $0xFFFF  }
0xbd: {  	_ =	shalt  }

// kernel: kernel.19.cloned.1.call-start
scs
__scs_entry_jumppad:
0x0: {  	(pc) =	sbr.rel $0x88, $3  }
0x1: {  	(tag) =	ssettag $0x0;
	lr =	simm.s32 $0x1  }
0x2: {  	[smem:$0x3F97] =	sst lr;
	_ =	strace $0xD0000000  }
0x3: {  	_ = 	snop  }
0x4: {  	_ = 	snop  }
0x5: {  	_ = 	snop  }
0x6: {  	_ = 	snop  }
0x7: {  	_ = 	snop  }
__scs_overlays_trampoline_lowered:
0x8: {  	[smem:$0x3FA6] =	sst s0  }
0x9: {  	[smem:$0x3FA7] =	sst s1  }
0xa: {  	[smem:$0x3FA8] =	sst s2  }
0xb: {  	[smem:$0x3FA9] =	sst s3  }
0xc: {  	[smem:$0x3FAA] =	sst s4  }
0xd: {  	[smem:$0x3FAB] =	sst s5  }
0xe: {  	[smem:$0x3FAC] =	sst s6  }
0xf: {  	[smem:$0x3FAD] =	sst s7  }
0x10: {  	[smem:$0x3FAE] =	sst s8  }
0x11: {  	[smem:$0x3FAF] =	sst s9;
	s0 =	simm.s32 @!p0 $0x0  }
0x12: {  	s1 =	sld [smem:$0x3F95];
	s0 =	simm.s32 @p0 $0x1  }
0x13: {  	[smem:$0x3FB0] =	sst s0;
	s0 =	simm.s32 @!p1 $0x0  }
0x14: {  	s2 =	sld [smem:$0x3F94];
	s0 =	simm.s32 @p1 $0x1  }
0x15: {  	[smem:$0x3FB1] =	sst s0;
	s0 =	simm.s32 @!p2 $0x0  }
0x16: {  	s3 =	sld [smem:$0x3FDB];
	s0 =	simm.s32 @p2 $0x1  }
0x17: {  	s4 =	simm.s32 $0x1BF5;
	[smem:$0x3FB3] =	sst s0  }
0x18: {  	s0 =	sld [smem:$0x3F96];
	_ =	swait.ge [sflag:s4], $0x0  }
0x19: {  	s7 =	sld [smem:$0x3F97]  }
0x1a: {  	s8 =	sadd.s32 $0xFFFFE003, lr  }
0x1b: {  	s9 =	sadd.s32 $0xFFFFFEF7, lr;
	s5 =	simm.s32 $0xFFFFFFFF;
	p2 =	slt.u32 s8, $0xFFFFF086  }
0x1c: {  	p1 =	slt.u32 s9, $0xF7A;
	s5 =	simm.s32 @!p2 $0x0  }
0x1d: {  	s5 =	simm.s32 @p1 $0x1;
	p0 =	seq.s32 s7, s2  }
0x1e: {  	s7 =	smul.u32 @!p0 $0xF7A, s2;
	p2 =	seq.s32 @!p0 s5, $0x0  }
0x1f: {  	s9 =	smul.u32 $0xF7A, s1;
	s8 =	simm.s32 @!p0 $0x1BF5;
	p2 =	por !p2, p0  }
0x20: {  	[sflag:s8] =	ssyncset.s32 @!p0 $0xFFFFF086;
	s6 =	sadd.s32 @!p0 s3, s7;
	s7 =	simm.s32 @!p0 $0x108  }
0x21: {  	s3 =	sadd.s32 s3, s9;
	s6 =	sadd.s32 @!p0 $0x88, s6;
	s7 =	simm.s32 @p2 $0x1082  }
0x22: {  	[simem:s7], [sflag:s8] =	dma.local @!p0 [hbm:s6], $0xF7A  }
0x23: {  	s9 =	sor.u32 $0xD0000000, s2;
	s6 =	simm.s32 $0x108;
	_ =	swait.ge @!p0 [sflag:s8], $0x0  }
0x24: {  	s3 =	sadd.s32 $0x88, s3;
	s6 =	simm.s32 @!p1 $0x1082;
	[sflag:s4] =	ssyncset.s32 $0xFFFFF086  }
0x25: {  	[simem:s6], [sflag:s4] =	dma.local [hbm:s3], $0xF7A  }
0x26: {  	[smem:$0x3F97] =	sst s1;
	(tag) =	ssettag s2;
	_ =	strace s9  }
0x27: {  	s1 =	sld [smem:$0x3FA7]  }
0x28: {  	s2 =	sld [smem:$0x3FA8]  }
0x29: {  	s4 =	sld [smem:$0x3FAA]  }
0x2a: {  	p0 =	seq.s32 s5, $0x0;
	s5 =	sld [smem:$0x3FAB]  }
0x2b: {  	s6 =	sld [smem:$0x3FAC]  }
0x2c: {  	s7 =	sld [smem:$0x3FAD]  }
0x2d: {  	s3 =	simm.s32 $0x108;
	s8 =	sld [smem:$0x3FAE]  }
0x2e: {  	s3 =	simm.s32 @!p0 $0x1082;
	s9 =	sld [smem:$0x3FAF]  }
0x2f: {  	lr =	sadd.s32 s0, s3;
	s0 =	sld [smem:$0x3FA6]  }
0x30: {  	s3 =	sld [smem:$0x3FA9]  }
0x31: {  	[smem:$0x3FB2] =	sst s10  }
0x32: {  	s10 =	sld [smem:$0x3FB0];
	_ =	sdelay $0x3  }
0x33: {  	p0 =	seq.s32 s10, $0x1;
	s10 =	sld [smem:$0x3FB2];
	_ =	sdelay $0x3  }
0x34: {  	[smem:$0x3FB2] =	sst s10  }
0x35: {  	s10 =	sld [smem:$0x3FB1];
	_ =	sdelay $0x3  }
0x36: {  	p1 =	seq.s32 s10, $0x1;
	s10 =	sld [smem:$0x3FB2];
	_ =	sdelay $0x3  }
0x37: {  	[smem:$0x3FB2] =	sst s10  }
0x38: {  	s10 =	sld [smem:$0x3FB3]  }
0x39: {  	_ = 	snop;
	(pc) =	sbr.ind lr, $3  }
0x3a: {  	_ = 	snop  }
0x3b: {  	_ = 	snop  }
0x3c: {  	p2 =	seq.s32 s10, $0x1;
	s10 =	sld [smem:$0x3FB2]  }
0x3d: {  	_ =	shalt  }
0x3e: {  	_ =	shalt  }
0x3f: {  	_ =	shalt  }
0x40: {  	_ =	shalt  }
0x41: {  	_ =	shalt  }
0x42: {  	_ =	shalt  }
0x43: {  	_ =	shalt  }
0x44: {  	_ =	shalt  }
0x45: {  	_ =	shalt  }
0x46: {  	_ =	shalt  }
0x47: {  	_ =	shalt  }
0x48: {  	_ =	shalt  }
0x49: {  	_ =	shalt  }
0x4a: {  	_ =	shalt  }
0x4b: {  	_ =	shalt  }
0x4c: {  	_ =	shalt  }
0x4d: {  	_ =	shalt  }
0x4e: {  	_ =	shalt  }
0x4f: {  	_ =	shalt  }
0x50: {  	_ =	shalt  }
0x51: {  	_ =	shalt  }
0x52: {  	_ =	shalt  }
0x53: {  	_ =	shalt  }
0x54: {  	_ =	shalt  }
0x55: {  	_ =	shalt  }
0x56: {  	_ =	shalt  }
0x57: {  	_ =	shalt  }
0x58: {  	_ =	shalt  }
0x59: {  	_ =	shalt  }
0x5a: {  	_ =	shalt  }
0x5b: {  	_ =	shalt  }
0x5c: {  	_ =	shalt  }
0x5d: {  	_ =	shalt  }
0x5e: {  	_ =	shalt  }
0x5f: {  	_ =	shalt  }
0x60: {  	_ =	shalt  }
0x61: {  	_ =	shalt  }
0x62: {  	_ =	shalt  }
0x63: {  	_ =	shalt  }
0x64: {  	_ =	shalt  }
0x65: {  	_ =	shalt  }
0x66: {  	_ =	shalt  }
0x67: {  	_ =	shalt  }
0x68: {  	_ =	shalt  }
0x69: {  	_ =	shalt  }
0x6a: {  	_ =	shalt  }
0x6b: {  	_ =	shalt  }
0x6c: {  	_ =	shalt  }
0x6d: {  	_ =	shalt  }
0x6e: {  	_ =	shalt  }
0x6f: {  	_ =	shalt  }
0x70: {  	_ =	shalt  }
0x71: {  	_ =	shalt  }
0x72: {  	_ =	shalt  }
0x73: {  	_ =	shalt  }
0x74: {  	_ =	shalt  }
0x75: {  	_ =	shalt  }
0x76: {  	_ =	shalt  }
0x77: {  	_ =	shalt  }
0x78: {  	_ =	shalt  }
0x79: {  	_ =	shalt  }
0x7a: {  	_ =	shalt  }
0x7b: {  	_ =	shalt  }
0x7c: {  	_ =	shalt  }
0x7d: {  	_ =	shalt  }
0x7e: {  	_ =	shalt  }
0x7f: {  	_ =	shalt  }
0x80: {  	_ =	shalt  }
0x81: {  	_ =	shalt  }
0x82: {  	_ =	shalt  }
0x83: {  	_ =	shalt  }
0x84: {  	_ =	shalt  }
0x85: {  	_ =	shalt  }
0x86: {  	_ =	shalt  }
0x87: {  	_ =	shalt  }
.Lfunc_end0:
.L_simem_size_0:
called_computation.3_lowered:
.L_overlay_start_0:
0x88: {  	s2 =	sld [smem:$0x3FD9]  }
0x89: {  	s3 =	sld [smem:$0x3FFE];
	_ =	sdelay $0x1  }
0x8a: {  	s1 =	srdreg.scid  }
0x8b: {  	s0 =	sand.u32 $0x1, s1  }
0x8c: {  	s16 =	sshll.u32 s0, $0xA;
	s2 =	sadd.s32 s3, s2  }
0x8d: {  	s2 =	sadd.s32 s2, s16  }
0x8e: {  	[smem:$0x3FBE] =	sst s2  }
0x8f: {  	_ = 	snop  }
0x90: {  	(tm) =	ssettm $0x1  }
0x91: {  	s17 =	sld [smem:$0x3FFB];
	_ =	sdelay $0x3  }
0x92: {  	_ =	strace s17  }
0x93: {  	s2 =	sld [smem:$0x3FFC];
	_ =	sdelay $0x3  }
0x94: {  	_ =	strace s2  }
0x95: {  	s2 =	sld [smem:$0x3FFD];
	_ =	sdelay $0x3  }
0x96: {  	_ =	strace s2  }
0x97: {  	_ =	strace $0x8FFFFFFF  }
0x98: {  	s18 =	sld [smem:$0x3FDB];
	_ =	sdelay $0x1  }
0x99: {  	s19 =	simm.s32 $_scs_section_size  }
0x9a: {  	s4 =	simm.s32 $_size__tile_overlayer_lowered;
	s5 =	simm.s32 $_tile_overlayer_lowered  }
0x9b: {  	s22 =	simm.s32 $0x1BFF;
	s21 =	sshll.u32 s5, $0x1;
	s2 =	sadd.s32 s19, s18  }
0x9c: {  	s6 =	simm.s32 $0x0;
	s20 =	sshll.u32 s4, $0x1;
	s4 =	sadd.s32 s21, s2  }
0x9d: {  	[timem:s6], [sflag:s22] =	dma.local [hbm:s4], s20  }
0x9e: {  	_ =	swait.ge [sflag:s22], s20  }
0x9f: {  	s3 =	ssub.s32 $0x0, s20;
	[sflag:s22] =	ssyncset.done $0x0  }
0xa0: {  	[sflag:s22] =	ssyncadd.s32 s3;
	_ =	sdelay $0x1  }
0xa1: {  	s23 =	simm.s32 $0x1B8B  }
0xa2: {  	_ =	swait.ge [sflag:s23], $0x1  }
0xa3: {  	[sflag:s23] =	ssyncset.done $0x0  }
0xa4: {  	s25 =	simm.s32 $0x1B8E;
	s24 =	sld [smem:$0x3FFE];
	[sflag:s23] =	ssyncadd.s32 $0xFFFFFFFF  }
0xa5: {  	s26 =	simm.s32 $execute0_lowered;
	[smem:$0x3FD2] =	sst s25  }
0xa6: {  	s4 =	sshll.u32 s26, $0x1;
	_ =	strace $0x8000004F;
	[dreg:$0x1] =	wrdreg $0xFFFFFFFF  }
0xa7: {  	s28 =	simm.s32 $_size_execute0_lowered;
	s2 =	sadd.s32 s2, s4;
	[dreg:$0x0] =	wrdreg $0x0  }
0xa8: {  	s4 =	sshll.u32 s28, $0x1;
	[dreg:$0x2] =	wrdreg s2  }
0xa9: {  	[dreg:$0x3] =	wrdreg s4  }
0xaa: {  	[dreg:$0x4] =	wrdreg $0xC0  }
0xab: {  	_ =	task [dreg:s6], $0x5FFFF  }
0xac: {  	[dreg:$0x1] =	wrdreg $0xFFFFFFFF  }
0xad: {  	[dreg:$0x0] =	wrdreg $0x60  }
0xae: {  	[dreg:$0x2] =	wrdreg s24  }
0xaf: {  	[dreg:$0x3] =	wrdreg $0x120000  }
0xb0: {  	[dreg:$0x4] =	wrdreg $0x9  }
0xb1: {  	_ =	task.clear_ibuf [dreg:s6], $0x5FFFF;
	_ =	strace $0x9000004F  }
0xb2: {  	s29 =	simm.s32 $0x9;
	_ =	strace $0x80000051  }
0xb3: {  	_ =	swait.ge [sflag:s29], $0x1  }
0xb4: {  	[sflag:s29] =	ssyncadd.s32 $0xFFFFFFFF  }
0xb5: {  	_ =	strace $0x90000051  }
0xb6: {  	_ =	sfence  }
0xb7: {  	s30 =	sld [smem:$0x0];
	_ =	sdelay $0x2  }
0xb8: {  	s31 =	sshll.u32 s1, $0xD;
	s1 =	sshrl.u32 s1, $0x2  }
0xb9: {  	s3 =	sand.u32 $0x4000, s31;
	s1 =	sadd.s32 s1, s30  }
0xba: {  	s0 =	sor.u32 s3, s0;
	s1 =	sshll.u32 s1, $0x11  }
0xbb: {  	s0 =	sor.u32 s1, s0  }
0xbc: {  	s0 =	sadd.s32 $0x8F2B, s0  }
0xbd: {  	[sflag:s0] =	ssyncadd.remote.s32 $0x1  }
0xbe: {  	_ =	sfence.sel $0xFFFF  }
0xbf: {  	[dreg:$0x0] =	wrdreg $0xFFFFFFFF;
	(pc) =	sbr.abs _section_cstart, $3  }
0xc0: {  	[dreg:$0x1] =	wrdreg $0xFFFFFFFF  }
0xc1: {  	_ =	task.clear_ibuf [dreg:s6], $0x2FFFF;
	_ =	strace $0x9FFFFFFF  }
0xc2: {  	(tm) =	ssettm $0x7FFFFFFF  }
0xc3: {  	_ =	shalt  }
tec
execute0_lowered:
.L_overlay_start_1:
0x0: {  	(tag) =	ssettag $0x1  }
0x1: {  	s1 =	srdreg.scid;
	s5 =	rddreg [dreg:$0x0]  }
0x2: {  	s0 =	stileid.u32;
	s2 =	rddreg [dreg:$0x1];
	s3 =	simm.s32 $0x0  }
0x3: {  	s18 =	simm.s32 $0x2;
	s19 =	simm.s32 $0xE000;
	s20 =	simm.s32 $0x5000  }
0x4: {  	s21 =	simm.s32 $0x80;
	s22 =	simm.s32 $0xA000;
	s6 =	smul.u32 $0x5000, s0  }
0x5: {  	s23 =	simm.s32 $0x1;
	s24 =	simm.s32 $0x0;
	s9 =	smul.u32 $0x29000, s0  }
0x6: {  	s7 =	sand.u32 $0x1, s1;
	s1 =	rddreg [dreg:$0x2];
	s10 =	smul.u32 $0xA400, s0  }
0x7: {  	[smem:$0x7FF] =	sst s3;
	s12 =	sadd.s32 $0x8D400, s5;
	s4 =	smul.u32 $0x50000, s7  }
0x8: {  	_ =	strace $0x80000050;
	s30 =	ssub.s32 $0x2, s7;
	s15 =	smul.u32 $0x148000, s7  }
0x9: {  	s31 =	sshrl.u32 s30, $0x1;
	s9 =	sshrl.u32 s9, $0x2;
	s11 =	sadd.s32 $0x4000, s10  }
0xa: {  	s14 =	sadd.s32 $0x8000, s10;
	s8 =	sadd.s32 s6, s4;
	s4 =	sadd.s32 $0x3F200, s5  }
0xb: {  	s6 =	sshrl.u32 s6, $0x3;
	s17 =	ssub.s32 s30, s31;
	s7 =	sadd.s32 s11, s2  }
0xc: {  	s10 =	sadd.s32 s10, s15;
	s11 =	sadd.s32 s15, s11;
	s8 =	sshrl.u32 s8, $0x3  }
0xd: {  	s13 =	sadd.s32 s6, s5;
	s6 =	sadd.s32 s9, s2;
	s10 =	sshrl.u32 s10, $0x3  }
0xe: {  	s11 =	sshrl.u32 s11, $0x3;
	s17 =	smax.u32 s17, $0x1;
	s8 =	sadd.s32 s8, s5  }
0xf: {  	s5 =	sadd.s32 $0x17200, s8;
	s8 =	sadd.s32 s14, s2;
	s14 =	sadd.s32 s15, s14  }
0x10: {  	s9 =	sadd.s32 $0x2B200, s13;
	s10 =	sadd.s32 s12, s10;
	s14 =	sshrl.u32 s14, $0x3  }
0x11: {  	s11 =	sadd.s32 s12, s11;
	s13 =	sadd.s32 $0x35200, s13;
	s12 =	sadd.s32 s12, s14  }
0x12: {  	v0 =	vimm.f32 $0.0e+00;
	s15 =	sadd.s32 $0x14800, s11;
	s14 =	sadd.s32 $0x14800, s10;
	s16 =	sadd.s32 $0x14800, s12  }
.LBB2_1:
0x13: {  	s25 =	simm.s32 $0x0;
	s26 =	simm.s32 $0x200  }
.LBB2_2:
0x14: {  	p0 =	sne.s32 s26, $0xFE00;
	[tilespmem:s25+$0xE070] =	vst v0  }
0x15: {  	[tilespmem:s25+$0xE000] =	vst v0  }
0x16: {  	[tilespmem:s25+$0xE010] =	vst v0  }
.Ltmp0:
0x17: {  	[tilespmem:s25+$0xE020] =	vst v0;
	(pc) =	sbr.rel @p0 .LBB2_2-.Ltmp0, $4  }
0x18: {  	[tilespmem:s25+$0xE030] =	vst v0  }
0x19: {  	[tilespmem:s25+$0xE040] =	vst v0  }
0x1a: {  	[tilespmem:s25+$0xE050] =	vst v0  }
0x1b: {  	[tilespmem:s25+$0xE060] =	vst v0;
	s25 =	sshra.s32 s26, $0x2;
	s26 =	sadd.s32 $0x200, s26  }
0x1c: {  	[tilespmem:s25+$0xE070] =	vst v0  }
0x1d: {  	[tilespmem:s25+$0xE000] =	vst v0  }
0x1e: {  	[tilespmem:s25+$0xE010] =	vst v0  }
0x1f: {  	[tilespmem:s25+$0xE020] =	vst v0  }
0x20: {  	[tilespmem:s25+$0xE030] =	vst v0  }
0x21: {  	[tilespmem:s25+$0xE040] =	vst v0  }
0x22: {  	[tilespmem:s25+$0xE050] =	vst v0  }
0x23: {  	[tilespmem:s25+$0xE060] =	vst v0;
	s29 =	simm.s32 $0x0  }
0x24: {  	[tilespmem:s29], [sflag:$0x2] =	stream.linear.gather [hbm4b:s5+s29], $0x4E80, $0x38;
	[tilespmem:$0x1C400] =	vst v63  }
0x25: {  	_ =	swait.ge [sflag:s18], $0x4E80  }
0x26: {  	[sflag:s18] =	ssyncset.done $0x0  }
0x27: {  	[sflag:s18] =	ssyncadd.s32 $0xFFFFB180  }
0x28: {  	[spmem:s6] =	stream.linear.scatter [tilespmem:s19], [sflag:$0x2], $0x4000, $0x38;
	[tilespmem:$0x1C400] =	vst v63  }
0x29: {  	_ =	swait.ge [sflag:s18], $0x4000  }
0x2a: {  	[sflag:s18] =	ssyncset.done $0x0  }
0x2b: {  	[sflag:s18] =	ssyncadd.s32 $0xFFFFC000  }
0x2c: {  	[spmem:s7] =	stream.linear.scatter [tilespmem:s19], [sflag:$0x2], $0x4000, $0x38;
	[tilespmem:$0x1C400] =	vst v63  }
0x2d: {  	_ =	swait.ge [sflag:s18], $0x4000  }
0x2e: {  	[sflag:s18] =	ssyncset.done $0x0  }
0x2f: {  	[sflag:s18] =	ssyncadd.s32 $0xFFFFC000  }
0x30: {  	[spmem:s8] =	stream.linear.scatter [tilespmem:s19], [sflag:$0x2], $0x2400, $0x38;
	[tilespmem:$0x1C400] =	vst v63  }
0x31: {  	_ =	swait.ge [sflag:s18], $0x2400  }
0x32: {  	[sflag:s18] =	ssyncset.done $0x0  }
0x33: {  	[sflag:s18] =	ssyncadd.s32 $0xFFFFDC00  }
0x34: {  	[bflag:$0x0] =	sbarrier.arrive $0xFFFF  }
0x35: {  	[tilespmem:s20], [sflag:$0x2] =	stream.linear.gather [hbm4b:s9+s29], $0x4E80, $0x38;
	[tilespmem:$0x1C400] =	vst v63  }
0x36: {  	_ =	swait.ge [sflag:s18], $0x4E80  }
0x37: {  	[sflag:s18] =	ssyncset.done $0x0  }
0x38: {  	s30 =	simm.s32 $0x0;
	[sflag:s18] =	ssyncadd.s32 $0xFFFFB180  }
0x39: {  	[tilespmem:s22], [sflag:$0x1] =	stream.indirect.gather [hbm4b:s4+s21], $0x80, s30, s21, $0xb8;
	[tilespmem:$0x1C400] =	vst v63  }
0x3a: {  	_ =	swait.ge [sflag:s23], $0x4000  }
0x3b: {  	[sflag:s23] =	ssyncset.done $0x0  }
0x3c: {  	s31 =	simm.s32 $0x5000;
	[sflag:s23] =	ssyncadd.s32 $0xFFFFC000  }
0x3d: {  	[spmem:s2] =	stream.indirect.scatter.add.f32 [tilespmem:s22], [sflag:$0x2], $0x80, s31, s21, $0xb8;
	[tilespmem:$0x1C400] =	vst v63  }
0x3e: {  	_ =	swait.ge [sflag:s18], $0x4000  }
0x3f: {  	s25 =	simm.s32 $0x200;
	s26 =	simm.s32 $0x400;
	[sflag:s18] =	ssyncset.done $0x0  }
.LBB2_4:
0x40: {  	s28 =	sshra.s32 s25, $0x2  }
0x41: {  	[sflag:s18] =	ssyncadd.s32 $0xFFFFC000;
	s25 =	smov.u32 s26;
	s29 =	sadd.s32 $0x200, s26  }
0x42: {  	[tilespmem:s22], [sflag:$0x1] =	stream.indirect.gather [hbm4b:s4+s21], $0x80, s28, s21, $0xb8;
	[tilespmem:$0x1C400] =	vst v63  }
0x43: {  	p0 =	sne.s32 s26, $0x13800;
	_ =	swait.ge [sflag:s23], $0x4000  }
.Ltmp1:
0x44: {  	[sflag:s23] =	ssyncset.done $0x0;
	(pc) =	sbr.rel @p0 .LBB2_4-.Ltmp1, $4  }
0x45: {  	s26 =	sadd.s32 $0x5000, s28;
	[sflag:s23] =	ssyncadd.s32 $0xFFFFC000  }
0x46: {  	[spmem:s2] =	stream.indirect.scatter.add.f32 [tilespmem:s22], [sflag:$0x2], $0x80, s26, s21, $0xb8;
	[tilespmem:$0x1C400] =	vst v63  }
0x47: {  	_ =	swait.ge [sflag:s18], $0x4000  }
0x48: {  	s26 =	smov.u32 s29;
	[sflag:s18] =	ssyncset.done $0x0  }
0x49: {  	s25 =	sshra.s32 s25, $0x2;
	[sflag:s18] =	ssyncadd.s32 $0xFFFFC000  }
0x4a: {  	[tilespmem:s22], [sflag:$0x1] =	stream.indirect.gather [hbm4b:s4+s21], $0x80, s25, s21, $0xb8;
	[tilespmem:$0x1C400] =	vst v63  }
0x4b: {  	_ =	swait.ge [sflag:s23], $0x4000  }
0x4c: {  	[sflag:s23] =	ssyncset.done $0x0  }
0x4d: {  	s25 =	sadd.s32 $0x5000, s25;
	[sflag:s23] =	ssyncadd.s32 $0xFFFFC000  }
0x4e: {  	[spmem:s2] =	stream.indirect.scatter.add.f32 [tilespmem:s22], [sflag:$0x2], $0x80, s25, s21, $0xb8;
	[tilespmem:$0x1C400] =	vst v63  }
0x4f: {  	_ =	swait.ge [sflag:s18], $0x4000  }
0x50: {  	[sflag:s18] =	ssyncset.done $0x0  }
0x51: {  	[sflag:s18] =	ssyncadd.s32 $0xFFFFC000  }
0x52: {  	[bflag:$0x0] =	sbarrier.arrive $0xFFFF  }
0x53: {  	[tilespmem:s22], [sflag:$0x2] =	stream.linear.gather [spmem:s6], $0x4000, $0x38;
	[tilespmem:$0x1C400] =	vst v63  }
0x54: {  	_ =	swait.ge [sflag:s18], $0x4000  }
0x55: {  	[sflag:s18] =	ssyncset.done $0x0  }
0x56: {  	s29 =	simm.s32 $0x0;
	[sflag:s18] =	ssyncadd.s32 $0xFFFFC000  }
0x57: {  	[hbm4b:s10+s29] =	stream.linear.scatter [tilespmem:s22], [sflag:$0x2], $0x4000, $0x38;
	[tilespmem:$0x1C400] =	vst v63  }
0x58: {  	_ =	swait.ge [sflag:s18], $0x4000  }
0x59: {  	[sflag:s18] =	ssyncset.done $0x0  }
0x5a: {  	[sflag:s18] =	ssyncadd.s32 $0xFFFFC000  }
0x5b: {  	[tilespmem:s22], [sflag:$0x2] =	stream.linear.gather [spmem:s7], $0x4000, $0x38;
	[tilespmem:$0x1C400] =	vst v63  }
0x5c: {  	_ =	swait.ge [sflag:s18], $0x4000  }
0x5d: {  	[sflag:s18] =	ssyncset.done $0x0  }
0x5e: {  	[sflag:s18] =	ssyncadd.s32 $0xFFFFC000  }
0x5f: {  	[hbm4b:s11+s29] =	stream.linear.scatter [tilespmem:s22], [sflag:$0x2], $0x4000, $0x38;
	[tilespmem:$0x1C400] =	vst v63  }
0x60: {  	_ =	swait.ge [sflag:s18], $0x4000  }
0x61: {  	[sflag:s18] =	ssyncset.done $0x0  }
0x62: {  	[sflag:s18] =	ssyncadd.s32 $0xFFFFC000  }
0x63: {  	[tilespmem:s22], [sflag:$0x2] =	stream.linear.gather [spmem:s8], $0x2400, $0x38;
	[tilespmem:$0x1C400] =	vst v63  }
0x64: {  	_ =	swait.ge [sflag:s18], $0x2400  }
0x65: {  	[sflag:s18] =	ssyncset.done $0x0  }
0x66: {  	[sflag:s18] =	ssyncadd.s32 $0xFFFFDC00  }
0x67: {  	[hbm4b:s12+s29] =	stream.linear.scatter [tilespmem:s22], [sflag:$0x2], $0x2400, $0x38;
	[tilespmem:$0x1C400] =	vst v63  }
0x68: {  	_ =	swait.ge [sflag:s18], $0x2400  }
0x69: {  	[sflag:s18] =	ssyncset.done $0x0  }
0x6a: {  	[sflag:s18] =	ssyncadd.s32 $0xFFFFDC00  }
0x6b: {  	[spmem:s6] =	stream.linear.scatter [tilespmem:s19], [sflag:$0x2], $0x4000, $0x38;
	[tilespmem:$0x1C400] =	vst v63  }
0x6c: {  	_ =	swait.ge [sflag:s18], $0x4000  }
0x6d: {  	[sflag:s18] =	ssyncset.done $0x0  }
0x6e: {  	[sflag:s18] =	ssyncadd.s32 $0xFFFFC000  }
0x6f: {  	[spmem:s7] =	stream.linear.scatter [tilespmem:s19], [sflag:$0x2], $0x4000, $0x38;
	[tilespmem:$0x1C400] =	vst v63  }
0x70: {  	_ =	swait.ge [sflag:s18], $0x4000  }
0x71: {  	[sflag:s18] =	ssyncset.done $0x0  }
0x72: {  	[sflag:s18] =	ssyncadd.s32 $0xFFFFC000  }
0x73: {  	[spmem:s8] =	stream.linear.scatter [tilespmem:s19], [sflag:$0x2], $0x2400, $0x38;
	[tilespmem:$0x1C400] =	vst v63  }
0x74: {  	_ =	swait.ge [sflag:s18], $0x2400  }
0x75: {  	[sflag:s18] =	ssyncset.done $0x0  }
0x76: {  	[sflag:s18] =	ssyncadd.s32 $0xFFFFDC00  }
0x77: {  	[bflag:$0x0] =	sbarrier.arrive $0xFFFF  }
0x78: {  	[tilespmem:s20], [sflag:$0x2] =	stream.linear.gather [hbm4b:s13+s29], $0x4E80, $0x38;
	[tilespmem:$0x1C400] =	vst v63  }
0x79: {  	_ =	swait.ge [sflag:s18], $0x4E80  }
0x7a: {  	[sflag:s18] =	ssyncset.done $0x0  }
0x7b: {  	s30 =	simm.s32 $0x0;
	[sflag:s18] =	ssyncadd.s32 $0xFFFFB180  }
0x7c: {  	[tilespmem:s22], [sflag:$0x1] =	stream.indirect.gather [hbm4b:s4+s21], $0x80, s30, s21, $0xb8;
	[tilespmem:$0x1C400] =	vst v63  }
0x7d: {  	_ =	swait.ge [sflag:s23], $0x4000  }
0x7e: {  	[sflag:s23] =	ssyncset.done $0x0  }
0x7f: {  	s31 =	simm.s32 $0x5000;
	[sflag:s23] =	ssyncadd.s32 $0xFFFFC000  }
0x80: {  	[spmem:s2] =	stream.indirect.scatter.add.f32 [tilespmem:s22], [sflag:$0x2], $0x80, s31, s21, $0xb8;
	[tilespmem:$0x1C400] =	vst v63  }
0x81: {  	_ =	swait.ge [sflag:s18], $0x4000  }
0x82: {  	s26 =	simm.s32 $0x400;
	s25 =	simm.s32 $0x200;
	[sflag:s18] =	ssyncset.done $0x0  }
.LBB2_6:
0x83: {  	s28 =	sshra.s32 s25, $0x2  }
0x84: {  	[sflag:s18] =	ssyncadd.s32 $0xFFFFC000;
	s25 =	smov.u32 s26;
	s29 =	sadd.s32 $0x200, s26  }
0x85: {  	[tilespmem:s22], [sflag:$0x1] =	stream.indirect.gather [hbm4b:s4+s21], $0x80, s28, s21, $0xb8;
	[tilespmem:$0x1C400] =	vst v63  }
0x86: {  	p0 =	sne.s32 s26, $0x13800;
	_ =	swait.ge [sflag:s23], $0x4000  }
.Ltmp2:
0x87: {  	[sflag:s23] =	ssyncset.done $0x0;
	(pc) =	sbr.rel @p0 .LBB2_6-.Ltmp2, $4  }
0x88: {  	s26 =	sadd.s32 $0x5000, s28;
	[sflag:s23] =	ssyncadd.s32 $0xFFFFC000  }
0x89: {  	[spmem:s2] =	stream.indirect.scatter.add.f32 [tilespmem:s22], [sflag:$0x2], $0x80, s26, s21, $0xb8;
	[tilespmem:$0x1C400] =	vst v63  }
0x8a: {  	_ =	swait.ge [sflag:s18], $0x4000  }
0x8b: {  	s26 =	smov.u32 s29;
	[sflag:s18] =	ssyncset.done $0x0  }
0x8c: {  	s25 =	sshra.s32 s25, $0x2;
	[sflag:s18] =	ssyncadd.s32 $0xFFFFC000  }
0x8d: {  	[tilespmem:s22], [sflag:$0x1] =	stream.indirect.gather [hbm4b:s4+s21], $0x80, s25, s21, $0xb8;
	[tilespmem:$0x1C400] =	vst v63  }
0x8e: {  	_ =	swait.ge [sflag:s23], $0x4000  }
0x8f: {  	[sflag:s23] =	ssyncset.done $0x0  }
0x90: {  	s25 =	sadd.s32 $0x5000, s25;
	[sflag:s23] =	ssyncadd.s32 $0xFFFFC000  }
0x91: {  	[spmem:s2] =	stream.indirect.scatter.add.f32 [tilespmem:s22], [sflag:$0x2], $0x80, s25, s21, $0xb8;
	[tilespmem:$0x1C400] =	vst v63  }
0x92: {  	_ =	swait.ge [sflag:s18], $0x4000  }
0x93: {  	[sflag:s18] =	ssyncset.done $0x0  }
0x94: {  	[sflag:s18] =	ssyncadd.s32 $0xFFFFC000  }
0x95: {  	[bflag:$0x0] =	sbarrier.arrive $0xFFFF  }
0x96: {  	[tilespmem:s22], [sflag:$0x2] =	stream.linear.gather [spmem:s6], $0x4000, $0x38;
	[tilespmem:$0x1C400] =	vst v63  }
0x97: {  	_ =	swait.ge [sflag:s18], $0x4000  }
0x98: {  	[sflag:s18] =	ssyncset.done $0x0  }
0x99: {  	[sflag:s18] =	ssyncadd.s32 $0xFFFFC000  }
0x9a: {  	[hbm4b:s14+s3] =	stream.linear.scatter [tilespmem:s22], [sflag:$0x2], $0x4000, $0x38;
	[tilespmem:$0x1C400] =	vst v63  }
0x9b: {  	_ =	swait.ge [sflag:s18], $0x4000  }
0x9c: {  	[sflag:s18] =	ssyncset.done $0x0  }
0x9d: {  	[sflag:s18] =	ssyncadd.s32 $0xFFFFC000  }
0x9e: {  	[tilespmem:s22], [sflag:$0x2] =	stream.linear.gather [spmem:s7], $0x4000, $0x38;
	[tilespmem:$0x1C400] =	vst v63  }
0x9f: {  	_ =	swait.ge [sflag:s18], $0x4000  }
0xa0: {  	[sflag:s18] =	ssyncset.done $0x0  }
0xa1: {  	[sflag:s18] =	ssyncadd.s32 $0xFFFFC000  }
0xa2: {  	[hbm4b:s15+s3] =	stream.linear.scatter [tilespmem:s22], [sflag:$0x2], $0x4000, $0x38;
	[tilespmem:$0x1C400] =	vst v63  }
0xa3: {  	_ =	swait.ge [sflag:s18], $0x4000  }
0xa4: {  	[sflag:s18] =	ssyncset.done $0x0  }
0xa5: {  	[sflag:s18] =	ssyncadd.s32 $0xFFFFC000  }
0xa6: {  	[tilespmem:s22], [sflag:$0x2] =	stream.linear.gather [spmem:s8], $0x2400, $0x38;
	[tilespmem:$0x1C400] =	vst v63  }
0xa7: {  	s24 =	sadd.s32 $0x1, s24;
	_ =	swait.ge [sflag:s18], $0x2400  }
0xa8: {  	p0 =	sne.s32 s24, s17;
	[sflag:s18] =	ssyncset.done $0x0  }
.Ltmp3:
0xa9: {  	[sflag:s18] =	ssyncadd.s32 $0xFFFFDC00;
	(pc) =	sbr.rel @p0 .LBB2_1-.Ltmp3, $4  }
0xaa: {  	[hbm4b:s16+s3] =	stream.linear.scatter [tilespmem:s22], [sflag:$0x2], $0x2400, $0x38;
	[tilespmem:$0x1C400] =	vst v63  }
0xab: {  	_ =	swait.ge [sflag:s18], $0x2400  }
0xac: {  	[sflag:s18] =	ssyncset.done $0x0  }
0xad: {  	[sflag:s18] =	ssyncadd.s32 $0xFFFFDC00  }
0xae: {  	_ =	sfence.sel $0x180000  }
0xaf: {  	[bflag:$0x0] =	sbarrier.arrive $0xFFFF  }
0xb0: {  	p0 =	sne.s32 s0, $0x0;
	_ =	strace $0x90000050  }
0xb1: {  	s0 =	sadd.s32 @!p0 $0x100000, s1;
	[bflag:$0x2] =	sbarrier.arrive $0xFFFF  }
0xb2: {  	[sflag:s0] =	ssyncadd.tile.s32 @!p0 $0x1;
	_ =	shalt  }
.Lfunc_end2:
_tile_overlayer_lowered:
.L_overlay_start_2:
0xb3: {  	(tag) =	ssettag $0x2  }
0xb4: {  	s0 =	rddreg [dreg:$0x0];
	s2 =	stileid.u32  }
0xb5: {  	s1 =	rddreg [dreg:$0x1];
	p0 =	sne.s32 s2, $0x0  }
0xb6: {  	s3 =	rddreg [dreg:$0x2];
	[bflag:$0x3] =	sbarrier.arrive $0xFFFF;
	s2 =	simm.s32 @!p0 $0x1C02  }
0xb7: {  	[timem:s3], [sflag:s2] =	dma.local @!p0 [hbm:s0], s1  }
0xb8: {  	s0 =	simm.s32 @!p0 $0x2  }
0xb9: {  	_ =	swait.ge @!p0 [sflag:s0], s1  }
0xba: {  	s1 =	ssub.s32 @!p0 $0x0, s1;
	[sflag:s0] =	ssyncset.done @!p0 $0x0  }
0xbb: {  	[sflag:s0] =	ssyncadd.s32 @!p0 s1  }
0xbc: {  	[bflag:$0x3] =	sbarrier.arrive $0xFFFF  }
0xbd: {  	_ =	shalt  }

</sc_bundles>
